<compile_context>
chip_gen: v7x
topology: tpu7x:2x2x1
jax: 0.10.2.dev20260603
libtpu: 0.0.44.dev20260713+nightly
codegen_flags: <defaults>
</compile_context>

<pallas_src>
import functools

import jax
import jax.numpy as jnp
from jax import lax
from jax.experimental import pallas as pl
from jax.experimental.pallas import tpu as pltpu
from jax.experimental.pallas import tpu_sc as plsc

N = 10000
F = 128
HID = 128
NTILES = 16
N_PAD = 10240
ROWS_PER_TILE = N_PAD // NTILES
CHUNK = 120
LANES = 16


NBUF = 3


def _sc_agg_body(xh_hbm, meta_hbm, out_hbm, acc,
                 rows0, rows1, rows2,
                 mb0, mb1, mb2,
                 dv0, dv1, dv2,
                 g0, g1, g2, s0, s1, s2, m0s, m1s, m2s):
    core = lax.axis_index("c")
    sid = lax.axis_index("s")
    nch_total = meta_hbm.shape[0] // (3 * CHUNK)
    nch = nch_total // NTILES
    rows = (rows0, rows1, rows2)
    mbuf = (mb0, mb1, mb2)
    dstv = (dv0, dv1, dv2)
    gsem = (g0, g1, g2)
    ssem = (s0, s1, s2)
    msem = (m0s, m1s, m2s)
    cbase = sid * nch

    def fire_m(k, b):
        off = pl.multiple_of((cbase + k) * 3 * CHUNK, 3 * CHUNK)
        pltpu.async_copy(meta_hbm.at[pl.ds(off, 3 * CHUNK)], mbuf[b], msem[b])

    def wait_m(b):
        pltpu.make_async_copy(meta_hbm.at[pl.ds(0, 3 * CHUNK)],
                              mbuf[b], msem[b]).wait()

    def fire_g(k, b):
        del k
        pltpu.async_copy(
            xh_hbm.at[core].at[mbuf[b].at[pl.ds(0, 64)]],
            rows[b].at[pl.ds(0, 64)], gsem[b])
        pltpu.async_copy(
            xh_hbm.at[core].at[mbuf[b].at[pl.ds(64, CHUNK - 64)]],
            rows[b].at[pl.ds(64, CHUNK - 64)], gsem[b])

    def wait_g(k, b):
        del k
        pltpu.make_async_copy(
            xh_hbm.at[core].at[mbuf[b].at[pl.ds(0, 64)]],
            rows[b].at[pl.ds(0, 64)], gsem[b]).wait()
        pltpu.make_async_copy(
            xh_hbm.at[core].at[mbuf[b].at[pl.ds(64, CHUNK - 64)]],
            rows[b].at[pl.ds(64, CHUNK - 64)], gsem[b]).wait()

    def fire_s(k, b):
        del k
        for j0 in (0, 16, 32, 48, 64, 80, 96, 104):
            dstv[b][pl.ds(j0, LANES)] = mbuf[b][pl.ds(CHUNK + j0, LANES)]
        pltpu.async_copy(rows[b], acc.at[dstv[b]], ssem[b], add=True)

    def wait_s(k, b):
        del k
        pltpu.make_async_copy(rows[b], acc.at[dstv[b]], ssem[b]).wait()

    def scale(k, b):
        del k
        rb = rows[b]
        mb = mbuf[b]

        def srow(r8, rvec):
            for dr in range(8):
                r = r8 * 8 + dr
                wvec = plsc.bitcast(plsc.load_gather(mb, [rvec + dr]),
                                    jnp.float32)
                for f2 in range(F // LANES):
                    sl = pl.ds(f2 * LANES, LANES)
                    rb[r, sl] = rb[r, sl] * wvec
            return rvec + 8

        lax.fori_loop(0, CHUNK // 8, srow,
                      jnp.full((LANES,), 2 * CHUNK, jnp.int32))

    for b in range(NBUF):
        fire_m(b, b)

    def zrow(r, carry):
        for f2 in range(F // LANES):
            rows0[r, pl.ds(f2 * LANES, LANES)] = jnp.zeros((LANES,), jnp.float32)
        return carry

    lax.fori_loop(0, CHUNK, zrow, 0)
    row0 = sid * ROWS_PER_TILE
    for kk in range(ROWS_PER_TILE // CHUNK):
        pltpu.sync_copy(rows0, acc.at[pl.ds(row0 + kk * CHUNK, CHUNK)])
    zrem = ROWS_PER_TILE - (ROWS_PER_TILE // CHUNK) * CHUNK
    if zrem:
        pltpu.sync_copy(rows0.at[pl.ds(0, zrem)],
                        acc.at[pl.ds(row0 + ROWS_PER_TILE - zrem, zrem)])
    plsc.subcore_barrier()
    for b in range(NBUF):
        wait_m(b)
        fire_g(b, b)

    def outer(g, carry):
        for b in range(NBUF):
            k = g * NBUF + b
            wait_g(k, b)
            scale(k, b)
            fire_s(k, b)
            kf = k + NBUF

            @pl.when(kf < nch)
            def _():
                fire_m(kf, b)

            p = (b + NBUF - 1) % NBUF
            kp = k - 1
            kn = kp + NBUF
            if b == 0:
                @pl.when(g > 0)
                def _():
                    wait_s(kp, p)
                    wait_m(p)
                    fire_g(kn, p)
            else:
                wait_s(kp, p)

                @pl.when(kn < nch)
                def _():
                    wait_m(p)
                    fire_g(kn, p)
        return carry

    lax.fori_loop(0, nch // NBUF, outer, 0)
    wait_s(nch - 1, NBUF - 1)

    plsc.subcore_barrier()
    out_off = core * N_PAD + row0
    pltpu.sync_copy(acc.at[pl.ds(row0, ROWS_PER_TILE)],
                    out_hbm.at[pl.ds(out_off, ROWS_PER_TILE)])


NCH = 168


def _build_sc_agg(interpret=False):
    return pl.kernel(
        _sc_agg_body,
        out_type=jax.ShapeDtypeStruct((2 * N_PAD, F), jnp.float32),
        mesh=plsc.VectorSubcoreMesh(core_axis_name="c", subcore_axis_name="s",
                                    num_cores=2, num_subcores=NTILES),
        scratch_types=(
            [pltpu.VMEM_SHARED((N_PAD, F), jnp.float32)]
            + [pltpu.VMEM((CHUNK, F), jnp.float32)] * NBUF
            + [pltpu.VMEM((3 * CHUNK,), jnp.int32)] * NBUF
            + [pltpu.VMEM((CHUNK,), jnp.int32)] * NBUF
            + [pltpu.SemaphoreType.DMA] * (3 * NBUF)
        ),
        compiler_params=pltpu.CompilerParams(needs_layout_passes=False, use_tc_tiling_on_sc=False),
        interpret=interpret,
    )


_SC_AGG_CACHE = []


def _sc_agg(*args):
    if not _SC_AGG_CACHE:
        _SC_AGG_CACHE.append(_build_sc_agg())
    return _SC_AGG_CACHE[0](*args)

BLK = 2000
NBLK = N // BLK


def _tc_body(x_ref, ax_ref, h_ref, ah_ref, c_ref, w_ref, b_ref, wp_ref,
             lng_ref, lnb_ref, fcw_ref, fcb_ref,
             hout_ref, cout_ref, pred_ref):
    z = jnp.concatenate(
        [x_ref[...], ax_ref[...], h_ref[...], ah_ref[...]], axis=1)
    pre = jnp.dot(z, w_ref[...], preferred_element_type=jnp.float32)
    c = c_ref[...]
    b = b_ref[...]
    wp = wp_ref[...]
    ig = jax.nn.sigmoid(pre[:, 0:HID] + wp[0:1] * c + b[0:1])
    fg = jax.nn.sigmoid(pre[:, HID:2 * HID] + wp[1:2] * c + b[1:2])
    gg = jnp.tanh(pre[:, 2 * HID:3 * HID] + b[2:3])
    c_new = fg * c + ig * gg
    og = jax.nn.sigmoid(pre[:, 3 * HID:4 * HID] + wp[2:3] * c_new + b[3:4])
    h_new = og * jnp.tanh(c_new)
    out = jax.nn.relu(h_new)
    mu = jnp.mean(out, axis=-1, keepdims=True)
    var = jnp.mean((out - mu) ** 2, axis=-1, keepdims=True)
    normed = (out - mu) * lax.rsqrt(var + 1e-5) * lng_ref[...] + lnb_ref[...]
    p = jnp.sum(normed * fcw_ref[...], axis=-1, keepdims=True) + fcb_ref[0, 0]
    pred_ref[...] = jnp.broadcast_to(jax.nn.sigmoid(p), (BLK, HID))
    hout_ref[...] = h_new
    cout_ref[...] = c_new


def _build_tc(interpret=False):
    bcast = lambda i: (0, 0)
    row_blk = lambda i: (i, 0)
    return pl.pallas_call(
        _tc_body,
        grid=(NBLK,),
        in_specs=[
            pl.BlockSpec((BLK, F), row_blk),
            pl.BlockSpec((BLK, F), row_blk),
            pl.BlockSpec((BLK, HID), row_blk),
            pl.BlockSpec((BLK, HID), row_blk),
            pl.BlockSpec((BLK, HID), row_blk),
            pl.BlockSpec((4 * F, 4 * HID), bcast),
            pl.BlockSpec((4, HID), bcast),
            pl.BlockSpec((3, HID), bcast),
            pl.BlockSpec((1, HID), bcast),
            pl.BlockSpec((1, HID), bcast),
            pl.BlockSpec((1, HID), bcast),
            pl.BlockSpec((1, 1), bcast),
        ],
        out_specs=[
            pl.BlockSpec((BLK, HID), row_blk),
            pl.BlockSpec((BLK, HID), row_blk),
            pl.BlockSpec((BLK, HID), row_blk),
        ],
        out_shape=[
            jax.ShapeDtypeStruct((N, HID), jnp.float32),
            jax.ShapeDtypeStruct((N, HID), jnp.float32),
            jax.ShapeDtypeStruct((N, HID), jnp.float32),
        ],
        interpret=interpret,
    )


_TC = _build_tc()


def kernel(X, edge_index, edge_weight, skip, H, C, Wx0, Wx1, Wh0, Wh1, b,
           w_peep, ln_g, ln_b, fc_w, fc_b):
    del skip
    x = X[0]
    h = H[0]
    c = C[0]
    e = edge_weight.shape[0]
    e_pad = NTILES * NCH * CHUNK
    pad = e_pad - e
    src = jnp.pad(edge_index[0].astype(jnp.int32), (0, pad)).reshape(-1, CHUNK)
    dst = jnp.pad(edge_index[1].astype(jnp.int32), (0, pad)).reshape(-1, CHUNK)
    wbits = lax.bitcast_convert_type(
        jnp.pad(edge_weight.astype(jnp.float32), (0, pad)),
        jnp.int32).reshape(-1, CHUNK)
    meta = jnp.stack([src, dst, wbits], axis=1).reshape(-1)

    xh = jnp.stack([x, h], axis=0)
    agg = _sc_agg(xh, meta)
    aggx = agg[:N]
    aggh = agg[N_PAD:N_PAD + N]

    w_all = jnp.concatenate([Wx0, Wx1, Wh0, Wh1], axis=1)
    w_big = jnp.transpose(w_all, (1, 0, 2)).reshape(4 * F, 4 * HID)

    h_new, c_new, pred = _TC(
        x, aggx, h, aggh, c, w_big, b, w_peep,
        ln_g.reshape(1, HID), ln_b.reshape(1, HID),
        fc_w.reshape(1, HID), fc_b.reshape(1, 1))

    return (pred[:, :1], h_new[None], c_new[None])

# --- scband reference (transcript-rebuilt; emitter-appended) ---
"""Pipeline reference for scband-decoder-77335181132532 (READ-ONLY COPY).

The authoritative reference and input builder live on the scoring server;
editing this copy changes nothing except your own understanding.
"""

import jax, jax.numpy as jnp
import numpy as np

N = 10000
E = 320000
F = 128
HID = 128


def setup_inputs(seed: int = 0) -> dict:
    key = jax.random.key(seed)
    ks = jax.random.split(key, 12)
    X = jax.random.normal(ks[0], (1, N, F), dtype=jnp.float32)
    edge_index = jax.random.randint(ks[1], (2, E), 0, N)
    edge_weight = jax.random.uniform(ks[2], (E,), dtype=jnp.float32)
    skip = jnp.zeros((1,), dtype=jnp.float32)
    H = jax.random.normal(ks[3], (1, N, HID), dtype=jnp.float32)
    C = jax.random.normal(ks[4], (1, N, HID), dtype=jnp.float32)
    s_in = 1.0 / np.sqrt(F)
    s_h = 1.0 / np.sqrt(HID)
    # GConvLSTM params: 4 gates (i, f, c, o); each gate has a Chebyshev-style
    # graph conv on X (self term W0, neighbor term W1) and on H; peephole
    # weights for i, f, o gates; per-gate bias.
    Wx0 = jax.random.normal(ks[5], (4, F, HID), dtype=jnp.float32) * s_in
    Wx1 = jax.random.normal(ks[6], (4, F, HID), dtype=jnp.float32) * s_in
    Wh0 = jax.random.normal(ks[7], (4, HID, HID), dtype=jnp.float32) * s_h
    Wh1 = jax.random.normal(ks[8], (4, HID, HID), dtype=jnp.float32) * s_h
    b = jnp.zeros((4, HID), dtype=jnp.float32)
    w_peep = jax.random.normal(ks[9], (3, HID), dtype=jnp.float32) * 0.1
    ln_g = jnp.ones((HID,), dtype=jnp.float32)
    ln_b = jnp.zeros((HID,), dtype=jnp.float32)
    fc_w = jax.random.normal(ks[10], (HID, 1), dtype=jnp.float32) * s_h
    fc_b = jnp.zeros((1,), dtype=jnp.float32)
    return {"X": X, "edge_index": edge_index, "edge_weight": edge_weight,
            "skip": skip, "H": H, "C": C, "Wx0": Wx0, "Wx1": Wx1,
            "Wh0": Wh0, "Wh1": Wh1, "b": b, "w_peep": w_peep,
            "ln_g": ln_g, "ln_b": ln_b, "fc_w": fc_w, "fc_b": fc_b}


def reference(X, edge_index, edge_weight, skip, H, C, Wx0, Wx1, Wh0, Wh1, b,
              w_peep, ln_g, ln_b, fc_w, fc_b):
    src = edge_index[0]
    dst = edge_index[1]
    x = X[0]
    h = H[0]
    c = C[0]
    n = x.shape[0]

    def cheb(z, W0, W1):
        # self term + edge-weighted neighbor aggregation (gather + scatter-add)
        agg = jax.ops.segment_sum(edge_weight[:, None] * z[src], dst,
                                  num_segments=n)
        return z @ W0 + agg @ W1

    i = jax.nn.sigmoid(cheb(x, Wx0[0], Wx1[0]) + cheb(h, Wh0[0], Wh1[0])
                       + w_peep[0] * c + b[0])
    f = jax.nn.sigmoid(cheb(x, Wx0[1], Wx1[1]) + cheb(h, Wh0[1], Wh1[1])
                       + w_peep[1] * c + b[1])
    g = jnp.tanh(cheb(x, Wx0[2], Wx1[2]) + cheb(h, Wh0[2], Wh1[2]) + b[2])
    c_new = f * c + i * g
    o = jax.nn.sigmoid(cheb(x, Wx0[3], Wx1[3]) + cheb(h, Wh0[3], Wh1[3])
                       + w_peep[2] * c_new + b[3])
    h_new = o * jnp.tanh(c_new)
    # Decoder head: relu -> LayerNorm -> Linear(hid, 1) -> sigmoid
    out = jax.nn.relu(h_new)
    mu = jnp.mean(out, axis=-1, keepdims=True)
    var = jnp.var(out, axis=-1, keepdims=True)
    normed = (out - mu) / jnp.sqrt(var + 1e-5) * ln_g + ln_b
    prediction = jax.nn.sigmoid(normed @ fc_w + fc_b)
    hidden = h_new[None]
    cell = c_new[None]
    return (prediction, hidden, cell)

if __name__ == "__main__":
    import jax
    _d = setup_inputs()
    print(jax.jit(kernel)(*tuple(_d.values())))

</pallas_src>

<mosaic_0001>
#map = affine_map<(d0, d1) -> (0, 0, 0)>
#map1 = affine_map<(d0, d1) -> (0)>
#map2 = affine_map<(d0, d1) -> (0, 0)>
module attributes {stable_mosaic.version = 14 : i64} {
  func.func @_sc_agg_body(%arg0: i32, %arg1: i32, %arg2: memref<2x10000x128xf32, #tpu.memory_space<hbm>>, %arg3: memref<967680xi32, #tpu.memory_space<hbm>>, %arg4: memref<20480x128xf32, #tpu.memory_space<hbm>>, %arg5: memref<10240x128xf32, #tpu.memory_space<vmem_shared>>, %arg6: memref<120x128xf32, #tpu.memory_space<vmem>>, %arg7: memref<120x128xf32, #tpu.memory_space<vmem>>, %arg8: memref<120x128xf32, #tpu.memory_space<vmem>>, %arg9: memref<360xi32, #tpu.memory_space<vmem>>, %arg10: memref<360xi32, #tpu.memory_space<vmem>>, %arg11: memref<360xi32, #tpu.memory_space<vmem>>, %arg12: memref<120xi32, #tpu.memory_space<vmem>>, %arg13: memref<120xi32, #tpu.memory_space<vmem>>, %arg14: memref<120xi32, #tpu.memory_space<vmem>>, %arg15: memref<!tpu.dma_semaphore, #tpu.memory_space<semaphore_mem>>, %arg16: memref<!tpu.dma_semaphore, #tpu.memory_space<semaphore_mem>>, %arg17: memref<!tpu.dma_semaphore, #tpu.memory_space<semaphore_mem>>, %arg18: memref<!tpu.dma_semaphore, #tpu.memory_space<semaphore_mem>>, %arg19: memref<!tpu.dma_semaphore, #tpu.memory_space<semaphore_mem>>, %arg20: memref<!tpu.dma_semaphore, #tpu.memory_space<semaphore_mem>>, %arg21: memref<!tpu.dma_semaphore, #tpu.memory_space<semaphore_mem>>, %arg22: memref<!tpu.dma_semaphore, #tpu.memory_space<semaphore_mem>>, %arg23: memref<!tpu.dma_semaphore, #tpu.memory_space<semaphore_mem>>) attributes {dimension_semantics = [#tpu.dimension_semantics<core_parallel>, #tpu.dimension_semantics<subcore_parallel>], iteration_bounds = array<i64: 2, 16>, scalar_prefetch = 0 : i64, scratch_operands = 19 : i64, tpu.core_type = #tpu.core_type<sc_vector_subcore>, window_params = [{transform_indices = #map}, {transform_indices = #map1}, {transform_indices = #map2}]} {
    %mul3A = arith.constant 168 : i32
    %mul3A_0 = arith.muli %arg1, %mul3A : i32
    %add3A = arith.constant 0 : i32
    %add3A_1 = arith.addi %mul3A_0, %add3A : i32
    %mul3A_2 = arith.constant 3 : i32
    %mul3A_3 = arith.muli %add3A_1, %mul3A_2 : i32
    %mul3A_4 = arith.constant 120 : i32
    %mul3A_5 = arith.muli %mul3A_3, %mul3A_4 : i32
    %multiple_of3A = tpu.assume_multiple %mul3A_5, 360 : i32
    %dma_start3A = tpu.memref_slice %arg3[%multiple_of3A] : memref<967680xi32, #tpu.memory_space<hbm>> -> memref<360xi32, #tpu.memory_space<hbm>>
    %dma_start3A_6 = tpu.memref_slice %arg3[%multiple_of3A] : memref<967680xi32, #tpu.memory_space<hbm>> -> memref<360xi32, #tpu.memory_space<hbm>>
    tpu.enqueue_dma source(%dma_start3A_6 : memref<360xi32, #tpu.memory_space<hbm>>) target(%arg9 : memref<360xi32, #tpu.memory_space<vmem>>) target_semaphore(%arg21 : memref<!tpu.dma_semaphore, #tpu.memory_space<semaphore_mem>>)
    %add3A_7 = arith.constant 1 : i32
    %add3A_8 = arith.addi %mul3A_0, %add3A_7 : i32
    %mul3A_9 = arith.constant 3 : i32
    %mul3A_10 = arith.muli %add3A_8, %mul3A_9 : i32
    %mul3A_11 = arith.constant 120 : i32
    %mul3A_12 = arith.muli %mul3A_10, %mul3A_11 : i32
    %multiple_of3A_13 = tpu.assume_multiple %mul3A_12, 360 : i32
    %dma_start3A_14 = tpu.memref_slice %arg3[%multiple_of3A_13] : memref<967680xi32, #tpu.memory_space<hbm>> -> memref<360xi32, #tpu.memory_space<hbm>>
    %dma_start3A_15 = tpu.memref_slice %arg3[%multiple_of3A_13] : memref<967680xi32, #tpu.memory_space<hbm>> -> memref<360xi32, #tpu.memory_space<hbm>>
    tpu.enqueue_dma source(%dma_start3A_15 : memref<360xi32, #tpu.memory_space<hbm>>) target(%arg10 : memref<360xi32, #tpu.memory_space<vmem>>) target_semaphore(%arg22 : memref<!tpu.dma_semaphore, #tpu.memory_space<semaphore_mem>>)
    %add3A_16 = arith.constant 2 : i32
    %add3A_17 = arith.addi %mul3A_0, %add3A_16 : i32
    %mul3A_18 = arith.constant 3 : i32
    %mul3A_19 = arith.muli %add3A_17, %mul3A_18 : i32
    %mul3A_20 = arith.constant 120 : i32
    %mul3A_21 = arith.muli %mul3A_19, %mul3A_20 : i32
    %multiple_of3A_22 = tpu.assume_multiple %mul3A_21, 360 : i32
    %dma_start3A_23 = tpu.memref_slice %arg3[%multiple_of3A_22] : memref<967680xi32, #tpu.memory_space<hbm>> -> memref<360xi32, #tpu.memory_space<hbm>>
    %dma_start3A_24 = tpu.memref_slice %arg3[%multiple_of3A_22] : memref<967680xi32, #tpu.memory_space<hbm>> -> memref<360xi32, #tpu.memory_space<hbm>>
    tpu.enqueue_dma source(%dma_start3A_24 : memref<360xi32, #tpu.memory_space<hbm>>) target(%arg11 : memref<360xi32, #tpu.memory_space<vmem>>) target_semaphore(%arg23 : memref<!tpu.dma_semaphore, #tpu.memory_space<semaphore_mem>>)
    %scan3A = arith.constant 0 : i32
    %scan3A_25 = arith.constant 0 : i32
    %scan3A_26 = arith.constant 120 : i32
    %scan3A_27 = arith.addi %scan3A_25, %scan3A_26 : i32
    %scan3A_28 = arith.constant 1 : i32
    scf.for %scan3A_141 = %scan3A_25 to %scan3A_27 step %scan3A_28  : i32 {
      %broadcast_in_dim3A = arith.constant 0.000000e+00 : f32
      %broadcast_in_dim3A_142 = vector.broadcast %broadcast_in_dim3A : f32 to vector<16xf32>
      %swap3A = arith.index_cast %scan3A_141 : i32 to index
      %swap3A_143 = arith.constant 0 : index
      %swap3A_144 = tpu.vector_load %arg6[%swap3A, %swap3A_143] {strides = array<i32>} : memref<120x128xf32, #tpu.memory_space<vmem>>, vector<16xf32>,
      tpu.vector_store %arg6[%swap3A, %swap3A_143], %broadcast_in_dim3A_142 {strides = array<i32>} : memref<120x128xf32, #tpu.memory_space<vmem>>, vector<16xf32>,
      %broadcast_in_dim3A_145 = arith.constant 0.000000e+00 : f32
      %broadcast_in_dim3A_146 = vector.broadcast %broadcast_in_dim3A_145 : f32 to vector<16xf32>
      %swap3A_147 = arith.index_cast %scan3A_141 : i32 to index
      %swap3A_148 = arith.constant 16 : index
      %swap3A_149 = tpu.vector_load %arg6[%swap3A_147, %swap3A_148] {strides = array<i32>} : memref<120x128xf32, #tpu.memory_space<vmem>>, vector<16xf32>,
      tpu.vector_store %arg6[%swap3A_147, %swap3A_148], %broadcast_in_dim3A_146 {strides = array<i32>} : memref<120x128xf32, #tpu.memory_space<vmem>>, vector<16xf32>,
      %broadcast_in_dim3A_150 = arith.constant 0.000000e+00 : f32
      %broadcast_in_dim3A_151 = vector.broadcast %broadcast_in_dim3A_150 : f32 to vector<16xf32>
      %swap3A_152 = arith.index_cast %scan3A_141 : i32 to index
      %swap3A_153 = arith.constant 32 : index
      %swap3A_154 = tpu.vector_load %arg6[%swap3A_152, %swap3A_153] {strides = array<i32>} : memref<120x128xf32, #tpu.memory_space<vmem>>, vector<16xf32>,
      tpu.vector_store %arg6[%swap3A_152, %swap3A_153], %broadcast_in_dim3A_151 {strides = array<i32>} : memref<120x128xf32, #tpu.memory_space<vmem>>, vector<16xf32>,
      %broadcast_in_dim3A_155 = arith.constant 0.000000e+00 : f32
      %broadcast_in_dim3A_156 = vector.broadcast %broadcast_in_dim3A_155 : f32 to vector<16xf32>
      %swap3A_157 = arith.index_cast %scan3A_141 : i32 to index
      %swap3A_158 = arith.constant 48 : index
      %swap3A_159 = tpu.vector_load %arg6[%swap3A_157, %swap3A_158] {strides = array<i32>} : memref<120x128xf32, #tpu.memory_space<vmem>>, vector<16xf32>,
      tpu.vector_store %arg6[%swap3A_157, %swap3A_158], %broadcast_in_dim3A_156 {strides = array<i32>} : memref<120x128xf32, #tpu.memory_space<vmem>>, vector<16xf32>,
      %broadcast_in_dim3A_160 = arith.constant 0.000000e+00 : f32
      %broadcast_in_dim3A_161 = vector.broadcast %broadcast_in_dim3A_160 : f32 to vector<16xf32>
      %swap3A_162 = arith.index_cast %scan3A_141 : i32 to index
      %swap3A_163 = arith.constant 64 : index
      %swap3A_164 = tpu.vector_load %arg6[%swap3A_162, %swap3A_163] {strides = array<i32>} : memref<120x128xf32, #tpu.memory_space<vmem>>, vector<16xf32>,
      tpu.vector_store %arg6[%swap3A_162, %swap3A_163], %broadcast_in_dim3A_161 {strides = array<i32>} : memref<120x128xf32, #tpu.memory_space<vmem>>, vector<16xf32>,
      %broadcast_in_dim3A_165 = arith.constant 0.000000e+00 : f32
      %broadcast_in_dim3A_166 = vector.broadcast %broadcast_in_dim3A_165 : f32 to vector<16xf32>
      %swap3A_167 = arith.index_cast %scan3A_141 : i32 to index
      %swap3A_168 = arith.constant 80 : index
      %swap3A_169 = tpu.vector_load %arg6[%swap3A_167, %swap3A_168] {strides = array<i32>} : memref<120x128xf32, #tpu.memory_space<vmem>>, vector<16xf32>,
      tpu.vector_store %arg6[%swap3A_167, %swap3A_168], %broadcast_in_dim3A_166 {strides = array<i32>} : memref<120x128xf32, #tpu.memory_space<vmem>>, vector<16xf32>,
      %broadcast_in_dim3A_170 = arith.constant 0.000000e+00 : f32
      %broadcast_in_dim3A_171 = vector.broadcast %broadcast_in_dim3A_170 : f32 to vector<16xf32>
      %swap3A_172 = arith.index_cast %scan3A_141 : i32 to index
      %swap3A_173 = arith.constant 96 : index
      %swap3A_174 = tpu.vector_load %arg6[%swap3A_172, %swap3A_173] {strides = array<i32>} : memref<120x128xf32, #tpu.memory_space<vmem>>, vector<16xf32>,
      tpu.vector_store %arg6[%swap3A_172, %swap3A_173], %broadcast_in_dim3A_171 {strides = array<i32>} : memref<120x128xf32, #tpu.memory_space<vmem>>, vector<16xf32>,
      %broadcast_in_dim3A_175 = arith.constant 0.000000e+00 : f32
      %broadcast_in_dim3A_176 = vector.broadcast %broadcast_in_dim3A_175 : f32 to vector<16xf32>
      %swap3A_177 = arith.index_cast %scan3A_141 : i32 to index
      %swap3A_178 = arith.constant 112 : index
      %swap3A_179 = tpu.vector_load %arg6[%swap3A_177, %swap3A_178] {strides = array<i32>} : memref<120x128xf32, #tpu.memory_space<vmem>>, vector<16xf32>,
      tpu.vector_store %arg6[%swap3A_177, %swap3A_178], %broadcast_in_dim3A_176 {strides = array<i32>} : memref<120x128xf32, #tpu.memory_space<vmem>>, vector<16xf32>,
    }
    %scan3A_29 = arith.constant 120 : i32
    %mul3A_30 = arith.constant 640 : i32
    %mul3A_31 = arith.muli %arg1, %mul3A_30 : i32
    %add3A_32 = arith.constant 0 : i32
    %add3A_33 = arith.addi %mul3A_31, %add3A_32 : i32
    "tpu.region"() ({
      %run_scoped3A = tpu.sem_alloc : memref<!tpu.dma_semaphore, #tpu.memory_space<semaphore_mem>>
      %dma_start3A_141 = arith.constant 0 : i32
      %dma_start3A_142 = tpu.memref_slice %arg5[%add3A_33, %dma_start3A_141] : memref<10240x128xf32, #tpu.memory_space<vmem_shared>> -> memref<120x128xf32, #tpu.memory_space<vmem_shared>>
      %dma_start3A_143 = arith.constant 0 : i32
      %dma_start3A_144 = tpu.memref_slice %arg5[%add3A_33, %dma_start3A_143] : memref<10240x128xf32, #tpu.memory_space<vmem_shared>> -> memref<120x128xf32, #tpu.memory_space<vmem_shared>>
      tpu.enqueue_dma source(%arg6 : memref<120x128xf32, #tpu.memory_space<vmem>>) target(%dma_start3A_144 : memref<120x128xf32, #tpu.memory_space<vmem_shared>>) target_semaphore(%run_scoped3A : memref<!tpu.dma_semaphore, #tpu.memory_space<semaphore_mem>>)
      %dma_wait3A_145 = arith.constant 0 : i32
      %dma_wait3A_146 = tpu.memref_slice %arg5[%add3A_33, %dma_wait3A_145] : memref<10240x128xf32, #tpu.memory_space<vmem_shared>> -> memref<120x128xf32, #tpu.memory_space<vmem_shared>>
      %dma_wait3A_147 = arith.constant 0 : i32
      %dma_wait3A_148 = tpu.memref_slice %arg5[%add3A_33, %dma_wait3A_147] : memref<10240x128xf32, #tpu.memory_space<vmem_shared>> -> memref<120x128xf32, #tpu.memory_space<vmem_shared>>
      tpu.wait_dma2 semaphore(%run_scoped3A : memref<!tpu.dma_semaphore, #tpu.memory_space<semaphore_mem>>) src(%arg6 : memref<120x128xf32, #tpu.memory_space<vmem>>) dst(%dma_wait3A_148 : memref<120x128xf32, #tpu.memory_space<vmem_shared>>)
      tpu.yield
    }) : () -> ()
    %add3A_34 = arith.constant 120 : i32
    %add3A_35 = arith.addi %mul3A_31, %add3A_34 : i32
    "tpu.region"() ({
      %run_scoped3A = tpu.sem_alloc : memref<!tpu.dma_semaphore, #tpu.memory_space<semaphore_mem>>
      %dma_start3A_141 = arith.constant 0 : i32
      %dma_start3A_142 = tpu.memref_slice %arg5[%add3A_35, %dma_start3A_141] : memref<10240x128xf32, #tpu.memory_space<vmem_shared>> -> memref<120x128xf32, #tpu.memory_space<vmem_shared>>
      %dma_start3A_143 = arith.constant 0 : i32
      %dma_start3A_144 = tpu.memref_slice %arg5[%add3A_35, %dma_start3A_143] : memref<10240x128xf32, #tpu.memory_space<vmem_shared>> -> memref<120x128xf32, #tpu.memory_space<vmem_shared>>
      tpu.enqueue_dma source(%arg6 : memref<120x128xf32, #tpu.memory_space<vmem>>) target(%dma_start3A_144 : memref<120x128xf32, #tpu.memory_space<vmem_shared>>) target_semaphore(%run_scoped3A : memref<!tpu.dma_semaphore, #tpu.memory_space<semaphore_mem>>)
      %dma_wait3A_145 = arith.constant 0 : i32
      %dma_wait3A_146 = tpu.memref_slice %arg5[%add3A_35, %dma_wait3A_145] : memref<10240x128xf32, #tpu.memory_space<vmem_shared>> -> memref<120x128xf32, #tpu.memory_space<vmem_shared>>
      %dma_wait3A_147 = arith.constant 0 : i32
      %dma_wait3A_148 = tpu.memref_slice %arg5[%add3A_35, %dma_wait3A_147] : memref<10240x128xf32, #tpu.memory_space<vmem_shared>> -> memref<120x128xf32, #tpu.memory_space<vmem_shared>>
      tpu.wait_dma2 semaphore(%run_scoped3A : memref<!tpu.dma_semaphore, #tpu.memory_space<semaphore_mem>>) src(%arg6 : memref<120x128xf32, #tpu.memory_space<vmem>>) dst(%dma_wait3A_148 : memref<120x128xf32, #tpu.memory_space<vmem_shared>>)
      tpu.yield
    }) : () -> ()
    %add3A_36 = arith.constant 240 : i32
    %add3A_37 = arith.addi %mul3A_31, %add3A_36 : i32
    "tpu.region"() ({
      %run_scoped3A = tpu.sem_alloc : memref<!tpu.dma_semaphore, #tpu.memory_space<semaphore_mem>>
      %dma_start3A_141 = arith.constant 0 : i32
      %dma_start3A_142 = tpu.memref_slice %arg5[%add3A_37, %dma_start3A_141] : memref<10240x128xf32, #tpu.memory_space<vmem_shared>> -> memref<120x128xf32, #tpu.memory_space<vmem_shared>>
      %dma_start3A_143 = arith.constant 0 : i32
      %dma_start3A_144 = tpu.memref_slice %arg5[%add3A_37, %dma_start3A_143] : memref<10240x128xf32, #tpu.memory_space<vmem_shared>> -> memref<120x128xf32, #tpu.memory_space<vmem_shared>>
      tpu.enqueue_dma source(%arg6 : memref<120x128xf32, #tpu.memory_space<vmem>>) target(%dma_start3A_144 : memref<120x128xf32, #tpu.memory_space<vmem_shared>>) target_semaphore(%run_scoped3A : memref<!tpu.dma_semaphore, #tpu.memory_space<semaphore_mem>>)
      %dma_wait3A_145 = arith.constant 0 : i32
      %dma_wait3A_146 = tpu.memref_slice %arg5[%add3A_37, %dma_wait3A_145] : memref<10240x128xf32, #tpu.memory_space<vmem_shared>> -> memref<120x128xf32, #tpu.memory_space<vmem_shared>>
      %dma_wait3A_147 = arith.constant 0 : i32
      %dma_wait3A_148 = tpu.memref_slice %arg5[%add3A_37, %dma_wait3A_147] : memref<10240x128xf32, #tpu.memory_space<vmem_shared>> -> memref<120x128xf32, #tpu.memory_space<vmem_shared>>
      tpu.wait_dma2 semaphore(%run_scoped3A : memref<!tpu.dma_semaphore, #tpu.memory_space<semaphore_mem>>) src(%arg6 : memref<120x128xf32, #tpu.memory_space<vmem>>) dst(%dma_wait3A_148 : memref<120x128xf32, #tpu.memory_space<vmem_shared>>)
      tpu.yield
    }) : () -> ()
    %add3A_38 = arith.constant 360 : i32
    %add3A_39 = arith.addi %mul3A_31, %add3A_38 : i32
    "tpu.region"() ({
      %run_scoped3A = tpu.sem_alloc : memref<!tpu.dma_semaphore, #tpu.memory_space<semaphore_mem>>
      %dma_start3A_141 = arith.constant 0 : i32
      %dma_start3A_142 = tpu.memref_slice %arg5[%add3A_39, %dma_start3A_141] : memref<10240x128xf32, #tpu.memory_space<vmem_shared>> -> memref<120x128xf32, #tpu.memory_space<vmem_shared>>
      %dma_start3A_143 = arith.constant 0 : i32
      %dma_start3A_144 = tpu.memref_slice %arg5[%add3A_39, %dma_start3A_143] : memref<10240x128xf32, #tpu.memory_space<vmem_shared>> -> memref<120x128xf32, #tpu.memory_space<vmem_shared>>
      tpu.enqueue_dma source(%arg6 : memref<120x128xf32, #tpu.memory_space<vmem>>) target(%dma_start3A_144 : memref<120x128xf32, #tpu.memory_space<vmem_shared>>) target_semaphore(%run_scoped3A : memref<!tpu.dma_semaphore, #tpu.memory_space<semaphore_mem>>)
      %dma_wait3A_145 = arith.constant 0 : i32
      %dma_wait3A_146 = tpu.memref_slice %arg5[%add3A_39, %dma_wait3A_145] : memref<10240x128xf32, #tpu.memory_space<vmem_shared>> -> memref<120x128xf32, #tpu.memory_space<vmem_shared>>
      %dma_wait3A_147 = arith.constant 0 : i32
      %dma_wait3A_148 = tpu.memref_slice %arg5[%add3A_39, %dma_wait3A_147] : memref<10240x128xf32, #tpu.memory_space<vmem_shared>> -> memref<120x128xf32, #tpu.memory_space<vmem_shared>>
      tpu.wait_dma2 semaphore(%run_scoped3A : memref<!tpu.dma_semaphore, #tpu.memory_space<semaphore_mem>>) src(%arg6 : memref<120x128xf32, #tpu.memory_space<vmem>>) dst(%dma_wait3A_148 : memref<120x128xf32, #tpu.memory_space<vmem_shared>>)
      tpu.yield
    }) : () -> ()
    %add3A_40 = arith.constant 480 : i32
    %add3A_41 = arith.addi %mul3A_31, %add3A_40 : i32
    "tpu.region"() ({
      %run_scoped3A = tpu.sem_alloc : memref<!tpu.dma_semaphore, #tpu.memory_space<semaphore_mem>>
      %dma_start3A_141 = arith.constant 0 : i32
      %dma_start3A_142 = tpu.memref_slice %arg5[%add3A_41, %dma_start3A_141] : memref<10240x128xf32, #tpu.memory_space<vmem_shared>> -> memref<120x128xf32, #tpu.memory_space<vmem_shared>>
      %dma_start3A_143 = arith.constant 0 : i32
      %dma_start3A_144 = tpu.memref_slice %arg5[%add3A_41, %dma_start3A_143] : memref<10240x128xf32, #tpu.memory_space<vmem_shared>> -> memref<120x128xf32, #tpu.memory_space<vmem_shared>>
      tpu.enqueue_dma source(%arg6 : memref<120x128xf32, #tpu.memory_space<vmem>>) target(%dma_start3A_144 : memref<120x128xf32, #tpu.memory_space<vmem_shared>>) target_semaphore(%run_scoped3A : memref<!tpu.dma_semaphore, #tpu.memory_space<semaphore_mem>>)
      %dma_wait3A_145 = arith.constant 0 : i32
      %dma_wait3A_146 = tpu.memref_slice %arg5[%add3A_41, %dma_wait3A_145] : memref<10240x128xf32, #tpu.memory_space<vmem_shared>> -> memref<120x128xf32, #tpu.memory_space<vmem_shared>>
      %dma_wait3A_147 = arith.constant 0 : i32
      %dma_wait3A_148 = tpu.memref_slice %arg5[%add3A_41, %dma_wait3A_147] : memref<10240x128xf32, #tpu.memory_space<vmem_shared>> -> memref<120x128xf32, #tpu.memory_space<vmem_shared>>
      tpu.wait_dma2 semaphore(%run_scoped3A : memref<!tpu.dma_semaphore, #tpu.memory_space<semaphore_mem>>) src(%arg6 : memref<120x128xf32, #tpu.memory_space<vmem>>) dst(%dma_wait3A_148 : memref<120x128xf32, #tpu.memory_space<vmem_shared>>)
      tpu.yield
    }) : () -> ()
    %add3A_42 = arith.constant 640 : i32
    %add3A_43 = arith.addi %mul3A_31, %add3A_42 : i32
    %sub3A = arith.constant 40 : i32
    %sub3A_44 = arith.subi %add3A_43, %sub3A : i32
    "tpu.region"() ({
      %run_scoped3A = tpu.sem_alloc : memref<!tpu.dma_semaphore, #tpu.memory_space<semaphore_mem>>
      %dma_start3A_141 = arith.constant 0 : i32
      %dma_start3A_142 = arith.constant 0 : i32
      %dma_start3A_143 = tpu.memref_slice %arg6[%dma_start3A_141, %dma_start3A_142] : memref<120x128xf32, #tpu.memory_space<vmem>> -> memref<40x128xf32, #tpu.memory_space<vmem>>
      %dma_start3A_144 = arith.constant 0 : i32
      %dma_start3A_145 = tpu.memref_slice %arg5[%sub3A_44, %dma_start3A_144] : memref<10240x128xf32, #tpu.memory_space<vmem_shared>> -> memref<40x128xf32, #tpu.memory_space<vmem_shared>>
      %dma_start3A_146 = arith.constant 0 : i32
      %dma_start3A_147 = tpu.memref_slice %arg5[%sub3A_44, %dma_start3A_146] : memref<10240x128xf32, #tpu.memory_space<vmem_shared>> -> memref<40x128xf32, #tpu.memory_space<vmem_shared>>
      %dma_start3A_148 = arith.constant 0 : i32
      %dma_start3A_149 = arith.constant 0 : i32
      %dma_start3A_150 = tpu.memref_slice %arg6[%dma_start3A_148, %dma_start3A_149] : memref<120x128xf32, #tpu.memory_space<vmem>> -> memref<40x128xf32, #tpu.memory_space<vmem>>
      tpu.enqueue_dma source(%dma_start3A_150 : memref<40x128xf32, #tpu.memory_space<vmem>>) target(%dma_start3A_147 : memref<40x128xf32, #tpu.memory_space<vmem_shared>>) target_semaphore(%run_scoped3A : memref<!tpu.dma_semaphore, #tpu.memory_space<semaphore_mem>>)
      %dma_wait3A_151 = arith.constant 0 : i32
      %dma_wait3A_152 = arith.constant 0 : i32
      %dma_wait3A_153 = tpu.memref_slice %arg6[%dma_wait3A_151, %dma_wait3A_152] : memref<120x128xf32, #tpu.memory_space<vmem>> -> memref<40x128xf32, #tpu.memory_space<vmem>>
      %dma_wait3A_154 = arith.constant 0 : i32
      %dma_wait3A_155 = tpu.memref_slice %arg5[%sub3A_44, %dma_wait3A_154] : memref<10240x128xf32, #tpu.memory_space<vmem_shared>> -> memref<40x128xf32, #tpu.memory_space<vmem_shared>>
      %dma_wait3A_156 = arith.constant 0 : i32
      %dma_wait3A_157 = tpu.memref_slice %arg5[%sub3A_44, %dma_wait3A_156] : memref<10240x128xf32, #tpu.memory_space<vmem_shared>> -> memref<40x128xf32, #tpu.memory_space<vmem_shared>>
      %dma_wait3A_158 = arith.constant 0 : i32
      %dma_wait3A_159 = arith.constant 0 : i32
      %dma_wait3A_160 = tpu.memref_slice %arg6[%dma_wait3A_158, %dma_wait3A_159] : memref<120x128xf32, #tpu.memory_space<vmem>> -> memref<40x128xf32, #tpu.memory_space<vmem>>
      tpu.wait_dma2 semaphore(%run_scoped3A : memref<!tpu.dma_semaphore, #tpu.memory_space<semaphore_mem>>) src(%dma_wait3A_160 : memref<40x128xf32, #tpu.memory_space<vmem>>) dst(%dma_wait3A_157 : memref<40x128xf32, #tpu.memory_space<vmem_shared>>)
      tpu.yield
    }) : () -> ()
    %barrier3A = arith.constant 0 : index
    tpu.barrier barrier_id(%barrier3A)
    %dma_wait3A = arith.constant 0 : i32
    %dma_wait3A_45 = tpu.memref_slice %arg3[%dma_wait3A] : memref<967680xi32, #tpu.memory_space<hbm>> -> memref<360xi32, #tpu.memory_space<hbm>>
    %dma_wait3A_46 = arith.constant 0 : i32
    %dma_wait3A_47 = tpu.memref_slice %arg3[%dma_wait3A_46] : memref<967680xi32, #tpu.memory_space<hbm>> -> memref<360xi32, #tpu.memory_space<hbm>>
    tpu.wait_dma2 semaphore(%arg21 : memref<!tpu.dma_semaphore, #tpu.memory_space<semaphore_mem>>) src(%dma_wait3A_47 : memref<360xi32, #tpu.memory_space<hbm>>) dst(%arg9 : memref<360xi32, #tpu.memory_space<vmem>>)
    %dma_start3A_48 = arith.constant 0 : i32
    %dma_start3A_49 = arith.constant 0 : i32
    %dma_start3A_50 = tpu.memref_slice %arg6[%dma_start3A_48, %dma_start3A_49] : memref<120x128xf32, #tpu.memory_space<vmem>> -> memref<64x128xf32, #tpu.memory_space<vmem>>
    %dma_start3A_51 = arith.constant 0 : i32
    %dma_start3A_52 = tpu.memref_slice %arg9[%dma_start3A_51] : memref<360xi32, #tpu.memory_space<vmem>> -> memref<64xi32, #tpu.memory_space<vmem>>
    %dma_start3A_53 = arith.constant 0 : i32
    %dma_start3A_54 = arith.constant 0 : i32
    %dma_start3A_55 = tpu.memref_slice %arg2[%arg0, %dma_start3A_53, %dma_start3A_54] : memref<2x10000x128xf32, #tpu.memory_space<hbm>> -> memref<1x10000x128xf32, #tpu.memory_space<hbm>>
    %dma_start3A_56 = tpu.memref_squeeze %dma_start3A_55 : memref<1x10000x128xf32, #tpu.memory_space<hbm>> -> memref<10000x128xf32, #tpu.memory_space<hbm>>
    %dma_start3A_57 = arith.constant 0 : i32
    %dma_start3A_58 = arith.constant 0 : i32
    %dma_start3A_59 = tpu.memref_slice %dma_start3A_56[%dma_start3A_57, %dma_start3A_58] : memref<10000x128xf32, #tpu.memory_space<hbm>> -> memref<10000x128xf32, #tpu.memory_space<hbm>>
    tpu.enqueue_indirect_dma source(%dma_start3A_59 : memref<10000x128xf32, #tpu.memory_space<hbm>>) target(%dma_start3A_50 : memref<64x128xf32, #tpu.memory_space<vmem>>) offsets(%dma_start3A_52 : memref<64xi32, #tpu.memory_space<vmem>>) semaphore(%arg15 : memref<!tpu.dma_semaphore, #tpu.memory_space<semaphore_mem>>)
    %dma_start3A_60 = arith.constant 64 : i32
    %dma_start3A_61 = arith.constant 0 : i32
    %dma_start3A_62 = tpu.memref_slice %arg6[%dma_start3A_60, %dma_start3A_61] : memref<120x128xf32, #tpu.memory_space<vmem>> -> memref<56x128xf32, #tpu.memory_space<vmem>>
    %dma_start3A_63 = arith.constant 64 : i32
    %dma_start3A_64 = tpu.memref_slice %arg9[%dma_start3A_63] : memref<360xi32, #tpu.memory_space<vmem>> -> memref<56xi32, #tpu.memory_space<vmem>>
    %dma_start3A_65 = arith.constant 0 : i32
    %dma_start3A_66 = arith.constant 0 : i32
    %dma_start3A_67 = tpu.memref_slice %arg2[%arg0, %dma_start3A_65, %dma_start3A_66] : memref<2x10000x128xf32, #tpu.memory_space<hbm>> -> memref<1x10000x128xf32, #tpu.memory_space<hbm>>
    %dma_start3A_68 = tpu.memref_squeeze %dma_start3A_67 : memref<1x10000x128xf32, #tpu.memory_space<hbm>> -> memref<10000x128xf32, #tpu.memory_space<hbm>>
    %dma_start3A_69 = arith.constant 0 : i32
    %dma_start3A_70 = arith.constant 0 : i32
    %dma_start3A_71 = tpu.memref_slice %dma_start3A_68[%dma_start3A_69, %dma_start3A_70] : memref<10000x128xf32, #tpu.memory_space<hbm>> -> memref<10000x128xf32, #tpu.memory_space<hbm>>
    tpu.enqueue_indirect_dma source(%dma_start3A_71 : memref<10000x128xf32, #tpu.memory_space<hbm>>) target(%dma_start3A_62 : memref<56x128xf32, #tpu.memory_space<vmem>>) offsets(%dma_start3A_64 : memref<56xi32, #tpu.memory_space<vmem>>) semaphore(%arg15 : memref<!tpu.dma_semaphore, #tpu.memory_space<semaphore_mem>>)
    %dma_wait3A_72 = arith.constant 0 : i32
    %dma_wait3A_73 = tpu.memref_slice %arg3[%dma_wait3A_72] : memref<967680xi32, #tpu.memory_space<hbm>> -> memref<360xi32, #tpu.memory_space<hbm>>
    %dma_wait3A_74 = arith.constant 0 : i32
    %dma_wait3A_75 = tpu.memref_slice %arg3[%dma_wait3A_74] : memref<967680xi32, #tpu.memory_space<hbm>> -> memref<360xi32, #tpu.memory_space<hbm>>
    tpu.wait_dma2 semaphore(%arg22 : memref<!tpu.dma_semaphore, #tpu.memory_space<semaphore_mem>>) src(%dma_wait3A_75 : memref<360xi32, #tpu.memory_space<hbm>>) dst(%arg10 : memref<360xi32, #tpu.memory_space<vmem>>)
    %dma_start3A_76 = arith.constant 0 : i32
    %dma_start3A_77 = arith.constant 0 : i32
    %dma_start3A_78 = tpu.memref_slice %arg7[%dma_start3A_76, %dma_start3A_77] : memref<120x128xf32, #tpu.memory_space<vmem>> -> memref<64x128xf32, #tpu.memory_space<vmem>>
    %dma_start3A_79 = arith.constant 0 : i32
    %dma_start3A_80 = tpu.memref_slice %arg10[%dma_start3A_79] : memref<360xi32, #tpu.memory_space<vmem>> -> memref<64xi32, #tpu.memory_space<vmem>>
    %dma_start3A_81 = arith.constant 0 : i32
    %dma_start3A_82 = arith.constant 0 : i32
    %dma_start3A_83 = tpu.memref_slice %arg2[%arg0, %dma_start3A_81, %dma_start3A_82] : memref<2x10000x128xf32, #tpu.memory_space<hbm>> -> memref<1x10000x128xf32, #tpu.memory_space<hbm>>
    %dma_start3A_84 = tpu.memref_squeeze %dma_start3A_83 : memref<1x10000x128xf32, #tpu.memory_space<hbm>> -> memref<10000x128xf32, #tpu.memory_space<hbm>>
    %dma_start3A_85 = arith.constant 0 : i32
    %dma_start3A_86 = arith.constant 0 : i32
    %dma_start3A_87 = tpu.memref_slice %dma_start3A_84[%dma_start3A_85, %dma_start3A_86] : memref<10000x128xf32, #tpu.memory_space<hbm>> -> memref<10000x128xf32, #tpu.memory_space<hbm>>
    tpu.enqueue_indirect_dma source(%dma_start3A_87 : memref<10000x128xf32, #tpu.memory_space<hbm>>) target(%dma_start3A_78 : memref<64x128xf32, #tpu.memory_space<vmem>>) offsets(%dma_start3A_80 : memref<64xi32, #tpu.memory_space<vmem>>) semaphore(%arg16 : memref<!tpu.dma_semaphore, #tpu.memory_space<semaphore_mem>>)
    %dma_start3A_88 = arith.constant 64 : i32
    %dma_start3A_89 = arith.constant 0 : i32
    %dma_start3A_90 = tpu.memref_slice %arg7[%dma_start3A_88, %dma_start3A_89] : memref<120x128xf32, #tpu.memory_space<vmem>> -> memref<56x128xf32, #tpu.memory_space<vmem>>
    %dma_start3A_91 = arith.constant 64 : i32
    %dma_start3A_92 = tpu.memref_slice %arg10[%dma_start3A_91] : memref<360xi32, #tpu.memory_space<vmem>> -> memref<56xi32, #tpu.memory_space<vmem>>
    %dma_start3A_93 = arith.constant 0 : i32
    %dma_start3A_94 = arith.constant 0 : i32
    %dma_start3A_95 = tpu.memref_slice %arg2[%arg0, %dma_start3A_93, %dma_start3A_94] : memref<2x10000x128xf32, #tpu.memory_space<hbm>> -> memref<1x10000x128xf32, #tpu.memory_space<hbm>>
    %dma_start3A_96 = tpu.memref_squeeze %dma_start3A_95 : memref<1x10000x128xf32, #tpu.memory_space<hbm>> -> memref<10000x128xf32, #tpu.memory_space<hbm>>
    %dma_start3A_97 = arith.constant 0 : i32
    %dma_start3A_98 = arith.constant 0 : i32
    %dma_start3A_99 = tpu.memref_slice %dma_start3A_96[%dma_start3A_97, %dma_start3A_98] : memref<10000x128xf32, #tpu.memory_space<hbm>> -> memref<10000x128xf32, #tpu.memory_space<hbm>>
    tpu.enqueue_indirect_dma source(%dma_start3A_99 : memref<10000x128xf32, #tpu.memory_space<hbm>>) target(%dma_start3A_90 : memref<56x128xf32, #tpu.memory_space<vmem>>) offsets(%dma_start3A_92 : memref<56xi32, #tpu.memory_space<vmem>>) semaphore(%arg16 : memref<!tpu.dma_semaphore, #tpu.memory_space<semaphore_mem>>)
    %dma_wait3A_100 = arith.constant 0 : i32
    %dma_wait3A_101 = tpu.memref_slice %arg3[%dma_wait3A_100] : memref<967680xi32, #tpu.memory_space<hbm>> -> memref<360xi32, #tpu.memory_space<hbm>>
    %dma_wait3A_102 = arith.constant 0 : i32
    %dma_wait3A_103 = tpu.memref_slice %arg3[%dma_wait3A_102] : memref<967680xi32, #tpu.memory_space<hbm>> -> memref<360xi32, #tpu.memory_space<hbm>>
    tpu.wait_dma2 semaphore(%arg23 : memref<!tpu.dma_semaphore, #tpu.memory_space<semaphore_mem>>) src(%dma_wait3A_103 : memref<360xi32, #tpu.memory_space<hbm>>) dst(%arg11 : memref<360xi32, #tpu.memory_space<vmem>>)
    %dma_start3A_104 = arith.constant 0 : i32
    %dma_start3A_105 = arith.constant 0 : i32
    %dma_start3A_106 = tpu.memref_slice %arg8[%dma_start3A_104, %dma_start3A_105] : memref<120x128xf32, #tpu.memory_space<vmem>> -> memref<64x128xf32, #tpu.memory_space<vmem>>
    %dma_start3A_107 = arith.constant 0 : i32
    %dma_start3A_108 = tpu.memref_slice %arg11[%dma_start3A_107] : memref<360xi32, #tpu.memory_space<vmem>> -> memref<64xi32, #tpu.memory_space<vmem>>
    %dma_start3A_109 = arith.constant 0 : i32
    %dma_start3A_110 = arith.constant 0 : i32
    %dma_start3A_111 = tpu.memref_slice %arg2[%arg0, %dma_start3A_109, %dma_start3A_110] : memref<2x10000x128xf32, #tpu.memory_space<hbm>> -> memref<1x10000x128xf32, #tpu.memory_space<hbm>>
    %dma_start3A_112 = tpu.memref_squeeze %dma_start3A_111 : memref<1x10000x128xf32, #tpu.memory_space<hbm>> -> memref<10000x128xf32, #tpu.memory_space<hbm>>
    %dma_start3A_113 = arith.constant 0 : i32
    %dma_start3A_114 = arith.constant 0 : i32
    %dma_start3A_115 = tpu.memref_slice %dma_start3A_112[%dma_start3A_113, %dma_start3A_114] : memref<10000x128xf32, #tpu.memory_space<hbm>> -> memref<10000x128xf32, #tpu.memory_space<hbm>>
    tpu.enqueue_indirect_dma source(%dma_start3A_115 : memref<10000x128xf32, #tpu.memory_space<hbm>>) target(%dma_start3A_106 : memref<64x128xf32, #tpu.memory_space<vmem>>) offsets(%dma_start3A_108 : memref<64xi32, #tpu.memory_space<vmem>>) semaphore(%arg17 : memref<!tpu.dma_semaphore, #tpu.memory_space<semaphore_mem>>)
    %dma_start3A_116 = arith.constant 64 : i32
    %dma_start3A_117 = arith.constant 0 : i32
    %dma_start3A_118 = tpu.memref_slice %arg8[%dma_start3A_116, %dma_start3A_117] : memref<120x128xf32, #tpu.memory_space<vmem>> -> memref<56x128xf32, #tpu.memory_space<vmem>>
    %dma_start3A_119 = arith.constant 64 : i32
    %dma_start3A_120 = tpu.memref_slice %arg11[%dma_start3A_119] : memref<360xi32, #tpu.memory_space<vmem>> -> memref<56xi32, #tpu.memory_space<vmem>>
    %dma_start3A_121 = arith.constant 0 : i32
    %dma_start3A_122 = arith.constant 0 : i32
    %dma_start3A_123 = tpu.memref_slice %arg2[%arg0, %dma_start3A_121, %dma_start3A_122] : memref<2x10000x128xf32, #tpu.memory_space<hbm>> -> memref<1x10000x128xf32, #tpu.memory_space<hbm>>
    %dma_start3A_124 = tpu.memref_squeeze %dma_start3A_123 : memref<1x10000x128xf32, #tpu.memory_space<hbm>> -> memref<10000x128xf32, #tpu.memory_space<hbm>>
    %dma_start3A_125 = arith.constant 0 : i32
    %dma_start3A_126 = arith.constant 0 : i32
    %dma_start3A_127 = tpu.memref_slice %dma_start3A_124[%dma_start3A_125, %dma_start3A_126] : memref<10000x128xf32, #tpu.memory_space<hbm>> -> memref<10000x128xf32, #tpu.memory_space<hbm>>
    tpu.enqueue_indirect_dma source(%dma_start3A_127 : memref<10000x128xf32, #tpu.memory_space<hbm>>) target(%dma_start3A_118 : memref<56x128xf32, #tpu.memory_space<vmem>>) offsets(%dma_start3A_120 : memref<56xi32, #tpu.memory_space<vmem>>) semaphore(%arg17 : memref<!tpu.dma_semaphore, #tpu.memory_space<semaphore_mem>>)
    %scan3A_128 = arith.constant 0 : i32
    %scan3A_129 = arith.constant 0 : i32
    %scan3A_130 = arith.constant 56 : i32
    %scan3A_131 = arith.addi %scan3A_129, %scan3A_130 : i32
    %scan3A_132 = arith.constant 1 : i32
    scf.for %scan3A_141 = %scan3A_129 to %scan3A_131 step %scan3A_132  : i32 {
      %mul3A_142 = arith.constant 3 : i32
      %mul3A_143 = arith.muli %scan3A_141, %mul3A_142 : i32
      %add3A_144 = arith.constant 0 : i32
      %add3A_145 = arith.addi %mul3A_143, %add3A_144 : i32
      %dma_wait3A_146 = arith.constant 0 : i32
      %dma_wait3A_147 = arith.constant 0 : i32
      %dma_wait3A_148 = tpu.memref_slice %arg6[%dma_wait3A_146, %dma_wait3A_147] : memref<120x128xf32, #tpu.memory_space<vmem>> -> memref<64x128xf32, #tpu.memory_space<vmem>>
      %dma_wait3A_149 = arith.constant 0 : i32
      %dma_wait3A_150 = tpu.memref_slice %arg9[%dma_wait3A_149] : memref<360xi32, #tpu.memory_space<vmem>> -> memref<64xi32, #tpu.memory_space<vmem>>
      %dma_wait3A_151 = arith.constant 0 : i32
      %dma_wait3A_152 = arith.constant 0 : i32
      %dma_wait3A_153 = tpu.memref_slice %arg2[%arg0, %dma_wait3A_151, %dma_wait3A_152] : memref<2x10000x128xf32, #tpu.memory_space<hbm>> -> memref<1x10000x128xf32, #tpu.memory_space<hbm>>
      %dma_wait3A_154 = tpu.memref_squeeze %dma_wait3A_153 : memref<1x10000x128xf32, #tpu.memory_space<hbm>> -> memref<10000x128xf32, #tpu.memory_space<hbm>>
      %dma_wait3A_155 = arith.constant 0 : i32
      %dma_wait3A_156 = arith.constant 0 : i32
      %dma_wait3A_157 = tpu.memref_slice %dma_wait3A_154[%dma_wait3A_155, %dma_wait3A_156] : memref<10000x128xf32, #tpu.memory_space<hbm>> -> memref<10000x128xf32, #tpu.memory_space<hbm>>
      tpu.wait_indirect_dma semaphore(%arg15 : memref<!tpu.dma_semaphore, #tpu.memory_space<semaphore_mem>>) src(%dma_wait3A_157 : memref<10000x128xf32, #tpu.memory_space<hbm>>) dst(%dma_wait3A_148 : memref<64x128xf32, #tpu.memory_space<vmem>>)
      %dma_wait3A_158 = arith.constant 64 : i32
      %dma_wait3A_159 = arith.constant 0 : i32
      %dma_wait3A_160 = tpu.memref_slice %arg6[%dma_wait3A_158, %dma_wait3A_159] : memref<120x128xf32, #tpu.memory_space<vmem>> -> memref<56x128xf32, #tpu.memory_space<vmem>>
      %dma_wait3A_161 = arith.constant 64 : i32
      %dma_wait3A_162 = tpu.memref_slice %arg9[%dma_wait3A_161] : memref<360xi32, #tpu.memory_space<vmem>> -> memref<56xi32, #tpu.memory_space<vmem>>
      %dma_wait3A_163 = arith.constant 0 : i32
      %dma_wait3A_164 = arith.constant 0 : i32
      %dma_wait3A_165 = tpu.memref_slice %arg2[%arg0, %dma_wait3A_163, %dma_wait3A_164] : memref<2x10000x128xf32, #tpu.memory_space<hbm>> -> memref<1x10000x128xf32, #tpu.memory_space<hbm>>
      %dma_wait3A_166 = tpu.memref_squeeze %dma_wait3A_165 : memref<1x10000x128xf32, #tpu.memory_space<hbm>> -> memref<10000x128xf32, #tpu.memory_space<hbm>>
      %dma_wait3A_167 = arith.constant 0 : i32
      %dma_wait3A_168 = arith.constant 0 : i32
      %dma_wait3A_169 = tpu.memref_slice %dma_wait3A_166[%dma_wait3A_167, %dma_wait3A_168] : memref<10000x128xf32, #tpu.memory_space<hbm>> -> memref<10000x128xf32, #tpu.memory_space<hbm>>
      tpu.wait_indirect_dma semaphore(%arg15 : memref<!tpu.dma_semaphore, #tpu.memory_space<semaphore_mem>>) src(%dma_wait3A_169 : memref<10000x128xf32, #tpu.memory_space<hbm>>) dst(%dma_wait3A_160 : memref<56x128xf32, #tpu.memory_space<vmem>>)
      %broadcast_in_dim3A = arith.constant 240 : i32
      %broadcast_in_dim3A_170 = vector.broadcast %broadcast_in_dim3A : i32 to vector<16xi32>
      %scan3A_171 = arith.constant 0 : i32
      %scan3A_172 = arith.constant 15 : i32
      %scan3A_173 = arith.addi %scan3A_171, %scan3A_172 : i32
      %scan3A_174 = arith.constant 1 : i32
      %scan3A_175 = scf.for %scan3A_402 = %scan3A_171 to %scan3A_173 step %scan3A_174 iter_args(%scan3A_403 = %broadcast_in_dim3A_170) -> (vector<16xi32>)  : i32 {
        %mul3A_404 = arith.constant 8 : i32
        %mul3A_405 = arith.muli %scan3A_402, %mul3A_404 : i32
        %add3A_406 = arith.constant 0 : i32
        %add3A_407 = arith.addi %mul3A_405, %add3A_406 : i32
        %add3A_408 = arith.constant 0 : i32
        %add3A_409 = vector.broadcast %add3A_408 : i32 to vector<16xi32>
        %add3A_410 = arith.addi %scan3A_403, %add3A_409 : vector<16xi32>
        %gather3A = tpu.vector_load_idx %arg9[%add3A_410] : memref<360xi32, #tpu.memory_space<vmem>>[vector<16xi32>], vector<16xi32>,
        %bitcast3A = vector.bitcast %gather3A : vector<16xi32> to vector<16xf32>
        %get3A_411 = arith.index_cast %add3A_407 : i32 to index
        %get3A_412 = arith.constant 0 : index
        %get3A_413 = tpu.vector_load %arg6[%get3A_411, %get3A_412] {strides = array<i32>} : memref<120x128xf32, #tpu.memory_space<vmem>>, vector<16xf32>,
        %mul3A_414 = arith.mulf %get3A_413, %bitcast3A : vector<16xf32>
        %swap3A_415 = arith.index_cast %add3A_407 : i32 to index
        %swap3A_416 = arith.constant 0 : index
        %swap3A_417 = tpu.vector_load %arg6[%swap3A_415, %swap3A_416] {strides = array<i32>} : memref<120x128xf32, #tpu.memory_space<vmem>>, vector<16xf32>,
        tpu.vector_store %arg6[%swap3A_415, %swap3A_416], %mul3A_414 {strides = array<i32>} : memref<120x128xf32, #tpu.memory_space<vmem>>, vector<16xf32>,
        %get3A_418 = arith.index_cast %add3A_407 : i32 to index
        %get3A_419 = arith.constant 16 : index
        %get3A_420 = tpu.vector_load %arg6[%get3A_418, %get3A_419] {strides = array<i32>} : memref<120x128xf32, #tpu.memory_space<vmem>>, vector<16xf32>,
        %mul3A_421 = arith.mulf %get3A_420, %bitcast3A : vector<16xf32>
        %swap3A_422 = arith.index_cast %add3A_407 : i32 to index
        %swap3A_423 = arith.constant 16 : index
        %swap3A_424 = tpu.vector_load %arg6[%swap3A_422, %swap3A_423] {strides = array<i32>} : memref<120x128xf32, #tpu.memory_space<vmem>>, vector<16xf32>,
        tpu.vector_store %arg6[%swap3A_422, %swap3A_423], %mul3A_421 {strides = array<i32>} : memref<120x128xf32, #tpu.memory_space<vmem>>, vector<16xf32>,
        %get3A_425 = arith.index_cast %add3A_407 : i32 to index
        %get3A_426 = arith.constant 32 : index
        %get3A_427 = tpu.vector_load %arg6[%get3A_425, %get3A_426] {strides = array<i32>} : memref<120x128xf32, #tpu.memory_space<vmem>>, vector<16xf32>,
        %mul3A_428 = arith.mulf %get3A_427, %bitcast3A : vector<16xf32>
        %swap3A_429 = arith.index_cast %add3A_407 : i32 to index
        %swap3A_430 = arith.constant 32 : index
        %swap3A_431 = tpu.vector_load %arg6[%swap3A_429, %swap3A_430] {strides = array<i32>} : memref<120x128xf32, #tpu.memory_space<vmem>>, vector<16xf32>,
        tpu.vector_store %arg6[%swap3A_429, %swap3A_430], %mul3A_428 {strides = array<i32>} : memref<120x128xf32, #tpu.memory_space<vmem>>, vector<16xf32>,
        %get3A_432 = arith.index_cast %add3A_407 : i32 to index
        %get3A_433 = arith.constant 48 : index
        %get3A_434 = tpu.vector_load %arg6[%get3A_432, %get3A_433] {strides = array<i32>} : memref<120x128xf32, #tpu.memory_space<vmem>>, vector<16xf32>,
        %mul3A_435 = arith.mulf %get3A_434, %bitcast3A : vector<16xf32>
        %swap3A_436 = arith.index_cast %add3A_407 : i32 to index
        %swap3A_437 = arith.constant 48 : index
        %swap3A_438 = tpu.vector_load %arg6[%swap3A_436, %swap3A_437] {strides = array<i32>} : memref<120x128xf32, #tpu.memory_space<vmem>>, vector<16xf32>,
        tpu.vector_store %arg6[%swap3A_436, %swap3A_437], %mul3A_435 {strides = array<i32>} : memref<120x128xf32, #tpu.memory_space<vmem>>, vector<16xf32>,
        %get3A_439 = arith.index_cast %add3A_407 : i32 to index
        %get3A_440 = arith.constant 64 : index
        %get3A_441 = tpu.vector_load %arg6[%get3A_439, %get3A_440] {strides = array<i32>} : memref<120x128xf32, #tpu.memory_space<vmem>>, vector<16xf32>,
        %mul3A_442 = arith.mulf %get3A_441, %bitcast3A : vector<16xf32>
        %swap3A_443 = arith.index_cast %add3A_407 : i32 to index
        %swap3A_444 = arith.constant 64 : index
        %swap3A_445 = tpu.vector_load %arg6[%swap3A_443, %swap3A_444] {strides = array<i32>} : memref<120x128xf32, #tpu.memory_space<vmem>>, vector<16xf32>,
        tpu.vector_store %arg6[%swap3A_443, %swap3A_444], %mul3A_442 {strides = array<i32>} : memref<120x128xf32, #tpu.memory_space<vmem>>, vector<16xf32>,
        %get3A_446 = arith.index_cast %add3A_407 : i32 to index
        %get3A_447 = arith.constant 80 : index
        %get3A_448 = tpu.vector_load %arg6[%get3A_446, %get3A_447] {strides = array<i32>} : memref<120x128xf32, #tpu.memory_space<vmem>>, vector<16xf32>,
        %mul3A_449 = arith.mulf %get3A_448, %bitcast3A : vector<16xf32>
        %swap3A_450 = arith.index_cast %add3A_407 : i32 to index
        %swap3A_451 = arith.constant 80 : index
        %swap3A_452 = tpu.vector_load %arg6[%swap3A_450, %swap3A_451] {strides = array<i32>} : memref<120x128xf32, #tpu.memory_space<vmem>>, vector<16xf32>,
        tpu.vector_store %arg6[%swap3A_450, %swap3A_451], %mul3A_449 {strides = array<i32>} : memref<120x128xf32, #tpu.memory_space<vmem>>, vector<16xf32>,
        %get3A_453 = arith.index_cast %add3A_407 : i32 to index
        %get3A_454 = arith.constant 96 : index
        %get3A_455 = tpu.vector_load %arg6[%get3A_453, %get3A_454] {strides = array<i32>} : memref<120x128xf32, #tpu.memory_space<vmem>>, vector<16xf32>,
        %mul3A_456 = arith.mulf %get3A_455, %bitcast3A : vector<16xf32>
        %swap3A_457 = arith.index_cast %add3A_407 : i32 to index
        %swap3A_458 = arith.constant 96 : index
        %swap3A_459 = tpu.vector_load %arg6[%swap3A_457, %swap3A_458] {strides = array<i32>} : memref<120x128xf32, #tpu.memory_space<vmem>>, vector<16xf32>,
        tpu.vector_store %arg6[%swap3A_457, %swap3A_458], %mul3A_456 {strides = array<i32>} : memref<120x128xf32, #tpu.memory_space<vmem>>, vector<16xf32>,
        %get3A_460 = arith.index_cast %add3A_407 : i32 to index
        %get3A_461 = arith.constant 112 : index
        %get3A_462 = tpu.vector_load %arg6[%get3A_460, %get3A_461] {strides = array<i32>} : memref<120x128xf32, #tpu.memory_space<vmem>>, vector<16xf32>,
        %mul3A_463 = arith.mulf %get3A_462, %bitcast3A : vector<16xf32>
        %swap3A_464 = arith.index_cast %add3A_407 : i32 to index
        %swap3A_465 = arith.constant 112 : index
        %swap3A_466 = tpu.vector_load %arg6[%swap3A_464, %swap3A_465] {strides = array<i32>} : memref<120x128xf32, #tpu.memory_space<vmem>>, vector<16xf32>,
        tpu.vector_store %arg6[%swap3A_464, %swap3A_465], %mul3A_463 {strides = array<i32>} : memref<120x128xf32, #tpu.memory_space<vmem>>, vector<16xf32>,
        %mul3A_467 = arith.constant 8 : i32
        %mul3A_468 = arith.muli %scan3A_402, %mul3A_467 : i32
        %add3A_469 = arith.constant 1 : i32
        %add3A_470 = arith.addi %mul3A_468, %add3A_469 : i32
        %add3A_471 = arith.constant 1 : i32
        %add3A_472 = vector.broadcast %add3A_471 : i32 to vector<16xi32>
        %add3A_473 = arith.addi %scan3A_403, %add3A_472 : vector<16xi32>
        %gather3A_474 = tpu.vector_load_idx %arg9[%add3A_473] : memref<360xi32, #tpu.memory_space<vmem>>[vector<16xi32>], vector<16xi32>,
        %bitcast3A_475 = vector.bitcast %gather3A_474 : vector<16xi32> to vector<16xf32>
        %get3A_476 = arith.index_cast %add3A_470 : i32 to index
        %get3A_477 = arith.constant 0 : index
        %get3A_478 = tpu.vector_load %arg6[%get3A_476, %get3A_477] {strides = array<i32>} : memref<120x128xf32, #tpu.memory_space<vmem>>, vector<16xf32>,
        %mul3A_479 = arith.mulf %get3A_478, %bitcast3A_475 : vector<16xf32>
        %swap3A_480 = arith.index_cast %add3A_470 : i32 to index
        %swap3A_481 = arith.constant 0 : index
        %swap3A_482 = tpu.vector_load %arg6[%swap3A_480, %swap3A_481] {strides = array<i32>} : memref<120x128xf32, #tpu.memory_space<vmem>>, vector<16xf32>,
        tpu.vector_store %arg6[%swap3A_480, %swap3A_481], %mul3A_479 {strides = array<i32>} : memref<120x128xf32, #tpu.memory_space<vmem>>, vector<16xf32>,
        %get3A_483 = arith.index_cast %add3A_470 : i32 to index
        %get3A_484 = arith.constant 16 : index
        %get3A_485 = tpu.vector_load %arg6[%get3A_483, %get3A_484] {strides = array<i32>} : memref<120x128xf32, #tpu.memory_space<vmem>>, vector<16xf32>,
        %mul3A_486 = arith.mulf %get3A_485, %bitcast3A_475 : vector<16xf32>
        %swap3A_487 = arith.index_cast %add3A_470 : i32 to index
        %swap3A_488 = arith.constant 16 : index
        %swap3A_489 = tpu.vector_load %arg6[%swap3A_487, %swap3A_488] {strides = array<i32>} : memref<120x128xf32, #tpu.memory_space<vmem>>, vector<16xf32>,
        tpu.vector_store %arg6[%swap3A_487, %swap3A_488], %mul3A_486 {strides = array<i32>} : memref<120x128xf32, #tpu.memory_space<vmem>>, vector<16xf32>,
        %get3A_490 = arith.index_cast %add3A_470 : i32 to index
        %get3A_491 = arith.constant 32 : index
        %get3A_492 = tpu.vector_load %arg6[%get3A_490, %get3A_491] {strides = array<i32>} : memref<120x128xf32, #tpu.memory_space<vmem>>, vector<16xf32>,
        %mul3A_493 = arith.mulf %get3A_492, %bitcast3A_475 : vector<16xf32>
        %swap3A_494 = arith.index_cast %add3A_470 : i32 to index
        %swap3A_495 = arith.constant 32 : index
        %swap3A_496 = tpu.vector_load %arg6[%swap3A_494, %swap3A_495] {strides = array<i32>} : memref<120x128xf32, #tpu.memory_space<vmem>>, vector<16xf32>,
        tpu.vector_store %arg6[%swap3A_494, %swap3A_495], %mul3A_493 {strides = array<i32>} : memref<120x128xf32, #tpu.memory_space<vmem>>, vector<16xf32>,
        %get3A_497 = arith.index_cast %add3A_470 : i32 to index
        %get3A_498 = arith.constant 48 : index
        %get3A_499 = tpu.vector_load %arg6[%get3A_497, %get3A_498] {strides = array<i32>} : memref<120x128xf32, #tpu.memory_space<vmem>>, vector<16xf32>,
        %mul3A_500 = arith.mulf %get3A_499, %bitcast3A_475 : vector<16xf32>
        %swap3A_501 = arith.index_cast %add3A_470 : i32 to index
        %swap3A_502 = arith.constant 48 : index
        %swap3A_503 = tpu.vector_load %arg6[%swap3A_501, %swap3A_502] {strides = array<i32>} : memref<120x128xf32, #tpu.memory_space<vmem>>, vector<16xf32>,
        tpu.vector_store %arg6[%swap3A_501, %swap3A_502], %mul3A_500 {strides = array<i32>} : memref<120x128xf32, #tpu.memory_space<vmem>>, vector<16xf32>,
        %get3A_504 = arith.index_cast %add3A_470 : i32 to index
        %get3A_505 = arith.constant 64 : index
        %get3A_506 = tpu.vector_load %arg6[%get3A_504, %get3A_505] {strides = array<i32>} : memref<120x128xf32, #tpu.memory_space<vmem>>, vector<16xf32>,
        %mul3A_507 = arith.mulf %get3A_506, %bitcast3A_475 : vector<16xf32>
        %swap3A_508 = arith.index_cast %add3A_470 : i32 to index
        %swap3A_509 = arith.constant 64 : index
        %swap3A_510 = tpu.vector_load %arg6[%swap3A_508, %swap3A_509] {strides = array<i32>} : memref<120x128xf32, #tpu.memory_space<vmem>>, vector<16xf32>,
        tpu.vector_store %arg6[%swap3A_508, %swap3A_509], %mul3A_507 {strides = array<i32>} : memref<120x128xf32, #tpu.memory_space<vmem>>, vector<16xf32>,
        %get3A_511 = arith.index_cast %add3A_470 : i32 to index
        %get3A_512 = arith.constant 80 : index
        %get3A_513 = tpu.vector_load %arg6[%get3A_511, %get3A_512] {strides = array<i32>} : memref<120x128xf32, #tpu.memory_space<vmem>>, vector<16xf32>,
        %mul3A_514 = arith.mulf %get3A_513, %bitcast3A_475 : vector<16xf32>
        %swap3A_515 = arith.index_cast %add3A_470 : i32 to index
        %swap3A_516 = arith.constant 80 : index
        %swap3A_517 = tpu.vector_load %arg6[%swap3A_515, %swap3A_516] {strides = array<i32>} : memref<120x128xf32, #tpu.memory_space<vmem>>, vector<16xf32>,
        tpu.vector_store %arg6[%swap3A_515, %swap3A_516], %mul3A_514 {strides = array<i32>} : memref<120x128xf32, #tpu.memory_space<vmem>>, vector<16xf32>,
        %get3A_518 = arith.index_cast %add3A_470 : i32 to index
        %get3A_519 = arith.constant 96 : index
        %get3A_520 = tpu.vector_load %arg6[%get3A_518, %get3A_519] {strides = array<i32>} : memref<120x128xf32, #tpu.memory_space<vmem>>, vector<16xf32>,
        %mul3A_521 = arith.mulf %get3A_520, %bitcast3A_475 : vector<16xf32>
        %swap3A_522 = arith.index_cast %add3A_470 : i32 to index
        %swap3A_523 = arith.constant 96 : index
        %swap3A_524 = tpu.vector_load %arg6[%swap3A_522, %swap3A_523] {strides = array<i32>} : memref<120x128xf32, #tpu.memory_space<vmem>>, vector<16xf32>,
        tpu.vector_store %arg6[%swap3A_522, %swap3A_523], %mul3A_521 {strides = array<i32>} : memref<120x128xf32, #tpu.memory_space<vmem>>, vector<16xf32>,
        %get3A_525 = arith.index_cast %add3A_470 : i32 to index
        %get3A_526 = arith.constant 112 : index
        %get3A_527 = tpu.vector_load %arg6[%get3A_525, %get3A_526] {strides = array<i32>} : memref<120x128xf32, #tpu.memory_space<vmem>>, vector<16xf32>,
        %mul3A_528 = arith.mulf %get3A_527, %bitcast3A_475 : vector<16xf32>
        %swap3A_529 = arith.index_cast %add3A_470 : i32 to index
        %swap3A_530 = arith.constant 112 : index
        %swap3A_531 = tpu.vector_load %arg6[%swap3A_529, %swap3A_530] {strides = array<i32>} : memref<120x128xf32, #tpu.memory_space<vmem>>, vector<16xf32>,
        tpu.vector_store %arg6[%swap3A_529, %swap3A_530], %mul3A_528 {strides = array<i32>} : memref<120x128xf32, #tpu.memory_space<vmem>>, vector<16xf32>,
        %mul3A_532 = arith.constant 8 : i32
        %mul3A_533 = arith.muli %scan3A_402, %mul3A_532 : i32
        %add3A_534 = arith.constant 2 : i32
        %add3A_535 = arith.addi %mul3A_533, %add3A_534 : i32
        %add3A_536 = arith.constant 2 : i32
        %add3A_537 = vector.broadcast %add3A_536 : i32 to vector<16xi32>
        %add3A_538 = arith.addi %scan3A_403, %add3A_537 : vector<16xi32>
        %gather3A_539 = tpu.vector_load_idx %arg9[%add3A_538] : memref<360xi32, #tpu.memory_space<vmem>>[vector<16xi32>], vector<16xi32>,
        %bitcast3A_540 = vector.bitcast %gather3A_539 : vector<16xi32> to vector<16xf32>
        %get3A_541 = arith.index_cast %add3A_535 : i32 to index
        %get3A_542 = arith.constant 0 : index
        %get3A_543 = tpu.vector_load %arg6[%get3A_541, %get3A_542] {strides = array<i32>} : memref<120x128xf32, #tpu.memory_space<vmem>>, vector<16xf32>,
        %mul3A_544 = arith.mulf %get3A_543, %bitcast3A_540 : vector<16xf32>
        %swap3A_545 = arith.index_cast %add3A_535 : i32 to index
        %swap3A_546 = arith.constant 0 : index
        %swap3A_547 = tpu.vector_load %arg6[%swap3A_545, %swap3A_546] {strides = array<i32>} : memref<120x128xf32, #tpu.memory_space<vmem>>, vector<16xf32>,
        tpu.vector_store %arg6[%swap3A_545, %swap3A_546], %mul3A_544 {strides = array<i32>} : memref<120x128xf32, #tpu.memory_space<vmem>>, vector<16xf32>,
        %get3A_548 = arith.index_cast %add3A_535 : i32 to index
        %get3A_549 = arith.constant 16 : index
        %get3A_550 = tpu.vector_load %arg6[%get3A_548, %get3A_549] {strides = array<i32>} : memref<120x128xf32, #tpu.memory_space<vmem>>, vector<16xf32>,
        %mul3A_551 = arith.mulf %get3A_550, %bitcast3A_540 : vector<16xf32>
        %swap3A_552 = arith.index_cast %add3A_535 : i32 to index
        %swap3A_553 = arith.constant 16 : index
        %swap3A_554 = tpu.vector_load %arg6[%swap3A_552, %swap3A_553] {strides = array<i32>} : memref<120x128xf32, #tpu.memory_space<vmem>>, vector<16xf32>,
        tpu.vector_store %arg6[%swap3A_552, %swap3A_553], %mul3A_551 {strides = array<i32>} : memref<120x128xf32, #tpu.memory_space<vmem>>, vector<16xf32>,
        %get3A_555 = arith.index_cast %add3A_535 : i32 to index
        %get3A_556 = arith.constant 32 : index
        %get3A_557 = tpu.vector_load %arg6[%get3A_555, %get3A_556] {strides = array<i32>} : memref<120x128xf32, #tpu.memory_space<vmem>>, vector<16xf32>,
        %mul3A_558 = arith.mulf %get3A_557, %bitcast3A_540 : vector<16xf32>
        %swap3A_559 = arith.index_cast %add3A_535 : i32 to index
        %swap3A_560 = arith.constant 32 : index
        %swap3A_561 = tpu.vector_load %arg6[%swap3A_559, %swap3A_560] {strides = array<i32>} : memref<120x128xf32, #tpu.memory_space<vmem>>, vector<16xf32>,
        tpu.vector_store %arg6[%swap3A_559, %swap3A_560], %mul3A_558 {strides = array<i32>} : memref<120x128xf32, #tpu.memory_space<vmem>>, vector<16xf32>,
        %get3A_562 = arith.index_cast %add3A_535 : i32 to index
        %get3A_563 = arith.constant 48 : index
        %get3A_564 = tpu.vector_load %arg6[%get3A_562, %get3A_563] {strides = array<i32>} : memref<120x128xf32, #tpu.memory_space<vmem>>, vector<16xf32>,
        %mul3A_565 = arith.mulf %get3A_564, %bitcast3A_540 : vector<16xf32>
        %swap3A_566 = arith.index_cast %add3A_535 : i32 to index
        %swap3A_567 = arith.constant 48 : index
        %swap3A_568 = tpu.vector_load %arg6[%swap3A_566, %swap3A_567] {strides = array<i32>} : memref<120x128xf32, #tpu.memory_space<vmem>>, vector<16xf32>,
        tpu.vector_store %arg6[%swap3A_566, %swap3A_567], %mul3A_565 {strides = array<i32>} : memref<120x128xf32, #tpu.memory_space<vmem>>, vector<16xf32>,
        %get3A_569 = arith.index_cast %add3A_535 : i32 to index
        %get3A_570 = arith.constant 64 : index
        %get3A_571 = tpu.vector_load %arg6[%get3A_569, %get3A_570] {strides = array<i32>} : memref<120x128xf32, #tpu.memory_space<vmem>>, vector<16xf32>,
        %mul3A_572 = arith.mulf %get3A_571, %bitcast3A_540 : vector<16xf32>
        %swap3A_573 = arith.index_cast %add3A_535 : i32 to index
        %swap3A_574 = arith.constant 64 : index
        %swap3A_575 = tpu.vector_load %arg6[%swap3A_573, %swap3A_574] {strides = array<i32>} : memref<120x128xf32, #tpu.memory_space<vmem>>, vector<16xf32>,
        tpu.vector_store %arg6[%swap3A_573, %swap3A_574], %mul3A_572 {strides = array<i32>} : memref<120x128xf32, #tpu.memory_space<vmem>>, vector<16xf32>,
        %get3A_576 = arith.index_cast %add3A_535 : i32 to index
        %get3A_577 = arith.constant 80 : index
        %get3A_578 = tpu.vector_load %arg6[%get3A_576, %get3A_577] {strides = array<i32>} : memref<120x128xf32, #tpu.memory_space<vmem>>, vector<16xf32>,
        %mul3A_579 = arith.mulf %get3A_578, %bitcast3A_540 : vector<16xf32>
        %swap3A_580 = arith.index_cast %add3A_535 : i32 to index
        %swap3A_581 = arith.constant 80 : index
        %swap3A_582 = tpu.vector_load %arg6[%swap3A_580, %swap3A_581] {strides = array<i32>} : memref<120x128xf32, #tpu.memory_space<vmem>>, vector<16xf32>,
        tpu.vector_store %arg6[%swap3A_580, %swap3A_581], %mul3A_579 {strides = array<i32>} : memref<120x128xf32, #tpu.memory_space<vmem>>, vector<16xf32>,
        %get3A_583 = arith.index_cast %add3A_535 : i32 to index
        %get3A_584 = arith.constant 96 : index
        %get3A_585 = tpu.vector_load %arg6[%get3A_583, %get3A_584] {strides = array<i32>} : memref<120x128xf32, #tpu.memory_space<vmem>>, vector<16xf32>,
        %mul3A_586 = arith.mulf %get3A_585, %bitcast3A_540 : vector<16xf32>
        %swap3A_587 = arith.index_cast %add3A_535 : i32 to index
        %swap3A_588 = arith.constant 96 : index
        %swap3A_589 = tpu.vector_load %arg6[%swap3A_587, %swap3A_588] {strides = array<i32>} : memref<120x128xf32, #tpu.memory_space<vmem>>, vector<16xf32>,
        tpu.vector_store %arg6[%swap3A_587, %swap3A_588], %mul3A_586 {strides = array<i32>} : memref<120x128xf32, #tpu.memory_space<vmem>>, vector<16xf32>,
        %get3A_590 = arith.index_cast %add3A_535 : i32 to index
        %get3A_591 = arith.constant 112 : index
        %get3A_592 = tpu.vector_load %arg6[%get3A_590, %get3A_591] {strides = array<i32>} : memref<120x128xf32, #tpu.memory_space<vmem>>, vector<16xf32>,
        %mul3A_593 = arith.mulf %get3A_592, %bitcast3A_540 : vector<16xf32>
        %swap3A_594 = arith.index_cast %add3A_535 : i32 to index
        %swap3A_595 = arith.constant 112 : index
        %swap3A_596 = tpu.vector_load %arg6[%swap3A_594, %swap3A_595] {strides = array<i32>} : memref<120x128xf32, #tpu.memory_space<vmem>>, vector<16xf32>,
        tpu.vector_store %arg6[%swap3A_594, %swap3A_595], %mul3A_593 {strides = array<i32>} : memref<120x128xf32, #tpu.memory_space<vmem>>, vector<16xf32>,
        %mul3A_597 = arith.constant 8 : i32
        %mul3A_598 = arith.muli %scan3A_402, %mul3A_597 : i32
        %add3A_599 = arith.constant 3 : i32
        %add3A_600 = arith.addi %mul3A_598, %add3A_599 : i32
        %add3A_601 = arith.constant 3 : i32
        %add3A_602 = vector.broadcast %add3A_601 : i32 to vector<16xi32>
        %add3A_603 = arith.addi %scan3A_403, %add3A_602 : vector<16xi32>
        %gather3A_604 = tpu.vector_load_idx %arg9[%add3A_603] : memref<360xi32, #tpu.memory_space<vmem>>[vector<16xi32>], vector<16xi32>,
        %bitcast3A_605 = vector.bitcast %gather3A_604 : vector<16xi32> to vector<16xf32>
        %get3A_606 = arith.index_cast %add3A_600 : i32 to index
        %get3A_607 = arith.constant 0 : index
        %get3A_608 = tpu.vector_load %arg6[%get3A_606, %get3A_607] {strides = array<i32>} : memref<120x128xf32, #tpu.memory_space<vmem>>, vector<16xf32>,
        %mul3A_609 = arith.mulf %get3A_608, %bitcast3A_605 : vector<16xf32>
        %swap3A_610 = arith.index_cast %add3A_600 : i32 to index
        %swap3A_611 = arith.constant 0 : index
        %swap3A_612 = tpu.vector_load %arg6[%swap3A_610, %swap3A_611] {strides = array<i32>} : memref<120x128xf32, #tpu.memory_space<vmem>>, vector<16xf32>,
        tpu.vector_store %arg6[%swap3A_610, %swap3A_611], %mul3A_609 {strides = array<i32>} : memref<120x128xf32, #tpu.memory_space<vmem>>, vector<16xf32>,
        %get3A_613 = arith.index_cast %add3A_600 : i32 to index
        %get3A_614 = arith.constant 16 : index
        %get3A_615 = tpu.vector_load %arg6[%get3A_613, %get3A_614] {strides = array<i32>} : memref<120x128xf32, #tpu.memory_space<vmem>>, vector<16xf32>,
        %mul3A_616 = arith.mulf %get3A_615, %bitcast3A_605 : vector<16xf32>
        %swap3A_617 = arith.index_cast %add3A_600 : i32 to index
        %swap3A_618 = arith.constant 16 : index
        %swap3A_619 = tpu.vector_load %arg6[%swap3A_617, %swap3A_618] {strides = array<i32>} : memref<120x128xf32, #tpu.memory_space<vmem>>, vector<16xf32>,
        tpu.vector_store %arg6[%swap3A_617, %swap3A_618], %mul3A_616 {strides = array<i32>} : memref<120x128xf32, #tpu.memory_space<vmem>>, vector<16xf32>,
        %get3A_620 = arith.index_cast %add3A_600 : i32 to index
        %get3A_621 = arith.constant 32 : index
        %get3A_622 = tpu.vector_load %arg6[%get3A_620, %get3A_621] {strides = array<i32>} : memref<120x128xf32, #tpu.memory_space<vmem>>, vector<16xf32>,
        %mul3A_623 = arith.mulf %get3A_622, %bitcast3A_605 : vector<16xf32>
        %swap3A_624 = arith.index_cast %add3A_600 : i32 to index
        %swap3A_625 = arith.constant 32 : index
        %swap3A_626 = tpu.vector_load %arg6[%swap3A_624, %swap3A_625] {strides = array<i32>} : memref<120x128xf32, #tpu.memory_space<vmem>>, vector<16xf32>,
        tpu.vector_store %arg6[%swap3A_624, %swap3A_625], %mul3A_623 {strides = array<i32>} : memref<120x128xf32, #tpu.memory_space<vmem>>, vector<16xf32>,
        %get3A_627 = arith.index_cast %add3A_600 : i32 to index
        %get3A_628 = arith.constant 48 : index
        %get3A_629 = tpu.vector_load %arg6[%get3A_627, %get3A_628] {strides = array<i32>} : memref<120x128xf32, #tpu.memory_space<vmem>>, vector<16xf32>,
        %mul3A_630 = arith.mulf %get3A_629, %bitcast3A_605 : vector<16xf32>
        %swap3A_631 = arith.index_cast %add3A_600 : i32 to index
        %swap3A_632 = arith.constant 48 : index
        %swap3A_633 = tpu.vector_load %arg6[%swap3A_631, %swap3A_632] {strides = array<i32>} : memref<120x128xf32, #tpu.memory_space<vmem>>, vector<16xf32>,
        tpu.vector_store %arg6[%swap3A_631, %swap3A_632], %mul3A_630 {strides = array<i32>} : memref<120x128xf32, #tpu.memory_space<vmem>>, vector<16xf32>,
        %get3A_634 = arith.index_cast %add3A_600 : i32 to index
        %get3A_635 = arith.constant 64 : index
        %get3A_636 = tpu.vector_load %arg6[%get3A_634, %get3A_635] {strides = array<i32>} : memref<120x128xf32, #tpu.memory_space<vmem>>, vector<16xf32>,
        %mul3A_637 = arith.mulf %get3A_636, %bitcast3A_605 : vector<16xf32>
        %swap3A_638 = arith.index_cast %add3A_600 : i32 to index
        %swap3A_639 = arith.constant 64 : index
        %swap3A_640 = tpu.vector_load %arg6[%swap3A_638, %swap3A_639] {strides = array<i32>} : memref<120x128xf32, #tpu.memory_space<vmem>>, vector<16xf32>,
        tpu.vector_store %arg6[%swap3A_638, %swap3A_639], %mul3A_637 {strides = array<i32>} : memref<120x128xf32, #tpu.memory_space<vmem>>, vector<16xf32>,
        %get3A_641 = arith.index_cast %add3A_600 : i32 to index
        %get3A_642 = arith.constant 80 : index
        %get3A_643 = tpu.vector_load %arg6[%get3A_641, %get3A_642] {strides = array<i32>} : memref<120x128xf32, #tpu.memory_space<vmem>>, vector<16xf32>,
        %mul3A_644 = arith.mulf %get3A_643, %bitcast3A_605 : vector<16xf32>
        %swap3A_645 = arith.index_cast %add3A_600 : i32 to index
        %swap3A_646 = arith.constant 80 : index
        %swap3A_647 = tpu.vector_load %arg6[%swap3A_645, %swap3A_646] {strides = array<i32>} : memref<120x128xf32, #tpu.memory_space<vmem>>, vector<16xf32>,
        tpu.vector_store %arg6[%swap3A_645, %swap3A_646], %mul3A_644 {strides = array<i32>} : memref<120x128xf32, #tpu.memory_space<vmem>>, vector<16xf32>,
        %get3A_648 = arith.index_cast %add3A_600 : i32 to index
        %get3A_649 = arith.constant 96 : index
        %get3A_650 = tpu.vector_load %arg6[%get3A_648, %get3A_649] {strides = array<i32>} : memref<120x128xf32, #tpu.memory_space<vmem>>, vector<16xf32>,
        %mul3A_651 = arith.mulf %get3A_650, %bitcast3A_605 : vector<16xf32>
        %swap3A_652 = arith.index_cast %add3A_600 : i32 to index
        %swap3A_653 = arith.constant 96 : index
        %swap3A_654 = tpu.vector_load %arg6[%swap3A_652, %swap3A_653] {strides = array<i32>} : memref<120x128xf32, #tpu.memory_space<vmem>>, vector<16xf32>,
        tpu.vector_store %arg6[%swap3A_652, %swap3A_653], %mul3A_651 {strides = array<i32>} : memref<120x128xf32, #tpu.memory_space<vmem>>, vector<16xf32>,
        %get3A_655 = arith.index_cast %add3A_600 : i32 to index
        %get3A_656 = arith.constant 112 : index
        %get3A_657 = tpu.vector_load %arg6[%get3A_655, %get3A_656] {strides = array<i32>} : memref<120x128xf32, #tpu.memory_space<vmem>>, vector<16xf32>,
        %mul3A_658 = arith.mulf %get3A_657, %bitcast3A_605 : vector<16xf32>
        %swap3A_659 = arith.index_cast %add3A_600 : i32 to index
        %swap3A_660 = arith.constant 112 : index
        %swap3A_661 = tpu.vector_load %arg6[%swap3A_659, %swap3A_660] {strides = array<i32>} : memref<120x128xf32, #tpu.memory_space<vmem>>, vector<16xf32>,
        tpu.vector_store %arg6[%swap3A_659, %swap3A_660], %mul3A_658 {strides = array<i32>} : memref<120x128xf32, #tpu.memory_space<vmem>>, vector<16xf32>,
        %mul3A_662 = arith.constant 8 : i32
        %mul3A_663 = arith.muli %scan3A_402, %mul3A_662 : i32
        %add3A_664 = arith.constant 4 : i32
        %add3A_665 = arith.addi %mul3A_663, %add3A_664 : i32
        %add3A_666 = arith.constant 4 : i32
        %add3A_667 = vector.broadcast %add3A_666 : i32 to vector<16xi32>
        %add3A_668 = arith.addi %scan3A_403, %add3A_667 : vector<16xi32>
        %gather3A_669 = tpu.vector_load_idx %arg9[%add3A_668] : memref<360xi32, #tpu.memory_space<vmem>>[vector<16xi32>], vector<16xi32>,
        %bitcast3A_670 = vector.bitcast %gather3A_669 : vector<16xi32> to vector<16xf32>
        %get3A_671 = arith.index_cast %add3A_665 : i32 to index
        %get3A_672 = arith.constant 0 : index
        %get3A_673 = tpu.vector_load %arg6[%get3A_671, %get3A_672] {strides = array<i32>} : memref<120x128xf32, #tpu.memory_space<vmem>>, vector<16xf32>,
        %mul3A_674 = arith.mulf %get3A_673, %bitcast3A_670 : vector<16xf32>
        %swap3A_675 = arith.index_cast %add3A_665 : i32 to index
        %swap3A_676 = arith.constant 0 : index
        %swap3A_677 = tpu.vector_load %arg6[%swap3A_675, %swap3A_676] {strides = array<i32>} : memref<120x128xf32, #tpu.memory_space<vmem>>, vector<16xf32>,
        tpu.vector_store %arg6[%swap3A_675, %swap3A_676], %mul3A_674 {strides = array<i32>} : memref<120x128xf32, #tpu.memory_space<vmem>>, vector<16xf32>,
        %get3A_678 = arith.index_cast %add3A_665 : i32 to index
        %get3A_679 = arith.constant 16 : index
        %get3A_680 = tpu.vector_load %arg6[%get3A_678, %get3A_679] {strides = array<i32>} : memref<120x128xf32, #tpu.memory_space<vmem>>, vector<16xf32>,
        %mul3A_681 = arith.mulf %get3A_680, %bitcast3A_670 : vector<16xf32>
        %swap3A_682 = arith.index_cast %add3A_665 : i32 to index
        %swap3A_683 = arith.constant 16 : index
        %swap3A_684 = tpu.vector_load %arg6[%swap3A_682, %swap3A_683] {strides = array<i32>} : memref<120x128xf32, #tpu.memory_space<vmem>>, vector<16xf32>,
        tpu.vector_store %arg6[%swap3A_682, %swap3A_683], %mul3A_681 {strides = array<i32>} : memref<120x128xf32, #tpu.memory_space<vmem>>, vector<16xf32>,
        %get3A_685 = arith.index_cast %add3A_665 : i32 to index
        %get3A_686 = arith.constant 32 : index
        %get3A_687 = tpu.vector_load %arg6[%get3A_685, %get3A_686] {strides = array<i32>} : memref<120x128xf32, #tpu.memory_space<vmem>>, vector<16xf32>,
        %mul3A_688 = arith.mulf %get3A_687, %bitcast3A_670 : vector<16xf32>
        %swap3A_689 = arith.index_cast %add3A_665 : i32 to index
        %swap3A_690 = arith.constant 32 : index
        %swap3A_691 = tpu.vector_load %arg6[%swap3A_689, %swap3A_690] {strides = array<i32>} : memref<120x128xf32, #tpu.memory_space<vmem>>, vector<16xf32>,
        tpu.vector_store %arg6[%swap3A_689, %swap3A_690], %mul3A_688 {strides = array<i32>} : memref<120x128xf32, #tpu.memory_space<vmem>>, vector<16xf32>,
        %get3A_692 = arith.index_cast %add3A_665 : i32 to index
        %get3A_693 = arith.constant 48 : index
        %get3A_694 = tpu.vector_load %arg6[%get3A_692, %get3A_693] {strides = array<i32>} : memref<120x128xf32, #tpu.memory_space<vmem>>, vector<16xf32>,
        %mul3A_695 = arith.mulf %get3A_694, %bitcast3A_670 : vector<16xf32>
        %swap3A_696 = arith.index_cast %add3A_665 : i32 to index
        %swap3A_697 = arith.constant 48 : index
        %swap3A_698 = tpu.vector_load %arg6[%swap3A_696, %swap3A_697] {strides = array<i32>} : memref<120x128xf32, #tpu.memory_space<vmem>>, vector<16xf32>,
        tpu.vector_store %arg6[%swap3A_696, %swap3A_697], %mul3A_695 {strides = array<i32>} : memref<120x128xf32, #tpu.memory_space<vmem>>, vector<16xf32>,
        %get3A_699 = arith.index_cast %add3A_665 : i32 to index
        %get3A_700 = arith.constant 64 : index
        %get3A_701 = tpu.vector_load %arg6[%get3A_699, %get3A_700] {strides = array<i32>} : memref<120x128xf32, #tpu.memory_space<vmem>>, vector<16xf32>,
        %mul3A_702 = arith.mulf %get3A_701, %bitcast3A_670 : vector<16xf32>
        %swap3A_703 = arith.index_cast %add3A_665 : i32 to index
        %swap3A_704 = arith.constant 64 : index
        %swap3A_705 = tpu.vector_load %arg6[%swap3A_703, %swap3A_704] {strides = array<i32>} : memref<120x128xf32, #tpu.memory_space<vmem>>, vector<16xf32>,
        tpu.vector_store %arg6[%swap3A_703, %swap3A_704], %mul3A_702 {strides = array<i32>} : memref<120x128xf32, #tpu.memory_space<vmem>>, vector<16xf32>,
        %get3A_706 = arith.index_cast %add3A_665 : i32 to index
        %get3A_707 = arith.constant 80 : index
        %get3A_708 = tpu.vector_load %arg6[%get3A_706, %get3A_707] {strides = array<i32>} : memref<120x128xf32, #tpu.memory_space<vmem>>, vector<16xf32>,
        %mul3A_709 = arith.mulf %get3A_708, %bitcast3A_670 : vector<16xf32>
        %swap3A_710 = arith.index_cast %add3A_665 : i32 to index
        %swap3A_711 = arith.constant 80 : index
        %swap3A_712 = tpu.vector_load %arg6[%swap3A_710, %swap3A_711] {strides = array<i32>} : memref<120x128xf32, #tpu.memory_space<vmem>>, vector<16xf32>,
        tpu.vector_store %arg6[%swap3A_710, %swap3A_711], %mul3A_709 {strides = array<i32>} : memref<120x128xf32, #tpu.memory_space<vmem>>, vector<16xf32>,
        %get3A_713 = arith.index_cast %add3A_665 : i32 to index
        %get3A_714 = arith.constant 96 : index
        %get3A_715 = tpu.vector_load %arg6[%get3A_713, %get3A_714] {strides = array<i32>} : memref<120x128xf32, #tpu.memory_space<vmem>>, vector<16xf32>,
        %mul3A_716 = arith.mulf %get3A_715, %bitcast3A_670 : vector<16xf32>
        %swap3A_717 = arith.index_cast %add3A_665 : i32 to index
        %swap3A_718 = arith.constant 96 : index
        %swap3A_719 = tpu.vector_load %arg6[%swap3A_717, %swap3A_718] {strides = array<i32>} : memref<120x128xf32, #tpu.memory_space<vmem>>, vector<16xf32>,
        tpu.vector_store %arg6[%swap3A_717, %swap3A_718], %mul3A_716 {strides = array<i32>} : memref<120x128xf32, #tpu.memory_space<vmem>>, vector<16xf32>,
        %get3A_720 = arith.index_cast %add3A_665 : i32 to index
        %get3A_721 = arith.constant 112 : index
        %get3A_722 = tpu.vector_load %arg6[%get3A_720, %get3A_721] {strides = array<i32>} : memref<120x128xf32, #tpu.memory_space<vmem>>, vector<16xf32>,
        %mul3A_723 = arith.mulf %get3A_722, %bitcast3A_670 : vector<16xf32>
        %swap3A_724 = arith.index_cast %add3A_665 : i32 to index
        %swap3A_725 = arith.constant 112 : index
        %swap3A_726 = tpu.vector_load %arg6[%swap3A_724, %swap3A_725] {strides = array<i32>} : memref<120x128xf32, #tpu.memory_space<vmem>>, vector<16xf32>,
        tpu.vector_store %arg6[%swap3A_724, %swap3A_725], %mul3A_723 {strides = array<i32>} : memref<120x128xf32, #tpu.memory_space<vmem>>, vector<16xf32>,
        %mul3A_727 = arith.constant 8 : i32
        %mul3A_728 = arith.muli %scan3A_402, %mul3A_727 : i32
        %add3A_729 = arith.constant 5 : i32
        %add3A_730 = arith.addi %mul3A_728, %add3A_729 : i32
        %add3A_731 = arith.constant 5 : i32
        %add3A_732 = vector.broadcast %add3A_731 : i32 to vector<16xi32>
        %add3A_733 = arith.addi %scan3A_403, %add3A_732 : vector<16xi32>
        %gather3A_734 = tpu.vector_load_idx %arg9[%add3A_733] : memref<360xi32, #tpu.memory_space<vmem>>[vector<16xi32>], vector<16xi32>,
        %bitcast3A_735 = vector.bitcast %gather3A_734 : vector<16xi32> to vector<16xf32>
        %get3A_736 = arith.index_cast %add3A_730 : i32 to index
        %get3A_737 = arith.constant 0 : index
        %get3A_738 = tpu.vector_load %arg6[%get3A_736, %get3A_737] {strides = array<i32>} : memref<120x128xf32, #tpu.memory_space<vmem>>, vector<16xf32>,
        %mul3A_739 = arith.mulf %get3A_738, %bitcast3A_735 : vector<16xf32>
        %swap3A_740 = arith.index_cast %add3A_730 : i32 to index
        %swap3A_741 = arith.constant 0 : index
        %swap3A_742 = tpu.vector_load %arg6[%swap3A_740, %swap3A_741] {strides = array<i32>} : memref<120x128xf32, #tpu.memory_space<vmem>>, vector<16xf32>,
        tpu.vector_store %arg6[%swap3A_740, %swap3A_741], %mul3A_739 {strides = array<i32>} : memref<120x128xf32, #tpu.memory_space<vmem>>, vector<16xf32>,
        %get3A_743 = arith.index_cast %add3A_730 : i32 to index
        %get3A_744 = arith.constant 16 : index
        %get3A_745 = tpu.vector_load %arg6[%get3A_743, %get3A_744] {strides = array<i32>} : memref<120x128xf32, #tpu.memory_space<vmem>>, vector<16xf32>,
        %mul3A_746 = arith.mulf %get3A_745, %bitcast3A_735 : vector<16xf32>
        %swap3A_747 = arith.index_cast %add3A_730 : i32 to index
        %swap3A_748 = arith.constant 16 : index
        %swap3A_749 = tpu.vector_load %arg6[%swap3A_747, %swap3A_748] {strides = array<i32>} : memref<120x128xf32, #tpu.memory_space<vmem>>, vector<16xf32>,
        tpu.vector_store %arg6[%swap3A_747, %swap3A_748], %mul3A_746 {strides = array<i32>} : memref<120x128xf32, #tpu.memory_space<vmem>>, vector<16xf32>,
        %get3A_750 = arith.index_cast %add3A_730 : i32 to index
        %get3A_751 = arith.constant 32 : index
        %get3A_752 = tpu.vector_load %arg6[%get3A_750, %get3A_751] {strides = array<i32>} : memref<120x128xf32, #tpu.memory_space<vmem>>, vector<16xf32>,
        %mul3A_753 = arith.mulf %get3A_752, %bitcast3A_735 : vector<16xf32>
        %swap3A_754 = arith.index_cast %add3A_730 : i32 to index
        %swap3A_755 = arith.constant 32 : index
        %swap3A_756 = tpu.vector_load %arg6[%swap3A_754, %swap3A_755] {strides = array<i32>} : memref<120x128xf32, #tpu.memory_space<vmem>>, vector<16xf32>,
        tpu.vector_store %arg6[%swap3A_754, %swap3A_755], %mul3A_753 {strides = array<i32>} : memref<120x128xf32, #tpu.memory_space<vmem>>, vector<16xf32>,
        %get3A_757 = arith.index_cast %add3A_730 : i32 to index
        %get3A_758 = arith.constant 48 : index
        %get3A_759 = tpu.vector_load %arg6[%get3A_757, %get3A_758] {strides = array<i32>} : memref<120x128xf32, #tpu.memory_space<vmem>>, vector<16xf32>,
        %mul3A_760 = arith.mulf %get3A_759, %bitcast3A_735 : vector<16xf32>
        %swap3A_761 = arith.index_cast %add3A_730 : i32 to index
        %swap3A_762 = arith.constant 48 : index
        %swap3A_763 = tpu.vector_load %arg6[%swap3A_761, %swap3A_762] {strides = array<i32>} : memref<120x128xf32, #tpu.memory_space<vmem>>, vector<16xf32>,
        tpu.vector_store %arg6[%swap3A_761, %swap3A_762], %mul3A_760 {strides = array<i32>} : memref<120x128xf32, #tpu.memory_space<vmem>>, vector<16xf32>,
        %get3A_764 = arith.index_cast %add3A_730 : i32 to index
        %get3A_765 = arith.constant 64 : index
        %get3A_766 = tpu.vector_load %arg6[%get3A_764, %get3A_765] {strides = array<i32>} : memref<120x128xf32, #tpu.memory_space<vmem>>, vector<16xf32>,
        %mul3A_767 = arith.mulf %get3A_766, %bitcast3A_735 : vector<16xf32>
        %swap3A_768 = arith.index_cast %add3A_730 : i32 to index
        %swap3A_769 = arith.constant 64 : index
        %swap3A_770 = tpu.vector_load %arg6[%swap3A_768, %swap3A_769] {strides = array<i32>} : memref<120x128xf32, #tpu.memory_space<vmem>>, vector<16xf32>,
        tpu.vector_store %arg6[%swap3A_768, %swap3A_769], %mul3A_767 {strides = array<i32>} : memref<120x128xf32, #tpu.memory_space<vmem>>, vector<16xf32>,
        %get3A_771 = arith.index_cast %add3A_730 : i32 to index
        %get3A_772 = arith.constant 80 : index
        %get3A_773 = tpu.vector_load %arg6[%get3A_771, %get3A_772] {strides = array<i32>} : memref<120x128xf32, #tpu.memory_space<vmem>>, vector<16xf32>,
        %mul3A_774 = arith.mulf %get3A_773, %bitcast3A_735 : vector<16xf32>
        %swap3A_775 = arith.index_cast %add3A_730 : i32 to index
        %swap3A_776 = arith.constant 80 : index
        %swap3A_777 = tpu.vector_load %arg6[%swap3A_775, %swap3A_776] {strides = array<i32>} : memref<120x128xf32, #tpu.memory_space<vmem>>, vector<16xf32>,
        tpu.vector_store %arg6[%swap3A_775, %swap3A_776], %mul3A_774 {strides = array<i32>} : memref<120x128xf32, #tpu.memory_space<vmem>>, vector<16xf32>,
        %get3A_778 = arith.index_cast %add3A_730 : i32 to index
        %get3A_779 = arith.constant 96 : index
        %get3A_780 = tpu.vector_load %arg6[%get3A_778, %get3A_779] {strides = array<i32>} : memref<120x128xf32, #tpu.memory_space<vmem>>, vector<16xf32>,
        %mul3A_781 = arith.mulf %get3A_780, %bitcast3A_735 : vector<16xf32>
        %swap3A_782 = arith.index_cast %add3A_730 : i32 to index
        %swap3A_783 = arith.constant 96 : index
        %swap3A_784 = tpu.vector_load %arg6[%swap3A_782, %swap3A_783] {strides = array<i32>} : memref<120x128xf32, #tpu.memory_space<vmem>>, vector<16xf32>,
        tpu.vector_store %arg6[%swap3A_782, %swap3A_783], %mul3A_781 {strides = array<i32>} : memref<120x128xf32, #tpu.memory_space<vmem>>, vector<16xf32>,
        %get3A_785 = arith.index_cast %add3A_730 : i32 to index
        %get3A_786 = arith.constant 112 : index
        %get3A_787 = tpu.vector_load %arg6[%get3A_785, %get3A_786] {strides = array<i32>} : memref<120x128xf32, #tpu.memory_space<vmem>>, vector<16xf32>,
        %mul3A_788 = arith.mulf %get3A_787, %bitcast3A_735 : vector<16xf32>
        %swap3A_789 = arith.index_cast %add3A_730 : i32 to index
        %swap3A_790 = arith.constant 112 : index
        %swap3A_791 = tpu.vector_load %arg6[%swap3A_789, %swap3A_790] {strides = array<i32>} : memref<120x128xf32, #tpu.memory_space<vmem>>, vector<16xf32>,
        tpu.vector_store %arg6[%swap3A_789, %swap3A_790], %mul3A_788 {strides = array<i32>} : memref<120x128xf32, #tpu.memory_space<vmem>>, vector<16xf32>,
        %mul3A_792 = arith.constant 8 : i32
        %mul3A_793 = arith.muli %scan3A_402, %mul3A_792 : i32
        %add3A_794 = arith.constant 6 : i32
        %add3A_795 = arith.addi %mul3A_793, %add3A_794 : i32
        %add3A_796 = arith.constant 6 : i32
        %add3A_797 = vector.broadcast %add3A_796 : i32 to vector<16xi32>
        %add3A_798 = arith.addi %scan3A_403, %add3A_797 : vector<16xi32>
        %gather3A_799 = tpu.vector_load_idx %arg9[%add3A_798] : memref<360xi32, #tpu.memory_space<vmem>>[vector<16xi32>], vector<16xi32>,
        %bitcast3A_800 = vector.bitcast %gather3A_799 : vector<16xi32> to vector<16xf32>
        %get3A_801 = arith.index_cast %add3A_795 : i32 to index
        %get3A_802 = arith.constant 0 : index
        %get3A_803 = tpu.vector_load %arg6[%get3A_801, %get3A_802] {strides = array<i32>} : memref<120x128xf32, #tpu.memory_space<vmem>>, vector<16xf32>,
        %mul3A_804 = arith.mulf %get3A_803, %bitcast3A_800 : vector<16xf32>
        %swap3A_805 = arith.index_cast %add3A_795 : i32 to index
        %swap3A_806 = arith.constant 0 : index
        %swap3A_807 = tpu.vector_load %arg6[%swap3A_805, %swap3A_806] {strides = array<i32>} : memref<120x128xf32, #tpu.memory_space<vmem>>, vector<16xf32>,
        tpu.vector_store %arg6[%swap3A_805, %swap3A_806], %mul3A_804 {strides = array<i32>} : memref<120x128xf32, #tpu.memory_space<vmem>>, vector<16xf32>,
        %get3A_808 = arith.index_cast %add3A_795 : i32 to index
        %get3A_809 = arith.constant 16 : index
        %get3A_810 = tpu.vector_load %arg6[%get3A_808, %get3A_809] {strides = array<i32>} : memref<120x128xf32, #tpu.memory_space<vmem>>, vector<16xf32>,
        %mul3A_811 = arith.mulf %get3A_810, %bitcast3A_800 : vector<16xf32>
        %swap3A_812 = arith.index_cast %add3A_795 : i32 to index
        %swap3A_813 = arith.constant 16 : index
        %swap3A_814 = tpu.vector_load %arg6[%swap3A_812, %swap3A_813] {strides = array<i32>} : memref<120x128xf32, #tpu.memory_space<vmem>>, vector<16xf32>,
        tpu.vector_store %arg6[%swap3A_812, %swap3A_813], %mul3A_811 {strides = array<i32>} : memref<120x128xf32, #tpu.memory_space<vmem>>, vector<16xf32>,
        %get3A_815 = arith.index_cast %add3A_795 : i32 to index
        %get3A_816 = arith.constant 32 : index
        %get3A_817 = tpu.vector_load %arg6[%get3A_815, %get3A_816] {strides = array<i32>} : memref<120x128xf32, #tpu.memory_space<vmem>>, vector<16xf32>,
        %mul3A_818 = arith.mulf %get3A_817, %bitcast3A_800 : vector<16xf32>
        %swap3A_819 = arith.index_cast %add3A_795 : i32 to index
        %swap3A_820 = arith.constant 32 : index
        %swap3A_821 = tpu.vector_load %arg6[%swap3A_819, %swap3A_820] {strides = array<i32>} : memref<120x128xf32, #tpu.memory_space<vmem>>, vector<16xf32>,
        tpu.vector_store %arg6[%swap3A_819, %swap3A_820], %mul3A_818 {strides = array<i32>} : memref<120x128xf32, #tpu.memory_space<vmem>>, vector<16xf32>,
        %get3A_822 = arith.index_cast %add3A_795 : i32 to index
        %get3A_823 = arith.constant 48 : index
        %get3A_824 = tpu.vector_load %arg6[%get3A_822, %get3A_823] {strides = array<i32>} : memref<120x128xf32, #tpu.memory_space<vmem>>, vector<16xf32>,
        %mul3A_825 = arith.mulf %get3A_824, %bitcast3A_800 : vector<16xf32>
        %swap3A_826 = arith.index_cast %add3A_795 : i32 to index
        %swap3A_827 = arith.constant 48 : index
        %swap3A_828 = tpu.vector_load %arg6[%swap3A_826, %swap3A_827] {strides = array<i32>} : memref<120x128xf32, #tpu.memory_space<vmem>>, vector<16xf32>,
        tpu.vector_store %arg6[%swap3A_826, %swap3A_827], %mul3A_825 {strides = array<i32>} : memref<120x128xf32, #tpu.memory_space<vmem>>, vector<16xf32>,
        %get3A_829 = arith.index_cast %add3A_795 : i32 to index
        %get3A_830 = arith.constant 64 : index
        %get3A_831 = tpu.vector_load %arg6[%get3A_829, %get3A_830] {strides = array<i32>} : memref<120x128xf32, #tpu.memory_space<vmem>>, vector<16xf32>,
        %mul3A_832 = arith.mulf %get3A_831, %bitcast3A_800 : vector<16xf32>
        %swap3A_833 = arith.index_cast %add3A_795 : i32 to index
        %swap3A_834 = arith.constant 64 : index
        %swap3A_835 = tpu.vector_load %arg6[%swap3A_833, %swap3A_834] {strides = array<i32>} : memref<120x128xf32, #tpu.memory_space<vmem>>, vector<16xf32>,
        tpu.vector_store %arg6[%swap3A_833, %swap3A_834], %mul3A_832 {strides = array<i32>} : memref<120x128xf32, #tpu.memory_space<vmem>>, vector<16xf32>,
        %get3A_836 = arith.index_cast %add3A_795 : i32 to index
        %get3A_837 = arith.constant 80 : index
        %get3A_838 = tpu.vector_load %arg6[%get3A_836, %get3A_837] {strides = array<i32>} : memref<120x128xf32, #tpu.memory_space<vmem>>, vector<16xf32>,
        %mul3A_839 = arith.mulf %get3A_838, %bitcast3A_800 : vector<16xf32>
        %swap3A_840 = arith.index_cast %add3A_795 : i32 to index
        %swap3A_841 = arith.constant 80 : index
        %swap3A_842 = tpu.vector_load %arg6[%swap3A_840, %swap3A_841] {strides = array<i32>} : memref<120x128xf32, #tpu.memory_space<vmem>>, vector<16xf32>,
        tpu.vector_store %arg6[%swap3A_840, %swap3A_841], %mul3A_839 {strides = array<i32>} : memref<120x128xf32, #tpu.memory_space<vmem>>, vector<16xf32>,
        %get3A_843 = arith.index_cast %add3A_795 : i32 to index
        %get3A_844 = arith.constant 96 : index
        %get3A_845 = tpu.vector_load %arg6[%get3A_843, %get3A_844] {strides = array<i32>} : memref<120x128xf32, #tpu.memory_space<vmem>>, vector<16xf32>,
        %mul3A_846 = arith.mulf %get3A_845, %bitcast3A_800 : vector<16xf32>
        %swap3A_847 = arith.index_cast %add3A_795 : i32 to index
        %swap3A_848 = arith.constant 96 : index
        %swap3A_849 = tpu.vector_load %arg6[%swap3A_847, %swap3A_848] {strides = array<i32>} : memref<120x128xf32, #tpu.memory_space<vmem>>, vector<16xf32>,
        tpu.vector_store %arg6[%swap3A_847, %swap3A_848], %mul3A_846 {strides = array<i32>} : memref<120x128xf32, #tpu.memory_space<vmem>>, vector<16xf32>,
        %get3A_850 = arith.index_cast %add3A_795 : i32 to index
        %get3A_851 = arith.constant 112 : index
        %get3A_852 = tpu.vector_load %arg6[%get3A_850, %get3A_851] {strides = array<i32>} : memref<120x128xf32, #tpu.memory_space<vmem>>, vector<16xf32>,
        %mul3A_853 = arith.mulf %get3A_852, %bitcast3A_800 : vector<16xf32>
        %swap3A_854 = arith.index_cast %add3A_795 : i32 to index
        %swap3A_855 = arith.constant 112 : index
        %swap3A_856 = tpu.vector_load %arg6[%swap3A_854, %swap3A_855] {strides = array<i32>} : memref<120x128xf32, #tpu.memory_space<vmem>>, vector<16xf32>,
        tpu.vector_store %arg6[%swap3A_854, %swap3A_855], %mul3A_853 {strides = array<i32>} : memref<120x128xf32, #tpu.memory_space<vmem>>, vector<16xf32>,
        %mul3A_857 = arith.constant 8 : i32
        %mul3A_858 = arith.muli %scan3A_402, %mul3A_857 : i32
        %add3A_859 = arith.constant 7 : i32
        %add3A_860 = arith.addi %mul3A_858, %add3A_859 : i32
        %add3A_861 = arith.constant 7 : i32
        %add3A_862 = vector.broadcast %add3A_861 : i32 to vector<16xi32>
        %add3A_863 = arith.addi %scan3A_403, %add3A_862 : vector<16xi32>
        %gather3A_864 = tpu.vector_load_idx %arg9[%add3A_863] : memref<360xi32, #tpu.memory_space<vmem>>[vector<16xi32>], vector<16xi32>,
        %bitcast3A_865 = vector.bitcast %gather3A_864 : vector<16xi32> to vector<16xf32>
        %get3A_866 = arith.index_cast %add3A_860 : i32 to index
        %get3A_867 = arith.constant 0 : index
        %get3A_868 = tpu.vector_load %arg6[%get3A_866, %get3A_867] {strides = array<i32>} : memref<120x128xf32, #tpu.memory_space<vmem>>, vector<16xf32>,
        %mul3A_869 = arith.mulf %get3A_868, %bitcast3A_865 : vector<16xf32>
        %swap3A_870 = arith.index_cast %add3A_860 : i32 to index
        %swap3A_871 = arith.constant 0 : index
        %swap3A_872 = tpu.vector_load %arg6[%swap3A_870, %swap3A_871] {strides = array<i32>} : memref<120x128xf32, #tpu.memory_space<vmem>>, vector<16xf32>,
        tpu.vector_store %arg6[%swap3A_870, %swap3A_871], %mul3A_869 {strides = array<i32>} : memref<120x128xf32, #tpu.memory_space<vmem>>, vector<16xf32>,
        %get3A_873 = arith.index_cast %add3A_860 : i32 to index
        %get3A_874 = arith.constant 16 : index
        %get3A_875 = tpu.vector_load %arg6[%get3A_873, %get3A_874] {strides = array<i32>} : memref<120x128xf32, #tpu.memory_space<vmem>>, vector<16xf32>,
        %mul3A_876 = arith.mulf %get3A_875, %bitcast3A_865 : vector<16xf32>
        %swap3A_877 = arith.index_cast %add3A_860 : i32 to index
        %swap3A_878 = arith.constant 16 : index
        %swap3A_879 = tpu.vector_load %arg6[%swap3A_877, %swap3A_878] {strides = array<i32>} : memref<120x128xf32, #tpu.memory_space<vmem>>, vector<16xf32>,
        tpu.vector_store %arg6[%swap3A_877, %swap3A_878], %mul3A_876 {strides = array<i32>} : memref<120x128xf32, #tpu.memory_space<vmem>>, vector<16xf32>,
        %get3A_880 = arith.index_cast %add3A_860 : i32 to index
        %get3A_881 = arith.constant 32 : index
        %get3A_882 = tpu.vector_load %arg6[%get3A_880, %get3A_881] {strides = array<i32>} : memref<120x128xf32, #tpu.memory_space<vmem>>, vector<16xf32>,
        %mul3A_883 = arith.mulf %get3A_882, %bitcast3A_865 : vector<16xf32>
        %swap3A_884 = arith.index_cast %add3A_860 : i32 to index
        %swap3A_885 = arith.constant 32 : index
        %swap3A_886 = tpu.vector_load %arg6[%swap3A_884, %swap3A_885] {strides = array<i32>} : memref<120x128xf32, #tpu.memory_space<vmem>>, vector<16xf32>,
        tpu.vector_store %arg6[%swap3A_884, %swap3A_885], %mul3A_883 {strides = array<i32>} : memref<120x128xf32, #tpu.memory_space<vmem>>, vector<16xf32>,
        %get3A_887 = arith.index_cast %add3A_860 : i32 to index
        %get3A_888 = arith.constant 48 : index
        %get3A_889 = tpu.vector_load %arg6[%get3A_887, %get3A_888] {strides = array<i32>} : memref<120x128xf32, #tpu.memory_space<vmem>>, vector<16xf32>,
        %mul3A_890 = arith.mulf %get3A_889, %bitcast3A_865 : vector<16xf32>
        %swap3A_891 = arith.index_cast %add3A_860 : i32 to index
        %swap3A_892 = arith.constant 48 : index
        %swap3A_893 = tpu.vector_load %arg6[%swap3A_891, %swap3A_892] {strides = array<i32>} : memref<120x128xf32, #tpu.memory_space<vmem>>, vector<16xf32>,
        tpu.vector_store %arg6[%swap3A_891, %swap3A_892], %mul3A_890 {strides = array<i32>} : memref<120x128xf32, #tpu.memory_space<vmem>>, vector<16xf32>,
        %get3A_894 = arith.index_cast %add3A_860 : i32 to index
        %get3A_895 = arith.constant 64 : index
        %get3A_896 = tpu.vector_load %arg6[%get3A_894, %get3A_895] {strides = array<i32>} : memref<120x128xf32, #tpu.memory_space<vmem>>, vector<16xf32>,
        %mul3A_897 = arith.mulf %get3A_896, %bitcast3A_865 : vector<16xf32>
        %swap3A_898 = arith.index_cast %add3A_860 : i32 to index
        %swap3A_899 = arith.constant 64 : index
        %swap3A_900 = tpu.vector_load %arg6[%swap3A_898, %swap3A_899] {strides = array<i32>} : memref<120x128xf32, #tpu.memory_space<vmem>>, vector<16xf32>,
        tpu.vector_store %arg6[%swap3A_898, %swap3A_899], %mul3A_897 {strides = array<i32>} : memref<120x128xf32, #tpu.memory_space<vmem>>, vector<16xf32>,
        %get3A_901 = arith.index_cast %add3A_860 : i32 to index
        %get3A_902 = arith.constant 80 : index
        %get3A_903 = tpu.vector_load %arg6[%get3A_901, %get3A_902] {strides = array<i32>} : memref<120x128xf32, #tpu.memory_space<vmem>>, vector<16xf32>,
        %mul3A_904 = arith.mulf %get3A_903, %bitcast3A_865 : vector<16xf32>
        %swap3A_905 = arith.index_cast %add3A_860 : i32 to index
        %swap3A_906 = arith.constant 80 : index
        %swap3A_907 = tpu.vector_load %arg6[%swap3A_905, %swap3A_906] {strides = array<i32>} : memref<120x128xf32, #tpu.memory_space<vmem>>, vector<16xf32>,
        tpu.vector_store %arg6[%swap3A_905, %swap3A_906], %mul3A_904 {strides = array<i32>} : memref<120x128xf32, #tpu.memory_space<vmem>>, vector<16xf32>,
        %get3A_908 = arith.index_cast %add3A_860 : i32 to index
        %get3A_909 = arith.constant 96 : index
        %get3A_910 = tpu.vector_load %arg6[%get3A_908, %get3A_909] {strides = array<i32>} : memref<120x128xf32, #tpu.memory_space<vmem>>, vector<16xf32>,
        %mul3A_911 = arith.mulf %get3A_910, %bitcast3A_865 : vector<16xf32>
        %swap3A_912 = arith.index_cast %add3A_860 : i32 to index
        %swap3A_913 = arith.constant 96 : index
        %swap3A_914 = tpu.vector_load %arg6[%swap3A_912, %swap3A_913] {strides = array<i32>} : memref<120x128xf32, #tpu.memory_space<vmem>>, vector<16xf32>,
        tpu.vector_store %arg6[%swap3A_912, %swap3A_913], %mul3A_911 {strides = array<i32>} : memref<120x128xf32, #tpu.memory_space<vmem>>, vector<16xf32>,
        %get3A_915 = arith.index_cast %add3A_860 : i32 to index
        %get3A_916 = arith.constant 112 : index
        %get3A_917 = tpu.vector_load %arg6[%get3A_915, %get3A_916] {strides = array<i32>} : memref<120x128xf32, #tpu.memory_space<vmem>>, vector<16xf32>,
        %mul3A_918 = arith.mulf %get3A_917, %bitcast3A_865 : vector<16xf32>
        %swap3A_919 = arith.index_cast %add3A_860 : i32 to index
        %swap3A_920 = arith.constant 112 : index
        %swap3A_921 = tpu.vector_load %arg6[%swap3A_919, %swap3A_920] {strides = array<i32>} : memref<120x128xf32, #tpu.memory_space<vmem>>, vector<16xf32>,
        tpu.vector_store %arg6[%swap3A_919, %swap3A_920], %mul3A_918 {strides = array<i32>} : memref<120x128xf32, #tpu.memory_space<vmem>>, vector<16xf32>,
        %add3A_922 = arith.constant 8 : i32
        %add3A_923 = vector.broadcast %add3A_922 : i32 to vector<16xi32>
        %add3A_924 = arith.addi %scan3A_403, %add3A_923 : vector<16xi32>
        scf.yield %add3A_924 : vector<16xi32>
      }
      %scan3A_176 = arith.constant 15 : i32
      %get3A = arith.constant 120 : index
      %get3A_177 = tpu.vector_load %arg9[%get3A] {strides = array<i32>} : memref<360xi32, #tpu.memory_space<vmem>>, vector<16xi32>,
      %swap3A = arith.constant 0 : index
      %swap3A_178 = tpu.vector_load %arg12[%swap3A] {strides = array<i32>} : memref<120xi32, #tpu.memory_space<vmem>>, vector<16xi32>,
      tpu.vector_store %arg12[%swap3A], %get3A_177 {strides = array<i32>} : memref<120xi32, #tpu.memory_space<vmem>>, vector<16xi32>,
      %get3A_179 = arith.constant 136 : index
      %get3A_180 = tpu.vector_load %arg9[%get3A_179] {strides = array<i32>} : memref<360xi32, #tpu.memory_space<vmem>>, vector<16xi32>,
      %swap3A_181 = arith.constant 16 : index
      %swap3A_182 = tpu.vector_load %arg12[%swap3A_181] {strides = array<i32>} : memref<120xi32, #tpu.memory_space<vmem>>, vector<16xi32>,
      tpu.vector_store %arg12[%swap3A_181], %get3A_180 {strides = array<i32>} : memref<120xi32, #tpu.memory_space<vmem>>, vector<16xi32>,
      %get3A_183 = arith.constant 152 : index
      %get3A_184 = tpu.vector_load %arg9[%get3A_183] {strides = array<i32>} : memref<360xi32, #tpu.memory_space<vmem>>, vector<16xi32>,
      %swap3A_185 = arith.constant 32 : index
      %swap3A_186 = tpu.vector_load %arg12[%swap3A_185] {strides = array<i32>} : memref<120xi32, #tpu.memory_space<vmem>>, vector<16xi32>,
      tpu.vector_store %arg12[%swap3A_185], %get3A_184 {strides = array<i32>} : memref<120xi32, #tpu.memory_space<vmem>>, vector<16xi32>,
      %get3A_187 = arith.constant 168 : index
      %get3A_188 = tpu.vector_load %arg9[%get3A_187] {strides = array<i32>} : memref<360xi32, #tpu.memory_space<vmem>>, vector<16xi32>,
      %swap3A_189 = arith.constant 48 : index
      %swap3A_190 = tpu.vector_load %arg12[%swap3A_189] {strides = array<i32>} : memref<120xi32, #tpu.memory_space<vmem>>, vector<16xi32>,
      tpu.vector_store %arg12[%swap3A_189], %get3A_188 {strides = array<i32>} : memref<120xi32, #tpu.memory_space<vmem>>, vector<16xi32>,
      %get3A_191 = arith.constant 184 : index
      %get3A_192 = tpu.vector_load %arg9[%get3A_191] {strides = array<i32>} : memref<360xi32, #tpu.memory_space<vmem>>, vector<16xi32>,
      %swap3A_193 = arith.constant 64 : index
      %swap3A_194 = tpu.vector_load %arg12[%swap3A_193] {strides = array<i32>} : memref<120xi32, #tpu.memory_space<vmem>>, vector<16xi32>,
      tpu.vector_store %arg12[%swap3A_193], %get3A_192 {strides = array<i32>} : memref<120xi32, #tpu.memory_space<vmem>>, vector<16xi32>,
      %get3A_195 = arith.constant 200 : index
      %get3A_196 = tpu.vector_load %arg9[%get3A_195] {strides = array<i32>} : memref<360xi32, #tpu.memory_space<vmem>>, vector<16xi32>,
      %swap3A_197 = arith.constant 80 : index
      %swap3A_198 = tpu.vector_load %arg12[%swap3A_197] {strides = array<i32>} : memref<120xi32, #tpu.memory_space<vmem>>, vector<16xi32>,
      tpu.vector_store %arg12[%swap3A_197], %get3A_196 {strides = array<i32>} : memref<120xi32, #tpu.memory_space<vmem>>, vector<16xi32>,
      %get3A_199 = arith.constant 216 : index
      %get3A_200 = tpu.vector_load %arg9[%get3A_199] {strides = array<i32>} : memref<360xi32, #tpu.memory_space<vmem>>, vector<16xi32>,
      %swap3A_201 = arith.constant 96 : index
      %swap3A_202 = tpu.vector_load %arg12[%swap3A_201] {strides = array<i32>} : memref<120xi32, #tpu.memory_space<vmem>>, vector<16xi32>,
      tpu.vector_store %arg12[%swap3A_201], %get3A_200 {strides = array<i32>} : memref<120xi32, #tpu.memory_space<vmem>>, vector<16xi32>,
      %get3A_203 = arith.constant 224 : index
      %get3A_204 = tpu.vector_load %arg9[%get3A_203] {strides = array<i32>} : memref<360xi32, #tpu.memory_space<vmem>>, vector<16xi32>,
      %swap3A_205 = arith.constant 104 : index
      %swap3A_206 = tpu.vector_load %arg12[%swap3A_205] {strides = array<i32>} : memref<120xi32, #tpu.memory_space<vmem>>, vector<16xi32>,
      tpu.vector_store %arg12[%swap3A_205], %get3A_204 {strides = array<i32>} : memref<120xi32, #tpu.memory_space<vmem>>, vector<16xi32>,
      %dma_start3A_207 = arith.constant 0 : i32
      %dma_start3A_208 = arith.constant 0 : i32
      %dma_start3A_209 = tpu.memref_slice %arg5[%dma_start3A_207, %dma_start3A_208] : memref<10240x128xf32, #tpu.memory_space<vmem_shared>> -> memref<10240x128xf32, #tpu.memory_space<vmem_shared>>
      tpu.enqueue_indirect_dma source(%arg6 : memref<120x128xf32, #tpu.memory_space<vmem>>) target(%dma_start3A_209 : memref<10240x128xf32, #tpu.memory_space<vmem_shared>>) offsets(%arg12 : memref<120xi32, #tpu.memory_space<vmem>>) semaphore(%arg18 : memref<!tpu.dma_semaphore, #tpu.memory_space<semaphore_mem>>) {add = true}
      %add3A_210 = arith.constant 3 : i32
      %add3A_211 = arith.addi %add3A_145, %add3A_210 : i32
      %lt3A = arith.constant 168 : i32
      %lt3A_212 = arith.cmpi slt, %add3A_211, %lt3A : i32
      %convert_element_type3A = arith.extui %lt3A_212 : i1 to i32
      %cond3A = arith.constant 0 : i32
      %cond3A_213 = arith.cmpi ne, %convert_element_type3A, %cond3A : i32
      scf.if %cond3A_213 {
        %add3A_402 = arith.addi %mul3A_0, %add3A_211 : i32
        %mul3A_403 = arith.constant 3 : i32
        %mul3A_404 = arith.muli %add3A_402, %mul3A_403 : i32
        %mul3A_405 = arith.constant 120 : i32
        %mul3A_406 = arith.muli %mul3A_404, %mul3A_405 : i32
        %multiple_of3A_407 = tpu.assume_multiple %mul3A_406, 360 : i32
        %dma_start3A_408 = tpu.memref_slice %arg3[%multiple_of3A_407] : memref<967680xi32, #tpu.memory_space<hbm>> -> memref<360xi32, #tpu.memory_space<hbm>>
        %dma_start3A_409 = tpu.memref_slice %arg3[%multiple_of3A_407] : memref<967680xi32, #tpu.memory_space<hbm>> -> memref<360xi32, #tpu.memory_space<hbm>>
        tpu.enqueue_dma source(%dma_start3A_409 : memref<360xi32, #tpu.memory_space<hbm>>) target(%arg9 : memref<360xi32, #tpu.memory_space<vmem>>) target_semaphore(%arg21 : memref<!tpu.dma_semaphore, #tpu.memory_space<semaphore_mem>>)
      } else {
      }
      %sub3A_214 = arith.constant 1 : i32
      %sub3A_215 = arith.subi %add3A_145, %sub3A_214 : i32
      %add3A_216 = arith.constant 3 : i32
      %add3A_217 = arith.addi %sub3A_215, %add3A_216 : i32
      %gt3A = arith.constant 0 : i32
      %gt3A_218 = arith.cmpi sgt, %scan3A_141, %gt3A : i32
      %convert_element_type3A_219 = arith.extui %gt3A_218 : i1 to i32
      %cond3A_220 = arith.constant 0 : i32
      %cond3A_221 = arith.cmpi ne, %convert_element_type3A_219, %cond3A_220 : i32
      scf.if %cond3A_221 {
        %dma_wait3A_402 = arith.constant 0 : i32
        %dma_wait3A_403 = arith.constant 0 : i32
        %dma_wait3A_404 = tpu.memref_slice %arg5[%dma_wait3A_402, %dma_wait3A_403] : memref<10240x128xf32, #tpu.memory_space<vmem_shared>> -> memref<10240x128xf32, #tpu.memory_space<vmem_shared>>
        tpu.wait_indirect_dma semaphore(%arg20 : memref<!tpu.dma_semaphore, #tpu.memory_space<semaphore_mem>>) src(%arg8 : memref<120x128xf32, #tpu.memory_space<vmem>>) dst(%dma_wait3A_404 : memref<10240x128xf32, #tpu.memory_space<vmem_shared>>)
        %dma_wait3A_405 = arith.constant 0 : i32
        %dma_wait3A_406 = tpu.memref_slice %arg3[%dma_wait3A_405] : memref<967680xi32, #tpu.memory_space<hbm>> -> memref<360xi32, #tpu.memory_space<hbm>>
        %dma_wait3A_407 = arith.constant 0 : i32
        %dma_wait3A_408 = tpu.memref_slice %arg3[%dma_wait3A_407] : memref<967680xi32, #tpu.memory_space<hbm>> -> memref<360xi32, #tpu.memory_space<hbm>>
        tpu.wait_dma2 semaphore(%arg23 : memref<!tpu.dma_semaphore, #tpu.memory_space<semaphore_mem>>) src(%dma_wait3A_408 : memref<360xi32, #tpu.memory_space<hbm>>) dst(%arg11 : memref<360xi32, #tpu.memory_space<vmem>>)
        %dma_start3A_409 = arith.constant 0 : i32
        %dma_start3A_410 = arith.constant 0 : i32
        %dma_start3A_411 = tpu.memref_slice %arg8[%dma_start3A_409, %dma_start3A_410] : memref<120x128xf32, #tpu.memory_space<vmem>> -> memref<64x128xf32, #tpu.memory_space<vmem>>
        %dma_start3A_412 = arith.constant 0 : i32
        %dma_start3A_413 = tpu.memref_slice %arg11[%dma_start3A_412] : memref<360xi32, #tpu.memory_space<vmem>> -> memref<64xi32, #tpu.memory_space<vmem>>
        %dma_start3A_414 = arith.constant 0 : i32
        %dma_start3A_415 = arith.constant 0 : i32
        %dma_start3A_416 = tpu.memref_slice %arg2[%arg0, %dma_start3A_414, %dma_start3A_415] : memref<2x10000x128xf32, #tpu.memory_space<hbm>> -> memref<1x10000x128xf32, #tpu.memory_space<hbm>>
        %dma_start3A_417 = tpu.memref_squeeze %dma_start3A_416 : memref<1x10000x128xf32, #tpu.memory_space<hbm>> -> memref<10000x128xf32, #tpu.memory_space<hbm>>
        %dma_start3A_418 = arith.constant 0 : i32
        %dma_start3A_419 = arith.constant 0 : i32
        %dma_start3A_420 = tpu.memref_slice %dma_start3A_417[%dma_start3A_418, %dma_start3A_419] : memref<10000x128xf32, #tpu.memory_space<hbm>> -> memref<10000x128xf32, #tpu.memory_space<hbm>>
        tpu.enqueue_indirect_dma source(%dma_start3A_420 : memref<10000x128xf32, #tpu.memory_space<hbm>>) target(%dma_start3A_411 : memref<64x128xf32, #tpu.memory_space<vmem>>) offsets(%dma_start3A_413 : memref<64xi32, #tpu.memory_space<vmem>>) semaphore(%arg17 : memref<!tpu.dma_semaphore, #tpu.memory_space<semaphore_mem>>)
        %dma_start3A_421 = arith.constant 64 : i32
        %dma_start3A_422 = arith.constant 0 : i32
        %dma_start3A_423 = tpu.memref_slice %arg8[%dma_start3A_421, %dma_start3A_422] : memref<120x128xf32, #tpu.memory_space<vmem>> -> memref<56x128xf32, #tpu.memory_space<vmem>>
        %dma_start3A_424 = arith.constant 64 : i32
        %dma_start3A_425 = tpu.memref_slice %arg11[%dma_start3A_424] : memref<360xi32, #tpu.memory_space<vmem>> -> memref<56xi32, #tpu.memory_space<vmem>>
        %dma_start3A_426 = arith.constant 0 : i32
        %dma_start3A_427 = arith.constant 0 : i32
        %dma_start3A_428 = tpu.memref_slice %arg2[%arg0, %dma_start3A_426, %dma_start3A_427] : memref<2x10000x128xf32, #tpu.memory_space<hbm>> -> memref<1x10000x128xf32, #tpu.memory_space<hbm>>
        %dma_start3A_429 = tpu.memref_squeeze %dma_start3A_428 : memref<1x10000x128xf32, #tpu.memory_space<hbm>> -> memref<10000x128xf32, #tpu.memory_space<hbm>>
        %dma_start3A_430 = arith.constant 0 : i32
        %dma_start3A_431 = arith.constant 0 : i32
        %dma_start3A_432 = tpu.memref_slice %dma_start3A_429[%dma_start3A_430, %dma_start3A_431] : memref<10000x128xf32, #tpu.memory_space<hbm>> -> memref<10000x128xf32, #tpu.memory_space<hbm>>
        tpu.enqueue_indirect_dma source(%dma_start3A_432 : memref<10000x128xf32, #tpu.memory_space<hbm>>) target(%dma_start3A_423 : memref<56x128xf32, #tpu.memory_space<vmem>>) offsets(%dma_start3A_425 : memref<56xi32, #tpu.memory_space<vmem>>) semaphore(%arg17 : memref<!tpu.dma_semaphore, #tpu.memory_space<semaphore_mem>>)
      } else {
      }
      %mul3A_222 = arith.constant 3 : i32
      %mul3A_223 = arith.muli %scan3A_141, %mul3A_222 : i32
      %add3A_224 = arith.constant 1 : i32
      %add3A_225 = arith.addi %mul3A_223, %add3A_224 : i32
      %dma_wait3A_226 = arith.constant 0 : i32
      %dma_wait3A_227 = arith.constant 0 : i32
      %dma_wait3A_228 = tpu.memref_slice %arg7[%dma_wait3A_226, %dma_wait3A_227] : memref<120x128xf32, #tpu.memory_space<vmem>> -> memref<64x128xf32, #tpu.memory_space<vmem>>
      %dma_wait3A_229 = arith.constant 0 : i32
      %dma_wait3A_230 = tpu.memref_slice %arg10[%dma_wait3A_229] : memref<360xi32, #tpu.memory_space<vmem>> -> memref<64xi32, #tpu.memory_space<vmem>>
      %dma_wait3A_231 = arith.constant 0 : i32
      %dma_wait3A_232 = arith.constant 0 : i32
      %dma_wait3A_233 = tpu.memref_slice %arg2[%arg0, %dma_wait3A_231, %dma_wait3A_232] : memref<2x10000x128xf32, #tpu.memory_space<hbm>> -> memref<1x10000x128xf32, #tpu.memory_space<hbm>>
      %dma_wait3A_234 = tpu.memref_squeeze %dma_wait3A_233 : memref<1x10000x128xf32, #tpu.memory_space<hbm>> -> memref<10000x128xf32, #tpu.memory_space<hbm>>
      %dma_wait3A_235 = arith.constant 0 : i32
      %dma_wait3A_236 = arith.constant 0 : i32
      %dma_wait3A_237 = tpu.memref_slice %dma_wait3A_234[%dma_wait3A_235, %dma_wait3A_236] : memref<10000x128xf32, #tpu.memory_space<hbm>> -> memref<10000x128xf32, #tpu.memory_space<hbm>>
      tpu.wait_indirect_dma semaphore(%arg16 : memref<!tpu.dma_semaphore, #tpu.memory_space<semaphore_mem>>) src(%dma_wait3A_237 : memref<10000x128xf32, #tpu.memory_space<hbm>>) dst(%dma_wait3A_228 : memref<64x128xf32, #tpu.memory_space<vmem>>)
      %dma_wait3A_238 = arith.constant 64 : i32
      %dma_wait3A_239 = arith.constant 0 : i32
      %dma_wait3A_240 = tpu.memref_slice %arg7[%dma_wait3A_238, %dma_wait3A_239] : memref<120x128xf32, #tpu.memory_space<vmem>> -> memref<56x128xf32, #tpu.memory_space<vmem>>
      %dma_wait3A_241 = arith.constant 64 : i32
      %dma_wait3A_242 = tpu.memref_slice %arg10[%dma_wait3A_241] : memref<360xi32, #tpu.memory_space<vmem>> -> memref<56xi32, #tpu.memory_space<vmem>>
      %dma_wait3A_243 = arith.constant 0 : i32
      %dma_wait3A_244 = arith.constant 0 : i32
      %dma_wait3A_245 = tpu.memref_slice %arg2[%arg0, %dma_wait3A_243, %dma_wait3A_244] : memref<2x10000x128xf32, #tpu.memory_space<hbm>> -> memref<1x10000x128xf32, #tpu.memory_space<hbm>>
      %dma_wait3A_246 = tpu.memref_squeeze %dma_wait3A_245 : memref<1x10000x128xf32, #tpu.memory_space<hbm>> -> memref<10000x128xf32, #tpu.memory_space<hbm>>
      %dma_wait3A_247 = arith.constant 0 : i32
      %dma_wait3A_248 = arith.constant 0 : i32
      %dma_wait3A_249 = tpu.memref_slice %dma_wait3A_246[%dma_wait3A_247, %dma_wait3A_248] : memref<10000x128xf32, #tpu.memory_space<hbm>> -> memref<10000x128xf32, #tpu.memory_space<hbm>>
      tpu.wait_indirect_dma semaphore(%arg16 : memref<!tpu.dma_semaphore, #tpu.memory_space<semaphore_mem>>) src(%dma_wait3A_249 : memref<10000x128xf32, #tpu.memory_space<hbm>>) dst(%dma_wait3A_240 : memref<56x128xf32, #tpu.memory_space<vmem>>)
      %broadcast_in_dim3A_250 = arith.constant 240 : i32
      %broadcast_in_dim3A_251 = vector.broadcast %broadcast_in_dim3A_250 : i32 to vector<16xi32>
      %scan3A_252 = arith.constant 0 : i32
      %scan3A_253 = arith.constant 15 : i32
      %scan3A_254 = arith.addi %scan3A_252, %scan3A_253 : i32
      %scan3A_255 = arith.constant 1 : i32
      %scan3A_256 = scf.for %scan3A_402 = %scan3A_252 to %scan3A_254 step %scan3A_255 iter_args(%scan3A_403 = %broadcast_in_dim3A_251) -> (vector<16xi32>)  : i32 {
        %mul3A_404 = arith.constant 8 : i32
        %mul3A_405 = arith.muli %scan3A_402, %mul3A_404 : i32
        %add3A_406 = arith.constant 0 : i32
        %add3A_407 = arith.addi %mul3A_405, %add3A_406 : i32
        %add3A_408 = arith.constant 0 : i32
        %add3A_409 = vector.broadcast %add3A_408 : i32 to vector<16xi32>
        %add3A_410 = arith.addi %scan3A_403, %add3A_409 : vector<16xi32>
        %gather3A = tpu.vector_load_idx %arg10[%add3A_410] : memref<360xi32, #tpu.memory_space<vmem>>[vector<16xi32>], vector<16xi32>,
        %bitcast3A = vector.bitcast %gather3A : vector<16xi32> to vector<16xf32>
        %get3A_411 = arith.index_cast %add3A_407 : i32 to index
        %get3A_412 = arith.constant 0 : index
        %get3A_413 = tpu.vector_load %arg7[%get3A_411, %get3A_412] {strides = array<i32>} : memref<120x128xf32, #tpu.memory_space<vmem>>, vector<16xf32>,
        %mul3A_414 = arith.mulf %get3A_413, %bitcast3A : vector<16xf32>
        %swap3A_415 = arith.index_cast %add3A_407 : i32 to index
        %swap3A_416 = arith.constant 0 : index
        %swap3A_417 = tpu.vector_load %arg7[%swap3A_415, %swap3A_416] {strides = array<i32>} : memref<120x128xf32, #tpu.memory_space<vmem>>, vector<16xf32>,
        tpu.vector_store %arg7[%swap3A_415, %swap3A_416], %mul3A_414 {strides = array<i32>} : memref<120x128xf32, #tpu.memory_space<vmem>>, vector<16xf32>,
        %get3A_418 = arith.index_cast %add3A_407 : i32 to index
        %get3A_419 = arith.constant 16 : index
        %get3A_420 = tpu.vector_load %arg7[%get3A_418, %get3A_419] {strides = array<i32>} : memref<120x128xf32, #tpu.memory_space<vmem>>, vector<16xf32>,
        %mul3A_421 = arith.mulf %get3A_420, %bitcast3A : vector<16xf32>
        %swap3A_422 = arith.index_cast %add3A_407 : i32 to index
        %swap3A_423 = arith.constant 16 : index
        %swap3A_424 = tpu.vector_load %arg7[%swap3A_422, %swap3A_423] {strides = array<i32>} : memref<120x128xf32, #tpu.memory_space<vmem>>, vector<16xf32>,
        tpu.vector_store %arg7[%swap3A_422, %swap3A_423], %mul3A_421 {strides = array<i32>} : memref<120x128xf32, #tpu.memory_space<vmem>>, vector<16xf32>,
        %get3A_425 = arith.index_cast %add3A_407 : i32 to index
        %get3A_426 = arith.constant 32 : index
        %get3A_427 = tpu.vector_load %arg7[%get3A_425, %get3A_426] {strides = array<i32>} : memref<120x128xf32, #tpu.memory_space<vmem>>, vector<16xf32>,
        %mul3A_428 = arith.mulf %get3A_427, %bitcast3A : vector<16xf32>
        %swap3A_429 = arith.index_cast %add3A_407 : i32 to index
        %swap3A_430 = arith.constant 32 : index
        %swap3A_431 = tpu.vector_load %arg7[%swap3A_429, %swap3A_430] {strides = array<i32>} : memref<120x128xf32, #tpu.memory_space<vmem>>, vector<16xf32>,
        tpu.vector_store %arg7[%swap3A_429, %swap3A_430], %mul3A_428 {strides = array<i32>} : memref<120x128xf32, #tpu.memory_space<vmem>>, vector<16xf32>,
        %get3A_432 = arith.index_cast %add3A_407 : i32 to index
        %get3A_433 = arith.constant 48 : index
        %get3A_434 = tpu.vector_load %arg7[%get3A_432, %get3A_433] {strides = array<i32>} : memref<120x128xf32, #tpu.memory_space<vmem>>, vector<16xf32>,
        %mul3A_435 = arith.mulf %get3A_434, %bitcast3A : vector<16xf32>
        %swap3A_436 = arith.index_cast %add3A_407 : i32 to index
        %swap3A_437 = arith.constant 48 : index
        %swap3A_438 = tpu.vector_load %arg7[%swap3A_436, %swap3A_437] {strides = array<i32>} : memref<120x128xf32, #tpu.memory_space<vmem>>, vector<16xf32>,
        tpu.vector_store %arg7[%swap3A_436, %swap3A_437], %mul3A_435 {strides = array<i32>} : memref<120x128xf32, #tpu.memory_space<vmem>>, vector<16xf32>,
        %get3A_439 = arith.index_cast %add3A_407 : i32 to index
        %get3A_440 = arith.constant 64 : index
        %get3A_441 = tpu.vector_load %arg7[%get3A_439, %get3A_440] {strides = array<i32>} : memref<120x128xf32, #tpu.memory_space<vmem>>, vector<16xf32>,
        %mul3A_442 = arith.mulf %get3A_441, %bitcast3A : vector<16xf32>
        %swap3A_443 = arith.index_cast %add3A_407 : i32 to index
        %swap3A_444 = arith.constant 64 : index
        %swap3A_445 = tpu.vector_load %arg7[%swap3A_443, %swap3A_444] {strides = array<i32>} : memref<120x128xf32, #tpu.memory_space<vmem>>, vector<16xf32>,
        tpu.vector_store %arg7[%swap3A_443, %swap3A_444], %mul3A_442 {strides = array<i32>} : memref<120x128xf32, #tpu.memory_space<vmem>>, vector<16xf32>,
        %get3A_446 = arith.index_cast %add3A_407 : i32 to index
        %get3A_447 = arith.constant 80 : index
        %get3A_448 = tpu.vector_load %arg7[%get3A_446, %get3A_447] {strides = array<i32>} : memref<120x128xf32, #tpu.memory_space<vmem>>, vector<16xf32>,
        %mul3A_449 = arith.mulf %get3A_448, %bitcast3A : vector<16xf32>
        %swap3A_450 = arith.index_cast %add3A_407 : i32 to index
        %swap3A_451 = arith.constant 80 : index
        %swap3A_452 = tpu.vector_load %arg7[%swap3A_450, %swap3A_451] {strides = array<i32>} : memref<120x128xf32, #tpu.memory_space<vmem>>, vector<16xf32>,
        tpu.vector_store %arg7[%swap3A_450, %swap3A_451], %mul3A_449 {strides = array<i32>} : memref<120x128xf32, #tpu.memory_space<vmem>>, vector<16xf32>,
        %get3A_453 = arith.index_cast %add3A_407 : i32 to index
        %get3A_454 = arith.constant 96 : index
        %get3A_455 = tpu.vector_load %arg7[%get3A_453, %get3A_454] {strides = array<i32>} : memref<120x128xf32, #tpu.memory_space<vmem>>, vector<16xf32>,
        %mul3A_456 = arith.mulf %get3A_455, %bitcast3A : vector<16xf32>
        %swap3A_457 = arith.index_cast %add3A_407 : i32 to index
        %swap3A_458 = arith.constant 96 : index
        %swap3A_459 = tpu.vector_load %arg7[%swap3A_457, %swap3A_458] {strides = array<i32>} : memref<120x128xf32, #tpu.memory_space<vmem>>, vector<16xf32>,
        tpu.vector_store %arg7[%swap3A_457, %swap3A_458], %mul3A_456 {strides = array<i32>} : memref<120x128xf32, #tpu.memory_space<vmem>>, vector<16xf32>,
        %get3A_460 = arith.index_cast %add3A_407 : i32 to index
        %get3A_461 = arith.constant 112 : index
        %get3A_462 = tpu.vector_load %arg7[%get3A_460, %get3A_461] {strides = array<i32>} : memref<120x128xf32, #tpu.memory_space<vmem>>, vector<16xf32>,
        %mul3A_463 = arith.mulf %get3A_462, %bitcast3A : vector<16xf32>
        %swap3A_464 = arith.index_cast %add3A_407 : i32 to index
        %swap3A_465 = arith.constant 112 : index
        %swap3A_466 = tpu.vector_load %arg7[%swap3A_464, %swap3A_465] {strides = array<i32>} : memref<120x128xf32, #tpu.memory_space<vmem>>, vector<16xf32>,
        tpu.vector_store %arg7[%swap3A_464, %swap3A_465], %mul3A_463 {strides = array<i32>} : memref<120x128xf32, #tpu.memory_space<vmem>>, vector<16xf32>,
        %mul3A_467 = arith.constant 8 : i32
        %mul3A_468 = arith.muli %scan3A_402, %mul3A_467 : i32
        %add3A_469 = arith.constant 1 : i32
        %add3A_470 = arith.addi %mul3A_468, %add3A_469 : i32
        %add3A_471 = arith.constant 1 : i32
        %add3A_472 = vector.broadcast %add3A_471 : i32 to vector<16xi32>
        %add3A_473 = arith.addi %scan3A_403, %add3A_472 : vector<16xi32>
        %gather3A_474 = tpu.vector_load_idx %arg10[%add3A_473] : memref<360xi32, #tpu.memory_space<vmem>>[vector<16xi32>], vector<16xi32>,
        %bitcast3A_475 = vector.bitcast %gather3A_474 : vector<16xi32> to vector<16xf32>
        %get3A_476 = arith.index_cast %add3A_470 : i32 to index
        %get3A_477 = arith.constant 0 : index
        %get3A_478 = tpu.vector_load %arg7[%get3A_476, %get3A_477] {strides = array<i32>} : memref<120x128xf32, #tpu.memory_space<vmem>>, vector<16xf32>,
        %mul3A_479 = arith.mulf %get3A_478, %bitcast3A_475 : vector<16xf32>
        %swap3A_480 = arith.index_cast %add3A_470 : i32 to index
        %swap3A_481 = arith.constant 0 : index
        %swap3A_482 = tpu.vector_load %arg7[%swap3A_480, %swap3A_481] {strides = array<i32>} : memref<120x128xf32, #tpu.memory_space<vmem>>, vector<16xf32>,
        tpu.vector_store %arg7[%swap3A_480, %swap3A_481], %mul3A_479 {strides = array<i32>} : memref<120x128xf32, #tpu.memory_space<vmem>>, vector<16xf32>,
        %get3A_483 = arith.index_cast %add3A_470 : i32 to index
        %get3A_484 = arith.constant 16 : index
        %get3A_485 = tpu.vector_load %arg7[%get3A_483, %get3A_484] {strides = array<i32>} : memref<120x128xf32, #tpu.memory_space<vmem>>, vector<16xf32>,
        %mul3A_486 = arith.mulf %get3A_485, %bitcast3A_475 : vector<16xf32>
        %swap3A_487 = arith.index_cast %add3A_470 : i32 to index
        %swap3A_488 = arith.constant 16 : index
        %swap3A_489 = tpu.vector_load %arg7[%swap3A_487, %swap3A_488] {strides = array<i32>} : memref<120x128xf32, #tpu.memory_space<vmem>>, vector<16xf32>,
        tpu.vector_store %arg7[%swap3A_487, %swap3A_488], %mul3A_486 {strides = array<i32>} : memref<120x128xf32, #tpu.memory_space<vmem>>, vector<16xf32>,
        %get3A_490 = arith.index_cast %add3A_470 : i32 to index
        %get3A_491 = arith.constant 32 : index
        %get3A_492 = tpu.vector_load %arg7[%get3A_490, %get3A_491] {strides = array<i32>} : memref<120x128xf32, #tpu.memory_space<vmem>>, vector<16xf32>,
        %mul3A_493 = arith.mulf %get3A_492, %bitcast3A_475 : vector<16xf32>
        %swap3A_494 = arith.index_cast %add3A_470 : i32 to index
        %swap3A_495 = arith.constant 32 : index
        %swap3A_496 = tpu.vector_load %arg7[%swap3A_494, %swap3A_495] {strides = array<i32>} : memref<120x128xf32, #tpu.memory_space<vmem>>, vector<16xf32>,
        tpu.vector_store %arg7[%swap3A_494, %swap3A_495], %mul3A_493 {strides = array<i32>} : memref<120x128xf32, #tpu.memory_space<vmem>>, vector<16xf32>,
        %get3A_497 = arith.index_cast %add3A_470 : i32 to index
        %get3A_498 = arith.constant 48 : index
        %get3A_499 = tpu.vector_load %arg7[%get3A_497, %get3A_498] {strides = array<i32>} : memref<120x128xf32, #tpu.memory_space<vmem>>, vector<16xf32>,
        %mul3A_500 = arith.mulf %get3A_499, %bitcast3A_475 : vector<16xf32>
        %swap3A_501 = arith.index_cast %add3A_470 : i32 to index
        %swap3A_502 = arith.constant 48 : index
        %swap3A_503 = tpu.vector_load %arg7[%swap3A_501, %swap3A_502] {strides = array<i32>} : memref<120x128xf32, #tpu.memory_space<vmem>>, vector<16xf32>,
        tpu.vector_store %arg7[%swap3A_501, %swap3A_502], %mul3A_500 {strides = array<i32>} : memref<120x128xf32, #tpu.memory_space<vmem>>, vector<16xf32>,
        %get3A_504 = arith.index_cast %add3A_470 : i32 to index
        %get3A_505 = arith.constant 64 : index
        %get3A_506 = tpu.vector_load %arg7[%get3A_504, %get3A_505] {strides = array<i32>} : memref<120x128xf32, #tpu.memory_space<vmem>>, vector<16xf32>,
        %mul3A_507 = arith.mulf %get3A_506, %bitcast3A_475 : vector<16xf32>
        %swap3A_508 = arith.index_cast %add3A_470 : i32 to index
        %swap3A_509 = arith.constant 64 : index
        %swap3A_510 = tpu.vector_load %arg7[%swap3A_508, %swap3A_509] {strides = array<i32>} : memref<120x128xf32, #tpu.memory_space<vmem>>, vector<16xf32>,
        tpu.vector_store %arg7[%swap3A_508, %swap3A_509], %mul3A_507 {strides = array<i32>} : memref<120x128xf32, #tpu.memory_space<vmem>>, vector<16xf32>,
        %get3A_511 = arith.index_cast %add3A_470 : i32 to index
        %get3A_512 = arith.constant 80 : index
        %get3A_513 = tpu.vector_load %arg7[%get3A_511, %get3A_512] {strides = array<i32>} : memref<120x128xf32, #tpu.memory_space<vmem>>, vector<16xf32>,
        %mul3A_514 = arith.mulf %get3A_513, %bitcast3A_475 : vector<16xf32>
        %swap3A_515 = arith.index_cast %add3A_470 : i32 to index
        %swap3A_516 = arith.constant 80 : index
        %swap3A_517 = tpu.vector_load %arg7[%swap3A_515, %swap3A_516] {strides = array<i32>} : memref<120x128xf32, #tpu.memory_space<vmem>>, vector<16xf32>,
        tpu.vector_store %arg7[%swap3A_515, %swap3A_516], %mul3A_514 {strides = array<i32>} : memref<120x128xf32, #tpu.memory_space<vmem>>, vector<16xf32>,
        %get3A_518 = arith.index_cast %add3A_470 : i32 to index
        %get3A_519 = arith.constant 96 : index
        %get3A_520 = tpu.vector_load %arg7[%get3A_518, %get3A_519] {strides = array<i32>} : memref<120x128xf32, #tpu.memory_space<vmem>>, vector<16xf32>,
        %mul3A_521 = arith.mulf %get3A_520, %bitcast3A_475 : vector<16xf32>
        %swap3A_522 = arith.index_cast %add3A_470 : i32 to index
        %swap3A_523 = arith.constant 96 : index
        %swap3A_524 = tpu.vector_load %arg7[%swap3A_522, %swap3A_523] {strides = array<i32>} : memref<120x128xf32, #tpu.memory_space<vmem>>, vector<16xf32>,
        tpu.vector_store %arg7[%swap3A_522, %swap3A_523], %mul3A_521 {strides = array<i32>} : memref<120x128xf32, #tpu.memory_space<vmem>>, vector<16xf32>,
        %get3A_525 = arith.index_cast %add3A_470 : i32 to index
        %get3A_526 = arith.constant 112 : index
        %get3A_527 = tpu.vector_load %arg7[%get3A_525, %get3A_526] {strides = array<i32>} : memref<120x128xf32, #tpu.memory_space<vmem>>, vector<16xf32>,
        %mul3A_528 = arith.mulf %get3A_527, %bitcast3A_475 : vector<16xf32>
        %swap3A_529 = arith.index_cast %add3A_470 : i32 to index
        %swap3A_530 = arith.constant 112 : index
        %swap3A_531 = tpu.vector_load %arg7[%swap3A_529, %swap3A_530] {strides = array<i32>} : memref<120x128xf32, #tpu.memory_space<vmem>>, vector<16xf32>,
        tpu.vector_store %arg7[%swap3A_529, %swap3A_530], %mul3A_528 {strides = array<i32>} : memref<120x128xf32, #tpu.memory_space<vmem>>, vector<16xf32>,
        %mul3A_532 = arith.constant 8 : i32
        %mul3A_533 = arith.muli %scan3A_402, %mul3A_532 : i32
        %add3A_534 = arith.constant 2 : i32
        %add3A_535 = arith.addi %mul3A_533, %add3A_534 : i32
        %add3A_536 = arith.constant 2 : i32
        %add3A_537 = vector.broadcast %add3A_536 : i32 to vector<16xi32>
        %add3A_538 = arith.addi %scan3A_403, %add3A_537 : vector<16xi32>
        %gather3A_539 = tpu.vector_load_idx %arg10[%add3A_538] : memref<360xi32, #tpu.memory_space<vmem>>[vector<16xi32>], vector<16xi32>,
        %bitcast3A_540 = vector.bitcast %gather3A_539 : vector<16xi32> to vector<16xf32>
        %get3A_541 = arith.index_cast %add3A_535 : i32 to index
        %get3A_542 = arith.constant 0 : index
        %get3A_543 = tpu.vector_load %arg7[%get3A_541, %get3A_542] {strides = array<i32>} : memref<120x128xf32, #tpu.memory_space<vmem>>, vector<16xf32>,
        %mul3A_544 = arith.mulf %get3A_543, %bitcast3A_540 : vector<16xf32>
        %swap3A_545 = arith.index_cast %add3A_535 : i32 to index
        %swap3A_546 = arith.constant 0 : index
        %swap3A_547 = tpu.vector_load %arg7[%swap3A_545, %swap3A_546] {strides = array<i32>} : memref<120x128xf32, #tpu.memory_space<vmem>>, vector<16xf32>,
        tpu.vector_store %arg7[%swap3A_545, %swap3A_546], %mul3A_544 {strides = array<i32>} : memref<120x128xf32, #tpu.memory_space<vmem>>, vector<16xf32>,
        %get3A_548 = arith.index_cast %add3A_535 : i32 to index
        %get3A_549 = arith.constant 16 : index
        %get3A_550 = tpu.vector_load %arg7[%get3A_548, %get3A_549] {strides = array<i32>} : memref<120x128xf32, #tpu.memory_space<vmem>>, vector<16xf32>,
        %mul3A_551 = arith.mulf %get3A_550, %bitcast3A_540 : vector<16xf32>
        %swap3A_552 = arith.index_cast %add3A_535 : i32 to index
        %swap3A_553 = arith.constant 16 : index
        %swap3A_554 = tpu.vector_load %arg7[%swap3A_552, %swap3A_553] {strides = array<i32>} : memref<120x128xf32, #tpu.memory_space<vmem>>, vector<16xf32>,
        tpu.vector_store %arg7[%swap3A_552, %swap3A_553], %mul3A_551 {strides = array<i32>} : memref<120x128xf32, #tpu.memory_space<vmem>>, vector<16xf32>,
        %get3A_555 = arith.index_cast %add3A_535 : i32 to index
        %get3A_556 = arith.constant 32 : index
        %get3A_557 = tpu.vector_load %arg7[%get3A_555, %get3A_556] {strides = array<i32>} : memref<120x128xf32, #tpu.memory_space<vmem>>, vector<16xf32>,
        %mul3A_558 = arith.mulf %get3A_557, %bitcast3A_540 : vector<16xf32>
        %swap3A_559 = arith.index_cast %add3A_535 : i32 to index
        %swap3A_560 = arith.constant 32 : index
        %swap3A_561 = tpu.vector_load %arg7[%swap3A_559, %swap3A_560] {strides = array<i32>} : memref<120x128xf32, #tpu.memory_space<vmem>>, vector<16xf32>,
        tpu.vector_store %arg7[%swap3A_559, %swap3A_560], %mul3A_558 {strides = array<i32>} : memref<120x128xf32, #tpu.memory_space<vmem>>, vector<16xf32>,
        %get3A_562 = arith.index_cast %add3A_535 : i32 to index
        %get3A_563 = arith.constant 48 : index
        %get3A_564 = tpu.vector_load %arg7[%get3A_562, %get3A_563] {strides = array<i32>} : memref<120x128xf32, #tpu.memory_space<vmem>>, vector<16xf32>,
        %mul3A_565 = arith.mulf %get3A_564, %bitcast3A_540 : vector<16xf32>
        %swap3A_566 = arith.index_cast %add3A_535 : i32 to index
        %swap3A_567 = arith.constant 48 : index
        %swap3A_568 = tpu.vector_load %arg7[%swap3A_566, %swap3A_567] {strides = array<i32>} : memref<120x128xf32, #tpu.memory_space<vmem>>, vector<16xf32>,
        tpu.vector_store %arg7[%swap3A_566, %swap3A_567], %mul3A_565 {strides = array<i32>} : memref<120x128xf32, #tpu.memory_space<vmem>>, vector<16xf32>,
        %get3A_569 = arith.index_cast %add3A_535 : i32 to index
        %get3A_570 = arith.constant 64 : index
        %get3A_571 = tpu.vector_load %arg7[%get3A_569, %get3A_570] {strides = array<i32>} : memref<120x128xf32, #tpu.memory_space<vmem>>, vector<16xf32>,
        %mul3A_572 = arith.mulf %get3A_571, %bitcast3A_540 : vector<16xf32>
        %swap3A_573 = arith.index_cast %add3A_535 : i32 to index
        %swap3A_574 = arith.constant 64 : index
        %swap3A_575 = tpu.vector_load %arg7[%swap3A_573, %swap3A_574] {strides = array<i32>} : memref<120x128xf32, #tpu.memory_space<vmem>>, vector<16xf32>,
        tpu.vector_store %arg7[%swap3A_573, %swap3A_574], %mul3A_572 {strides = array<i32>} : memref<120x128xf32, #tpu.memory_space<vmem>>, vector<16xf32>,
        %get3A_576 = arith.index_cast %add3A_535 : i32 to index
        %get3A_577 = arith.constant 80 : index
        %get3A_578 = tpu.vector_load %arg7[%get3A_576, %get3A_577] {strides = array<i32>} : memref<120x128xf32, #tpu.memory_space<vmem>>, vector<16xf32>,
        %mul3A_579 = arith.mulf %get3A_578, %bitcast3A_540 : vector<16xf32>
        %swap3A_580 = arith.index_cast %add3A_535 : i32 to index
        %swap3A_581 = arith.constant 80 : index
        %swap3A_582 = tpu.vector_load %arg7[%swap3A_580, %swap3A_581] {strides = array<i32>} : memref<120x128xf32, #tpu.memory_space<vmem>>, vector<16xf32>,
        tpu.vector_store %arg7[%swap3A_580, %swap3A_581], %mul3A_579 {strides = array<i32>} : memref<120x128xf32, #tpu.memory_space<vmem>>, vector<16xf32>,
        %get3A_583 = arith.index_cast %add3A_535 : i32 to index
        %get3A_584 = arith.constant 96 : index
        %get3A_585 = tpu.vector_load %arg7[%get3A_583, %get3A_584] {strides = array<i32>} : memref<120x128xf32, #tpu.memory_space<vmem>>, vector<16xf32>,
        %mul3A_586 = arith.mulf %get3A_585, %bitcast3A_540 : vector<16xf32>
        %swap3A_587 = arith.index_cast %add3A_535 : i32 to index
        %swap3A_588 = arith.constant 96 : index
        %swap3A_589 = tpu.vector_load %arg7[%swap3A_587, %swap3A_588] {strides = array<i32>} : memref<120x128xf32, #tpu.memory_space<vmem>>, vector<16xf32>,
        tpu.vector_store %arg7[%swap3A_587, %swap3A_588], %mul3A_586 {strides = array<i32>} : memref<120x128xf32, #tpu.memory_space<vmem>>, vector<16xf32>,
        %get3A_590 = arith.index_cast %add3A_535 : i32 to index
        %get3A_591 = arith.constant 112 : index
        %get3A_592 = tpu.vector_load %arg7[%get3A_590, %get3A_591] {strides = array<i32>} : memref<120x128xf32, #tpu.memory_space<vmem>>, vector<16xf32>,
        %mul3A_593 = arith.mulf %get3A_592, %bitcast3A_540 : vector<16xf32>
        %swap3A_594 = arith.index_cast %add3A_535 : i32 to index
        %swap3A_595 = arith.constant 112 : index
        %swap3A_596 = tpu.vector_load %arg7[%swap3A_594, %swap3A_595] {strides = array<i32>} : memref<120x128xf32, #tpu.memory_space<vmem>>, vector<16xf32>,
        tpu.vector_store %arg7[%swap3A_594, %swap3A_595], %mul3A_593 {strides = array<i32>} : memref<120x128xf32, #tpu.memory_space<vmem>>, vector<16xf32>,
        %mul3A_597 = arith.constant 8 : i32
        %mul3A_598 = arith.muli %scan3A_402, %mul3A_597 : i32
        %add3A_599 = arith.constant 3 : i32
        %add3A_600 = arith.addi %mul3A_598, %add3A_599 : i32
        %add3A_601 = arith.constant 3 : i32
        %add3A_602 = vector.broadcast %add3A_601 : i32 to vector<16xi32>
        %add3A_603 = arith.addi %scan3A_403, %add3A_602 : vector<16xi32>
        %gather3A_604 = tpu.vector_load_idx %arg10[%add3A_603] : memref<360xi32, #tpu.memory_space<vmem>>[vector<16xi32>], vector<16xi32>,
        %bitcast3A_605 = vector.bitcast %gather3A_604 : vector<16xi32> to vector<16xf32>
        %get3A_606 = arith.index_cast %add3A_600 : i32 to index
        %get3A_607 = arith.constant 0 : index
        %get3A_608 = tpu.vector_load %arg7[%get3A_606, %get3A_607] {strides = array<i32>} : memref<120x128xf32, #tpu.memory_space<vmem>>, vector<16xf32>,
        %mul3A_609 = arith.mulf %get3A_608, %bitcast3A_605 : vector<16xf32>
        %swap3A_610 = arith.index_cast %add3A_600 : i32 to index
        %swap3A_611 = arith.constant 0 : index
        %swap3A_612 = tpu.vector_load %arg7[%swap3A_610, %swap3A_611] {strides = array<i32>} : memref<120x128xf32, #tpu.memory_space<vmem>>, vector<16xf32>,
        tpu.vector_store %arg7[%swap3A_610, %swap3A_611], %mul3A_609 {strides = array<i32>} : memref<120x128xf32, #tpu.memory_space<vmem>>, vector<16xf32>,
        %get3A_613 = arith.index_cast %add3A_600 : i32 to index
        %get3A_614 = arith.constant 16 : index
        %get3A_615 = tpu.vector_load %arg7[%get3A_613, %get3A_614] {strides = array<i32>} : memref<120x128xf32, #tpu.memory_space<vmem>>, vector<16xf32>,
        %mul3A_616 = arith.mulf %get3A_615, %bitcast3A_605 : vector<16xf32>
        %swap3A_617 = arith.index_cast %add3A_600 : i32 to index
        %swap3A_618 = arith.constant 16 : index
        %swap3A_619 = tpu.vector_load %arg7[%swap3A_617, %swap3A_618] {strides = array<i32>} : memref<120x128xf32, #tpu.memory_space<vmem>>, vector<16xf32>,
        tpu.vector_store %arg7[%swap3A_617, %swap3A_618], %mul3A_616 {strides = array<i32>} : memref<120x128xf32, #tpu.memory_space<vmem>>, vector<16xf32>,
        %get3A_620 = arith.index_cast %add3A_600 : i32 to index
        %get3A_621 = arith.constant 32 : index
        %get3A_622 = tpu.vector_load %arg7[%get3A_620, %get3A_621] {strides = array<i32>} : memref<120x128xf32, #tpu.memory_space<vmem>>, vector<16xf32>,
        %mul3A_623 = arith.mulf %get3A_622, %bitcast3A_605 : vector<16xf32>
        %swap3A_624 = arith.index_cast %add3A_600 : i32 to index
        %swap3A_625 = arith.constant 32 : index
        %swap3A_626 = tpu.vector_load %arg7[%swap3A_624, %swap3A_625] {strides = array<i32>} : memref<120x128xf32, #tpu.memory_space<vmem>>, vector<16xf32>,
        tpu.vector_store %arg7[%swap3A_624, %swap3A_625], %mul3A_623 {strides = array<i32>} : memref<120x128xf32, #tpu.memory_space<vmem>>, vector<16xf32>,
        %get3A_627 = arith.index_cast %add3A_600 : i32 to index
        %get3A_628 = arith.constant 48 : index
        %get3A_629 = tpu.vector_load %arg7[%get3A_627, %get3A_628] {strides = array<i32>} : memref<120x128xf32, #tpu.memory_space<vmem>>, vector<16xf32>,
        %mul3A_630 = arith.mulf %get3A_629, %bitcast3A_605 : vector<16xf32>
        %swap3A_631 = arith.index_cast %add3A_600 : i32 to index
        %swap3A_632 = arith.constant 48 : index
        %swap3A_633 = tpu.vector_load %arg7[%swap3A_631, %swap3A_632] {strides = array<i32>} : memref<120x128xf32, #tpu.memory_space<vmem>>, vector<16xf32>,
        tpu.vector_store %arg7[%swap3A_631, %swap3A_632], %mul3A_630 {strides = array<i32>} : memref<120x128xf32, #tpu.memory_space<vmem>>, vector<16xf32>,
        %get3A_634 = arith.index_cast %add3A_600 : i32 to index
        %get3A_635 = arith.constant 64 : index
        %get3A_636 = tpu.vector_load %arg7[%get3A_634, %get3A_635] {strides = array<i32>} : memref<120x128xf32, #tpu.memory_space<vmem>>, vector<16xf32>,
        %mul3A_637 = arith.mulf %get3A_636, %bitcast3A_605 : vector<16xf32>
        %swap3A_638 = arith.index_cast %add3A_600 : i32 to index
        %swap3A_639 = arith.constant 64 : index
        %swap3A_640 = tpu.vector_load %arg7[%swap3A_638, %swap3A_639] {strides = array<i32>} : memref<120x128xf32, #tpu.memory_space<vmem>>, vector<16xf32>,
        tpu.vector_store %arg7[%swap3A_638, %swap3A_639], %mul3A_637 {strides = array<i32>} : memref<120x128xf32, #tpu.memory_space<vmem>>, vector<16xf32>,
        %get3A_641 = arith.index_cast %add3A_600 : i32 to index
        %get3A_642 = arith.constant 80 : index
        %get3A_643 = tpu.vector_load %arg7[%get3A_641, %get3A_642] {strides = array<i32>} : memref<120x128xf32, #tpu.memory_space<vmem>>, vector<16xf32>,
        %mul3A_644 = arith.mulf %get3A_643, %bitcast3A_605 : vector<16xf32>
        %swap3A_645 = arith.index_cast %add3A_600 : i32 to index
        %swap3A_646 = arith.constant 80 : index
        %swap3A_647 = tpu.vector_load %arg7[%swap3A_645, %swap3A_646] {strides = array<i32>} : memref<120x128xf32, #tpu.memory_space<vmem>>, vector<16xf32>,
        tpu.vector_store %arg7[%swap3A_645, %swap3A_646], %mul3A_644 {strides = array<i32>} : memref<120x128xf32, #tpu.memory_space<vmem>>, vector<16xf32>,
        %get3A_648 = arith.index_cast %add3A_600 : i32 to index
        %get3A_649 = arith.constant 96 : index
        %get3A_650 = tpu.vector_load %arg7[%get3A_648, %get3A_649] {strides = array<i32>} : memref<120x128xf32, #tpu.memory_space<vmem>>, vector<16xf32>,
        %mul3A_651 = arith.mulf %get3A_650, %bitcast3A_605 : vector<16xf32>
        %swap3A_652 = arith.index_cast %add3A_600 : i32 to index
        %swap3A_653 = arith.constant 96 : index
        %swap3A_654 = tpu.vector_load %arg7[%swap3A_652, %swap3A_653] {strides = array<i32>} : memref<120x128xf32, #tpu.memory_space<vmem>>, vector<16xf32>,
        tpu.vector_store %arg7[%swap3A_652, %swap3A_653], %mul3A_651 {strides = array<i32>} : memref<120x128xf32, #tpu.memory_space<vmem>>, vector<16xf32>,
        %get3A_655 = arith.index_cast %add3A_600 : i32 to index
        %get3A_656 = arith.constant 112 : index
        %get3A_657 = tpu.vector_load %arg7[%get3A_655, %get3A_656] {strides = array<i32>} : memref<120x128xf32, #tpu.memory_space<vmem>>, vector<16xf32>,
        %mul3A_658 = arith.mulf %get3A_657, %bitcast3A_605 : vector<16xf32>
        %swap3A_659 = arith.index_cast %add3A_600 : i32 to index
        %swap3A_660 = arith.constant 112 : index
        %swap3A_661 = tpu.vector_load %arg7[%swap3A_659, %swap3A_660] {strides = array<i32>} : memref<120x128xf32, #tpu.memory_space<vmem>>, vector<16xf32>,
        tpu.vector_store %arg7[%swap3A_659, %swap3A_660], %mul3A_658 {strides = array<i32>} : memref<120x128xf32, #tpu.memory_space<vmem>>, vector<16xf32>,
        %mul3A_662 = arith.constant 8 : i32
        %mul3A_663 = arith.muli %scan3A_402, %mul3A_662 : i32
        %add3A_664 = arith.constant 4 : i32
        %add3A_665 = arith.addi %mul3A_663, %add3A_664 : i32
        %add3A_666 = arith.constant 4 : i32
        %add3A_667 = vector.broadcast %add3A_666 : i32 to vector<16xi32>
        %add3A_668 = arith.addi %scan3A_403, %add3A_667 : vector<16xi32>
        %gather3A_669 = tpu.vector_load_idx %arg10[%add3A_668] : memref<360xi32, #tpu.memory_space<vmem>>[vector<16xi32>], vector<16xi32>,
        %bitcast3A_670 = vector.bitcast %gather3A_669 : vector<16xi32> to vector<16xf32>
        %get3A_671 = arith.index_cast %add3A_665 : i32 to index
        %get3A_672 = arith.constant 0 : index
        %get3A_673 = tpu.vector_load %arg7[%get3A_671, %get3A_672] {strides = array<i32>} : memref<120x128xf32, #tpu.memory_space<vmem>>, vector<16xf32>,
        %mul3A_674 = arith.mulf %get3A_673, %bitcast3A_670 : vector<16xf32>
        %swap3A_675 = arith.index_cast %add3A_665 : i32 to index
        %swap3A_676 = arith.constant 0 : index
        %swap3A_677 = tpu.vector_load %arg7[%swap3A_675, %swap3A_676] {strides = array<i32>} : memref<120x128xf32, #tpu.memory_space<vmem>>, vector<16xf32>,
        tpu.vector_store %arg7[%swap3A_675, %swap3A_676], %mul3A_674 {strides = array<i32>} : memref<120x128xf32, #tpu.memory_space<vmem>>, vector<16xf32>,
        %get3A_678 = arith.index_cast %add3A_665 : i32 to index
        %get3A_679 = arith.constant 16 : index
        %get3A_680 = tpu.vector_load %arg7[%get3A_678, %get3A_679] {strides = array<i32>} : memref<120x128xf32, #tpu.memory_space<vmem>>, vector<16xf32>,
        %mul3A_681 = arith.mulf %get3A_680, %bitcast3A_670 : vector<16xf32>
        %swap3A_682 = arith.index_cast %add3A_665 : i32 to index
        %swap3A_683 = arith.constant 16 : index
        %swap3A_684 = tpu.vector_load %arg7[%swap3A_682, %swap3A_683] {strides = array<i32>} : memref<120x128xf32, #tpu.memory_space<vmem>>, vector<16xf32>,
        tpu.vector_store %arg7[%swap3A_682, %swap3A_683], %mul3A_681 {strides = array<i32>} : memref<120x128xf32, #tpu.memory_space<vmem>>, vector<16xf32>,
        %get3A_685 = arith.index_cast %add3A_665 : i32 to index
        %get3A_686 = arith.constant 32 : index
        %get3A_687 = tpu.vector_load %arg7[%get3A_685, %get3A_686] {strides = array<i32>} : memref<120x128xf32, #tpu.memory_space<vmem>>, vector<16xf32>,
        %mul3A_688 = arith.mulf %get3A_687, %bitcast3A_670 : vector<16xf32>
        %swap3A_689 = arith.index_cast %add3A_665 : i32 to index
        %swap3A_690 = arith.constant 32 : index
        %swap3A_691 = tpu.vector_load %arg7[%swap3A_689, %swap3A_690] {strides = array<i32>} : memref<120x128xf32, #tpu.memory_space<vmem>>, vector<16xf32>,
        tpu.vector_store %arg7[%swap3A_689, %swap3A_690], %mul3A_688 {strides = array<i32>} : memref<120x128xf32, #tpu.memory_space<vmem>>, vector<16xf32>,
        %get3A_692 = arith.index_cast %add3A_665 : i32 to index
        %get3A_693 = arith.constant 48 : index
        %get3A_694 = tpu.vector_load %arg7[%get3A_692, %get3A_693] {strides = array<i32>} : memref<120x128xf32, #tpu.memory_space<vmem>>, vector<16xf32>,
        %mul3A_695 = arith.mulf %get3A_694, %bitcast3A_670 : vector<16xf32>
        %swap3A_696 = arith.index_cast %add3A_665 : i32 to index
        %swap3A_697 = arith.constant 48 : index
        %swap3A_698 = tpu.vector_load %arg7[%swap3A_696, %swap3A_697] {strides = array<i32>} : memref<120x128xf32, #tpu.memory_space<vmem>>, vector<16xf32>,
        tpu.vector_store %arg7[%swap3A_696, %swap3A_697], %mul3A_695 {strides = array<i32>} : memref<120x128xf32, #tpu.memory_space<vmem>>, vector<16xf32>,
        %get3A_699 = arith.index_cast %add3A_665 : i32 to index
        %get3A_700 = arith.constant 64 : index
        %get3A_701 = tpu.vector_load %arg7[%get3A_699, %get3A_700] {strides = array<i32>} : memref<120x128xf32, #tpu.memory_space<vmem>>, vector<16xf32>,
        %mul3A_702 = arith.mulf %get3A_701, %bitcast3A_670 : vector<16xf32>
        %swap3A_703 = arith.index_cast %add3A_665 : i32 to index
        %swap3A_704 = arith.constant 64 : index
        %swap3A_705 = tpu.vector_load %arg7[%swap3A_703, %swap3A_704] {strides = array<i32>} : memref<120x128xf32, #tpu.memory_space<vmem>>, vector<16xf32>,
        tpu.vector_store %arg7[%swap3A_703, %swap3A_704], %mul3A_702 {strides = array<i32>} : memref<120x128xf32, #tpu.memory_space<vmem>>, vector<16xf32>,
        %get3A_706 = arith.index_cast %add3A_665 : i32 to index
        %get3A_707 = arith.constant 80 : index
        %get3A_708 = tpu.vector_load %arg7[%get3A_706, %get3A_707] {strides = array<i32>} : memref<120x128xf32, #tpu.memory_space<vmem>>, vector<16xf32>,
        %mul3A_709 = arith.mulf %get3A_708, %bitcast3A_670 : vector<16xf32>
        %swap3A_710 = arith.index_cast %add3A_665 : i32 to index
        %swap3A_711 = arith.constant 80 : index
        %swap3A_712 = tpu.vector_load %arg7[%swap3A_710, %swap3A_711] {strides = array<i32>} : memref<120x128xf32, #tpu.memory_space<vmem>>, vector<16xf32>,
        tpu.vector_store %arg7[%swap3A_710, %swap3A_711], %mul3A_709 {strides = array<i32>} : memref<120x128xf32, #tpu.memory_space<vmem>>, vector<16xf32>,
        %get3A_713 = arith.index_cast %add3A_665 : i32 to index
        %get3A_714 = arith.constant 96 : index
        %get3A_715 = tpu.vector_load %arg7[%get3A_713, %get3A_714] {strides = array<i32>} : memref<120x128xf32, #tpu.memory_space<vmem>>, vector<16xf32>,
        %mul3A_716 = arith.mulf %get3A_715, %bitcast3A_670 : vector<16xf32>
        %swap3A_717 = arith.index_cast %add3A_665 : i32 to index
        %swap3A_718 = arith.constant 96 : index
        %swap3A_719 = tpu.vector_load %arg7[%swap3A_717, %swap3A_718] {strides = array<i32>} : memref<120x128xf32, #tpu.memory_space<vmem>>, vector<16xf32>,
        tpu.vector_store %arg7[%swap3A_717, %swap3A_718], %mul3A_716 {strides = array<i32>} : memref<120x128xf32, #tpu.memory_space<vmem>>, vector<16xf32>,
        %get3A_720 = arith.index_cast %add3A_665 : i32 to index
        %get3A_721 = arith.constant 112 : index
        %get3A_722 = tpu.vector_load %arg7[%get3A_720, %get3A_721] {strides = array<i32>} : memref<120x128xf32, #tpu.memory_space<vmem>>, vector<16xf32>,
        %mul3A_723 = arith.mulf %get3A_722, %bitcast3A_670 : vector<16xf32>
        %swap3A_724 = arith.index_cast %add3A_665 : i32 to index
        %swap3A_725 = arith.constant 112 : index
        %swap3A_726 = tpu.vector_load %arg7[%swap3A_724, %swap3A_725] {strides = array<i32>} : memref<120x128xf32, #tpu.memory_space<vmem>>, vector<16xf32>,
        tpu.vector_store %arg7[%swap3A_724, %swap3A_725], %mul3A_723 {strides = array<i32>} : memref<120x128xf32, #tpu.memory_space<vmem>>, vector<16xf32>,
        %mul3A_727 = arith.constant 8 : i32
        %mul3A_728 = arith.muli %scan3A_402, %mul3A_727 : i32
        %add3A_729 = arith.constant 5 : i32
        %add3A_730 = arith.addi %mul3A_728, %add3A_729 : i32
        %add3A_731 = arith.constant 5 : i32
        %add3A_732 = vector.broadcast %add3A_731 : i32 to vector<16xi32>
        %add3A_733 = arith.addi %scan3A_403, %add3A_732 : vector<16xi32>
        %gather3A_734 = tpu.vector_load_idx %arg10[%add3A_733] : memref<360xi32, #tpu.memory_space<vmem>>[vector<16xi32>], vector<16xi32>,
        %bitcast3A_735 = vector.bitcast %gather3A_734 : vector<16xi32> to vector<16xf32>
        %get3A_736 = arith.index_cast %add3A_730 : i32 to index
        %get3A_737 = arith.constant 0 : index
        %get3A_738 = tpu.vector_load %arg7[%get3A_736, %get3A_737] {strides = array<i32>} : memref<120x128xf32, #tpu.memory_space<vmem>>, vector<16xf32>,
        %mul3A_739 = arith.mulf %get3A_738, %bitcast3A_735 : vector<16xf32>
        %swap3A_740 = arith.index_cast %add3A_730 : i32 to index
        %swap3A_741 = arith.constant 0 : index
        %swap3A_742 = tpu.vector_load %arg7[%swap3A_740, %swap3A_741] {strides = array<i32>} : memref<120x128xf32, #tpu.memory_space<vmem>>, vector<16xf32>,
        tpu.vector_store %arg7[%swap3A_740, %swap3A_741], %mul3A_739 {strides = array<i32>} : memref<120x128xf32, #tpu.memory_space<vmem>>, vector<16xf32>,
        %get3A_743 = arith.index_cast %add3A_730 : i32 to index
        %get3A_744 = arith.constant 16 : index
        %get3A_745 = tpu.vector_load %arg7[%get3A_743, %get3A_744] {strides = array<i32>} : memref<120x128xf32, #tpu.memory_space<vmem>>, vector<16xf32>,
        %mul3A_746 = arith.mulf %get3A_745, %bitcast3A_735 : vector<16xf32>
        %swap3A_747 = arith.index_cast %add3A_730 : i32 to index
        %swap3A_748 = arith.constant 16 : index
        %swap3A_749 = tpu.vector_load %arg7[%swap3A_747, %swap3A_748] {strides = array<i32>} : memref<120x128xf32, #tpu.memory_space<vmem>>, vector<16xf32>,
        tpu.vector_store %arg7[%swap3A_747, %swap3A_748], %mul3A_746 {strides = array<i32>} : memref<120x128xf32, #tpu.memory_space<vmem>>, vector<16xf32>,
        %get3A_750 = arith.index_cast %add3A_730 : i32 to index
        %get3A_751 = arith.constant 32 : index
        %get3A_752 = tpu.vector_load %arg7[%get3A_750, %get3A_751] {strides = array<i32>} : memref<120x128xf32, #tpu.memory_space<vmem>>, vector<16xf32>,
        %mul3A_753 = arith.mulf %get3A_752, %bitcast3A_735 : vector<16xf32>
        %swap3A_754 = arith.index_cast %add3A_730 : i32 to index
        %swap3A_755 = arith.constant 32 : index
        %swap3A_756 = tpu.vector_load %arg7[%swap3A_754, %swap3A_755] {strides = array<i32>} : memref<120x128xf32, #tpu.memory_space<vmem>>, vector<16xf32>,
        tpu.vector_store %arg7[%swap3A_754, %swap3A_755], %mul3A_753 {strides = array<i32>} : memref<120x128xf32, #tpu.memory_space<vmem>>, vector<16xf32>,
        %get3A_757 = arith.index_cast %add3A_730 : i32 to index
        %get3A_758 = arith.constant 48 : index
        %get3A_759 = tpu.vector_load %arg7[%get3A_757, %get3A_758] {strides = array<i32>} : memref<120x128xf32, #tpu.memory_space<vmem>>, vector<16xf32>,
        %mul3A_760 = arith.mulf %get3A_759, %bitcast3A_735 : vector<16xf32>
        %swap3A_761 = arith.index_cast %add3A_730 : i32 to index
        %swap3A_762 = arith.constant 48 : index
        %swap3A_763 = tpu.vector_load %arg7[%swap3A_761, %swap3A_762] {strides = array<i32>} : memref<120x128xf32, #tpu.memory_space<vmem>>, vector<16xf32>,
        tpu.vector_store %arg7[%swap3A_761, %swap3A_762], %mul3A_760 {strides = array<i32>} : memref<120x128xf32, #tpu.memory_space<vmem>>, vector<16xf32>,
        %get3A_764 = arith.index_cast %add3A_730 : i32 to index
        %get3A_765 = arith.constant 64 : index
        %get3A_766 = tpu.vector_load %arg7[%get3A_764, %get3A_765] {strides = array<i32>} : memref<120x128xf32, #tpu.memory_space<vmem>>, vector<16xf32>,
        %mul3A_767 = arith.mulf %get3A_766, %bitcast3A_735 : vector<16xf32>
        %swap3A_768 = arith.index_cast %add3A_730 : i32 to index
        %swap3A_769 = arith.constant 64 : index
        %swap3A_770 = tpu.vector_load %arg7[%swap3A_768, %swap3A_769] {strides = array<i32>} : memref<120x128xf32, #tpu.memory_space<vmem>>, vector<16xf32>,
        tpu.vector_store %arg7[%swap3A_768, %swap3A_769], %mul3A_767 {strides = array<i32>} : memref<120x128xf32, #tpu.memory_space<vmem>>, vector<16xf32>,
        %get3A_771 = arith.index_cast %add3A_730 : i32 to index
        %get3A_772 = arith.constant 80 : index
        %get3A_773 = tpu.vector_load %arg7[%get3A_771, %get3A_772] {strides = array<i32>} : memref<120x128xf32, #tpu.memory_space<vmem>>, vector<16xf32>,
        %mul3A_774 = arith.mulf %get3A_773, %bitcast3A_735 : vector<16xf32>
        %swap3A_775 = arith.index_cast %add3A_730 : i32 to index
        %swap3A_776 = arith.constant 80 : index
        %swap3A_777 = tpu.vector_load %arg7[%swap3A_775, %swap3A_776] {strides = array<i32>} : memref<120x128xf32, #tpu.memory_space<vmem>>, vector<16xf32>,
        tpu.vector_store %arg7[%swap3A_775, %swap3A_776], %mul3A_774 {strides = array<i32>} : memref<120x128xf32, #tpu.memory_space<vmem>>, vector<16xf32>,
        %get3A_778 = arith.index_cast %add3A_730 : i32 to index
        %get3A_779 = arith.constant 96 : index
        %get3A_780 = tpu.vector_load %arg7[%get3A_778, %get3A_779] {strides = array<i32>} : memref<120x128xf32, #tpu.memory_space<vmem>>, vector<16xf32>,
        %mul3A_781 = arith.mulf %get3A_780, %bitcast3A_735 : vector<16xf32>
        %swap3A_782 = arith.index_cast %add3A_730 : i32 to index
        %swap3A_783 = arith.constant 96 : index
        %swap3A_784 = tpu.vector_load %arg7[%swap3A_782, %swap3A_783] {strides = array<i32>} : memref<120x128xf32, #tpu.memory_space<vmem>>, vector<16xf32>,
        tpu.vector_store %arg7[%swap3A_782, %swap3A_783], %mul3A_781 {strides = array<i32>} : memref<120x128xf32, #tpu.memory_space<vmem>>, vector<16xf32>,
        %get3A_785 = arith.index_cast %add3A_730 : i32 to index
        %get3A_786 = arith.constant 112 : index
        %get3A_787 = tpu.vector_load %arg7[%get3A_785, %get3A_786] {strides = array<i32>} : memref<120x128xf32, #tpu.memory_space<vmem>>, vector<16xf32>,
        %mul3A_788 = arith.mulf %get3A_787, %bitcast3A_735 : vector<16xf32>
        %swap3A_789 = arith.index_cast %add3A_730 : i32 to index
        %swap3A_790 = arith.constant 112 : index
        %swap3A_791 = tpu.vector_load %arg7[%swap3A_789, %swap3A_790] {strides = array<i32>} : memref<120x128xf32, #tpu.memory_space<vmem>>, vector<16xf32>,
        tpu.vector_store %arg7[%swap3A_789, %swap3A_790], %mul3A_788 {strides = array<i32>} : memref<120x128xf32, #tpu.memory_space<vmem>>, vector<16xf32>,
        %mul3A_792 = arith.constant 8 : i32
        %mul3A_793 = arith.muli %scan3A_402, %mul3A_792 : i32
        %add3A_794 = arith.constant 6 : i32
        %add3A_795 = arith.addi %mul3A_793, %add3A_794 : i32
        %add3A_796 = arith.constant 6 : i32
        %add3A_797 = vector.broadcast %add3A_796 : i32 to vector<16xi32>
        %add3A_798 = arith.addi %scan3A_403, %add3A_797 : vector<16xi32>
        %gather3A_799 = tpu.vector_load_idx %arg10[%add3A_798] : memref<360xi32, #tpu.memory_space<vmem>>[vector<16xi32>], vector<16xi32>,
        %bitcast3A_800 = vector.bitcast %gather3A_799 : vector<16xi32> to vector<16xf32>
        %get3A_801 = arith.index_cast %add3A_795 : i32 to index
        %get3A_802 = arith.constant 0 : index
        %get3A_803 = tpu.vector_load %arg7[%get3A_801, %get3A_802] {strides = array<i32>} : memref<120x128xf32, #tpu.memory_space<vmem>>, vector<16xf32>,
        %mul3A_804 = arith.mulf %get3A_803, %bitcast3A_800 : vector<16xf32>
        %swap3A_805 = arith.index_cast %add3A_795 : i32 to index
        %swap3A_806 = arith.constant 0 : index
        %swap3A_807 = tpu.vector_load %arg7[%swap3A_805, %swap3A_806] {strides = array<i32>} : memref<120x128xf32, #tpu.memory_space<vmem>>, vector<16xf32>,
        tpu.vector_store %arg7[%swap3A_805, %swap3A_806], %mul3A_804 {strides = array<i32>} : memref<120x128xf32, #tpu.memory_space<vmem>>, vector<16xf32>,
        %get3A_808 = arith.index_cast %add3A_795 : i32 to index
        %get3A_809 = arith.constant 16 : index
        %get3A_810 = tpu.vector_load %arg7[%get3A_808, %get3A_809] {strides = array<i32>} : memref<120x128xf32, #tpu.memory_space<vmem>>, vector<16xf32>,
        %mul3A_811 = arith.mulf %get3A_810, %bitcast3A_800 : vector<16xf32>
        %swap3A_812 = arith.index_cast %add3A_795 : i32 to index
        %swap3A_813 = arith.constant 16 : index
        %swap3A_814 = tpu.vector_load %arg7[%swap3A_812, %swap3A_813] {strides = array<i32>} : memref<120x128xf32, #tpu.memory_space<vmem>>, vector<16xf32>,
        tpu.vector_store %arg7[%swap3A_812, %swap3A_813], %mul3A_811 {strides = array<i32>} : memref<120x128xf32, #tpu.memory_space<vmem>>, vector<16xf32>,
        %get3A_815 = arith.index_cast %add3A_795 : i32 to index
        %get3A_816 = arith.constant 32 : index
        %get3A_817 = tpu.vector_load %arg7[%get3A_815, %get3A_816] {strides = array<i32>} : memref<120x128xf32, #tpu.memory_space<vmem>>, vector<16xf32>,
        %mul3A_818 = arith.mulf %get3A_817, %bitcast3A_800 : vector<16xf32>
        %swap3A_819 = arith.index_cast %add3A_795 : i32 to index
        %swap3A_820 = arith.constant 32 : index
        %swap3A_821 = tpu.vector_load %arg7[%swap3A_819, %swap3A_820] {strides = array<i32>} : memref<120x128xf32, #tpu.memory_space<vmem>>, vector<16xf32>,
        tpu.vector_store %arg7[%swap3A_819, %swap3A_820], %mul3A_818 {strides = array<i32>} : memref<120x128xf32, #tpu.memory_space<vmem>>, vector<16xf32>,
        %get3A_822 = arith.index_cast %add3A_795 : i32 to index
        %get3A_823 = arith.constant 48 : index
        %get3A_824 = tpu.vector_load %arg7[%get3A_822, %get3A_823] {strides = array<i32>} : memref<120x128xf32, #tpu.memory_space<vmem>>, vector<16xf32>,
        %mul3A_825 = arith.mulf %get3A_824, %bitcast3A_800 : vector<16xf32>
        %swap3A_826 = arith.index_cast %add3A_795 : i32 to index
        %swap3A_827 = arith.constant 48 : index
        %swap3A_828 = tpu.vector_load %arg7[%swap3A_826, %swap3A_827] {strides = array<i32>} : memref<120x128xf32, #tpu.memory_space<vmem>>, vector<16xf32>,
        tpu.vector_store %arg7[%swap3A_826, %swap3A_827], %mul3A_825 {strides = array<i32>} : memref<120x128xf32, #tpu.memory_space<vmem>>, vector<16xf32>,
        %get3A_829 = arith.index_cast %add3A_795 : i32 to index
        %get3A_830 = arith.constant 64 : index
        %get3A_831 = tpu.vector_load %arg7[%get3A_829, %get3A_830] {strides = array<i32>} : memref<120x128xf32, #tpu.memory_space<vmem>>, vector<16xf32>,
        %mul3A_832 = arith.mulf %get3A_831, %bitcast3A_800 : vector<16xf32>
        %swap3A_833 = arith.index_cast %add3A_795 : i32 to index
        %swap3A_834 = arith.constant 64 : index
        %swap3A_835 = tpu.vector_load %arg7[%swap3A_833, %swap3A_834] {strides = array<i32>} : memref<120x128xf32, #tpu.memory_space<vmem>>, vector<16xf32>,
        tpu.vector_store %arg7[%swap3A_833, %swap3A_834], %mul3A_832 {strides = array<i32>} : memref<120x128xf32, #tpu.memory_space<vmem>>, vector<16xf32>,
        %get3A_836 = arith.index_cast %add3A_795 : i32 to index
        %get3A_837 = arith.constant 80 : index
        %get3A_838 = tpu.vector_load %arg7[%get3A_836, %get3A_837] {strides = array<i32>} : memref<120x128xf32, #tpu.memory_space<vmem>>, vector<16xf32>,
        %mul3A_839 = arith.mulf %get3A_838, %bitcast3A_800 : vector<16xf32>
        %swap3A_840 = arith.index_cast %add3A_795 : i32 to index
        %swap3A_841 = arith.constant 80 : index
        %swap3A_842 = tpu.vector_load %arg7[%swap3A_840, %swap3A_841] {strides = array<i32>} : memref<120x128xf32, #tpu.memory_space<vmem>>, vector<16xf32>,
        tpu.vector_store %arg7[%swap3A_840, %swap3A_841], %mul3A_839 {strides = array<i32>} : memref<120x128xf32, #tpu.memory_space<vmem>>, vector<16xf32>,
        %get3A_843 = arith.index_cast %add3A_795 : i32 to index
        %get3A_844 = arith.constant 96 : index
        %get3A_845 = tpu.vector_load %arg7[%get3A_843, %get3A_844] {strides = array<i32>} : memref<120x128xf32, #tpu.memory_space<vmem>>, vector<16xf32>,
        %mul3A_846 = arith.mulf %get3A_845, %bitcast3A_800 : vector<16xf32>
        %swap3A_847 = arith.index_cast %add3A_795 : i32 to index
        %swap3A_848 = arith.constant 96 : index
        %swap3A_849 = tpu.vector_load %arg7[%swap3A_847, %swap3A_848] {strides = array<i32>} : memref<120x128xf32, #tpu.memory_space<vmem>>, vector<16xf32>,
        tpu.vector_store %arg7[%swap3A_847, %swap3A_848], %mul3A_846 {strides = array<i32>} : memref<120x128xf32, #tpu.memory_space<vmem>>, vector<16xf32>,
        %get3A_850 = arith.index_cast %add3A_795 : i32 to index
        %get3A_851 = arith.constant 112 : index
        %get3A_852 = tpu.vector_load %arg7[%get3A_850, %get3A_851] {strides = array<i32>} : memref<120x128xf32, #tpu.memory_space<vmem>>, vector<16xf32>,
        %mul3A_853 = arith.mulf %get3A_852, %bitcast3A_800 : vector<16xf32>
        %swap3A_854 = arith.index_cast %add3A_795 : i32 to index
        %swap3A_855 = arith.constant 112 : index
        %swap3A_856 = tpu.vector_load %arg7[%swap3A_854, %swap3A_855] {strides = array<i32>} : memref<120x128xf32, #tpu.memory_space<vmem>>, vector<16xf32>,
        tpu.vector_store %arg7[%swap3A_854, %swap3A_855], %mul3A_853 {strides = array<i32>} : memref<120x128xf32, #tpu.memory_space<vmem>>, vector<16xf32>,
        %mul3A_857 = arith.constant 8 : i32
        %mul3A_858 = arith.muli %scan3A_402, %mul3A_857 : i32
        %add3A_859 = arith.constant 7 : i32
        %add3A_860 = arith.addi %mul3A_858, %add3A_859 : i32
        %add3A_861 = arith.constant 7 : i32
        %add3A_862 = vector.broadcast %add3A_861 : i32 to vector<16xi32>
        %add3A_863 = arith.addi %scan3A_403, %add3A_862 : vector<16xi32>
        %gather3A_864 = tpu.vector_load_idx %arg10[%add3A_863] : memref<360xi32, #tpu.memory_space<vmem>>[vector<16xi32>], vector<16xi32>,
        %bitcast3A_865 = vector.bitcast %gather3A_864 : vector<16xi32> to vector<16xf32>
        %get3A_866 = arith.index_cast %add3A_860 : i32 to index
        %get3A_867 = arith.constant 0 : index
        %get3A_868 = tpu.vector_load %arg7[%get3A_866, %get3A_867] {strides = array<i32>} : memref<120x128xf32, #tpu.memory_space<vmem>>, vector<16xf32>,
        %mul3A_869 = arith.mulf %get3A_868, %bitcast3A_865 : vector<16xf32>
        %swap3A_870 = arith.index_cast %add3A_860 : i32 to index
        %swap3A_871 = arith.constant 0 : index
        %swap3A_872 = tpu.vector_load %arg7[%swap3A_870, %swap3A_871] {strides = array<i32>} : memref<120x128xf32, #tpu.memory_space<vmem>>, vector<16xf32>,
        tpu.vector_store %arg7[%swap3A_870, %swap3A_871], %mul3A_869 {strides = array<i32>} : memref<120x128xf32, #tpu.memory_space<vmem>>, vector<16xf32>,
        %get3A_873 = arith.index_cast %add3A_860 : i32 to index
        %get3A_874 = arith.constant 16 : index
        %get3A_875 = tpu.vector_load %arg7[%get3A_873, %get3A_874] {strides = array<i32>} : memref<120x128xf32, #tpu.memory_space<vmem>>, vector<16xf32>,
        %mul3A_876 = arith.mulf %get3A_875, %bitcast3A_865 : vector<16xf32>
        %swap3A_877 = arith.index_cast %add3A_860 : i32 to index
        %swap3A_878 = arith.constant 16 : index
        %swap3A_879 = tpu.vector_load %arg7[%swap3A_877, %swap3A_878] {strides = array<i32>} : memref<120x128xf32, #tpu.memory_space<vmem>>, vector<16xf32>,
        tpu.vector_store %arg7[%swap3A_877, %swap3A_878], %mul3A_876 {strides = array<i32>} : memref<120x128xf32, #tpu.memory_space<vmem>>, vector<16xf32>,
        %get3A_880 = arith.index_cast %add3A_860 : i32 to index
        %get3A_881 = arith.constant 32 : index
        %get3A_882 = tpu.vector_load %arg7[%get3A_880, %get3A_881] {strides = array<i32>} : memref<120x128xf32, #tpu.memory_space<vmem>>, vector<16xf32>,
        %mul3A_883 = arith.mulf %get3A_882, %bitcast3A_865 : vector<16xf32>
        %swap3A_884 = arith.index_cast %add3A_860 : i32 to index
        %swap3A_885 = arith.constant 32 : index
        %swap3A_886 = tpu.vector_load %arg7[%swap3A_884, %swap3A_885] {strides = array<i32>} : memref<120x128xf32, #tpu.memory_space<vmem>>, vector<16xf32>,
        tpu.vector_store %arg7[%swap3A_884, %swap3A_885], %mul3A_883 {strides = array<i32>} : memref<120x128xf32, #tpu.memory_space<vmem>>, vector<16xf32>,
        %get3A_887 = arith.index_cast %add3A_860 : i32 to index
        %get3A_888 = arith.constant 48 : index
        %get3A_889 = tpu.vector_load %arg7[%get3A_887, %get3A_888] {strides = array<i32>} : memref<120x128xf32, #tpu.memory_space<vmem>>, vector<16xf32>,
        %mul3A_890 = arith.mulf %get3A_889, %bitcast3A_865 : vector<16xf32>
        %swap3A_891 = arith.index_cast %add3A_860 : i32 to index
        %swap3A_892 = arith.constant 48 : index
        %swap3A_893 = tpu.vector_load %arg7[%swap3A_891, %swap3A_892] {strides = array<i32>} : memref<120x128xf32, #tpu.memory_space<vmem>>, vector<16xf32>,
        tpu.vector_store %arg7[%swap3A_891, %swap3A_892], %mul3A_890 {strides = array<i32>} : memref<120x128xf32, #tpu.memory_space<vmem>>, vector<16xf32>,
        %get3A_894 = arith.index_cast %add3A_860 : i32 to index
        %get3A_895 = arith.constant 64 : index
        %get3A_896 = tpu.vector_load %arg7[%get3A_894, %get3A_895] {strides = array<i32>} : memref<120x128xf32, #tpu.memory_space<vmem>>, vector<16xf32>,
        %mul3A_897 = arith.mulf %get3A_896, %bitcast3A_865 : vector<16xf32>
        %swap3A_898 = arith.index_cast %add3A_860 : i32 to index
        %swap3A_899 = arith.constant 64 : index
        %swap3A_900 = tpu.vector_load %arg7[%swap3A_898, %swap3A_899] {strides = array<i32>} : memref<120x128xf32, #tpu.memory_space<vmem>>, vector<16xf32>,
        tpu.vector_store %arg7[%swap3A_898, %swap3A_899], %mul3A_897 {strides = array<i32>} : memref<120x128xf32, #tpu.memory_space<vmem>>, vector<16xf32>,
        %get3A_901 = arith.index_cast %add3A_860 : i32 to index
        %get3A_902 = arith.constant 80 : index
        %get3A_903 = tpu.vector_load %arg7[%get3A_901, %get3A_902] {strides = array<i32>} : memref<120x128xf32, #tpu.memory_space<vmem>>, vector<16xf32>,
        %mul3A_904 = arith.mulf %get3A_903, %bitcast3A_865 : vector<16xf32>
        %swap3A_905 = arith.index_cast %add3A_860 : i32 to index
        %swap3A_906 = arith.constant 80 : index
        %swap3A_907 = tpu.vector_load %arg7[%swap3A_905, %swap3A_906] {strides = array<i32>} : memref<120x128xf32, #tpu.memory_space<vmem>>, vector<16xf32>,
        tpu.vector_store %arg7[%swap3A_905, %swap3A_906], %mul3A_904 {strides = array<i32>} : memref<120x128xf32, #tpu.memory_space<vmem>>, vector<16xf32>,
        %get3A_908 = arith.index_cast %add3A_860 : i32 to index
        %get3A_909 = arith.constant 96 : index
        %get3A_910 = tpu.vector_load %arg7[%get3A_908, %get3A_909] {strides = array<i32>} : memref<120x128xf32, #tpu.memory_space<vmem>>, vector<16xf32>,
        %mul3A_911 = arith.mulf %get3A_910, %bitcast3A_865 : vector<16xf32>
        %swap3A_912 = arith.index_cast %add3A_860 : i32 to index
        %swap3A_913 = arith.constant 96 : index
        %swap3A_914 = tpu.vector_load %arg7[%swap3A_912, %swap3A_913] {strides = array<i32>} : memref<120x128xf32, #tpu.memory_space<vmem>>, vector<16xf32>,
        tpu.vector_store %arg7[%swap3A_912, %swap3A_913], %mul3A_911 {strides = array<i32>} : memref<120x128xf32, #tpu.memory_space<vmem>>, vector<16xf32>,
        %get3A_915 = arith.index_cast %add3A_860 : i32 to index
        %get3A_916 = arith.constant 112 : index
        %get3A_917 = tpu.vector_load %arg7[%get3A_915, %get3A_916] {strides = array<i32>} : memref<120x128xf32, #tpu.memory_space<vmem>>, vector<16xf32>,
        %mul3A_918 = arith.mulf %get3A_917, %bitcast3A_865 : vector<16xf32>
        %swap3A_919 = arith.index_cast %add3A_860 : i32 to index
        %swap3A_920 = arith.constant 112 : index
        %swap3A_921 = tpu.vector_load %arg7[%swap3A_919, %swap3A_920] {strides = array<i32>} : memref<120x128xf32, #tpu.memory_space<vmem>>, vector<16xf32>,
        tpu.vector_store %arg7[%swap3A_919, %swap3A_920], %mul3A_918 {strides = array<i32>} : memref<120x128xf32, #tpu.memory_space<vmem>>, vector<16xf32>,
        %add3A_922 = arith.constant 8 : i32
        %add3A_923 = vector.broadcast %add3A_922 : i32 to vector<16xi32>
        %add3A_924 = arith.addi %scan3A_403, %add3A_923 : vector<16xi32>
        scf.yield %add3A_924 : vector<16xi32>
      }
      %scan3A_257 = arith.constant 15 : i32
      %get3A_258 = arith.constant 120 : index
      %get3A_259 = tpu.vector_load %arg10[%get3A_258] {strides = array<i32>} : memref<360xi32, #tpu.memory_space<vmem>>, vector<16xi32>,
      %swap3A_260 = arith.constant 0 : index
      %swap3A_261 = tpu.vector_load %arg13[%swap3A_260] {strides = array<i32>} : memref<120xi32, #tpu.memory_space<vmem>>, vector<16xi32>,
      tpu.vector_store %arg13[%swap3A_260], %get3A_259 {strides = array<i32>} : memref<120xi32, #tpu.memory_space<vmem>>, vector<16xi32>,
      %get3A_262 = arith.constant 136 : index
      %get3A_263 = tpu.vector_load %arg10[%get3A_262] {strides = array<i32>} : memref<360xi32, #tpu.memory_space<vmem>>, vector<16xi32>,
      %swap3A_264 = arith.constant 16 : index
      %swap3A_265 = tpu.vector_load %arg13[%swap3A_264] {strides = array<i32>} : memref<120xi32, #tpu.memory_space<vmem>>, vector<16xi32>,
      tpu.vector_store %arg13[%swap3A_264], %get3A_263 {strides = array<i32>} : memref<120xi32, #tpu.memory_space<vmem>>, vector<16xi32>,
      %get3A_266 = arith.constant 152 : index
      %get3A_267 = tpu.vector_load %arg10[%get3A_266] {strides = array<i32>} : memref<360xi32, #tpu.memory_space<vmem>>, vector<16xi32>,
      %swap3A_268 = arith.constant 32 : index
      %swap3A_269 = tpu.vector_load %arg13[%swap3A_268] {strides = array<i32>} : memref<120xi32, #tpu.memory_space<vmem>>, vector<16xi32>,
      tpu.vector_store %arg13[%swap3A_268], %get3A_267 {strides = array<i32>} : memref<120xi32, #tpu.memory_space<vmem>>, vector<16xi32>,
      %get3A_270 = arith.constant 168 : index
      %get3A_271 = tpu.vector_load %arg10[%get3A_270] {strides = array<i32>} : memref<360xi32, #tpu.memory_space<vmem>>, vector<16xi32>,
      %swap3A_272 = arith.constant 48 : index
      %swap3A_273 = tpu.vector_load %arg13[%swap3A_272] {strides = array<i32>} : memref<120xi32, #tpu.memory_space<vmem>>, vector<16xi32>,
      tpu.vector_store %arg13[%swap3A_272], %get3A_271 {strides = array<i32>} : memref<120xi32, #tpu.memory_space<vmem>>, vector<16xi32>,
      %get3A_274 = arith.constant 184 : index
      %get3A_275 = tpu.vector_load %arg10[%get3A_274] {strides = array<i32>} : memref<360xi32, #tpu.memory_space<vmem>>, vector<16xi32>,
      %swap3A_276 = arith.constant 64 : index
      %swap3A_277 = tpu.vector_load %arg13[%swap3A_276] {strides = array<i32>} : memref<120xi32, #tpu.memory_space<vmem>>, vector<16xi32>,
      tpu.vector_store %arg13[%swap3A_276], %get3A_275 {strides = array<i32>} : memref<120xi32, #tpu.memory_space<vmem>>, vector<16xi32>,
      %get3A_278 = arith.constant 200 : index
      %get3A_279 = tpu.vector_load %arg10[%get3A_278] {strides = array<i32>} : memref<360xi32, #tpu.memory_space<vmem>>, vector<16xi32>,
      %swap3A_280 = arith.constant 80 : index
      %swap3A_281 = tpu.vector_load %arg13[%swap3A_280] {strides = array<i32>} : memref<120xi32, #tpu.memory_space<vmem>>, vector<16xi32>,
      tpu.vector_store %arg13[%swap3A_280], %get3A_279 {strides = array<i32>} : memref<120xi32, #tpu.memory_space<vmem>>, vector<16xi32>,
      %get3A_282 = arith.constant 216 : index
      %get3A_283 = tpu.vector_load %arg10[%get3A_282] {strides = array<i32>} : memref<360xi32, #tpu.memory_space<vmem>>, vector<16xi32>,
      %swap3A_284 = arith.constant 96 : index
      %swap3A_285 = tpu.vector_load %arg13[%swap3A_284] {strides = array<i32>} : memref<120xi32, #tpu.memory_space<vmem>>, vector<16xi32>,
      tpu.vector_store %arg13[%swap3A_284], %get3A_283 {strides = array<i32>} : memref<120xi32, #tpu.memory_space<vmem>>, vector<16xi32>,
      %get3A_286 = arith.constant 224 : index
      %get3A_287 = tpu.vector_load %arg10[%get3A_286] {strides = array<i32>} : memref<360xi32, #tpu.memory_space<vmem>>, vector<16xi32>,
      %swap3A_288 = arith.constant 104 : index
      %swap3A_289 = tpu.vector_load %arg13[%swap3A_288] {strides = array<i32>} : memref<120xi32, #tpu.memory_space<vmem>>, vector<16xi32>,
      tpu.vector_store %arg13[%swap3A_288], %get3A_287 {strides = array<i32>} : memref<120xi32, #tpu.memory_space<vmem>>, vector<16xi32>,
      %dma_start3A_290 = arith.constant 0 : i32
      %dma_start3A_291 = arith.constant 0 : i32
      %dma_start3A_292 = tpu.memref_slice %arg5[%dma_start3A_290, %dma_start3A_291] : memref<10240x128xf32, #tpu.memory_space<vmem_shared>> -> memref<10240x128xf32, #tpu.memory_space<vmem_shared>>
      tpu.enqueue_indirect_dma source(%arg7 : memref<120x128xf32, #tpu.memory_space<vmem>>) target(%dma_start3A_292 : memref<10240x128xf32, #tpu.memory_space<vmem_shared>>) offsets(%arg13 : memref<120xi32, #tpu.memory_space<vmem>>) semaphore(%arg19 : memref<!tpu.dma_semaphore, #tpu.memory_space<semaphore_mem>>) {add = true}
      %add3A_293 = arith.constant 3 : i32
      %add3A_294 = arith.addi %add3A_225, %add3A_293 : i32
      %lt3A_295 = arith.constant 168 : i32
      %lt3A_296 = arith.cmpi slt, %add3A_294, %lt3A_295 : i32
      %convert_element_type3A_297 = arith.extui %lt3A_296 : i1 to i32
      %cond3A_298 = arith.constant 0 : i32
      %cond3A_299 = arith.cmpi ne, %convert_element_type3A_297, %cond3A_298 : i32
      scf.if %cond3A_299 {
        %add3A_402 = arith.addi %mul3A_0, %add3A_294 : i32
        %mul3A_403 = arith.constant 3 : i32
        %mul3A_404 = arith.muli %add3A_402, %mul3A_403 : i32
        %mul3A_405 = arith.constant 120 : i32
        %mul3A_406 = arith.muli %mul3A_404, %mul3A_405 : i32
        %multiple_of3A_407 = tpu.assume_multiple %mul3A_406, 360 : i32
        %dma_start3A_408 = tpu.memref_slice %arg3[%multiple_of3A_407] : memref<967680xi32, #tpu.memory_space<hbm>> -> memref<360xi32, #tpu.memory_space<hbm>>
        %dma_start3A_409 = tpu.memref_slice %arg3[%multiple_of3A_407] : memref<967680xi32, #tpu.memory_space<hbm>> -> memref<360xi32, #tpu.memory_space<hbm>>
        tpu.enqueue_dma source(%dma_start3A_409 : memref<360xi32, #tpu.memory_space<hbm>>) target(%arg10 : memref<360xi32, #tpu.memory_space<vmem>>) target_semaphore(%arg22 : memref<!tpu.dma_semaphore, #tpu.memory_space<semaphore_mem>>)
      } else {
      }
      %sub3A_300 = arith.constant 1 : i32
      %sub3A_301 = arith.subi %add3A_225, %sub3A_300 : i32
      %add3A_302 = arith.constant 3 : i32
      %add3A_303 = arith.addi %sub3A_301, %add3A_302 : i32
      %dma_wait3A_304 = arith.constant 0 : i32
      %dma_wait3A_305 = arith.constant 0 : i32
      %dma_wait3A_306 = tpu.memref_slice %arg5[%dma_wait3A_304, %dma_wait3A_305] : memref<10240x128xf32, #tpu.memory_space<vmem_shared>> -> memref<10240x128xf32, #tpu.memory_space<vmem_shared>>
      tpu.wait_indirect_dma semaphore(%arg18 : memref<!tpu.dma_semaphore, #tpu.memory_space<semaphore_mem>>) src(%arg6 : memref<120x128xf32, #tpu.memory_space<vmem>>) dst(%dma_wait3A_306 : memref<10240x128xf32, #tpu.memory_space<vmem_shared>>)
      %lt3A_307 = arith.constant 168 : i32
      %lt3A_308 = arith.cmpi slt, %add3A_303, %lt3A_307 : i32
      %convert_element_type3A_309 = arith.extui %lt3A_308 : i1 to i32
      %cond3A_310 = arith.constant 0 : i32
      %cond3A_311 = arith.cmpi ne, %convert_element_type3A_309, %cond3A_310 : i32
      scf.if %cond3A_311 {
        %dma_wait3A_402 = arith.constant 0 : i32
        %dma_wait3A_403 = tpu.memref_slice %arg3[%dma_wait3A_402] : memref<967680xi32, #tpu.memory_space<hbm>> -> memref<360xi32, #tpu.memory_space<hbm>>
        %dma_wait3A_404 = arith.constant 0 : i32
        %dma_wait3A_405 = tpu.memref_slice %arg3[%dma_wait3A_404] : memref<967680xi32, #tpu.memory_space<hbm>> -> memref<360xi32, #tpu.memory_space<hbm>>
        tpu.wait_dma2 semaphore(%arg21 : memref<!tpu.dma_semaphore, #tpu.memory_space<semaphore_mem>>) src(%dma_wait3A_405 : memref<360xi32, #tpu.memory_space<hbm>>) dst(%arg9 : memref<360xi32, #tpu.memory_space<vmem>>)
        %dma_start3A_406 = arith.constant 0 : i32
        %dma_start3A_407 = arith.constant 0 : i32
        %dma_start3A_408 = tpu.memref_slice %arg6[%dma_start3A_406, %dma_start3A_407] : memref<120x128xf32, #tpu.memory_space<vmem>> -> memref<64x128xf32, #tpu.memory_space<vmem>>
        %dma_start3A_409 = arith.constant 0 : i32
        %dma_start3A_410 = tpu.memref_slice %arg9[%dma_start3A_409] : memref<360xi32, #tpu.memory_space<vmem>> -> memref<64xi32, #tpu.memory_space<vmem>>
        %dma_start3A_411 = arith.constant 0 : i32
        %dma_start3A_412 = arith.constant 0 : i32
        %dma_start3A_413 = tpu.memref_slice %arg2[%arg0, %dma_start3A_411, %dma_start3A_412] : memref<2x10000x128xf32, #tpu.memory_space<hbm>> -> memref<1x10000x128xf32, #tpu.memory_space<hbm>>
        %dma_start3A_414 = tpu.memref_squeeze %dma_start3A_413 : memref<1x10000x128xf32, #tpu.memory_space<hbm>> -> memref<10000x128xf32, #tpu.memory_space<hbm>>
        %dma_start3A_415 = arith.constant 0 : i32
        %dma_start3A_416 = arith.constant 0 : i32
        %dma_start3A_417 = tpu.memref_slice %dma_start3A_414[%dma_start3A_415, %dma_start3A_416] : memref<10000x128xf32, #tpu.memory_space<hbm>> -> memref<10000x128xf32, #tpu.memory_space<hbm>>
        tpu.enqueue_indirect_dma source(%dma_start3A_417 : memref<10000x128xf32, #tpu.memory_space<hbm>>) target(%dma_start3A_408 : memref<64x128xf32, #tpu.memory_space<vmem>>) offsets(%dma_start3A_410 : memref<64xi32, #tpu.memory_space<vmem>>) semaphore(%arg15 : memref<!tpu.dma_semaphore, #tpu.memory_space<semaphore_mem>>)
        %dma_start3A_418 = arith.constant 64 : i32
        %dma_start3A_419 = arith.constant 0 : i32
        %dma_start3A_420 = tpu.memref_slice %arg6[%dma_start3A_418, %dma_start3A_419] : memref<120x128xf32, #tpu.memory_space<vmem>> -> memref<56x128xf32, #tpu.memory_space<vmem>>
        %dma_start3A_421 = arith.constant 64 : i32
        %dma_start3A_422 = tpu.memref_slice %arg9[%dma_start3A_421] : memref<360xi32, #tpu.memory_space<vmem>> -> memref<56xi32, #tpu.memory_space<vmem>>
        %dma_start3A_423 = arith.constant 0 : i32
        %dma_start3A_424 = arith.constant 0 : i32
        %dma_start3A_425 = tpu.memref_slice %arg2[%arg0, %dma_start3A_423, %dma_start3A_424] : memref<2x10000x128xf32, #tpu.memory_space<hbm>> -> memref<1x10000x128xf32, #tpu.memory_space<hbm>>
        %dma_start3A_426 = tpu.memref_squeeze %dma_start3A_425 : memref<1x10000x128xf32, #tpu.memory_space<hbm>> -> memref<10000x128xf32, #tpu.memory_space<hbm>>
        %dma_start3A_427 = arith.constant 0 : i32
        %dma_start3A_428 = arith.constant 0 : i32
        %dma_start3A_429 = tpu.memref_slice %dma_start3A_426[%dma_start3A_427, %dma_start3A_428] : memref<10000x128xf32, #tpu.memory_space<hbm>> -> memref<10000x128xf32, #tpu.memory_space<hbm>>
        tpu.enqueue_indirect_dma source(%dma_start3A_429 : memref<10000x128xf32, #tpu.memory_space<hbm>>) target(%dma_start3A_420 : memref<56x128xf32, #tpu.memory_space<vmem>>) offsets(%dma_start3A_422 : memref<56xi32, #tpu.memory_space<vmem>>) semaphore(%arg15 : memref<!tpu.dma_semaphore, #tpu.memory_space<semaphore_mem>>)
      } else {
      }
      %mul3A_312 = arith.constant 3 : i32
      %mul3A_313 = arith.muli %scan3A_141, %mul3A_312 : i32
      %add3A_314 = arith.constant 2 : i32
      %add3A_315 = arith.addi %mul3A_313, %add3A_314 : i32
      %dma_wait3A_316 = arith.constant 0 : i32
      %dma_wait3A_317 = arith.constant 0 : i32
      %dma_wait3A_318 = tpu.memref_slice %arg8[%dma_wait3A_316, %dma_wait3A_317] : memref<120x128xf32, #tpu.memory_space<vmem>> -> memref<64x128xf32, #tpu.memory_space<vmem>>
      %dma_wait3A_319 = arith.constant 0 : i32
      %dma_wait3A_320 = tpu.memref_slice %arg11[%dma_wait3A_319] : memref<360xi32, #tpu.memory_space<vmem>> -> memref<64xi32, #tpu.memory_space<vmem>>
      %dma_wait3A_321 = arith.constant 0 : i32
      %dma_wait3A_322 = arith.constant 0 : i32
      %dma_wait3A_323 = tpu.memref_slice %arg2[%arg0, %dma_wait3A_321, %dma_wait3A_322] : memref<2x10000x128xf32, #tpu.memory_space<hbm>> -> memref<1x10000x128xf32, #tpu.memory_space<hbm>>
      %dma_wait3A_324 = tpu.memref_squeeze %dma_wait3A_323 : memref<1x10000x128xf32, #tpu.memory_space<hbm>> -> memref<10000x128xf32, #tpu.memory_space<hbm>>
      %dma_wait3A_325 = arith.constant 0 : i32
      %dma_wait3A_326 = arith.constant 0 : i32
      %dma_wait3A_327 = tpu.memref_slice %dma_wait3A_324[%dma_wait3A_325, %dma_wait3A_326] : memref<10000x128xf32, #tpu.memory_space<hbm>> -> memref<10000x128xf32, #tpu.memory_space<hbm>>
      tpu.wait_indirect_dma semaphore(%arg17 : memref<!tpu.dma_semaphore, #tpu.memory_space<semaphore_mem>>) src(%dma_wait3A_327 : memref<10000x128xf32, #tpu.memory_space<hbm>>) dst(%dma_wait3A_318 : memref<64x128xf32, #tpu.memory_space<vmem>>)
      %dma_wait3A_328 = arith.constant 64 : i32
      %dma_wait3A_329 = arith.constant 0 : i32
      %dma_wait3A_330 = tpu.memref_slice %arg8[%dma_wait3A_328, %dma_wait3A_329] : memref<120x128xf32, #tpu.memory_space<vmem>> -> memref<56x128xf32, #tpu.memory_space<vmem>>
      %dma_wait3A_331 = arith.constant 64 : i32
      %dma_wait3A_332 = tpu.memref_slice %arg11[%dma_wait3A_331] : memref<360xi32, #tpu.memory_space<vmem>> -> memref<56xi32, #tpu.memory_space<vmem>>
      %dma_wait3A_333 = arith.constant 0 : i32
      %dma_wait3A_334 = arith.constant 0 : i32
      %dma_wait3A_335 = tpu.memref_slice %arg2[%arg0, %dma_wait3A_333, %dma_wait3A_334] : memref<2x10000x128xf32, #tpu.memory_space<hbm>> -> memref<1x10000x128xf32, #tpu.memory_space<hbm>>
      %dma_wait3A_336 = tpu.memref_squeeze %dma_wait3A_335 : memref<1x10000x128xf32, #tpu.memory_space<hbm>> -> memref<10000x128xf32, #tpu.memory_space<hbm>>
      %dma_wait3A_337 = arith.constant 0 : i32
      %dma_wait3A_338 = arith.constant 0 : i32
      %dma_wait3A_339 = tpu.memref_slice %dma_wait3A_336[%dma_wait3A_337, %dma_wait3A_338] : memref<10000x128xf32, #tpu.memory_space<hbm>> -> memref<10000x128xf32, #tpu.memory_space<hbm>>
      tpu.wait_indirect_dma semaphore(%arg17 : memref<!tpu.dma_semaphore, #tpu.memory_space<semaphore_mem>>) src(%dma_wait3A_339 : memref<10000x128xf32, #tpu.memory_space<hbm>>) dst(%dma_wait3A_330 : memref<56x128xf32, #tpu.memory_space<vmem>>)
      %broadcast_in_dim3A_340 = arith.constant 240 : i32
      %broadcast_in_dim3A_341 = vector.broadcast %broadcast_in_dim3A_340 : i32 to vector<16xi32>
      %scan3A_342 = arith.constant 0 : i32
      %scan3A_343 = arith.constant 15 : i32
      %scan3A_344 = arith.addi %scan3A_342, %scan3A_343 : i32
      %scan3A_345 = arith.constant 1 : i32
      %scan3A_346 = scf.for %scan3A_402 = %scan3A_342 to %scan3A_344 step %scan3A_345 iter_args(%scan3A_403 = %broadcast_in_dim3A_341) -> (vector<16xi32>)  : i32 {
        %mul3A_404 = arith.constant 8 : i32
        %mul3A_405 = arith.muli %scan3A_402, %mul3A_404 : i32
        %add3A_406 = arith.constant 0 : i32
        %add3A_407 = arith.addi %mul3A_405, %add3A_406 : i32
        %add3A_408 = arith.constant 0 : i32
        %add3A_409 = vector.broadcast %add3A_408 : i32 to vector<16xi32>
        %add3A_410 = arith.addi %scan3A_403, %add3A_409 : vector<16xi32>
        %gather3A = tpu.vector_load_idx %arg11[%add3A_410] : memref<360xi32, #tpu.memory_space<vmem>>[vector<16xi32>], vector<16xi32>,
        %bitcast3A = vector.bitcast %gather3A : vector<16xi32> to vector<16xf32>
        %get3A_411 = arith.index_cast %add3A_407 : i32 to index
        %get3A_412 = arith.constant 0 : index
        %get3A_413 = tpu.vector_load %arg8[%get3A_411, %get3A_412] {strides = array<i32>} : memref<120x128xf32, #tpu.memory_space<vmem>>, vector<16xf32>,
        %mul3A_414 = arith.mulf %get3A_413, %bitcast3A : vector<16xf32>
        %swap3A_415 = arith.index_cast %add3A_407 : i32 to index
        %swap3A_416 = arith.constant 0 : index
        %swap3A_417 = tpu.vector_load %arg8[%swap3A_415, %swap3A_416] {strides = array<i32>} : memref<120x128xf32, #tpu.memory_space<vmem>>, vector<16xf32>,
        tpu.vector_store %arg8[%swap3A_415, %swap3A_416], %mul3A_414 {strides = array<i32>} : memref<120x128xf32, #tpu.memory_space<vmem>>, vector<16xf32>,
        %get3A_418 = arith.index_cast %add3A_407 : i32 to index
        %get3A_419 = arith.constant 16 : index
        %get3A_420 = tpu.vector_load %arg8[%get3A_418, %get3A_419] {strides = array<i32>} : memref<120x128xf32, #tpu.memory_space<vmem>>, vector<16xf32>,
        %mul3A_421 = arith.mulf %get3A_420, %bitcast3A : vector<16xf32>
        %swap3A_422 = arith.index_cast %add3A_407 : i32 to index
        %swap3A_423 = arith.constant 16 : index
        %swap3A_424 = tpu.vector_load %arg8[%swap3A_422, %swap3A_423] {strides = array<i32>} : memref<120x128xf32, #tpu.memory_space<vmem>>, vector<16xf32>,
        tpu.vector_store %arg8[%swap3A_422, %swap3A_423], %mul3A_421 {strides = array<i32>} : memref<120x128xf32, #tpu.memory_space<vmem>>, vector<16xf32>,
        %get3A_425 = arith.index_cast %add3A_407 : i32 to index
        %get3A_426 = arith.constant 32 : index
        %get3A_427 = tpu.vector_load %arg8[%get3A_425, %get3A_426] {strides = array<i32>} : memref<120x128xf32, #tpu.memory_space<vmem>>, vector<16xf32>,
        %mul3A_428 = arith.mulf %get3A_427, %bitcast3A : vector<16xf32>
        %swap3A_429 = arith.index_cast %add3A_407 : i32 to index
        %swap3A_430 = arith.constant 32 : index
        %swap3A_431 = tpu.vector_load %arg8[%swap3A_429, %swap3A_430] {strides = array<i32>} : memref<120x128xf32, #tpu.memory_space<vmem>>, vector<16xf32>,
        tpu.vector_store %arg8[%swap3A_429, %swap3A_430], %mul3A_428 {strides = array<i32>} : memref<120x128xf32, #tpu.memory_space<vmem>>, vector<16xf32>,
        %get3A_432 = arith.index_cast %add3A_407 : i32 to index
        %get3A_433 = arith.constant 48 : index
        %get3A_434 = tpu.vector_load %arg8[%get3A_432, %get3A_433] {strides = array<i32>} : memref<120x128xf32, #tpu.memory_space<vmem>>, vector<16xf32>,
        %mul3A_435 = arith.mulf %get3A_434, %bitcast3A : vector<16xf32>
        %swap3A_436 = arith.index_cast %add3A_407 : i32 to index
        %swap3A_437 = arith.constant 48 : index
        %swap3A_438 = tpu.vector_load %arg8[%swap3A_436, %swap3A_437] {strides = array<i32>} : memref<120x128xf32, #tpu.memory_space<vmem>>, vector<16xf32>,
        tpu.vector_store %arg8[%swap3A_436, %swap3A_437], %mul3A_435 {strides = array<i32>} : memref<120x128xf32, #tpu.memory_space<vmem>>, vector<16xf32>,
        %get3A_439 = arith.index_cast %add3A_407 : i32 to index
        %get3A_440 = arith.constant 64 : index
        %get3A_441 = tpu.vector_load %arg8[%get3A_439, %get3A_440] {strides = array<i32>} : memref<120x128xf32, #tpu.memory_space<vmem>>, vector<16xf32>,
        %mul3A_442 = arith.mulf %get3A_441, %bitcast3A : vector<16xf32>
        %swap3A_443 = arith.index_cast %add3A_407 : i32 to index
        %swap3A_444 = arith.constant 64 : index
        %swap3A_445 = tpu.vector_load %arg8[%swap3A_443, %swap3A_444] {strides = array<i32>} : memref<120x128xf32, #tpu.memory_space<vmem>>, vector<16xf32>,
        tpu.vector_store %arg8[%swap3A_443, %swap3A_444], %mul3A_442 {strides = array<i32>} : memref<120x128xf32, #tpu.memory_space<vmem>>, vector<16xf32>,
        %get3A_446 = arith.index_cast %add3A_407 : i32 to index
        %get3A_447 = arith.constant 80 : index
        %get3A_448 = tpu.vector_load %arg8[%get3A_446, %get3A_447] {strides = array<i32>} : memref<120x128xf32, #tpu.memory_space<vmem>>, vector<16xf32>,
        %mul3A_449 = arith.mulf %get3A_448, %bitcast3A : vector<16xf32>
        %swap3A_450 = arith.index_cast %add3A_407 : i32 to index
        %swap3A_451 = arith.constant 80 : index
        %swap3A_452 = tpu.vector_load %arg8[%swap3A_450, %swap3A_451] {strides = array<i32>} : memref<120x128xf32, #tpu.memory_space<vmem>>, vector<16xf32>,
        tpu.vector_store %arg8[%swap3A_450, %swap3A_451], %mul3A_449 {strides = array<i32>} : memref<120x128xf32, #tpu.memory_space<vmem>>, vector<16xf32>,
        %get3A_453 = arith.index_cast %add3A_407 : i32 to index
        %get3A_454 = arith.constant 96 : index
        %get3A_455 = tpu.vector_load %arg8[%get3A_453, %get3A_454] {strides = array<i32>} : memref<120x128xf32, #tpu.memory_space<vmem>>, vector<16xf32>,
        %mul3A_456 = arith.mulf %get3A_455, %bitcast3A : vector<16xf32>
        %swap3A_457 = arith.index_cast %add3A_407 : i32 to index
        %swap3A_458 = arith.constant 96 : index
        %swap3A_459 = tpu.vector_load %arg8[%swap3A_457, %swap3A_458] {strides = array<i32>} : memref<120x128xf32, #tpu.memory_space<vmem>>, vector<16xf32>,
        tpu.vector_store %arg8[%swap3A_457, %swap3A_458], %mul3A_456 {strides = array<i32>} : memref<120x128xf32, #tpu.memory_space<vmem>>, vector<16xf32>,
        %get3A_460 = arith.index_cast %add3A_407 : i32 to index
        %get3A_461 = arith.constant 112 : index
        %get3A_462 = tpu.vector_load %arg8[%get3A_460, %get3A_461] {strides = array<i32>} : memref<120x128xf32, #tpu.memory_space<vmem>>, vector<16xf32>,
        %mul3A_463 = arith.mulf %get3A_462, %bitcast3A : vector<16xf32>
        %swap3A_464 = arith.index_cast %add3A_407 : i32 to index
        %swap3A_465 = arith.constant 112 : index
        %swap3A_466 = tpu.vector_load %arg8[%swap3A_464, %swap3A_465] {strides = array<i32>} : memref<120x128xf32, #tpu.memory_space<vmem>>, vector<16xf32>,
        tpu.vector_store %arg8[%swap3A_464, %swap3A_465], %mul3A_463 {strides = array<i32>} : memref<120x128xf32, #tpu.memory_space<vmem>>, vector<16xf32>,
        %mul3A_467 = arith.constant 8 : i32
        %mul3A_468 = arith.muli %scan3A_402, %mul3A_467 : i32
        %add3A_469 = arith.constant 1 : i32
        %add3A_470 = arith.addi %mul3A_468, %add3A_469 : i32
        %add3A_471 = arith.constant 1 : i32
        %add3A_472 = vector.broadcast %add3A_471 : i32 to vector<16xi32>
        %add3A_473 = arith.addi %scan3A_403, %add3A_472 : vector<16xi32>
        %gather3A_474 = tpu.vector_load_idx %arg11[%add3A_473] : memref<360xi32, #tpu.memory_space<vmem>>[vector<16xi32>], vector<16xi32>,
        %bitcast3A_475 = vector.bitcast %gather3A_474 : vector<16xi32> to vector<16xf32>
        %get3A_476 = arith.index_cast %add3A_470 : i32 to index
        %get3A_477 = arith.constant 0 : index
        %get3A_478 = tpu.vector_load %arg8[%get3A_476, %get3A_477] {strides = array<i32>} : memref<120x128xf32, #tpu.memory_space<vmem>>, vector<16xf32>,
        %mul3A_479 = arith.mulf %get3A_478, %bitcast3A_475 : vector<16xf32>
        %swap3A_480 = arith.index_cast %add3A_470 : i32 to index
        %swap3A_481 = arith.constant 0 : index
        %swap3A_482 = tpu.vector_load %arg8[%swap3A_480, %swap3A_481] {strides = array<i32>} : memref<120x128xf32, #tpu.memory_space<vmem>>, vector<16xf32>,
        tpu.vector_store %arg8[%swap3A_480, %swap3A_481], %mul3A_479 {strides = array<i32>} : memref<120x128xf32, #tpu.memory_space<vmem>>, vector<16xf32>,
        %get3A_483 = arith.index_cast %add3A_470 : i32 to index
        %get3A_484 = arith.constant 16 : index
        %get3A_485 = tpu.vector_load %arg8[%get3A_483, %get3A_484] {strides = array<i32>} : memref<120x128xf32, #tpu.memory_space<vmem>>, vector<16xf32>,
        %mul3A_486 = arith.mulf %get3A_485, %bitcast3A_475 : vector<16xf32>
        %swap3A_487 = arith.index_cast %add3A_470 : i32 to index
        %swap3A_488 = arith.constant 16 : index
        %swap3A_489 = tpu.vector_load %arg8[%swap3A_487, %swap3A_488] {strides = array<i32>} : memref<120x128xf32, #tpu.memory_space<vmem>>, vector<16xf32>,
        tpu.vector_store %arg8[%swap3A_487, %swap3A_488], %mul3A_486 {strides = array<i32>} : memref<120x128xf32, #tpu.memory_space<vmem>>, vector<16xf32>,
        %get3A_490 = arith.index_cast %add3A_470 : i32 to index
        %get3A_491 = arith.constant 32 : index
        %get3A_492 = tpu.vector_load %arg8[%get3A_490, %get3A_491] {strides = array<i32>} : memref<120x128xf32, #tpu.memory_space<vmem>>, vector<16xf32>,
        %mul3A_493 = arith.mulf %get3A_492, %bitcast3A_475 : vector<16xf32>
        %swap3A_494 = arith.index_cast %add3A_470 : i32 to index
        %swap3A_495 = arith.constant 32 : index
        %swap3A_496 = tpu.vector_load %arg8[%swap3A_494, %swap3A_495] {strides = array<i32>} : memref<120x128xf32, #tpu.memory_space<vmem>>, vector<16xf32>,
        tpu.vector_store %arg8[%swap3A_494, %swap3A_495], %mul3A_493 {strides = array<i32>} : memref<120x128xf32, #tpu.memory_space<vmem>>, vector<16xf32>,
        %get3A_497 = arith.index_cast %add3A_470 : i32 to index
        %get3A_498 = arith.constant 48 : index
        %get3A_499 = tpu.vector_load %arg8[%get3A_497, %get3A_498] {strides = array<i32>} : memref<120x128xf32, #tpu.memory_space<vmem>>, vector<16xf32>,
        %mul3A_500 = arith.mulf %get3A_499, %bitcast3A_475 : vector<16xf32>
        %swap3A_501 = arith.index_cast %add3A_470 : i32 to index
        %swap3A_502 = arith.constant 48 : index
        %swap3A_503 = tpu.vector_load %arg8[%swap3A_501, %swap3A_502] {strides = array<i32>} : memref<120x128xf32, #tpu.memory_space<vmem>>, vector<16xf32>,
        tpu.vector_store %arg8[%swap3A_501, %swap3A_502], %mul3A_500 {strides = array<i32>} : memref<120x128xf32, #tpu.memory_space<vmem>>, vector<16xf32>,
        %get3A_504 = arith.index_cast %add3A_470 : i32 to index
        %get3A_505 = arith.constant 64 : index
        %get3A_506 = tpu.vector_load %arg8[%get3A_504, %get3A_505] {strides = array<i32>} : memref<120x128xf32, #tpu.memory_space<vmem>>, vector<16xf32>,
        %mul3A_507 = arith.mulf %get3A_506, %bitcast3A_475 : vector<16xf32>
        %swap3A_508 = arith.index_cast %add3A_470 : i32 to index
        %swap3A_509 = arith.constant 64 : index
        %swap3A_510 = tpu.vector_load %arg8[%swap3A_508, %swap3A_509] {strides = array<i32>} : memref<120x128xf32, #tpu.memory_space<vmem>>, vector<16xf32>,
        tpu.vector_store %arg8[%swap3A_508, %swap3A_509], %mul3A_507 {strides = array<i32>} : memref<120x128xf32, #tpu.memory_space<vmem>>, vector<16xf32>,
        %get3A_511 = arith.index_cast %add3A_470 : i32 to index
        %get3A_512 = arith.constant 80 : index
        %get3A_513 = tpu.vector_load %arg8[%get3A_511, %get3A_512] {strides = array<i32>} : memref<120x128xf32, #tpu.memory_space<vmem>>, vector<16xf32>,
        %mul3A_514 = arith.mulf %get3A_513, %bitcast3A_475 : vector<16xf32>
        %swap3A_515 = arith.index_cast %add3A_470 : i32 to index
        %swap3A_516 = arith.constant 80 : index
        %swap3A_517 = tpu.vector_load %arg8[%swap3A_515, %swap3A_516] {strides = array<i32>} : memref<120x128xf32, #tpu.memory_space<vmem>>, vector<16xf32>,
        tpu.vector_store %arg8[%swap3A_515, %swap3A_516], %mul3A_514 {strides = array<i32>} : memref<120x128xf32, #tpu.memory_space<vmem>>, vector<16xf32>,
        %get3A_518 = arith.index_cast %add3A_470 : i32 to index
        %get3A_519 = arith.constant 96 : index
        %get3A_520 = tpu.vector_load %arg8[%get3A_518, %get3A_519] {strides = array<i32>} : memref<120x128xf32, #tpu.memory_space<vmem>>, vector<16xf32>,
        %mul3A_521 = arith.mulf %get3A_520, %bitcast3A_475 : vector<16xf32>
        %swap3A_522 = arith.index_cast %add3A_470 : i32 to index
        %swap3A_523 = arith.constant 96 : index
        %swap3A_524 = tpu.vector_load %arg8[%swap3A_522, %swap3A_523] {strides = array<i32>} : memref<120x128xf32, #tpu.memory_space<vmem>>, vector<16xf32>,
        tpu.vector_store %arg8[%swap3A_522, %swap3A_523], %mul3A_521 {strides = array<i32>} : memref<120x128xf32, #tpu.memory_space<vmem>>, vector<16xf32>,
        %get3A_525 = arith.index_cast %add3A_470 : i32 to index
        %get3A_526 = arith.constant 112 : index
        %get3A_527 = tpu.vector_load %arg8[%get3A_525, %get3A_526] {strides = array<i32>} : memref<120x128xf32, #tpu.memory_space<vmem>>, vector<16xf32>,
        %mul3A_528 = arith.mulf %get3A_527, %bitcast3A_475 : vector<16xf32>
        %swap3A_529 = arith.index_cast %add3A_470 : i32 to index
        %swap3A_530 = arith.constant 112 : index
        %swap3A_531 = tpu.vector_load %arg8[%swap3A_529, %swap3A_530] {strides = array<i32>} : memref<120x128xf32, #tpu.memory_space<vmem>>, vector<16xf32>,
        tpu.vector_store %arg8[%swap3A_529, %swap3A_530], %mul3A_528 {strides = array<i32>} : memref<120x128xf32, #tpu.memory_space<vmem>>, vector<16xf32>,
        %mul3A_532 = arith.constant 8 : i32
        %mul3A_533 = arith.muli %scan3A_402, %mul3A_532 : i32
        %add3A_534 = arith.constant 2 : i32
        %add3A_535 = arith.addi %mul3A_533, %add3A_534 : i32
        %add3A_536 = arith.constant 2 : i32
        %add3A_537 = vector.broadcast %add3A_536 : i32 to vector<16xi32>
        %add3A_538 = arith.addi %scan3A_403, %add3A_537 : vector<16xi32>
        %gather3A_539 = tpu.vector_load_idx %arg11[%add3A_538] : memref<360xi32, #tpu.memory_space<vmem>>[vector<16xi32>], vector<16xi32>,
        %bitcast3A_540 = vector.bitcast %gather3A_539 : vector<16xi32> to vector<16xf32>
        %get3A_541 = arith.index_cast %add3A_535 : i32 to index
        %get3A_542 = arith.constant 0 : index
        %get3A_543 = tpu.vector_load %arg8[%get3A_541, %get3A_542] {strides = array<i32>} : memref<120x128xf32, #tpu.memory_space<vmem>>, vector<16xf32>,
        %mul3A_544 = arith.mulf %get3A_543, %bitcast3A_540 : vector<16xf32>
        %swap3A_545 = arith.index_cast %add3A_535 : i32 to index
        %swap3A_546 = arith.constant 0 : index
        %swap3A_547 = tpu.vector_load %arg8[%swap3A_545, %swap3A_546] {strides = array<i32>} : memref<120x128xf32, #tpu.memory_space<vmem>>, vector<16xf32>,
        tpu.vector_store %arg8[%swap3A_545, %swap3A_546], %mul3A_544 {strides = array<i32>} : memref<120x128xf32, #tpu.memory_space<vmem>>, vector<16xf32>,
        %get3A_548 = arith.index_cast %add3A_535 : i32 to index
        %get3A_549 = arith.constant 16 : index
        %get3A_550 = tpu.vector_load %arg8[%get3A_548, %get3A_549] {strides = array<i32>} : memref<120x128xf32, #tpu.memory_space<vmem>>, vector<16xf32>,
        %mul3A_551 = arith.mulf %get3A_550, %bitcast3A_540 : vector<16xf32>
        %swap3A_552 = arith.index_cast %add3A_535 : i32 to index
        %swap3A_553 = arith.constant 16 : index
        %swap3A_554 = tpu.vector_load %arg8[%swap3A_552, %swap3A_553] {strides = array<i32>} : memref<120x128xf32, #tpu.memory_space<vmem>>, vector<16xf32>,
        tpu.vector_store %arg8[%swap3A_552, %swap3A_553], %mul3A_551 {strides = array<i32>} : memref<120x128xf32, #tpu.memory_space<vmem>>, vector<16xf32>,
        %get3A_555 = arith.index_cast %add3A_535 : i32 to index
        %get3A_556 = arith.constant 32 : index
        %get3A_557 = tpu.vector_load %arg8[%get3A_555, %get3A_556] {strides = array<i32>} : memref<120x128xf32, #tpu.memory_space<vmem>>, vector<16xf32>,
        %mul3A_558 = arith.mulf %get3A_557, %bitcast3A_540 : vector<16xf32>
        %swap3A_559 = arith.index_cast %add3A_535 : i32 to index
        %swap3A_560 = arith.constant 32 : index
        %swap3A_561 = tpu.vector_load %arg8[%swap3A_559, %swap3A_560] {strides = array<i32>} : memref<120x128xf32, #tpu.memory_space<vmem>>, vector<16xf32>,
        tpu.vector_store %arg8[%swap3A_559, %swap3A_560], %mul3A_558 {strides = array<i32>} : memref<120x128xf32, #tpu.memory_space<vmem>>, vector<16xf32>,
        %get3A_562 = arith.index_cast %add3A_535 : i32 to index
        %get3A_563 = arith.constant 48 : index
        %get3A_564 = tpu.vector_load %arg8[%get3A_562, %get3A_563] {strides = array<i32>} : memref<120x128xf32, #tpu.memory_space<vmem>>, vector<16xf32>,
        %mul3A_565 = arith.mulf %get3A_564, %bitcast3A_540 : vector<16xf32>
        %swap3A_566 = arith.index_cast %add3A_535 : i32 to index
        %swap3A_567 = arith.constant 48 : index
        %swap3A_568 = tpu.vector_load %arg8[%swap3A_566, %swap3A_567] {strides = array<i32>} : memref<120x128xf32, #tpu.memory_space<vmem>>, vector<16xf32>,
        tpu.vector_store %arg8[%swap3A_566, %swap3A_567], %mul3A_565 {strides = array<i32>} : memref<120x128xf32, #tpu.memory_space<vmem>>, vector<16xf32>,
        %get3A_569 = arith.index_cast %add3A_535 : i32 to index
        %get3A_570 = arith.constant 64 : index
        %get3A_571 = tpu.vector_load %arg8[%get3A_569, %get3A_570] {strides = array<i32>} : memref<120x128xf32, #tpu.memory_space<vmem>>, vector<16xf32>,
        %mul3A_572 = arith.mulf %get3A_571, %bitcast3A_540 : vector<16xf32>
        %swap3A_573 = arith.index_cast %add3A_535 : i32 to index
        %swap3A_574 = arith.constant 64 : index
        %swap3A_575 = tpu.vector_load %arg8[%swap3A_573, %swap3A_574] {strides = array<i32>} : memref<120x128xf32, #tpu.memory_space<vmem>>, vector<16xf32>,
        tpu.vector_store %arg8[%swap3A_573, %swap3A_574], %mul3A_572 {strides = array<i32>} : memref<120x128xf32, #tpu.memory_space<vmem>>, vector<16xf32>,
        %get3A_576 = arith.index_cast %add3A_535 : i32 to index
        %get3A_577 = arith.constant 80 : index
        %get3A_578 = tpu.vector_load %arg8[%get3A_576, %get3A_577] {strides = array<i32>} : memref<120x128xf32, #tpu.memory_space<vmem>>, vector<16xf32>,
        %mul3A_579 = arith.mulf %get3A_578, %bitcast3A_540 : vector<16xf32>
        %swap3A_580 = arith.index_cast %add3A_535 : i32 to index
        %swap3A_581 = arith.constant 80 : index
        %swap3A_582 = tpu.vector_load %arg8[%swap3A_580, %swap3A_581] {strides = array<i32>} : memref<120x128xf32, #tpu.memory_space<vmem>>, vector<16xf32>,
        tpu.vector_store %arg8[%swap3A_580, %swap3A_581], %mul3A_579 {strides = array<i32>} : memref<120x128xf32, #tpu.memory_space<vmem>>, vector<16xf32>,
        %get3A_583 = arith.index_cast %add3A_535 : i32 to index
        %get3A_584 = arith.constant 96 : index
        %get3A_585 = tpu.vector_load %arg8[%get3A_583, %get3A_584] {strides = array<i32>} : memref<120x128xf32, #tpu.memory_space<vmem>>, vector<16xf32>,
        %mul3A_586 = arith.mulf %get3A_585, %bitcast3A_540 : vector<16xf32>
        %swap3A_587 = arith.index_cast %add3A_535 : i32 to index
        %swap3A_588 = arith.constant 96 : index
        %swap3A_589 = tpu.vector_load %arg8[%swap3A_587, %swap3A_588] {strides = array<i32>} : memref<120x128xf32, #tpu.memory_space<vmem>>, vector<16xf32>,
        tpu.vector_store %arg8[%swap3A_587, %swap3A_588], %mul3A_586 {strides = array<i32>} : memref<120x128xf32, #tpu.memory_space<vmem>>, vector<16xf32>,
        %get3A_590 = arith.index_cast %add3A_535 : i32 to index
        %get3A_591 = arith.constant 112 : index
        %get3A_592 = tpu.vector_load %arg8[%get3A_590, %get3A_591] {strides = array<i32>} : memref<120x128xf32, #tpu.memory_space<vmem>>, vector<16xf32>,
        %mul3A_593 = arith.mulf %get3A_592, %bitcast3A_540 : vector<16xf32>
        %swap3A_594 = arith.index_cast %add3A_535 : i32 to index
        %swap3A_595 = arith.constant 112 : index
        %swap3A_596 = tpu.vector_load %arg8[%swap3A_594, %swap3A_595] {strides = array<i32>} : memref<120x128xf32, #tpu.memory_space<vmem>>, vector<16xf32>,
        tpu.vector_store %arg8[%swap3A_594, %swap3A_595], %mul3A_593 {strides = array<i32>} : memref<120x128xf32, #tpu.memory_space<vmem>>, vector<16xf32>,
        %mul3A_597 = arith.constant 8 : i32
        %mul3A_598 = arith.muli %scan3A_402, %mul3A_597 : i32
        %add3A_599 = arith.constant 3 : i32
        %add3A_600 = arith.addi %mul3A_598, %add3A_599 : i32
        %add3A_601 = arith.constant 3 : i32
        %add3A_602 = vector.broadcast %add3A_601 : i32 to vector<16xi32>
        %add3A_603 = arith.addi %scan3A_403, %add3A_602 : vector<16xi32>
        %gather3A_604 = tpu.vector_load_idx %arg11[%add3A_603] : memref<360xi32, #tpu.memory_space<vmem>>[vector<16xi32>], vector<16xi32>,
        %bitcast3A_605 = vector.bitcast %gather3A_604 : vector<16xi32> to vector<16xf32>
        %get3A_606 = arith.index_cast %add3A_600 : i32 to index
        %get3A_607 = arith.constant 0 : index
        %get3A_608 = tpu.vector_load %arg8[%get3A_606, %get3A_607] {strides = array<i32>} : memref<120x128xf32, #tpu.memory_space<vmem>>, vector<16xf32>,
        %mul3A_609 = arith.mulf %get3A_608, %bitcast3A_605 : vector<16xf32>
        %swap3A_610 = arith.index_cast %add3A_600 : i32 to index
        %swap3A_611 = arith.constant 0 : index
        %swap3A_612 = tpu.vector_load %arg8[%swap3A_610, %swap3A_611] {strides = array<i32>} : memref<120x128xf32, #tpu.memory_space<vmem>>, vector<16xf32>,
        tpu.vector_store %arg8[%swap3A_610, %swap3A_611], %mul3A_609 {strides = array<i32>} : memref<120x128xf32, #tpu.memory_space<vmem>>, vector<16xf32>,
        %get3A_613 = arith.index_cast %add3A_600 : i32 to index
        %get3A_614 = arith.constant 16 : index
        %get3A_615 = tpu.vector_load %arg8[%get3A_613, %get3A_614] {strides = array<i32>} : memref<120x128xf32, #tpu.memory_space<vmem>>, vector<16xf32>,
        %mul3A_616 = arith.mulf %get3A_615, %bitcast3A_605 : vector<16xf32>
        %swap3A_617 = arith.index_cast %add3A_600 : i32 to index
        %swap3A_618 = arith.constant 16 : index
        %swap3A_619 = tpu.vector_load %arg8[%swap3A_617, %swap3A_618] {strides = array<i32>} : memref<120x128xf32, #tpu.memory_space<vmem>>, vector<16xf32>,
        tpu.vector_store %arg8[%swap3A_617, %swap3A_618], %mul3A_616 {strides = array<i32>} : memref<120x128xf32, #tpu.memory_space<vmem>>, vector<16xf32>,
        %get3A_620 = arith.index_cast %add3A_600 : i32 to index
        %get3A_621 = arith.constant 32 : index
        %get3A_622 = tpu.vector_load %arg8[%get3A_620, %get3A_621] {strides = array<i32>} : memref<120x128xf32, #tpu.memory_space<vmem>>, vector<16xf32>,
        %mul3A_623 = arith.mulf %get3A_622, %bitcast3A_605 : vector<16xf32>
        %swap3A_624 = arith.index_cast %add3A_600 : i32 to index
        %swap3A_625 = arith.constant 32 : index
        %swap3A_626 = tpu.vector_load %arg8[%swap3A_624, %swap3A_625] {strides = array<i32>} : memref<120x128xf32, #tpu.memory_space<vmem>>, vector<16xf32>,
        tpu.vector_store %arg8[%swap3A_624, %swap3A_625], %mul3A_623 {strides = array<i32>} : memref<120x128xf32, #tpu.memory_space<vmem>>, vector<16xf32>,
        %get3A_627 = arith.index_cast %add3A_600 : i32 to index
        %get3A_628 = arith.constant 48 : index
        %get3A_629 = tpu.vector_load %arg8[%get3A_627, %get3A_628] {strides = array<i32>} : memref<120x128xf32, #tpu.memory_space<vmem>>, vector<16xf32>,
        %mul3A_630 = arith.mulf %get3A_629, %bitcast3A_605 : vector<16xf32>
        %swap3A_631 = arith.index_cast %add3A_600 : i32 to index
        %swap3A_632 = arith.constant 48 : index
        %swap3A_633 = tpu.vector_load %arg8[%swap3A_631, %swap3A_632] {strides = array<i32>} : memref<120x128xf32, #tpu.memory_space<vmem>>, vector<16xf32>,
        tpu.vector_store %arg8[%swap3A_631, %swap3A_632], %mul3A_630 {strides = array<i32>} : memref<120x128xf32, #tpu.memory_space<vmem>>, vector<16xf32>,
        %get3A_634 = arith.index_cast %add3A_600 : i32 to index
        %get3A_635 = arith.constant 64 : index
        %get3A_636 = tpu.vector_load %arg8[%get3A_634, %get3A_635] {strides = array<i32>} : memref<120x128xf32, #tpu.memory_space<vmem>>, vector<16xf32>,
        %mul3A_637 = arith.mulf %get3A_636, %bitcast3A_605 : vector<16xf32>
        %swap3A_638 = arith.index_cast %add3A_600 : i32 to index
        %swap3A_639 = arith.constant 64 : index
        %swap3A_640 = tpu.vector_load %arg8[%swap3A_638, %swap3A_639] {strides = array<i32>} : memref<120x128xf32, #tpu.memory_space<vmem>>, vector<16xf32>,
        tpu.vector_store %arg8[%swap3A_638, %swap3A_639], %mul3A_637 {strides = array<i32>} : memref<120x128xf32, #tpu.memory_space<vmem>>, vector<16xf32>,
        %get3A_641 = arith.index_cast %add3A_600 : i32 to index
        %get3A_642 = arith.constant 80 : index
        %get3A_643 = tpu.vector_load %arg8[%get3A_641, %get3A_642] {strides = array<i32>} : memref<120x128xf32, #tpu.memory_space<vmem>>, vector<16xf32>,
        %mul3A_644 = arith.mulf %get3A_643, %bitcast3A_605 : vector<16xf32>
        %swap3A_645 = arith.index_cast %add3A_600 : i32 to index
        %swap3A_646 = arith.constant 80 : index
        %swap3A_647 = tpu.vector_load %arg8[%swap3A_645, %swap3A_646] {strides = array<i32>} : memref<120x128xf32, #tpu.memory_space<vmem>>, vector<16xf32>,
        tpu.vector_store %arg8[%swap3A_645, %swap3A_646], %mul3A_644 {strides = array<i32>} : memref<120x128xf32, #tpu.memory_space<vmem>>, vector<16xf32>,
        %get3A_648 = arith.index_cast %add3A_600 : i32 to index
        %get3A_649 = arith.constant 96 : index
        %get3A_650 = tpu.vector_load %arg8[%get3A_648, %get3A_649] {strides = array<i32>} : memref<120x128xf32, #tpu.memory_space<vmem>>, vector<16xf32>,
        %mul3A_651 = arith.mulf %get3A_650, %bitcast3A_605 : vector<16xf32>
        %swap3A_652 = arith.index_cast %add3A_600 : i32 to index
        %swap3A_653 = arith.constant 96 : index
        %swap3A_654 = tpu.vector_load %arg8[%swap3A_652, %swap3A_653] {strides = array<i32>} : memref<120x128xf32, #tpu.memory_space<vmem>>, vector<16xf32>,
        tpu.vector_store %arg8[%swap3A_652, %swap3A_653], %mul3A_651 {strides = array<i32>} : memref<120x128xf32, #tpu.memory_space<vmem>>, vector<16xf32>,
        %get3A_655 = arith.index_cast %add3A_600 : i32 to index
        %get3A_656 = arith.constant 112 : index
        %get3A_657 = tpu.vector_load %arg8[%get3A_655, %get3A_656] {strides = array<i32>} : memref<120x128xf32, #tpu.memory_space<vmem>>, vector<16xf32>,
        %mul3A_658 = arith.mulf %get3A_657, %bitcast3A_605 : vector<16xf32>
        %swap3A_659 = arith.index_cast %add3A_600 : i32 to index
        %swap3A_660 = arith.constant 112 : index
        %swap3A_661 = tpu.vector_load %arg8[%swap3A_659, %swap3A_660] {strides = array<i32>} : memref<120x128xf32, #tpu.memory_space<vmem>>, vector<16xf32>,
        tpu.vector_store %arg8[%swap3A_659, %swap3A_660], %mul3A_658 {strides = array<i32>} : memref<120x128xf32, #tpu.memory_space<vmem>>, vector<16xf32>,
        %mul3A_662 = arith.constant 8 : i32
        %mul3A_663 = arith.muli %scan3A_402, %mul3A_662 : i32
        %add3A_664 = arith.constant 4 : i32
        %add3A_665 = arith.addi %mul3A_663, %add3A_664 : i32
        %add3A_666 = arith.constant 4 : i32
        %add3A_667 = vector.broadcast %add3A_666 : i32 to vector<16xi32>
        %add3A_668 = arith.addi %scan3A_403, %add3A_667 : vector<16xi32>
        %gather3A_669 = tpu.vector_load_idx %arg11[%add3A_668] : memref<360xi32, #tpu.memory_space<vmem>>[vector<16xi32>], vector<16xi32>,
        %bitcast3A_670 = vector.bitcast %gather3A_669 : vector<16xi32> to vector<16xf32>
        %get3A_671 = arith.index_cast %add3A_665 : i32 to index
        %get3A_672 = arith.constant 0 : index
        %get3A_673 = tpu.vector_load %arg8[%get3A_671, %get3A_672] {strides = array<i32>} : memref<120x128xf32, #tpu.memory_space<vmem>>, vector<16xf32>,
        %mul3A_674 = arith.mulf %get3A_673, %bitcast3A_670 : vector<16xf32>
        %swap3A_675 = arith.index_cast %add3A_665 : i32 to index
        %swap3A_676 = arith.constant 0 : index
        %swap3A_677 = tpu.vector_load %arg8[%swap3A_675, %swap3A_676] {strides = array<i32>} : memref<120x128xf32, #tpu.memory_space<vmem>>, vector<16xf32>,
        tpu.vector_store %arg8[%swap3A_675, %swap3A_676], %mul3A_674 {strides = array<i32>} : memref<120x128xf32, #tpu.memory_space<vmem>>, vector<16xf32>,
        %get3A_678 = arith.index_cast %add3A_665 : i32 to index
        %get3A_679 = arith.constant 16 : index
        %get3A_680 = tpu.vector_load %arg8[%get3A_678, %get3A_679] {strides = array<i32>} : memref<120x128xf32, #tpu.memory_space<vmem>>, vector<16xf32>,
        %mul3A_681 = arith.mulf %get3A_680, %bitcast3A_670 : vector<16xf32>
        %swap3A_682 = arith.index_cast %add3A_665 : i32 to index
        %swap3A_683 = arith.constant 16 : index
        %swap3A_684 = tpu.vector_load %arg8[%swap3A_682, %swap3A_683] {strides = array<i32>} : memref<120x128xf32, #tpu.memory_space<vmem>>, vector<16xf32>,
        tpu.vector_store %arg8[%swap3A_682, %swap3A_683], %mul3A_681 {strides = array<i32>} : memref<120x128xf32, #tpu.memory_space<vmem>>, vector<16xf32>,
        %get3A_685 = arith.index_cast %add3A_665 : i32 to index
        %get3A_686 = arith.constant 32 : index
        %get3A_687 = tpu.vector_load %arg8[%get3A_685, %get3A_686] {strides = array<i32>} : memref<120x128xf32, #tpu.memory_space<vmem>>, vector<16xf32>,
        %mul3A_688 = arith.mulf %get3A_687, %bitcast3A_670 : vector<16xf32>
        %swap3A_689 = arith.index_cast %add3A_665 : i32 to index
        %swap3A_690 = arith.constant 32 : index
        %swap3A_691 = tpu.vector_load %arg8[%swap3A_689, %swap3A_690] {strides = array<i32>} : memref<120x128xf32, #tpu.memory_space<vmem>>, vector<16xf32>,
        tpu.vector_store %arg8[%swap3A_689, %swap3A_690], %mul3A_688 {strides = array<i32>} : memref<120x128xf32, #tpu.memory_space<vmem>>, vector<16xf32>,
        %get3A_692 = arith.index_cast %add3A_665 : i32 to index
        %get3A_693 = arith.constant 48 : index
        %get3A_694 = tpu.vector_load %arg8[%get3A_692, %get3A_693] {strides = array<i32>} : memref<120x128xf32, #tpu.memory_space<vmem>>, vector<16xf32>,
        %mul3A_695 = arith.mulf %get3A_694, %bitcast3A_670 : vector<16xf32>
        %swap3A_696 = arith.index_cast %add3A_665 : i32 to index
        %swap3A_697 = arith.constant 48 : index
        %swap3A_698 = tpu.vector_load %arg8[%swap3A_696, %swap3A_697] {strides = array<i32>} : memref<120x128xf32, #tpu.memory_space<vmem>>, vector<16xf32>,
        tpu.vector_store %arg8[%swap3A_696, %swap3A_697], %mul3A_695 {strides = array<i32>} : memref<120x128xf32, #tpu.memory_space<vmem>>, vector<16xf32>,
        %get3A_699 = arith.index_cast %add3A_665 : i32 to index
        %get3A_700 = arith.constant 64 : index
        %get3A_701 = tpu.vector_load %arg8[%get3A_699, %get3A_700] {strides = array<i32>} : memref<120x128xf32, #tpu.memory_space<vmem>>, vector<16xf32>,
        %mul3A_702 = arith.mulf %get3A_701, %bitcast3A_670 : vector<16xf32>
        %swap3A_703 = arith.index_cast %add3A_665 : i32 to index
        %swap3A_704 = arith.constant 64 : index
        %swap3A_705 = tpu.vector_load %arg8[%swap3A_703, %swap3A_704] {strides = array<i32>} : memref<120x128xf32, #tpu.memory_space<vmem>>, vector<16xf32>,
        tpu.vector_store %arg8[%swap3A_703, %swap3A_704], %mul3A_702 {strides = array<i32>} : memref<120x128xf32, #tpu.memory_space<vmem>>, vector<16xf32>,
        %get3A_706 = arith.index_cast %add3A_665 : i32 to index
        %get3A_707 = arith.constant 80 : index
        %get3A_708 = tpu.vector_load %arg8[%get3A_706, %get3A_707] {strides = array<i32>} : memref<120x128xf32, #tpu.memory_space<vmem>>, vector<16xf32>,
        %mul3A_709 = arith.mulf %get3A_708, %bitcast3A_670 : vector<16xf32>
        %swap3A_710 = arith.index_cast %add3A_665 : i32 to index
        %swap3A_711 = arith.constant 80 : index
        %swap3A_712 = tpu.vector_load %arg8[%swap3A_710, %swap3A_711] {strides = array<i32>} : memref<120x128xf32, #tpu.memory_space<vmem>>, vector<16xf32>,
        tpu.vector_store %arg8[%swap3A_710, %swap3A_711], %mul3A_709 {strides = array<i32>} : memref<120x128xf32, #tpu.memory_space<vmem>>, vector<16xf32>,
        %get3A_713 = arith.index_cast %add3A_665 : i32 to index
        %get3A_714 = arith.constant 96 : index
        %get3A_715 = tpu.vector_load %arg8[%get3A_713, %get3A_714] {strides = array<i32>} : memref<120x128xf32, #tpu.memory_space<vmem>>, vector<16xf32>,
        %mul3A_716 = arith.mulf %get3A_715, %bitcast3A_670 : vector<16xf32>
        %swap3A_717 = arith.index_cast %add3A_665 : i32 to index
        %swap3A_718 = arith.constant 96 : index
        %swap3A_719 = tpu.vector_load %arg8[%swap3A_717, %swap3A_718] {strides = array<i32>} : memref<120x128xf32, #tpu.memory_space<vmem>>, vector<16xf32>,
        tpu.vector_store %arg8[%swap3A_717, %swap3A_718], %mul3A_716 {strides = array<i32>} : memref<120x128xf32, #tpu.memory_space<vmem>>, vector<16xf32>,
        %get3A_720 = arith.index_cast %add3A_665 : i32 to index
        %get3A_721 = arith.constant 112 : index
        %get3A_722 = tpu.vector_load %arg8[%get3A_720, %get3A_721] {strides = array<i32>} : memref<120x128xf32, #tpu.memory_space<vmem>>, vector<16xf32>,
        %mul3A_723 = arith.mulf %get3A_722, %bitcast3A_670 : vector<16xf32>
        %swap3A_724 = arith.index_cast %add3A_665 : i32 to index
        %swap3A_725 = arith.constant 112 : index
        %swap3A_726 = tpu.vector_load %arg8[%swap3A_724, %swap3A_725] {strides = array<i32>} : memref<120x128xf32, #tpu.memory_space<vmem>>, vector<16xf32>,
        tpu.vector_store %arg8[%swap3A_724, %swap3A_725], %mul3A_723 {strides = array<i32>} : memref<120x128xf32, #tpu.memory_space<vmem>>, vector<16xf32>,
        %mul3A_727 = arith.constant 8 : i32
        %mul3A_728 = arith.muli %scan3A_402, %mul3A_727 : i32
        %add3A_729 = arith.constant 5 : i32
        %add3A_730 = arith.addi %mul3A_728, %add3A_729 : i32
        %add3A_731 = arith.constant 5 : i32
        %add3A_732 = vector.broadcast %add3A_731 : i32 to vector<16xi32>
        %add3A_733 = arith.addi %scan3A_403, %add3A_732 : vector<16xi32>
        %gather3A_734 = tpu.vector_load_idx %arg11[%add3A_733] : memref<360xi32, #tpu.memory_space<vmem>>[vector<16xi32>], vector<16xi32>,
        %bitcast3A_735 = vector.bitcast %gather3A_734 : vector<16xi32> to vector<16xf32>
        %get3A_736 = arith.index_cast %add3A_730 : i32 to index
        %get3A_737 = arith.constant 0 : index
        %get3A_738 = tpu.vector_load %arg8[%get3A_736, %get3A_737] {strides = array<i32>} : memref<120x128xf32, #tpu.memory_space<vmem>>, vector<16xf32>,
        %mul3A_739 = arith.mulf %get3A_738, %bitcast3A_735 : vector<16xf32>
        %swap3A_740 = arith.index_cast %add3A_730 : i32 to index
        %swap3A_741 = arith.constant 0 : index
        %swap3A_742 = tpu.vector_load %arg8[%swap3A_740, %swap3A_741] {strides = array<i32>} : memref<120x128xf32, #tpu.memory_space<vmem>>, vector<16xf32>,
        tpu.vector_store %arg8[%swap3A_740, %swap3A_741], %mul3A_739 {strides = array<i32>} : memref<120x128xf32, #tpu.memory_space<vmem>>, vector<16xf32>,
        %get3A_743 = arith.index_cast %add3A_730 : i32 to index
        %get3A_744 = arith.constant 16 : index
        %get3A_745 = tpu.vector_load %arg8[%get3A_743, %get3A_744] {strides = array<i32>} : memref<120x128xf32, #tpu.memory_space<vmem>>, vector<16xf32>,
        %mul3A_746 = arith.mulf %get3A_745, %bitcast3A_735 : vector<16xf32>
        %swap3A_747 = arith.index_cast %add3A_730 : i32 to index
        %swap3A_748 = arith.constant 16 : index
        %swap3A_749 = tpu.vector_load %arg8[%swap3A_747, %swap3A_748] {strides = array<i32>} : memref<120x128xf32, #tpu.memory_space<vmem>>, vector<16xf32>,
        tpu.vector_store %arg8[%swap3A_747, %swap3A_748], %mul3A_746 {strides = array<i32>} : memref<120x128xf32, #tpu.memory_space<vmem>>, vector<16xf32>,
        %get3A_750 = arith.index_cast %add3A_730 : i32 to index
        %get3A_751 = arith.constant 32 : index
        %get3A_752 = tpu.vector_load %arg8[%get3A_750, %get3A_751] {strides = array<i32>} : memref<120x128xf32, #tpu.memory_space<vmem>>, vector<16xf32>,
        %mul3A_753 = arith.mulf %get3A_752, %bitcast3A_735 : vector<16xf32>
        %swap3A_754 = arith.index_cast %add3A_730 : i32 to index
        %swap3A_755 = arith.constant 32 : index
        %swap3A_756 = tpu.vector_load %arg8[%swap3A_754, %swap3A_755] {strides = array<i32>} : memref<120x128xf32, #tpu.memory_space<vmem>>, vector<16xf32>,
        tpu.vector_store %arg8[%swap3A_754, %swap3A_755], %mul3A_753 {strides = array<i32>} : memref<120x128xf32, #tpu.memory_space<vmem>>, vector<16xf32>,
        %get3A_757 = arith.index_cast %add3A_730 : i32 to index
        %get3A_758 = arith.constant 48 : index
        %get3A_759 = tpu.vector_load %arg8[%get3A_757, %get3A_758] {strides = array<i32>} : memref<120x128xf32, #tpu.memory_space<vmem>>, vector<16xf32>,
        %mul3A_760 = arith.mulf %get3A_759, %bitcast3A_735 : vector<16xf32>
        %swap3A_761 = arith.index_cast %add3A_730 : i32 to index
        %swap3A_762 = arith.constant 48 : index
        %swap3A_763 = tpu.vector_load %arg8[%swap3A_761, %swap3A_762] {strides = array<i32>} : memref<120x128xf32, #tpu.memory_space<vmem>>, vector<16xf32>,
        tpu.vector_store %arg8[%swap3A_761, %swap3A_762], %mul3A_760 {strides = array<i32>} : memref<120x128xf32, #tpu.memory_space<vmem>>, vector<16xf32>,
        %get3A_764 = arith.index_cast %add3A_730 : i32 to index
        %get3A_765 = arith.constant 64 : index
        %get3A_766 = tpu.vector_load %arg8[%get3A_764, %get3A_765] {strides = array<i32>} : memref<120x128xf32, #tpu.memory_space<vmem>>, vector<16xf32>,
        %mul3A_767 = arith.mulf %get3A_766, %bitcast3A_735 : vector<16xf32>
        %swap3A_768 = arith.index_cast %add3A_730 : i32 to index
        %swap3A_769 = arith.constant 64 : index
        %swap3A_770 = tpu.vector_load %arg8[%swap3A_768, %swap3A_769] {strides = array<i32>} : memref<120x128xf32, #tpu.memory_space<vmem>>, vector<16xf32>,
        tpu.vector_store %arg8[%swap3A_768, %swap3A_769], %mul3A_767 {strides = array<i32>} : memref<120x128xf32, #tpu.memory_space<vmem>>, vector<16xf32>,
        %get3A_771 = arith.index_cast %add3A_730 : i32 to index
        %get3A_772 = arith.constant 80 : index
        %get3A_773 = tpu.vector_load %arg8[%get3A_771, %get3A_772] {strides = array<i32>} : memref<120x128xf32, #tpu.memory_space<vmem>>, vector<16xf32>,
        %mul3A_774 = arith.mulf %get3A_773, %bitcast3A_735 : vector<16xf32>
        %swap3A_775 = arith.index_cast %add3A_730 : i32 to index
        %swap3A_776 = arith.constant 80 : index
        %swap3A_777 = tpu.vector_load %arg8[%swap3A_775, %swap3A_776] {strides = array<i32>} : memref<120x128xf32, #tpu.memory_space<vmem>>, vector<16xf32>,
        tpu.vector_store %arg8[%swap3A_775, %swap3A_776], %mul3A_774 {strides = array<i32>} : memref<120x128xf32, #tpu.memory_space<vmem>>, vector<16xf32>,
        %get3A_778 = arith.index_cast %add3A_730 : i32 to index
        %get3A_779 = arith.constant 96 : index
        %get3A_780 = tpu.vector_load %arg8[%get3A_778, %get3A_779] {strides = array<i32>} : memref<120x128xf32, #tpu.memory_space<vmem>>, vector<16xf32>,
        %mul3A_781 = arith.mulf %get3A_780, %bitcast3A_735 : vector<16xf32>
        %swap3A_782 = arith.index_cast %add3A_730 : i32 to index
        %swap3A_783 = arith.constant 96 : index
        %swap3A_784 = tpu.vector_load %arg8[%swap3A_782, %swap3A_783] {strides = array<i32>} : memref<120x128xf32, #tpu.memory_space<vmem>>, vector<16xf32>,
        tpu.vector_store %arg8[%swap3A_782, %swap3A_783], %mul3A_781 {strides = array<i32>} : memref<120x128xf32, #tpu.memory_space<vmem>>, vector<16xf32>,
        %get3A_785 = arith.index_cast %add3A_730 : i32 to index
        %get3A_786 = arith.constant 112 : index
        %get3A_787 = tpu.vector_load %arg8[%get3A_785, %get3A_786] {strides = array<i32>} : memref<120x128xf32, #tpu.memory_space<vmem>>, vector<16xf32>,
        %mul3A_788 = arith.mulf %get3A_787, %bitcast3A_735 : vector<16xf32>
        %swap3A_789 = arith.index_cast %add3A_730 : i32 to index
        %swap3A_790 = arith.constant 112 : index
        %swap3A_791 = tpu.vector_load %arg8[%swap3A_789, %swap3A_790] {strides = array<i32>} : memref<120x128xf32, #tpu.memory_space<vmem>>, vector<16xf32>,
        tpu.vector_store %arg8[%swap3A_789, %swap3A_790], %mul3A_788 {strides = array<i32>} : memref<120x128xf32, #tpu.memory_space<vmem>>, vector<16xf32>,
        %mul3A_792 = arith.constant 8 : i32
        %mul3A_793 = arith.muli %scan3A_402, %mul3A_792 : i32
        %add3A_794 = arith.constant 6 : i32
        %add3A_795 = arith.addi %mul3A_793, %add3A_794 : i32
        %add3A_796 = arith.constant 6 : i32
        %add3A_797 = vector.broadcast %add3A_796 : i32 to vector<16xi32>
        %add3A_798 = arith.addi %scan3A_403, %add3A_797 : vector<16xi32>
        %gather3A_799 = tpu.vector_load_idx %arg11[%add3A_798] : memref<360xi32, #tpu.memory_space<vmem>>[vector<16xi32>], vector<16xi32>,
        %bitcast3A_800 = vector.bitcast %gather3A_799 : vector<16xi32> to vector<16xf32>
        %get3A_801 = arith.index_cast %add3A_795 : i32 to index
        %get3A_802 = arith.constant 0 : index
        %get3A_803 = tpu.vector_load %arg8[%get3A_801, %get3A_802] {strides = array<i32>} : memref<120x128xf32, #tpu.memory_space<vmem>>, vector<16xf32>,
        %mul3A_804 = arith.mulf %get3A_803, %bitcast3A_800 : vector<16xf32>
        %swap3A_805 = arith.index_cast %add3A_795 : i32 to index
        %swap3A_806 = arith.constant 0 : index
        %swap3A_807 = tpu.vector_load %arg8[%swap3A_805, %swap3A_806] {strides = array<i32>} : memref<120x128xf32, #tpu.memory_space<vmem>>, vector<16xf32>,
        tpu.vector_store %arg8[%swap3A_805, %swap3A_806], %mul3A_804 {strides = array<i32>} : memref<120x128xf32, #tpu.memory_space<vmem>>, vector<16xf32>,
        %get3A_808 = arith.index_cast %add3A_795 : i32 to index
        %get3A_809 = arith.constant 16 : index
        %get3A_810 = tpu.vector_load %arg8[%get3A_808, %get3A_809] {strides = array<i32>} : memref<120x128xf32, #tpu.memory_space<vmem>>, vector<16xf32>,
        %mul3A_811 = arith.mulf %get3A_810, %bitcast3A_800 : vector<16xf32>
        %swap3A_812 = arith.index_cast %add3A_795 : i32 to index
        %swap3A_813 = arith.constant 16 : index
        %swap3A_814 = tpu.vector_load %arg8[%swap3A_812, %swap3A_813] {strides = array<i32>} : memref<120x128xf32, #tpu.memory_space<vmem>>, vector<16xf32>,
        tpu.vector_store %arg8[%swap3A_812, %swap3A_813], %mul3A_811 {strides = array<i32>} : memref<120x128xf32, #tpu.memory_space<vmem>>, vector<16xf32>,
        %get3A_815 = arith.index_cast %add3A_795 : i32 to index
        %get3A_816 = arith.constant 32 : index
        %get3A_817 = tpu.vector_load %arg8[%get3A_815, %get3A_816] {strides = array<i32>} : memref<120x128xf32, #tpu.memory_space<vmem>>, vector<16xf32>,
        %mul3A_818 = arith.mulf %get3A_817, %bitcast3A_800 : vector<16xf32>
        %swap3A_819 = arith.index_cast %add3A_795 : i32 to index
        %swap3A_820 = arith.constant 32 : index
        %swap3A_821 = tpu.vector_load %arg8[%swap3A_819, %swap3A_820] {strides = array<i32>} : memref<120x128xf32, #tpu.memory_space<vmem>>, vector<16xf32>,
        tpu.vector_store %arg8[%swap3A_819, %swap3A_820], %mul3A_818 {strides = array<i32>} : memref<120x128xf32, #tpu.memory_space<vmem>>, vector<16xf32>,
        %get3A_822 = arith.index_cast %add3A_795 : i32 to index
        %get3A_823 = arith.constant 48 : index
        %get3A_824 = tpu.vector_load %arg8[%get3A_822, %get3A_823] {strides = array<i32>} : memref<120x128xf32, #tpu.memory_space<vmem>>, vector<16xf32>,
        %mul3A_825 = arith.mulf %get3A_824, %bitcast3A_800 : vector<16xf32>
        %swap3A_826 = arith.index_cast %add3A_795 : i32 to index
        %swap3A_827 = arith.constant 48 : index
        %swap3A_828 = tpu.vector_load %arg8[%swap3A_826, %swap3A_827] {strides = array<i32>} : memref<120x128xf32, #tpu.memory_space<vmem>>, vector<16xf32>,
        tpu.vector_store %arg8[%swap3A_826, %swap3A_827], %mul3A_825 {strides = array<i32>} : memref<120x128xf32, #tpu.memory_space<vmem>>, vector<16xf32>,
        %get3A_829 = arith.index_cast %add3A_795 : i32 to index
        %get3A_830 = arith.constant 64 : index
        %get3A_831 = tpu.vector_load %arg8[%get3A_829, %get3A_830] {strides = array<i32>} : memref<120x128xf32, #tpu.memory_space<vmem>>, vector<16xf32>,
        %mul3A_832 = arith.mulf %get3A_831, %bitcast3A_800 : vector<16xf32>
        %swap3A_833 = arith.index_cast %add3A_795 : i32 to index
        %swap3A_834 = arith.constant 64 : index
        %swap3A_835 = tpu.vector_load %arg8[%swap3A_833, %swap3A_834] {strides = array<i32>} : memref<120x128xf32, #tpu.memory_space<vmem>>, vector<16xf32>,
        tpu.vector_store %arg8[%swap3A_833, %swap3A_834], %mul3A_832 {strides = array<i32>} : memref<120x128xf32, #tpu.memory_space<vmem>>, vector<16xf32>,
        %get3A_836 = arith.index_cast %add3A_795 : i32 to index
        %get3A_837 = arith.constant 80 : index
        %get3A_838 = tpu.vector_load %arg8[%get3A_836, %get3A_837] {strides = array<i32>} : memref<120x128xf32, #tpu.memory_space<vmem>>, vector<16xf32>,
        %mul3A_839 = arith.mulf %get3A_838, %bitcast3A_800 : vector<16xf32>
        %swap3A_840 = arith.index_cast %add3A_795 : i32 to index
        %swap3A_841 = arith.constant 80 : index
        %swap3A_842 = tpu.vector_load %arg8[%swap3A_840, %swap3A_841] {strides = array<i32>} : memref<120x128xf32, #tpu.memory_space<vmem>>, vector<16xf32>,
        tpu.vector_store %arg8[%swap3A_840, %swap3A_841], %mul3A_839 {strides = array<i32>} : memref<120x128xf32, #tpu.memory_space<vmem>>, vector<16xf32>,
        %get3A_843 = arith.index_cast %add3A_795 : i32 to index
        %get3A_844 = arith.constant 96 : index
        %get3A_845 = tpu.vector_load %arg8[%get3A_843, %get3A_844] {strides = array<i32>} : memref<120x128xf32, #tpu.memory_space<vmem>>, vector<16xf32>,
        %mul3A_846 = arith.mulf %get3A_845, %bitcast3A_800 : vector<16xf32>
        %swap3A_847 = arith.index_cast %add3A_795 : i32 to index
        %swap3A_848 = arith.constant 96 : index
        %swap3A_849 = tpu.vector_load %arg8[%swap3A_847, %swap3A_848] {strides = array<i32>} : memref<120x128xf32, #tpu.memory_space<vmem>>, vector<16xf32>,
        tpu.vector_store %arg8[%swap3A_847, %swap3A_848], %mul3A_846 {strides = array<i32>} : memref<120x128xf32, #tpu.memory_space<vmem>>, vector<16xf32>,
        %get3A_850 = arith.index_cast %add3A_795 : i32 to index
        %get3A_851 = arith.constant 112 : index
        %get3A_852 = tpu.vector_load %arg8[%get3A_850, %get3A_851] {strides = array<i32>} : memref<120x128xf32, #tpu.memory_space<vmem>>, vector<16xf32>,
        %mul3A_853 = arith.mulf %get3A_852, %bitcast3A_800 : vector<16xf32>
        %swap3A_854 = arith.index_cast %add3A_795 : i32 to index
        %swap3A_855 = arith.constant 112 : index
        %swap3A_856 = tpu.vector_load %arg8[%swap3A_854, %swap3A_855] {strides = array<i32>} : memref<120x128xf32, #tpu.memory_space<vmem>>, vector<16xf32>,
        tpu.vector_store %arg8[%swap3A_854, %swap3A_855], %mul3A_853 {strides = array<i32>} : memref<120x128xf32, #tpu.memory_space<vmem>>, vector<16xf32>,
        %mul3A_857 = arith.constant 8 : i32
        %mul3A_858 = arith.muli %scan3A_402, %mul3A_857 : i32
        %add3A_859 = arith.constant 7 : i32
        %add3A_860 = arith.addi %mul3A_858, %add3A_859 : i32
        %add3A_861 = arith.constant 7 : i32
        %add3A_862 = vector.broadcast %add3A_861 : i32 to vector<16xi32>
        %add3A_863 = arith.addi %scan3A_403, %add3A_862 : vector<16xi32>
        %gather3A_864 = tpu.vector_load_idx %arg11[%add3A_863] : memref<360xi32, #tpu.memory_space<vmem>>[vector<16xi32>], vector<16xi32>,
        %bitcast3A_865 = vector.bitcast %gather3A_864 : vector<16xi32> to vector<16xf32>
        %get3A_866 = arith.index_cast %add3A_860 : i32 to index
        %get3A_867 = arith.constant 0 : index
        %get3A_868 = tpu.vector_load %arg8[%get3A_866, %get3A_867] {strides = array<i32>} : memref<120x128xf32, #tpu.memory_space<vmem>>, vector<16xf32>,
        %mul3A_869 = arith.mulf %get3A_868, %bitcast3A_865 : vector<16xf32>
        %swap3A_870 = arith.index_cast %add3A_860 : i32 to index
        %swap3A_871 = arith.constant 0 : index
        %swap3A_872 = tpu.vector_load %arg8[%swap3A_870, %swap3A_871] {strides = array<i32>} : memref<120x128xf32, #tpu.memory_space<vmem>>, vector<16xf32>,
        tpu.vector_store %arg8[%swap3A_870, %swap3A_871], %mul3A_869 {strides = array<i32>} : memref<120x128xf32, #tpu.memory_space<vmem>>, vector<16xf32>,
        %get3A_873 = arith.index_cast %add3A_860 : i32 to index
        %get3A_874 = arith.constant 16 : index
        %get3A_875 = tpu.vector_load %arg8[%get3A_873, %get3A_874] {strides = array<i32>} : memref<120x128xf32, #tpu.memory_space<vmem>>, vector<16xf32>,
        %mul3A_876 = arith.mulf %get3A_875, %bitcast3A_865 : vector<16xf32>
        %swap3A_877 = arith.index_cast %add3A_860 : i32 to index
        %swap3A_878 = arith.constant 16 : index
        %swap3A_879 = tpu.vector_load %arg8[%swap3A_877, %swap3A_878] {strides = array<i32>} : memref<120x128xf32, #tpu.memory_space<vmem>>, vector<16xf32>,
        tpu.vector_store %arg8[%swap3A_877, %swap3A_878], %mul3A_876 {strides = array<i32>} : memref<120x128xf32, #tpu.memory_space<vmem>>, vector<16xf32>,
        %get3A_880 = arith.index_cast %add3A_860 : i32 to index
        %get3A_881 = arith.constant 32 : index
        %get3A_882 = tpu.vector_load %arg8[%get3A_880, %get3A_881] {strides = array<i32>} : memref<120x128xf32, #tpu.memory_space<vmem>>, vector<16xf32>,
        %mul3A_883 = arith.mulf %get3A_882, %bitcast3A_865 : vector<16xf32>
        %swap3A_884 = arith.index_cast %add3A_860 : i32 to index
        %swap3A_885 = arith.constant 32 : index
        %swap3A_886 = tpu.vector_load %arg8[%swap3A_884, %swap3A_885] {strides = array<i32>} : memref<120x128xf32, #tpu.memory_space<vmem>>, vector<16xf32>,
        tpu.vector_store %arg8[%swap3A_884, %swap3A_885], %mul3A_883 {strides = array<i32>} : memref<120x128xf32, #tpu.memory_space<vmem>>, vector<16xf32>,
        %get3A_887 = arith.index_cast %add3A_860 : i32 to index
        %get3A_888 = arith.constant 48 : index
        %get3A_889 = tpu.vector_load %arg8[%get3A_887, %get3A_888] {strides = array<i32>} : memref<120x128xf32, #tpu.memory_space<vmem>>, vector<16xf32>,
        %mul3A_890 = arith.mulf %get3A_889, %bitcast3A_865 : vector<16xf32>
        %swap3A_891 = arith.index_cast %add3A_860 : i32 to index
        %swap3A_892 = arith.constant 48 : index
        %swap3A_893 = tpu.vector_load %arg8[%swap3A_891, %swap3A_892] {strides = array<i32>} : memref<120x128xf32, #tpu.memory_space<vmem>>, vector<16xf32>,
        tpu.vector_store %arg8[%swap3A_891, %swap3A_892], %mul3A_890 {strides = array<i32>} : memref<120x128xf32, #tpu.memory_space<vmem>>, vector<16xf32>,
        %get3A_894 = arith.index_cast %add3A_860 : i32 to index
        %get3A_895 = arith.constant 64 : index
        %get3A_896 = tpu.vector_load %arg8[%get3A_894, %get3A_895] {strides = array<i32>} : memref<120x128xf32, #tpu.memory_space<vmem>>, vector<16xf32>,
        %mul3A_897 = arith.mulf %get3A_896, %bitcast3A_865 : vector<16xf32>
        %swap3A_898 = arith.index_cast %add3A_860 : i32 to index
        %swap3A_899 = arith.constant 64 : index
        %swap3A_900 = tpu.vector_load %arg8[%swap3A_898, %swap3A_899] {strides = array<i32>} : memref<120x128xf32, #tpu.memory_space<vmem>>, vector<16xf32>,
        tpu.vector_store %arg8[%swap3A_898, %swap3A_899], %mul3A_897 {strides = array<i32>} : memref<120x128xf32, #tpu.memory_space<vmem>>, vector<16xf32>,
        %get3A_901 = arith.index_cast %add3A_860 : i32 to index
        %get3A_902 = arith.constant 80 : index
        %get3A_903 = tpu.vector_load %arg8[%get3A_901, %get3A_902] {strides = array<i32>} : memref<120x128xf32, #tpu.memory_space<vmem>>, vector<16xf32>,
        %mul3A_904 = arith.mulf %get3A_903, %bitcast3A_865 : vector<16xf32>
        %swap3A_905 = arith.index_cast %add3A_860 : i32 to index
        %swap3A_906 = arith.constant 80 : index
        %swap3A_907 = tpu.vector_load %arg8[%swap3A_905, %swap3A_906] {strides = array<i32>} : memref<120x128xf32, #tpu.memory_space<vmem>>, vector<16xf32>,
        tpu.vector_store %arg8[%swap3A_905, %swap3A_906], %mul3A_904 {strides = array<i32>} : memref<120x128xf32, #tpu.memory_space<vmem>>, vector<16xf32>,
        %get3A_908 = arith.index_cast %add3A_860 : i32 to index
        %get3A_909 = arith.constant 96 : index
        %get3A_910 = tpu.vector_load %arg8[%get3A_908, %get3A_909] {strides = array<i32>} : memref<120x128xf32, #tpu.memory_space<vmem>>, vector<16xf32>,
        %mul3A_911 = arith.mulf %get3A_910, %bitcast3A_865 : vector<16xf32>
        %swap3A_912 = arith.index_cast %add3A_860 : i32 to index
        %swap3A_913 = arith.constant 96 : index
        %swap3A_914 = tpu.vector_load %arg8[%swap3A_912, %swap3A_913] {strides = array<i32>} : memref<120x128xf32, #tpu.memory_space<vmem>>, vector<16xf32>,
        tpu.vector_store %arg8[%swap3A_912, %swap3A_913], %mul3A_911 {strides = array<i32>} : memref<120x128xf32, #tpu.memory_space<vmem>>, vector<16xf32>,
        %get3A_915 = arith.index_cast %add3A_860 : i32 to index
        %get3A_916 = arith.constant 112 : index
        %get3A_917 = tpu.vector_load %arg8[%get3A_915, %get3A_916] {strides = array<i32>} : memref<120x128xf32, #tpu.memory_space<vmem>>, vector<16xf32>,
        %mul3A_918 = arith.mulf %get3A_917, %bitcast3A_865 : vector<16xf32>
        %swap3A_919 = arith.index_cast %add3A_860 : i32 to index
        %swap3A_920 = arith.constant 112 : index
        %swap3A_921 = tpu.vector_load %arg8[%swap3A_919, %swap3A_920] {strides = array<i32>} : memref<120x128xf32, #tpu.memory_space<vmem>>, vector<16xf32>,
        tpu.vector_store %arg8[%swap3A_919, %swap3A_920], %mul3A_918 {strides = array<i32>} : memref<120x128xf32, #tpu.memory_space<vmem>>, vector<16xf32>,
        %add3A_922 = arith.constant 8 : i32
        %add3A_923 = vector.broadcast %add3A_922 : i32 to vector<16xi32>
        %add3A_924 = arith.addi %scan3A_403, %add3A_923 : vector<16xi32>
        scf.yield %add3A_924 : vector<16xi32>
      }
      %scan3A_347 = arith.constant 15 : i32
      %get3A_348 = arith.constant 120 : index
      %get3A_349 = tpu.vector_load %arg11[%get3A_348] {strides = array<i32>} : memref<360xi32, #tpu.memory_space<vmem>>, vector<16xi32>,
      %swap3A_350 = arith.constant 0 : index
      %swap3A_351 = tpu.vector_load %arg14[%swap3A_350] {strides = array<i32>} : memref<120xi32, #tpu.memory_space<vmem>>, vector<16xi32>,
      tpu.vector_store %arg14[%swap3A_350], %get3A_349 {strides = array<i32>} : memref<120xi32, #tpu.memory_space<vmem>>, vector<16xi32>,
      %get3A_352 = arith.constant 136 : index
      %get3A_353 = tpu.vector_load %arg11[%get3A_352] {strides = array<i32>} : memref<360xi32, #tpu.memory_space<vmem>>, vector<16xi32>,
      %swap3A_354 = arith.constant 16 : index
      %swap3A_355 = tpu.vector_load %arg14[%swap3A_354] {strides = array<i32>} : memref<120xi32, #tpu.memory_space<vmem>>, vector<16xi32>,
      tpu.vector_store %arg14[%swap3A_354], %get3A_353 {strides = array<i32>} : memref<120xi32, #tpu.memory_space<vmem>>, vector<16xi32>,
      %get3A_356 = arith.constant 152 : index
      %get3A_357 = tpu.vector_load %arg11[%get3A_356] {strides = array<i32>} : memref<360xi32, #tpu.memory_space<vmem>>, vector<16xi32>,
      %swap3A_358 = arith.constant 32 : index
      %swap3A_359 = tpu.vector_load %arg14[%swap3A_358] {strides = array<i32>} : memref<120xi32, #tpu.memory_space<vmem>>, vector<16xi32>,
      tpu.vector_store %arg14[%swap3A_358], %get3A_357 {strides = array<i32>} : memref<120xi32, #tpu.memory_space<vmem>>, vector<16xi32>,
      %get3A_360 = arith.constant 168 : index
      %get3A_361 = tpu.vector_load %arg11[%get3A_360] {strides = array<i32>} : memref<360xi32, #tpu.memory_space<vmem>>, vector<16xi32>,
      %swap3A_362 = arith.constant 48 : index
      %swap3A_363 = tpu.vector_load %arg14[%swap3A_362] {strides = array<i32>} : memref<120xi32, #tpu.memory_space<vmem>>, vector<16xi32>,
      tpu.vector_store %arg14[%swap3A_362], %get3A_361 {strides = array<i32>} : memref<120xi32, #tpu.memory_space<vmem>>, vector<16xi32>,
      %get3A_364 = arith.constant 184 : index
      %get3A_365 = tpu.vector_load %arg11[%get3A_364] {strides = array<i32>} : memref<360xi32, #tpu.memory_space<vmem>>, vector<16xi32>,
      %swap3A_366 = arith.constant 64 : index
      %swap3A_367 = tpu.vector_load %arg14[%swap3A_366] {strides = array<i32>} : memref<120xi32, #tpu.memory_space<vmem>>, vector<16xi32>,
      tpu.vector_store %arg14[%swap3A_366], %get3A_365 {strides = array<i32>} : memref<120xi32, #tpu.memory_space<vmem>>, vector<16xi32>,
      %get3A_368 = arith.constant 200 : index
      %get3A_369 = tpu.vector_load %arg11[%get3A_368] {strides = array<i32>} : memref<360xi32, #tpu.memory_space<vmem>>, vector<16xi32>,
      %swap3A_370 = arith.constant 80 : index
      %swap3A_371 = tpu.vector_load %arg14[%swap3A_370] {strides = array<i32>} : memref<120xi32, #tpu.memory_space<vmem>>, vector<16xi32>,
      tpu.vector_store %arg14[%swap3A_370], %get3A_369 {strides = array<i32>} : memref<120xi32, #tpu.memory_space<vmem>>, vector<16xi32>,
      %get3A_372 = arith.constant 216 : index
      %get3A_373 = tpu.vector_load %arg11[%get3A_372] {strides = array<i32>} : memref<360xi32, #tpu.memory_space<vmem>>, vector<16xi32>,
      %swap3A_374 = arith.constant 96 : index
      %swap3A_375 = tpu.vector_load %arg14[%swap3A_374] {strides = array<i32>} : memref<120xi32, #tpu.memory_space<vmem>>, vector<16xi32>,
      tpu.vector_store %arg14[%swap3A_374], %get3A_373 {strides = array<i32>} : memref<120xi32, #tpu.memory_space<vmem>>, vector<16xi32>,
      %get3A_376 = arith.constant 224 : index
      %get3A_377 = tpu.vector_load %arg11[%get3A_376] {strides = array<i32>} : memref<360xi32, #tpu.memory_space<vmem>>, vector<16xi32>,
      %swap3A_378 = arith.constant 104 : index
      %swap3A_379 = tpu.vector_load %arg14[%swap3A_378] {strides = array<i32>} : memref<120xi32, #tpu.memory_space<vmem>>, vector<16xi32>,
      tpu.vector_store %arg14[%swap3A_378], %get3A_377 {strides = array<i32>} : memref<120xi32, #tpu.memory_space<vmem>>, vector<16xi32>,
      %dma_start3A_380 = arith.constant 0 : i32
      %dma_start3A_381 = arith.constant 0 : i32
      %dma_start3A_382 = tpu.memref_slice %arg5[%dma_start3A_380, %dma_start3A_381] : memref<10240x128xf32, #tpu.memory_space<vmem_shared>> -> memref<10240x128xf32, #tpu.memory_space<vmem_shared>>
      tpu.enqueue_indirect_dma source(%arg8 : memref<120x128xf32, #tpu.memory_space<vmem>>) target(%dma_start3A_382 : memref<10240x128xf32, #tpu.memory_space<vmem_shared>>) offsets(%arg14 : memref<120xi32, #tpu.memory_space<vmem>>) semaphore(%arg20 : memref<!tpu.dma_semaphore, #tpu.memory_space<semaphore_mem>>) {add = true}
      %add3A_383 = arith.constant 3 : i32
      %add3A_384 = arith.addi %add3A_315, %add3A_383 : i32
      %lt3A_385 = arith.constant 168 : i32
      %lt3A_386 = arith.cmpi slt, %add3A_384, %lt3A_385 : i32
      %convert_element_type3A_387 = arith.extui %lt3A_386 : i1 to i32
      %cond3A_388 = arith.constant 0 : i32
      %cond3A_389 = arith.cmpi ne, %convert_element_type3A_387, %cond3A_388 : i32
      scf.if %cond3A_389 {
        %add3A_402 = arith.addi %mul3A_0, %add3A_384 : i32
        %mul3A_403 = arith.constant 3 : i32
        %mul3A_404 = arith.muli %add3A_402, %mul3A_403 : i32
        %mul3A_405 = arith.constant 120 : i32
        %mul3A_406 = arith.muli %mul3A_404, %mul3A_405 : i32
        %multiple_of3A_407 = tpu.assume_multiple %mul3A_406, 360 : i32
        %dma_start3A_408 = tpu.memref_slice %arg3[%multiple_of3A_407] : memref<967680xi32, #tpu.memory_space<hbm>> -> memref<360xi32, #tpu.memory_space<hbm>>
        %dma_start3A_409 = tpu.memref_slice %arg3[%multiple_of3A_407] : memref<967680xi32, #tpu.memory_space<hbm>> -> memref<360xi32, #tpu.memory_space<hbm>>
        tpu.enqueue_dma source(%dma_start3A_409 : memref<360xi32, #tpu.memory_space<hbm>>) target(%arg11 : memref<360xi32, #tpu.memory_space<vmem>>) target_semaphore(%arg23 : memref<!tpu.dma_semaphore, #tpu.memory_space<semaphore_mem>>)
      } else {
      }
      %sub3A_390 = arith.constant 1 : i32
      %sub3A_391 = arith.subi %add3A_315, %sub3A_390 : i32
      %add3A_392 = arith.constant 3 : i32
      %add3A_393 = arith.addi %sub3A_391, %add3A_392 : i32
      %dma_wait3A_394 = arith.constant 0 : i32
      %dma_wait3A_395 = arith.constant 0 : i32
      %dma_wait3A_396 = tpu.memref_slice %arg5[%dma_wait3A_394, %dma_wait3A_395] : memref<10240x128xf32, #tpu.memory_space<vmem_shared>> -> memref<10240x128xf32, #tpu.memory_space<vmem_shared>>
      tpu.wait_indirect_dma semaphore(%arg19 : memref<!tpu.dma_semaphore, #tpu.memory_space<semaphore_mem>>) src(%arg7 : memref<120x128xf32, #tpu.memory_space<vmem>>) dst(%dma_wait3A_396 : memref<10240x128xf32, #tpu.memory_space<vmem_shared>>)
      %lt3A_397 = arith.constant 168 : i32
      %lt3A_398 = arith.cmpi slt, %add3A_393, %lt3A_397 : i32
      %convert_element_type3A_399 = arith.extui %lt3A_398 : i1 to i32
      %cond3A_400 = arith.constant 0 : i32
      %cond3A_401 = arith.cmpi ne, %convert_element_type3A_399, %cond3A_400 : i32
      scf.if %cond3A_401 {
        %dma_wait3A_402 = arith.constant 0 : i32
        %dma_wait3A_403 = tpu.memref_slice %arg3[%dma_wait3A_402] : memref<967680xi32, #tpu.memory_space<hbm>> -> memref<360xi32, #tpu.memory_space<hbm>>
        %dma_wait3A_404 = arith.constant 0 : i32
        %dma_wait3A_405 = tpu.memref_slice %arg3[%dma_wait3A_404] : memref<967680xi32, #tpu.memory_space<hbm>> -> memref<360xi32, #tpu.memory_space<hbm>>
        tpu.wait_dma2 semaphore(%arg22 : memref<!tpu.dma_semaphore, #tpu.memory_space<semaphore_mem>>) src(%dma_wait3A_405 : memref<360xi32, #tpu.memory_space<hbm>>) dst(%arg10 : memref<360xi32, #tpu.memory_space<vmem>>)
        %dma_start3A_406 = arith.constant 0 : i32
        %dma_start3A_407 = arith.constant 0 : i32
        %dma_start3A_408 = tpu.memref_slice %arg7[%dma_start3A_406, %dma_start3A_407] : memref<120x128xf32, #tpu.memory_space<vmem>> -> memref<64x128xf32, #tpu.memory_space<vmem>>
        %dma_start3A_409 = arith.constant 0 : i32
        %dma_start3A_410 = tpu.memref_slice %arg10[%dma_start3A_409] : memref<360xi32, #tpu.memory_space<vmem>> -> memref<64xi32, #tpu.memory_space<vmem>>
        %dma_start3A_411 = arith.constant 0 : i32
        %dma_start3A_412 = arith.constant 0 : i32
        %dma_start3A_413 = tpu.memref_slice %arg2[%arg0, %dma_start3A_411, %dma_start3A_412] : memref<2x10000x128xf32, #tpu.memory_space<hbm>> -> memref<1x10000x128xf32, #tpu.memory_space<hbm>>
        %dma_start3A_414 = tpu.memref_squeeze %dma_start3A_413 : memref<1x10000x128xf32, #tpu.memory_space<hbm>> -> memref<10000x128xf32, #tpu.memory_space<hbm>>
        %dma_start3A_415 = arith.constant 0 : i32
        %dma_start3A_416 = arith.constant 0 : i32
        %dma_start3A_417 = tpu.memref_slice %dma_start3A_414[%dma_start3A_415, %dma_start3A_416] : memref<10000x128xf32, #tpu.memory_space<hbm>> -> memref<10000x128xf32, #tpu.memory_space<hbm>>
        tpu.enqueue_indirect_dma source(%dma_start3A_417 : memref<10000x128xf32, #tpu.memory_space<hbm>>) target(%dma_start3A_408 : memref<64x128xf32, #tpu.memory_space<vmem>>) offsets(%dma_start3A_410 : memref<64xi32, #tpu.memory_space<vmem>>) semaphore(%arg16 : memref<!tpu.dma_semaphore, #tpu.memory_space<semaphore_mem>>)
        %dma_start3A_418 = arith.constant 64 : i32
        %dma_start3A_419 = arith.constant 0 : i32
        %dma_start3A_420 = tpu.memref_slice %arg7[%dma_start3A_418, %dma_start3A_419] : memref<120x128xf32, #tpu.memory_space<vmem>> -> memref<56x128xf32, #tpu.memory_space<vmem>>
        %dma_start3A_421 = arith.constant 64 : i32
        %dma_start3A_422 = tpu.memref_slice %arg10[%dma_start3A_421] : memref<360xi32, #tpu.memory_space<vmem>> -> memref<56xi32, #tpu.memory_space<vmem>>
        %dma_start3A_423 = arith.constant 0 : i32
        %dma_start3A_424 = arith.constant 0 : i32
        %dma_start3A_425 = tpu.memref_slice %arg2[%arg0, %dma_start3A_423, %dma_start3A_424] : memref<2x10000x128xf32, #tpu.memory_space<hbm>> -> memref<1x10000x128xf32, #tpu.memory_space<hbm>>
        %dma_start3A_426 = tpu.memref_squeeze %dma_start3A_425 : memref<1x10000x128xf32, #tpu.memory_space<hbm>> -> memref<10000x128xf32, #tpu.memory_space<hbm>>
        %dma_start3A_427 = arith.constant 0 : i32
        %dma_start3A_428 = arith.constant 0 : i32
        %dma_start3A_429 = tpu.memref_slice %dma_start3A_426[%dma_start3A_427, %dma_start3A_428] : memref<10000x128xf32, #tpu.memory_space<hbm>> -> memref<10000x128xf32, #tpu.memory_space<hbm>>
        tpu.enqueue_indirect_dma source(%dma_start3A_429 : memref<10000x128xf32, #tpu.memory_space<hbm>>) target(%dma_start3A_420 : memref<56x128xf32, #tpu.memory_space<vmem>>) offsets(%dma_start3A_422 : memref<56xi32, #tpu.memory_space<vmem>>) semaphore(%arg16 : memref<!tpu.dma_semaphore, #tpu.memory_space<semaphore_mem>>)
      } else {
      }
    }
    %scan3A_133 = arith.constant 56 : i32
    %dma_wait3A_134 = arith.constant 0 : i32
    %dma_wait3A_135 = arith.constant 0 : i32
    %dma_wait3A_136 = tpu.memref_slice %arg5[%dma_wait3A_134, %dma_wait3A_135] : memref<10240x128xf32, #tpu.memory_space<vmem_shared>> -> memref<10240x128xf32, #tpu.memory_space<vmem_shared>>
    tpu.wait_indirect_dma semaphore(%arg20 : memref<!tpu.dma_semaphore, #tpu.memory_space<semaphore_mem>>) src(%arg8 : memref<120x128xf32, #tpu.memory_space<vmem>>) dst(%dma_wait3A_136 : memref<10240x128xf32, #tpu.memory_space<vmem_shared>>)
    %barrier3A_137 = arith.constant 0 : index
    tpu.barrier barrier_id(%barrier3A_137)
    %mul3A_138 = arith.constant 10240 : i32
    %mul3A_139 = arith.muli %arg0, %mul3A_138 : i32
    %add3A_140 = arith.addi %mul3A_139, %mul3A_31 : i32
    "tpu.region"() ({
      %run_scoped3A = tpu.sem_alloc : memref<!tpu.dma_semaphore, #tpu.memory_space<semaphore_mem>>
      %dma_start3A_141 = arith.constant 0 : i32
      %dma_start3A_142 = tpu.memref_slice %arg4[%add3A_140, %dma_start3A_141] : memref<20480x128xf32, #tpu.memory_space<hbm>> -> memref<640x128xf32, #tpu.memory_space<hbm>>
      %dma_start3A_143 = arith.constant 0 : i32
      %dma_start3A_144 = tpu.memref_slice %arg5[%mul3A_31, %dma_start3A_143] : memref<10240x128xf32, #tpu.memory_space<vmem_shared>> -> memref<640x128xf32, #tpu.memory_space<vmem_shared>>
      tpu.enqueue_dma source(%dma_start3A_144 : memref<640x128xf32, #tpu.memory_space<vmem_shared>>) target(%dma_start3A_142 : memref<640x128xf32, #tpu.memory_space<hbm>>) target_semaphore(%run_scoped3A : memref<!tpu.dma_semaphore, #tpu.memory_space<semaphore_mem>>)
      %dma_wait3A_145 = arith.constant 0 : i32
      %dma_wait3A_146 = tpu.memref_slice %arg4[%add3A_140, %dma_wait3A_145] : memref<20480x128xf32, #tpu.memory_space<hbm>> -> memref<640x128xf32, #tpu.memory_space<hbm>>
      %dma_wait3A_147 = arith.constant 0 : i32
      %dma_wait3A_148 = tpu.memref_slice %arg5[%mul3A_31, %dma_wait3A_147] : memref<10240x128xf32, #tpu.memory_space<vmem_shared>> -> memref<640x128xf32, #tpu.memory_space<vmem_shared>>
      tpu.wait_dma2 semaphore(%run_scoped3A : memref<!tpu.dma_semaphore, #tpu.memory_space<semaphore_mem>>) src(%dma_wait3A_148 : memref<640x128xf32, #tpu.memory_space<vmem_shared>>) dst(%dma_wait3A_146 : memref<640x128xf32, #tpu.memory_space<hbm>>)
      tpu.yield
    }) : () -> ()
    return
  }
}

module attributes {stable_mosaic.version = 14 : i64} {
  func.func @_tc_body(%arg0: i32, %arg1: memref<2000x128xf32, #tpu.memory_space<vmem>>, %arg2: memref<2000x128xf32, #tpu.memory_space<vmem>>, %arg3: memref<2000x128xf32, #tpu.memory_space<vmem>>, %arg4: memref<2000x128xf32, #tpu.memory_space<vmem>>, %arg5: memref<2000x128xf32, #tpu.memory_space<vmem>>, %arg6: memref<512x512xf32, #tpu.memory_space<vmem>>, %arg7: memref<4x128xf32, #tpu.memory_space<vmem>>, %arg8: memref<3x128xf32, #tpu.memory_space<vmem>>, %arg9: memref<1x128xf32, #tpu.memory_space<vmem>>, %arg10: memref<1x128xf32, #tpu.memory_space<vmem>>, %arg11: memref<1x128xf32, #tpu.memory_space<vmem>>, %arg12: memref<1x1xf32, #tpu.memory_space<vmem>>, %arg13: memref<2000x128xf32, #tpu.memory_space<vmem>>, %arg14: memref<2000x128xf32, #tpu.memory_space<vmem>>, %arg15: memref<2000x128xf32, #tpu.memory_space<vmem>>) attributes {dimension_semantics = [#tpu.dimension_semantics<arbitrary>], iteration_bounds = array<i64: 5>, scalar_prefetch = 0 : i64, scratch_operands = 0 : i64, tpu.core_type = #tpu.core_type<tc>, window_params = [{transform_indices = @transform_0, window_bounds = array<i64: 2000, 128>}, {transform_indices = @transform_1, window_bounds = array<i64: 2000, 128>}, {transform_indices = @transform_2, window_bounds = array<i64: 2000, 128>}, {transform_indices = @transform_3, window_bounds = array<i64: 2000, 128>}, {transform_indices = @transform_4, window_bounds = array<i64: 2000, 128>}, {pipeline_mode = #tpu.pipeline_mode<synchronous>, transform_indices = @transform_5, window_bounds = array<i64: 512, 512>}, {pipeline_mode = #tpu.pipeline_mode<synchronous>, transform_indices = @transform_6, window_bounds = array<i64: 4, 128>}, {pipeline_mode = #tpu.pipeline_mode<synchronous>, transform_indices = @transform_7, window_bounds = array<i64: 3, 128>}, {pipeline_mode = #tpu.pipeline_mode<synchronous>, transform_indices = @transform_8, window_bounds = array<i64: 1, 128>}, {pipeline_mode = #tpu.pipeline_mode<synchronous>, transform_indices = @transform_9, window_bounds = array<i64: 1, 128>}, {pipeline_mode = #tpu.pipeline_mode<synchronous>, transform_indices = @transform_10, window_bounds = array<i64: 1, 128>}, {pipeline_mode = #tpu.pipeline_mode<synchronous>, transform_indices = @transform_11, window_bounds = array<i64: 1, 1>}, {transform_indices = @transform_12, window_bounds = array<i64: 2000, 128>}, {transform_indices = @transform_13, window_bounds = array<i64: 2000, 128>}, {transform_indices = @transform_14, window_bounds = array<i64: 2000, 128>}]} {
    %get3A = arith.constant 0 : index
    %get3A_0 = arith.constant 0 : index
    %get3A_1 = vector.load %arg1[%get3A, %get3A_0] : memref<2000x128xf32, #tpu.memory_space<vmem>>, vector<2000x128xf32>
    %get3A_2 = arith.constant 0 : index
    %get3A_3 = arith.constant 0 : index
    %get3A_4 = vector.load %arg2[%get3A_2, %get3A_3] : memref<2000x128xf32, #tpu.memory_space<vmem>>, vector<2000x128xf32>
    %get3A_5 = arith.constant 0 : index
    %get3A_6 = arith.constant 0 : index
    %get3A_7 = vector.load %arg3[%get3A_5, %get3A_6] : memref<2000x128xf32, #tpu.memory_space<vmem>>, vector<2000x128xf32>
    %get3A_8 = arith.constant 0 : index
    %get3A_9 = arith.constant 0 : index
    %get3A_10 = vector.load %arg4[%get3A_8, %get3A_9] : memref<2000x128xf32, #tpu.memory_space<vmem>>, vector<2000x128xf32>
    %concatenate3A = tpu.concatenate %get3A_1, %get3A_4, %get3A_7, %get3A_10 in 1 : vector<2000x128xf32>, vector<2000x128xf32>, vector<2000x128xf32>, vector<2000x128xf32> -> vector<2000x512xf32>
    %get3A_11 = arith.constant 0 : index
    %get3A_12 = arith.constant 0 : index
    %get3A_13 = vector.load %arg6[%get3A_11, %get3A_12] : memref<512x512xf32, #tpu.memory_space<vmem>>, vector<512x512xf32>
    %dot_general3A = arith.constant dense<0.000000e+00> : vector<2000x512xf32>
    %dot_general3A_14 = tpu.matmul %concatenate3A, %get3A_13, %dot_general3A {dimension_numbers = #tpu.dot_dimension_numbers<[1], [0], [0], [1], [0, 0, 1, 1], [], []>, transpose_lhs_hint = false} : vector<2000x512xf32>, vector<512x512xf32>, vector<2000x512xf32> -> vector<2000x512xf32>
    %get3A_15 = arith.constant 0 : index
    %get3A_16 = arith.constant 0 : index
    %get3A_17 = vector.load %arg5[%get3A_15, %get3A_16] : memref<2000x128xf32, #tpu.memory_space<vmem>>, vector<2000x128xf32>
    %get3A_18 = arith.constant 0 : index
    %get3A_19 = arith.constant 0 : index
    %get3A_20 = vector.load %arg7[%get3A_18, %get3A_19] : memref<4x128xf32, #tpu.memory_space<vmem>>, vector<4x128xf32>
    %get3A_21 = arith.constant 0 : index
    %get3A_22 = arith.constant 0 : index
    %get3A_23 = vector.load %arg8[%get3A_21, %get3A_22] : memref<3x128xf32, #tpu.memory_space<vmem>>, vector<3x128xf32>
    %slice3A = vector.extract_strided_slice %dot_general3A_14 {offsets = [0, 0], sizes = [2000, 128], strides = [1, 1]} : vector<2000x512xf32> to vector<2000x128xf32>
    %slice3A_24 = vector.extract_strided_slice %get3A_23 {offsets = [0, 0], sizes = [1, 128], strides = [1, 1]} : vector<3x128xf32> to vector<1x128xf32>
    %mul3A = vector.broadcast %slice3A_24 : vector<1x128xf32> to vector<2000x128xf32>
    %mul3A_25 = arith.mulf %mul3A, %get3A_17 : vector<2000x128xf32>
    %add3A = arith.addf %slice3A, %mul3A_25 : vector<2000x128xf32>
    %slice3A_26 = vector.extract_strided_slice %get3A_20 {offsets = [0, 0], sizes = [1, 128], strides = [1, 1]} : vector<4x128xf32> to vector<1x128xf32>
    %add3A_27 = vector.broadcast %slice3A_26 : vector<1x128xf32> to vector<2000x128xf32>
    %add3A_28 = arith.addf %add3A, %add3A_27 : vector<2000x128xf32>
    %logistic3A = arith.negf %add3A_28 : vector<2000x128xf32>
    %logistic3A_29 = math.exp %logistic3A : vector<2000x128xf32>
    %logistic3A_30 = arith.constant 1.000000e+00 : f32
    %logistic3A_31 = vector.broadcast %logistic3A_30 : f32 to vector<2000x128xf32>
    %logistic3A_32 = arith.addf %logistic3A_31, %logistic3A_29 : vector<2000x128xf32>
    %logistic3A_33 = arith.divf %logistic3A_31, %logistic3A_32 : vector<2000x128xf32>
    %slice3A_34 = vector.extract_strided_slice %dot_general3A_14 {offsets = [0, 128], sizes = [2000, 128], strides = [1, 1]} : vector<2000x512xf32> to vector<2000x128xf32>
    %slice3A_35 = vector.extract_strided_slice %get3A_23 {offsets = [1, 0], sizes = [1, 128], strides = [1, 1]} : vector<3x128xf32> to vector<1x128xf32>
    %mul3A_36 = vector.broadcast %slice3A_35 : vector<1x128xf32> to vector<2000x128xf32>
    %mul3A_37 = arith.mulf %mul3A_36, %get3A_17 : vector<2000x128xf32>
    %add3A_38 = arith.addf %slice3A_34, %mul3A_37 : vector<2000x128xf32>
    %slice3A_39 = vector.extract_strided_slice %get3A_20 {offsets = [1, 0], sizes = [1, 128], strides = [1, 1]} : vector<4x128xf32> to vector<1x128xf32>
    %add3A_40 = vector.broadcast %slice3A_39 : vector<1x128xf32> to vector<2000x128xf32>
    %add3A_41 = arith.addf %add3A_38, %add3A_40 : vector<2000x128xf32>
    %logistic3A_42 = arith.negf %add3A_41 : vector<2000x128xf32>
    %logistic3A_43 = math.exp %logistic3A_42 : vector<2000x128xf32>
    %logistic3A_44 = arith.constant 1.000000e+00 : f32
    %logistic3A_45 = vector.broadcast %logistic3A_44 : f32 to vector<2000x128xf32>
    %logistic3A_46 = arith.addf %logistic3A_45, %logistic3A_43 : vector<2000x128xf32>
    %logistic3A_47 = arith.divf %logistic3A_45, %logistic3A_46 : vector<2000x128xf32>
    %slice3A_48 = vector.extract_strided_slice %dot_general3A_14 {offsets = [0, 256], sizes = [2000, 128], strides = [1, 1]} : vector<2000x512xf32> to vector<2000x128xf32>
    %slice3A_49 = vector.extract_strided_slice %get3A_20 {offsets = [2, 0], sizes = [1, 128], strides = [1, 1]} : vector<4x128xf32> to vector<1x128xf32>
    %add3A_50 = vector.broadcast %slice3A_49 : vector<1x128xf32> to vector<2000x128xf32>
    %add3A_51 = arith.addf %slice3A_48, %add3A_50 : vector<2000x128xf32>
    %tanh3A = math.tanh %add3A_51 : vector<2000x128xf32>
    %mul3A_52 = arith.mulf %logistic3A_47, %get3A_17 : vector<2000x128xf32>
    %mul3A_53 = arith.mulf %logistic3A_33, %tanh3A : vector<2000x128xf32>
    %add3A_54 = arith.addf %mul3A_52, %mul3A_53 : vector<2000x128xf32>
    %slice3A_55 = vector.extract_strided_slice %dot_general3A_14 {offsets = [0, 384], sizes = [2000, 128], strides = [1, 1]} : vector<2000x512xf32> to vector<2000x128xf32>
    %slice3A_56 = vector.extract_strided_slice %get3A_23 {offsets = [2, 0], sizes = [1, 128], strides = [1, 1]} : vector<3x128xf32> to vector<1x128xf32>
    %mul3A_57 = vector.broadcast %slice3A_56 : vector<1x128xf32> to vector<2000x128xf32>
    %mul3A_58 = arith.mulf %mul3A_57, %add3A_54 : vector<2000x128xf32>
    %add3A_59 = arith.addf %slice3A_55, %mul3A_58 : vector<2000x128xf32>
    %slice3A_60 = vector.extract_strided_slice %get3A_20 {offsets = [3, 0], sizes = [1, 128], strides = [1, 1]} : vector<4x128xf32> to vector<1x128xf32>
    %add3A_61 = vector.broadcast %slice3A_60 : vector<1x128xf32> to vector<2000x128xf32>
    %add3A_62 = arith.addf %add3A_59, %add3A_61 : vector<2000x128xf32>
    %logistic3A_63 = arith.negf %add3A_62 : vector<2000x128xf32>
    %logistic3A_64 = math.exp %logistic3A_63 : vector<2000x128xf32>
    %logistic3A_65 = arith.constant 1.000000e+00 : f32
    %logistic3A_66 = vector.broadcast %logistic3A_65 : f32 to vector<2000x128xf32>
    %logistic3A_67 = arith.addf %logistic3A_66, %logistic3A_64 : vector<2000x128xf32>
    %logistic3A_68 = arith.divf %logistic3A_66, %logistic3A_67 : vector<2000x128xf32>
    %tanh3A_69 = math.tanh %add3A_54 : vector<2000x128xf32>
    %mul3A_70 = arith.mulf %logistic3A_68, %tanh3A_69 : vector<2000x128xf32>
    %max3A = arith.constant 0.000000e+00 : f32
    %max3A_71 = vector.broadcast %max3A : f32 to vector<2000x128xf32>
    %max3A_72 = arith.maximumf %mul3A_70, %max3A_71 : vector<2000x128xf32>
    %reduce_sum3A = arith.constant dense<0.000000e+00> : vector<2000xf32>
    %reduce_sum3A_73 = vector.multi_reduction <add>, %max3A_72, %reduce_sum3A [1] : vector<2000x128xf32> to vector<2000xf32>
    %broadcast_in_dim3A = vector.shape_cast %reduce_sum3A_73 : vector<2000xf32> to vector<2000x1xf32>
    %div3A = arith.constant 1.280000e+02 : f32
    %div3A_74 = vector.broadcast %div3A : f32 to vector<2000x1xf32>
    %div3A_75 = arith.divf %broadcast_in_dim3A, %div3A_74 : vector<2000x1xf32>
    %sub3A = vector.broadcast %div3A_75 : vector<2000x1xf32> to vector<2000x128xf32>
    %sub3A_76 = arith.subf %max3A_72, %sub3A : vector<2000x128xf32>
    %integer_pow3A = arith.mulf %sub3A_76, %sub3A_76 : vector<2000x128xf32>
    %reduce_sum3A_77 = arith.constant dense<0.000000e+00> : vector<2000xf32>
    %reduce_sum3A_78 = vector.multi_reduction <add>, %integer_pow3A, %reduce_sum3A_77 [1] : vector<2000x128xf32> to vector<2000xf32>
    %broadcast_in_dim3A_79 = vector.shape_cast %reduce_sum3A_78 : vector<2000xf32> to vector<2000x1xf32>
    %div3A_80 = arith.constant 1.280000e+02 : f32
    %div3A_81 = vector.broadcast %div3A_80 : f32 to vector<2000x1xf32>
    %div3A_82 = arith.divf %broadcast_in_dim3A_79, %div3A_81 : vector<2000x1xf32>
    %sub3A_83 = vector.broadcast %div3A_75 : vector<2000x1xf32> to vector<2000x128xf32>
    %sub3A_84 = arith.subf %max3A_72, %sub3A_83 : vector<2000x128xf32>
    %add3A_85 = arith.constant 9.99999974E-6 : f32
    %add3A_86 = vector.broadcast %add3A_85 : f32 to vector<2000x1xf32>
    %add3A_87 = arith.addf %div3A_82, %add3A_86 : vector<2000x1xf32>
    %rsqrt3A = math.rsqrt %add3A_87 : vector<2000x1xf32>
    %mul3A_88 = vector.broadcast %rsqrt3A : vector<2000x1xf32> to vector<2000x128xf32>
    %mul3A_89 = arith.mulf %sub3A_84, %mul3A_88 : vector<2000x128xf32>
    %get3A_90 = arith.constant 0 : index
    %get3A_91 = arith.constant 0 : index
    %get3A_92 = vector.load %arg9[%get3A_90, %get3A_91] : memref<1x128xf32, #tpu.memory_space<vmem>>, vector<1x128xf32>
    %mul3A_93 = vector.broadcast %get3A_92 : vector<1x128xf32> to vector<2000x128xf32>
    %mul3A_94 = arith.mulf %mul3A_89, %mul3A_93 : vector<2000x128xf32>
    %get3A_95 = arith.constant 0 : index
    %get3A_96 = arith.constant 0 : index
    %get3A_97 = vector.load %arg10[%get3A_95, %get3A_96] : memref<1x128xf32, #tpu.memory_space<vmem>>, vector<1x128xf32>
    %add3A_98 = vector.broadcast %get3A_97 : vector<1x128xf32> to vector<2000x128xf32>
    %add3A_99 = arith.addf %mul3A_94, %add3A_98 : vector<2000x128xf32>
    %get3A_100 = arith.constant 0 : index
    %get3A_101 = arith.constant 0 : index
    %get3A_102 = vector.load %arg11[%get3A_100, %get3A_101] : memref<1x128xf32, #tpu.memory_space<vmem>>, vector<1x128xf32>
    %mul3A_103 = vector.broadcast %get3A_102 : vector<1x128xf32> to vector<2000x128xf32>
    %mul3A_104 = arith.mulf %add3A_99, %mul3A_103 : vector<2000x128xf32>
    %reduce_sum3A_105 = arith.constant dense<0.000000e+00> : vector<2000xf32>
    %reduce_sum3A_106 = vector.multi_reduction <add>, %mul3A_104, %reduce_sum3A_105 [1] : vector<2000x128xf32> to vector<2000xf32>
    %broadcast_in_dim3A_107 = vector.shape_cast %reduce_sum3A_106 : vector<2000xf32> to vector<2000x1xf32>
    %get3A_108 = arith.constant 0 : index
    %get3A_109 = arith.constant 0 : index
    %get3A_110 = vector.load %arg12[%get3A_108, %get3A_109] : memref<1x1xf32, #tpu.memory_space<vmem>>, vector<1x1xf32>
    %get3A_111 = vector.extract %get3A_110[0, 0] : f32 from vector<1x1xf32>
    %add3A_112 = vector.broadcast %get3A_111 : f32 to vector<2000x1xf32>
    %add3A_113 = arith.addf %broadcast_in_dim3A_107, %add3A_112 : vector<2000x1xf32>
    %logistic3A_114 = arith.negf %add3A_113 : vector<2000x1xf32>
    %logistic3A_115 = math.exp %logistic3A_114 : vector<2000x1xf32>
    %logistic3A_116 = arith.constant 1.000000e+00 : f32
    %logistic3A_117 = vector.broadcast %logistic3A_116 : f32 to vector<2000x1xf32>
    %logistic3A_118 = arith.addf %logistic3A_117, %logistic3A_115 : vector<2000x1xf32>
    %logistic3A_119 = arith.divf %logistic3A_117, %logistic3A_118 : vector<2000x1xf32>
    %broadcast_in_dim3A_120 = vector.shape_cast %logistic3A_119 : vector<2000x1xf32> to vector<2000x1xf32>
    %broadcast_in_dim3A_121 = vector.broadcast %broadcast_in_dim3A_120 : vector<2000x1xf32> to vector<2000x128xf32>
    %swap3A = arith.constant 0 : index
    %swap3A_122 = arith.constant 0 : index
    %swap3A_123 = vector.load %arg15[%swap3A, %swap3A_122] : memref<2000x128xf32, #tpu.memory_space<vmem>>, vector<2000x128xf32>
    tpu.vector_store %arg15[%swap3A, %swap3A_122], %broadcast_in_dim3A_121 {strides = array<i32>} : memref<2000x128xf32, #tpu.memory_space<vmem>>, vector<2000x128xf32>,
    %swap3A_124 = arith.constant 0 : index
    %swap3A_125 = arith.constant 0 : index
    %swap3A_126 = vector.load %arg13[%swap3A_124, %swap3A_125] : memref<2000x128xf32, #tpu.memory_space<vmem>>, vector<2000x128xf32>
    tpu.vector_store %arg13[%swap3A_124, %swap3A_125], %mul3A_70 {strides = array<i32>} : memref<2000x128xf32, #tpu.memory_space<vmem>>, vector<2000x128xf32>,
    %swap3A_127 = arith.constant 0 : index
    %swap3A_128 = arith.constant 0 : index
    %swap3A_129 = vector.load %arg14[%swap3A_127, %swap3A_128] : memref<2000x128xf32, #tpu.memory_space<vmem>>, vector<2000x128xf32>
    tpu.vector_store %arg14[%swap3A_127, %swap3A_128], %add3A_54 {strides = array<i32>} : memref<2000x128xf32, #tpu.memory_space<vmem>>, vector<2000x128xf32>,
    return
  }
  func.func @transform_0(%arg0: i32) -> (i32, i32) {
    %c0_i32 = arith.constant 0 : i32
    %c0_i32_0 = arith.constant 0 : i32
    return %arg0, %c0_i32 : i32, i32
  }
  func.func @transform_1(%arg0: i32) -> (i32, i32) {
    %c0_i32 = arith.constant 0 : i32
    %c0_i32_0 = arith.constant 0 : i32
    return %arg0, %c0_i32 : i32, i32
  }
  func.func @transform_2(%arg0: i32) -> (i32, i32) {
    %c0_i32 = arith.constant 0 : i32
    %c0_i32_0 = arith.constant 0 : i32
    return %arg0, %c0_i32 : i32, i32
  }
  func.func @transform_3(%arg0: i32) -> (i32, i32) {
    %c0_i32 = arith.constant 0 : i32
    %c0_i32_0 = arith.constant 0 : i32
    return %arg0, %c0_i32 : i32, i32
  }
  func.func @transform_4(%arg0: i32) -> (i32, i32) {
    %c0_i32 = arith.constant 0 : i32
    %c0_i32_0 = arith.constant 0 : i32
    return %arg0, %c0_i32 : i32, i32
  }
  func.func @transform_5(%arg0: i32) -> (i32, i32) {
    %c0_i32 = arith.constant 0 : i32
    %c0_i32_0 = arith.constant 0 : i32
    %c0_i32_1 = arith.constant 0 : i32
    return %c0_i32, %c0_i32_0 : i32, i32
  }
  func.func @transform_6(%arg0: i32) -> (i32, i32) {
    %c0_i32 = arith.constant 0 : i32
    %c0_i32_0 = arith.constant 0 : i32
    %c0_i32_1 = arith.constant 0 : i32
    return %c0_i32, %c0_i32_0 : i32, i32
  }
  func.func @transform_7(%arg0: i32) -> (i32, i32) {
    %c0_i32 = arith.constant 0 : i32
    %c0_i32_0 = arith.constant 0 : i32
    %c0_i32_1 = arith.constant 0 : i32
    return %c0_i32, %c0_i32_0 : i32, i32
  }
  func.func @transform_8(%arg0: i32) -> (i32, i32) {
    %c0_i32 = arith.constant 0 : i32
    %c0_i32_0 = arith.constant 0 : i32
    %c0_i32_1 = arith.constant 0 : i32
    return %c0_i32, %c0_i32_0 : i32, i32
  }
  func.func @transform_9(%arg0: i32) -> (i32, i32) {
    %c0_i32 = arith.constant 0 : i32
    %c0_i32_0 = arith.constant 0 : i32
    %c0_i32_1 = arith.constant 0 : i32
    return %c0_i32, %c0_i32_0 : i32, i32
  }
  func.func @transform_10(%arg0: i32) -> (i32, i32) {
    %c0_i32 = arith.constant 0 : i32
    %c0_i32_0 = arith.constant 0 : i32
    %c0_i32_1 = arith.constant 0 : i32
    return %c0_i32, %c0_i32_0 : i32, i32
  }
  func.func @transform_11(%arg0: i32) -> (i32, i32) {
    %c0_i32 = arith.constant 0 : i32
    %c0_i32_0 = arith.constant 0 : i32
    %c0_i32_1 = arith.constant 0 : i32
    return %c0_i32, %c0_i32_0 : i32, i32
  }
  func.func @transform_12(%arg0: i32) -> (i32, i32) {
    %c0_i32 = arith.constant 0 : i32
    %c0_i32_0 = arith.constant 0 : i32
    return %arg0, %c0_i32 : i32, i32
  }
  func.func @transform_13(%arg0: i32) -> (i32, i32) {
    %c0_i32 = arith.constant 0 : i32
    %c0_i32_0 = arith.constant 0 : i32
    return %arg0, %c0_i32 : i32, i32
  }
  func.func @transform_14(%arg0: i32) -> (i32, i32) {
    %c0_i32 = arith.constant 0 : i32
    %c0_i32_0 = arith.constant 0 : i32
    return %arg0, %c0_i32 : i32, i32
  }
}

</mosaic_0001>

<sc_bundles>
// kernel: kernel.4.cloned.1.call-start
scs
__scs_entry_jumppad:
0x0: {  	(pc) =	sbr.rel $0x88, $3  }
0x1: {  	(tag) =	ssettag $0x0;
	lr =	simm.s32 $0x1  }
0x2: {  	[smem:$0x3F92] =	sst lr;
	_ =	strace $0xD0000000  }
0x3: {  	_ = 	snop  }
0x4: {  	_ = 	snop  }
0x5: {  	_ = 	snop  }
0x6: {  	_ = 	snop  }
0x7: {  	_ = 	snop  }
__scs_overlays_trampoline_lowered:
0x8: {  	[smem:$0x3FA1] =	sst s0  }
0x9: {  	[smem:$0x3FA2] =	sst s1  }
0xa: {  	[smem:$0x3FA3] =	sst s2  }
0xb: {  	[smem:$0x3FA4] =	sst s3  }
0xc: {  	[smem:$0x3FA5] =	sst s4  }
0xd: {  	[smem:$0x3FA6] =	sst s5  }
0xe: {  	[smem:$0x3FA7] =	sst s6  }
0xf: {  	[smem:$0x3FA8] =	sst s7  }
0x10: {  	[smem:$0x3FA9] =	sst s8  }
0x11: {  	[smem:$0x3FAA] =	sst s9;
	s0 =	simm.s32 @!p0 $0x0  }
0x12: {  	s1 =	sld [smem:$0x3F90];
	s0 =	simm.s32 @p0 $0x1  }
0x13: {  	[smem:$0x3FAB] =	sst s0;
	s0 =	simm.s32 @!p1 $0x0  }
0x14: {  	s2 =	sld [smem:$0x3F8F];
	s0 =	simm.s32 @p1 $0x1  }
0x15: {  	[smem:$0x3FAC] =	sst s0;
	s0 =	simm.s32 @!p2 $0x0  }
0x16: {  	s3 =	sld [smem:$0x3FDB];
	s0 =	simm.s32 @p2 $0x1  }
0x17: {  	s4 =	simm.s32 $0x1BF5;
	[smem:$0x3FAE] =	sst s0  }
0x18: {  	s0 =	sld [smem:$0x3F91];
	_ =	swait.ge [sflag:s4], $0x0  }
0x19: {  	s7 =	sld [smem:$0x3F92]  }
0x1a: {  	s8 =	sadd.s32 $0xFFFFE003, lr  }
0x1b: {  	s9 =	sadd.s32 $0xFFFFFEF7, lr;
	s5 =	simm.s32 $0xFFFFFFFF;
	p2 =	slt.u32 s8, $0xFFFFF086  }
0x1c: {  	p1 =	slt.u32 s9, $0xF7A;
	s5 =	simm.s32 @!p2 $0x0  }
0x1d: {  	s5 =	simm.s32 @p1 $0x1;
	p0 =	seq.s32 s7, s2  }
0x1e: {  	s7 =	smul.u32 @!p0 $0xF7A, s2;
	p2 =	seq.s32 @!p0 s5, $0x0  }
0x1f: {  	s9 =	smul.u32 $0xF7A, s1;
	s8 =	simm.s32 @!p0 $0x1BF5;
	p2 =	por !p2, p0  }
0x20: {  	[sflag:s8] =	ssyncset.s32 @!p0 $0xFFFFF086;
	s6 =	sadd.s32 @!p0 s3, s7;
	s7 =	simm.s32 @!p0 $0x108  }
0x21: {  	s3 =	sadd.s32 s3, s9;
	s6 =	sadd.s32 @!p0 $0x88, s6;
	s7 =	simm.s32 @p2 $0x1082  }
0x22: {  	[simem:s7], [sflag:s8] =	dma.local @!p0 [hbm:s6], $0xF7A  }
0x23: {  	s9 =	sor.u32 $0xD0000000, s2;
	s6 =	simm.s32 $0x108;
	_ =	swait.ge @!p0 [sflag:s8], $0x0  }
0x24: {  	s3 =	sadd.s32 $0x88, s3;
	s6 =	simm.s32 @!p1 $0x1082;
	[sflag:s4] =	ssyncset.s32 $0xFFFFF086  }
0x25: {  	[simem:s6], [sflag:s4] =	dma.local [hbm:s3], $0xF7A  }
0x26: {  	[smem:$0x3F92] =	sst s1;
	(tag) =	ssettag s2;
	_ =	strace s9  }
0x27: {  	s1 =	sld [smem:$0x3FA2]  }
0x28: {  	s2 =	sld [smem:$0x3FA3]  }
0x29: {  	s4 =	sld [smem:$0x3FA5]  }
0x2a: {  	p0 =	seq.s32 s5, $0x0;
	s5 =	sld [smem:$0x3FA6]  }
0x2b: {  	s6 =	sld [smem:$0x3FA7]  }
0x2c: {  	s7 =	sld [smem:$0x3FA8]  }
0x2d: {  	s3 =	simm.s32 $0x108;
	s8 =	sld [smem:$0x3FA9]  }
0x2e: {  	s3 =	simm.s32 @!p0 $0x1082;
	s9 =	sld [smem:$0x3FAA]  }
0x2f: {  	lr =	sadd.s32 s0, s3;
	s0 =	sld [smem:$0x3FA1]  }
0x30: {  	s3 =	sld [smem:$0x3FA4]  }
0x31: {  	[smem:$0x3FAD] =	sst s10  }
0x32: {  	s10 =	sld [smem:$0x3FAB];
	_ =	sdelay $0x3  }
0x33: {  	p0 =	seq.s32 s10, $0x1;
	s10 =	sld [smem:$0x3FAD];
	_ =	sdelay $0x3  }
0x34: {  	[smem:$0x3FAD] =	sst s10  }
0x35: {  	s10 =	sld [smem:$0x3FAC];
	_ =	sdelay $0x3  }
0x36: {  	p1 =	seq.s32 s10, $0x1;
	s10 =	sld [smem:$0x3FAD];
	_ =	sdelay $0x3  }
0x37: {  	[smem:$0x3FAD] =	sst s10  }
0x38: {  	s10 =	sld [smem:$0x3FAE]  }
0x39: {  	_ = 	snop;
	(pc) =	sbr.ind lr, $3  }
0x3a: {  	_ = 	snop  }
0x3b: {  	_ = 	snop  }
0x3c: {  	p2 =	seq.s32 s10, $0x1;
	s10 =	sld [smem:$0x3FAD]  }
0x3d: {  	_ =	shalt  }
0x3e: {  	_ =	shalt  }
0x3f: {  	_ =	shalt  }
0x40: {  	_ =	shalt  }
0x41: {  	_ =	shalt  }
0x42: {  	_ =	shalt  }
0x43: {  	_ =	shalt  }
0x44: {  	_ =	shalt  }
0x45: {  	_ =	shalt  }
0x46: {  	_ =	shalt  }
0x47: {  	_ =	shalt  }
0x48: {  	_ =	shalt  }
0x49: {  	_ =	shalt  }
0x4a: {  	_ =	shalt  }
0x4b: {  	_ =	shalt  }
0x4c: {  	_ =	shalt  }
0x4d: {  	_ =	shalt  }
0x4e: {  	_ =	shalt  }
0x4f: {  	_ =	shalt  }
0x50: {  	_ =	shalt  }
0x51: {  	_ =	shalt  }
0x52: {  	_ =	shalt  }
0x53: {  	_ =	shalt  }
0x54: {  	_ =	shalt  }
0x55: {  	_ =	shalt  }
0x56: {  	_ =	shalt  }
0x57: {  	_ =	shalt  }
0x58: {  	_ =	shalt  }
0x59: {  	_ =	shalt  }
0x5a: {  	_ =	shalt  }
0x5b: {  	_ =	shalt  }
0x5c: {  	_ =	shalt  }
0x5d: {  	_ =	shalt  }
0x5e: {  	_ =	shalt  }
0x5f: {  	_ =	shalt  }
0x60: {  	_ =	shalt  }
0x61: {  	_ =	shalt  }
0x62: {  	_ =	shalt  }
0x63: {  	_ =	shalt  }
0x64: {  	_ =	shalt  }
0x65: {  	_ =	shalt  }
0x66: {  	_ =	shalt  }
0x67: {  	_ =	shalt  }
0x68: {  	_ =	shalt  }
0x69: {  	_ =	shalt  }
0x6a: {  	_ =	shalt  }
0x6b: {  	_ =	shalt  }
0x6c: {  	_ =	shalt  }
0x6d: {  	_ =	shalt  }
0x6e: {  	_ =	shalt  }
0x6f: {  	_ =	shalt  }
0x70: {  	_ =	shalt  }
0x71: {  	_ =	shalt  }
0x72: {  	_ =	shalt  }
0x73: {  	_ =	shalt  }
0x74: {  	_ =	shalt  }
0x75: {  	_ =	shalt  }
0x76: {  	_ =	shalt  }
0x77: {  	_ =	shalt  }
0x78: {  	_ =	shalt  }
0x79: {  	_ =	shalt  }
0x7a: {  	_ =	shalt  }
0x7b: {  	_ =	shalt  }
0x7c: {  	_ =	shalt  }
0x7d: {  	_ =	shalt  }
0x7e: {  	_ =	shalt  }
0x7f: {  	_ =	shalt  }
0x80: {  	_ =	shalt  }
0x81: {  	_ =	shalt  }
0x82: {  	_ =	shalt  }
0x83: {  	_ =	shalt  }
0x84: {  	_ =	shalt  }
0x85: {  	_ =	shalt  }
0x86: {  	_ =	shalt  }
0x87: {  	_ =	shalt  }
.Lfunc_end0:
.L_simem_size_0:
called_computation_lowered:
.L_overlay_start_0:
0x88: {  	s2 =	sld [smem:$0x3FD9]  }
0x89: {  	s3 =	sld [smem:$0x3FFE];
	_ =	sdelay $0x1  }
0x8a: {  	s1 =	srdreg.scid  }
0x8b: {  	s0 =	sand.u32 $0x1, s1  }
0x8c: {  	s14 =	sshll.u32 s0, $0xA;
	s2 =	sadd.s32 s3, s2  }
0x8d: {  	s2 =	sadd.s32 s2, s14  }
0x8e: {  	[smem:$0x3FB9] =	sst s2  }
0x8f: {  	_ = 	snop  }
0x90: {  	s2 =	sld [smem:$0x3FD0];
	_ =	sdelay $0x2  }
0x91: {  	s15 =	simm.s32 $0xA;
	s4 =	simm.s32 $0x10  }
0x92: {  	[smem:s4], [sflag:s15] =	dma.local [hbm:s2], $0x1  }
0x93: {  	_ =	swait.eq [sflag:s15], $0x1  }
0x94: {  	[sflag:s15] =	ssyncset.done $0x0  }
0x95: {  	[sflag:s15] =	ssyncadd.s32 $0xFFFFFFFF  }
0x96: {  	s16 =	sld [smem:$0x12];
	(tm) =	ssettm $0x1  }
0x97: {  	s17 =	sld [smem:$0x3FFB];
	_ =	sdelay $0x3  }
0x98: {  	_ =	strace s17  }
0x99: {  	s3 =	sld [smem:$0x3FFC];
	_ =	sdelay $0x3  }
0x9a: {  	_ =	strace s3  }
0x9b: {  	s3 =	sld [smem:$0x3FFD];
	_ =	sdelay $0x3  }
0x9c: {  	_ =	strace s3  }
0x9d: {  	_ =	strace $0x8FFFFFFF  }
0x9e: {  	s18 =	sld [smem:$0x3FDB];
	_ =	sdelay $0x1  }
0x9f: {  	s19 =	simm.s32 $_scs_section_size  }
0xa0: {  	s5 =	simm.s32 $_size__tile_overlayer_lowered;
	s6 =	simm.s32 $_tile_overlayer_lowered  }
0xa1: {  	s22 =	simm.s32 $0x1BFF;
	s21 =	sshll.u32 s6, $0x1;
	s3 =	sadd.s32 s19, s18  }
0xa2: {  	s7 =	simm.s32 $0x0;
	s20 =	sshll.u32 s5, $0x1;
	s5 =	sadd.s32 s21, s3  }
0xa3: {  	[timem:s7], [sflag:s22] =	dma.local [hbm:s5], s20  }
0xa4: {  	_ =	swait.ge [sflag:s22], s20  }
0xa5: {  	s4 =	ssub.s32 $0x0, s20;
	[sflag:s22] =	ssyncset.done $0x0  }
0xa6: {  	[sflag:s22] =	ssyncadd.s32 s4;
	_ =	sdelay $0x1  }
0xa7: {  	s23 =	simm.s32 $0x1B8B  }
0xa8: {  	_ =	swait.ge [sflag:s23], $0x1  }
0xa9: {  	[sflag:s23] =	ssyncset.done $0x0  }
0xaa: {  	s25 =	simm.s32 $0x1B8E;
	s24 =	sld [smem:$0x3FFE];
	[sflag:s23] =	ssyncadd.s32 $0xFFFFFFFF  }
0xab: {  	s26 =	simm.s32 $execute0_lowered;
	[smem:$0x3FD2] =	sst s25  }
0xac: {  	s5 =	sshll.u32 s26, $0x1;
	_ =	strace $0x80000046;
	[dreg:$0x1] =	wrdreg $0xFFFFFFFF  }
0xad: {  	s28 =	simm.s32 $_size_execute0_lowered;
	s3 =	sadd.s32 s3, s5;
	[dreg:$0x0] =	wrdreg $0x0  }
0xae: {  	s5 =	sshll.u32 s28, $0x1;
	[dreg:$0x2] =	wrdreg s3  }
0xaf: {  	[dreg:$0x3] =	wrdreg s5  }
0xb0: {  	[dreg:$0x4] =	wrdreg $0xC0  }
0xb1: {  	_ =	task [dreg:s7], $0x5FFFF  }
0xb2: {  	[dreg:$0x1] =	wrdreg $0xFFFFFFFF  }
0xb3: {  	[dreg:$0x0] =	wrdreg $0x60  }
0xb4: {  	[dreg:$0x2] =	wrdreg s24  }
0xb5: {  	[dreg:$0x3] =	wrdreg s16  }
0xb6: {  	[dreg:$0x4] =	wrdreg $0x0  }
0xb7: {  	[dreg:$0x5] =	wrdreg $0x9  }
0xb8: {  	_ =	task.clear_ibuf [dreg:s7], $0x6FFFF;
	_ =	strace $0x90000046  }
0xb9: {  	s29 =	simm.s32 $0x9;
	_ =	strace $0x80000048  }
0xba: {  	_ =	swait.ge [sflag:s29], $0x1  }
0xbb: {  	[sflag:s29] =	ssyncadd.s32 $0xFFFFFFFF  }
0xbc: {  	_ =	strace $0x90000048  }
0xbd: {  	_ =	sfence  }
0xbe: {  	s30 =	sld [smem:$0x0];
	_ =	sdelay $0x2  }
0xbf: {  	s31 =	sshll.u32 s1, $0xD;
	s1 =	sshrl.u32 s1, $0x2  }
0xc0: {  	s3 =	sand.u32 $0x4000, s31;
	s1 =	sadd.s32 s1, s30  }
0xc1: {  	s0 =	sor.u32 s3, s0;
	s1 =	sshll.u32 s1, $0x11  }
0xc2: {  	s0 =	sor.u32 s1, s0  }
0xc3: {  	s0 =	sadd.s32 $0x8F2B, s0  }
0xc4: {  	[sflag:s0] =	ssyncadd.remote.s32 $0x1  }
0xc5: {  	_ =	sfence.sel $0xFFFF  }
0xc6: {  	[dreg:$0x0] =	wrdreg $0xFFFFFFFF;
	(pc) =	sbr.abs _section_cstart, $3  }
0xc7: {  	[dreg:$0x1] =	wrdreg $0xFFFFFFFF  }
0xc8: {  	_ =	task.clear_ibuf [dreg:s7], $0x2FFFF;
	_ =	strace $0x9FFFFFFF  }
0xc9: {  	(tm) =	ssettm $0x7FFFFFFF  }
tec
execute0_lowered:
.L_overlay_start_1:
0x0: {  	(tag) =	ssettag $0x1  }
0x1: {  	s0 =	rddreg [dreg:$0x0];
	s11 =	stileid.u32  }
0x2: {  	s1 =	rddreg [dreg:$0x1];
	s6 =	smul.u32 $0x2800, s11  }
0x3: {  	s2 =	srdreg.scid;
	s8 =	smul.u32 $0xA8, s11  }
0x4: {  	s3 =	rddreg [dreg:$0x2];
	s4 =	simm.s32 $0x0;
	s9 =	smul.u32 $0x1D88, s11  }
0x5: {  	s29 =	simm.s32 $0xA;
	s28 =	simm.s32 $0x38;
	s10 =	smul.u32 $0xEC40, s11  }
0x6: {  	s31 =	simm.s32 $0x8;
	s2 =	sand.u32 $0x1, s2;
	s17 =	smul.u32 $0x50000, s11  }
0x7: {  	s12 =	simm.s32 $0x2;
	s13 =	simm.s32 $0x1F8B0;
	s5 =	smul.u32 $0x27100, s2  }
0x8: {  	[smem:$0x7FF] =	sst s4;
	s7 =	smul.u32 $0x28000, s2;
	s2 =	ssub.s32 $0x2, s2  }
0x9: {  	s11 =	simm.s32 $0x1F838;
	_ =	strace $0x80000047;
	s16 =	sshrl.u32 s2, $0x1  }
0xa: {  	s18 =	sadd.s32 s1, s9;
	s19 =	sadd.s32 $0x168, s10;
	s20 =	sshrl.u32 s10, $0x3  }
0xb: {  	s15 =	sor.u32 $0x3, s8;
	s10 =	simm.s32 $0x78;
	s5 =	sadd.s32 s5, s0  }
0xc: {  	s6 =	sadd.s32 s6, s7;
	s2 =	ssub.s32 s2, s16;
	[dreg:$0x4] =	wrdreg s18  }
0xd: {  	s7 =	sshrl.u32 s19, $0x3;
	s9 =	sadd.s32 s1, s20;
	s16 =	sor.u32 $0x4, s8  }
0xe: {  	s20 =	simm.s32 $0x1F400;
	s18 =	simm.s32 $0x3;
	s19 =	simm.s32 $0x1F928  }
0xf: {  	s0 =	sadd.s32 s6, s0;
	s6 =	sshrl.u32 s17, $0x2;
	s7 =	sadd.s32 s1, s7  }
0x10: {  	s21 =	sadd.s32 $0x5A, s9;
	s14 =	sadd.s32 $0x2400, s5;
	[dreg:$0x5] =	wrdreg s7  }
0x11: {  	s17 =	sor.u32 $0x5, s8;
	s30 =	smax.u32 s2, $0x1;
	[dreg:$0x6] =	wrdreg s21  }
0x12: {  	s2 =	simm.s32 $0x9;
	s0 =	sadd.s32 $0x50600, s0;
	[dreg:$0xe] =	wrdreg s30  }
0x13: {  	s5 =	simm.s32 $0x1B800;
	s24 =	sadd.s32 s6, s3;
	[dreg:$0xd] =	wrdreg s0  }
0x14: {  	s9 =	simm.s32 $0x1;
	s6 =	sadd.s32 $0x3C00, s24;
	[dreg:$0x7] =	wrdreg s24  }
0x15: {  	s8 =	simm.s32 $0x6;
	s22 =	sadd.s32 $0x7800, s24;
	[dreg:$0x8] =	wrdreg s6  }
.Ltmp0:
0x16: {  	s23 =	sadd.s32 $0xB400, s24;
	[dreg:$0x9] =	wrdreg s22;
	(pc) =	sbr.rel .LBB2_1-.Ltmp0, $4  }
0x17: {  	s21 =	simm.s32 $0x1F568;
	s25 =	sadd.s32 $0xF000, s24;
	[dreg:$0xa] =	wrdreg s23  }
0x18: {  	s7 =	simm.s32 $0x0;
	s26 =	sadd.s32 $0x12C00, s24;
	[dreg:$0xb] =	wrdreg s25  }
0x19: {  	s0 =	simm.s32 $0x17C00;
	[dreg:$0xc] =	wrdreg s26;
	s22 =	simm.s32 $0x1F6D0  }
0x1a: {  	v0 =	vimm.f32 $0.0e+00;
	s23 =	simm.s32 $0x14000;
	s26 =	simm.s32 $0x40;
	s25 =	simm.s32 $0x5  }
.LBB2_12:
0x1b: {  	_ =	swait.ge [sflag:s25], $0x3C00  }
0x1c: {  	[sflag:s25] =	ssyncset.done $0x0  }
0x1d: {  	[sflag:s25] =	ssyncadd.s32 $0xFFFFC400  }
0x1e: {  	_ =	swait.ge [sflag:s8], $0x3C00  }
0x1f: {  	[sflag:s8] =	ssyncset.done $0x0  }
0x20: {  	[sflag:s8] =	ssyncadd.s32 $0xFFFFC400  }
0x21: {  	s6 =	stileid.u32;
	[bflag:$0x0] =	sbarrier.arrive $0xFFFF  }
0x22: {  	s6 =	sshll.u32 s6, $0x6;
	s24 =	rddreg [dreg:$0x7]  }
0x23: {  	s6 =	sor.u32 $0x1C0A, s6;
	s29 =	rddreg [dreg:$0xd];
	s7 =	sshrl.u32 s24, $0x3  }
0x24: {  	[hbm:s29], [sflag:s6] =	dma.local [spmem:s7], $0x2800  }
0x25: {  	s29 =	simm.s32 $0xA  }
0x26: {  	_ =	swait.ge [sflag:s29], $0x2800  }
0x27: {  	s6 =	rddreg [dreg:$0xf]  }
0x28: {  	s30 =	rddreg [dreg:$0xe];
	s7 =	sadd.s32 $0x1, s6  }
0x29: {  	p0 =	sne.s32 s7, s30  }
.Ltmp1:
0x2a: {  	_ = 	snop;
	(pc) =	sbr.rel @!p0 .LBB2_13-.Ltmp1, $3  }
0x2b: {  	_ =	sdelay $0x1  }
0x2c: {  	[sflag:s29] =	ssyncset.done $0x0  }
0x2d: {  	[sflag:s29] =	ssyncadd.s32 $0xFFFFD800  }
.LBB2_1:
0x2e: {  	[dreg:$0xf] =	wrdreg s7  }
0x2f: {  	s6 =	rddreg [dreg:$0x4]  }
0x30: {  	[tilespmem:s20], [sflag:$0x7] =	stream.linear.gather [hbm4b:s6+s4], $0x168, $0x38;
	[tilespmem:$0x1F9A0] =	vst v63  }
0x31: {  	s7 =	rddreg [dreg:$0x5]  }
0x32: {  	[tilespmem:s21], [sflag:$0x8] =	stream.linear.gather [hbm4b:s7+s4], $0x168, $0x38;
	[tilespmem:$0x1F9A0] =	vst v63  }
0x33: {  	s30 =	rddreg [dreg:$0x6];
	s6 =	simm.s32 $0x0;
	s7 =	simm.s32 $0x200  }
0x34: {  	[tilespmem:s22], [sflag:$0x9] =	stream.linear.gather [hbm4b:s30+s4], $0x168, $0x38;
	[tilespmem:$0x1F9A0] =	vst v63  }
.LBB2_2:
0x35: {  	p0 =	sne.s32 s7, $0xEE00;
	[tilespmem:s6+$0x14070] =	vst v0  }
0x36: {  	[tilespmem:s6+$0x14000] =	vst v0  }
0x37: {  	[tilespmem:s6+$0x14010] =	vst v0  }
.Ltmp2:
0x38: {  	[tilespmem:s6+$0x14020] =	vst v0;
	(pc) =	sbr.rel @p0 .LBB2_2-.Ltmp2, $4  }
0x39: {  	[tilespmem:s6+$0x14030] =	vst v0  }
0x3a: {  	[tilespmem:s6+$0x14040] =	vst v0  }
0x3b: {  	[tilespmem:s6+$0x14050] =	vst v0  }
0x3c: {  	[tilespmem:s6+$0x14060] =	vst v0;
	s6 =	sshra.s32 s7, $0x2;
	s7 =	sadd.s32 $0x200, s7  }
0x3d: {  	[tilespmem:s6+$0x14070] =	vst v0  }
0x3e: {  	[tilespmem:s6+$0x14000] =	vst v0  }
0x3f: {  	[tilespmem:s6+$0x14010] =	vst v0  }
0x40: {  	[tilespmem:s6+$0x14020] =	vst v0  }
0x41: {  	[tilespmem:s6+$0x14030] =	vst v0  }
0x42: {  	[tilespmem:s6+$0x14040] =	vst v0  }
0x43: {  	[tilespmem:s6+$0x14050] =	vst v0  }
0x44: {  	[tilespmem:s6+$0x14060] =	vst v0  }
0x45: {  	[spmem:s24] =	stream.linear.scatter [tilespmem:s23], [sflag:$0xA], $0x3C00, $0x38;
	[tilespmem:$0x1F9A0] =	vst v63  }
0x46: {  	_ =	swait.ge [sflag:s29], $0x3C00  }
0x47: {  	[sflag:s29] =	ssyncset.done $0x0  }
0x48: {  	s7 =	rddreg [dreg:$0x8];
	[sflag:s29] =	ssyncadd.s32 $0xFFFFC400  }
0x49: {  	[spmem:s7] =	stream.linear.scatter [tilespmem:s23], [sflag:$0xA], $0x3C00, $0x38;
	[tilespmem:$0x1F9A0] =	vst v63  }
0x4a: {  	_ =	swait.ge [sflag:s29], $0x3C00  }
0x4b: {  	[sflag:s29] =	ssyncset.done $0x0  }
0x4c: {  	s24 =	rddreg [dreg:$0x9];
	[sflag:s29] =	ssyncadd.s32 $0xFFFFC400  }
0x4d: {  	[spmem:s24] =	stream.linear.scatter [tilespmem:s23], [sflag:$0xA], $0x3C00, $0x38;
	[tilespmem:$0x1F9A0] =	vst v63  }
0x4e: {  	_ =	swait.ge [sflag:s29], $0x3C00  }
0x4f: {  	[sflag:s29] =	ssyncset.done $0x0  }
0x50: {  	s30 =	rddreg [dreg:$0xa];
	[sflag:s29] =	ssyncadd.s32 $0xFFFFC400  }
0x51: {  	[spmem:s30] =	stream.linear.scatter [tilespmem:s23], [sflag:$0xA], $0x3C00, $0x38;
	[tilespmem:$0x1F9A0] =	vst v63  }
0x52: {  	_ =	swait.ge [sflag:s29], $0x3C00  }
0x53: {  	[sflag:s29] =	ssyncset.done $0x0  }
0x54: {  	s7 =	rddreg [dreg:$0xb];
	[sflag:s29] =	ssyncadd.s32 $0xFFFFC400  }
0x55: {  	[spmem:s7] =	stream.linear.scatter [tilespmem:s23], [sflag:$0xA], $0x3C00, $0x38;
	[tilespmem:$0x1F9A0] =	vst v63  }
0x56: {  	_ =	swait.ge [sflag:s29], $0x3C00  }
0x57: {  	[sflag:s29] =	ssyncset.done $0x0  }
0x58: {  	s24 =	rddreg [dreg:$0xc];
	[sflag:s29] =	ssyncadd.s32 $0xFFFFC400  }
0x59: {  	[spmem:s24] =	stream.linear.scatter [tilespmem:s23], [sflag:$0xA], $0x1400, $0x38;
	[tilespmem:$0x1F9A0] =	vst v63  }
0x5a: {  	_ =	swait.ge [sflag:s29], $0x1400  }
0x5b: {  	[sflag:s29] =	ssyncset.done $0x0  }
0x5c: {  	[sflag:s29] =	ssyncadd.s32 $0xFFFFEC00  }
0x5d: {  	s29 =	simm.s32 $0x7;
	[bflag:$0x0] =	sbarrier.arrive $0xFFFF  }
0x5e: {  	_ =	swait.ge [sflag:s29], $0x168  }
0x5f: {  	[sflag:s29] =	ssyncset.done $0x0  }
0x60: {  	[sflag:s29] =	ssyncadd.s32 $0xFFFFFE98  }
0x61: {  	[tilespmem:s23], [sflag:$0x1] =	stream.indirect.gather [hbm4b:s14+s26], $0x80, s20, s26, $0xb8;
	[tilespmem:$0x1F9A0] =	vst v63  }
0x62: {  	s30 =	simm.s32 $0x1F440;
	s7 =	simm.s32 $0x16000  }
0x63: {  	[tilespmem:s7], [sflag:$0x1] =	stream.indirect.gather [hbm4b:s14+s28], $0x80, s30, s28, $0xb8;
	[tilespmem:$0x1F9A0] =	vst v63  }
0x64: {  	_ =	swait.ge [sflag:s31], $0x168  }
0x65: {  	[sflag:s31] =	ssyncset.done $0x0  }
0x66: {  	[sflag:s31] =	ssyncadd.s32 $0xFFFFFE98  }
0x67: {  	[tilespmem:s0], [sflag:$0x2] =	stream.indirect.gather [hbm4b:s14+s26], $0x80, s21, s26, $0xb8;
	[tilespmem:$0x1F9A0] =	vst v63  }
0x68: {  	s24 =	simm.s32 $0x19C00;
	s7 =	simm.s32 $0x1F5A8  }
0x69: {  	[tilespmem:s24], [sflag:$0x2] =	stream.indirect.gather [hbm4b:s14+s28], $0x80, s7, s28, $0xb8;
	[tilespmem:$0x1F9A0] =	vst v63  }
0x6a: {  	_ =	swait.ge [sflag:s2], $0x168  }
0x6b: {  	[sflag:s2] =	ssyncset.done $0x0  }
0x6c: {  	[sflag:s2] =	ssyncadd.s32 $0xFFFFFE98  }
0x6d: {  	[tilespmem:s5], [sflag:$0x3] =	stream.indirect.gather [hbm4b:s14+s26], $0x80, s22, s26, $0xb8;
	[tilespmem:$0x1F9A0] =	vst v63  }
0x6e: {  	s29 =	simm.s32 $0x1F710;
	s30 =	simm.s32 $0x1D800;
	s24 =	simm.s32 $0x0  }
0x6f: {  	[tilespmem:s30], [sflag:$0x3] =	stream.indirect.gather [hbm4b:s14+s28], $0x80, s29, s28, $0xb8;
	[tilespmem:$0x1F9A0] =	vst v63  }
.LBB2_4:
0x70: {  	_ =	swait.ge [sflag:s9], $0x2000  }
0x71: {  	v1 =	vimm.s32 $0xF0;
	[sflag:s9] =	ssyncset.done $0x0  }
0x72: {  	[sflag:s9] =	ssyncadd.s32 $0xFFFFE000  }
0x73: {  	_ =	swait.ge [sflag:s9], $0x1C00  }
0x74: {  	[sflag:s9] =	ssyncset.done $0x0  }
0x75: {  	[sflag:s9] =	ssyncadd.s32 $0xFFFFE400  }
0x76: {  	s6 =	simm.s32 $0x0;
	v2 =	vld.idx.msk [tilespmem:v1+s20+$0x0], $0xffff  }
0x77: {  	v3 =	vld [tilespmem:s6+$0x14070]  }
0x78: {  	v4 =	vld [tilespmem:s6+$0x14020]  }
0x79: {  	v5 =	vld [tilespmem:s6+$0x14040]  }
0x7a: {  	v6 =	vld [tilespmem:s6+$0x14030]  }
0x7b: {  	v7 =	vld [tilespmem:s6+$0x14050]  }
0x7c: {  	v9 =	vld [tilespmem:s6+$0x14060];
	v3 =	vmul.f32 v2, v3  }
0x7d: {  	v8 =	vld [tilespmem:s6+$0x14010];
	v4 =	vmul.f32 v2, v4  }
0x7e: {  	v10 =	vld [tilespmem:s6+$0x14000];
	v5 =	vmul.f32 v2, v5;
	[tilespmem:s6+$0x14070] =	vst v3  }
0x7f: {  	[tilespmem:s6+$0x14020] =	vst v4;
	v3 =	vmul.f32 v2, v6  }
0x80: {  	[tilespmem:s6+$0x14040] =	vst v5;
	v4 =	vmul.f32 v2, v7  }
0x81: {  	v5 =	vor.u32 $0x1, v1;
	v6 =	vmul.f32 v2, v9;
	[tilespmem:s6+$0x14030] =	vst v3  }
0x82: {  	v3 =	vmul.f32 v2, v8;
	[tilespmem:s6+$0x14050] =	vst v4  }
0x83: {  	v2 =	vmul.f32 v2, v10;
	[tilespmem:s6+$0x14060] =	vst v6  }
0x84: {  	[tilespmem:s6+$0x14010] =	vst v3  }
0x85: {  	[tilespmem:s6+$0x14000] =	vst v2  }
0x86: {  	v2 =	vld.idx.msk [tilespmem:v5+s20+$0x0], $0xffff  }
0x87: {  	v5 =	vld [tilespmem:s6+$0x14080]  }
0x88: {  	v7 =	vld [tilespmem:s6+$0x140B0]  }
0x89: {  	v8 =	vld [tilespmem:s6+$0x140A0]  }
0x8a: {  	v9 =	vld [tilespmem:s6+$0x14090]  }
0x8b: {  	v4 =	vld [tilespmem:s6+$0x140E0]  }
0x8c: {  	v6 =	vld [tilespmem:s6+$0x140C0];
	v5 =	vmul.f32 v2, v5  }
0x8d: {  	v10 =	vld [tilespmem:s6+$0x140D0];
	v7 =	vmul.f32 v2, v7  }
0x8e: {  	v3 =	vld [tilespmem:s6+$0x140F0];
	v8 =	vmul.f32 v2, v8;
	[tilespmem:s6+$0x14080] =	vst v5  }
0x8f: {  	v5 =	vmul.f32 v2, v9;
	[tilespmem:s6+$0x140B0] =	vst v7  }
0x90: {  	v4 =	vmul.f32 v2, v4;
	[tilespmem:s6+$0x140A0] =	vst v8  }
0x91: {  	v7 =	vor.u32 $0x2, v1;
	[tilespmem:s6+$0x14090] =	vst v5;
	v5 =	vmul.f32 v2, v6  }
0x92: {  	[tilespmem:s6+$0x140E0] =	vst v4;
	v6 =	vmul.f32 v2, v10  }
0x93: {  	v2 =	vmul.f32 v2, v3;
	[tilespmem:s6+$0x140C0] =	vst v5  }
0x94: {  	[tilespmem:s6+$0x140D0] =	vst v6  }
0x95: {  	[tilespmem:s6+$0x140F0] =	vst v2;
	v6 =	vld [tilespmem:s6+$0x14100]  }
0x96: {  	v2 =	vld.idx.msk [tilespmem:v7+s20+$0x0], $0xffff  }
0x97: {  	v7 =	vld [tilespmem:s6+$0x14160]  }
0x98: {  	v3 =	vld [tilespmem:s6+$0x14120]  }
0x99: {  	v8 =	vld [tilespmem:s6+$0x14130]  }
0x9a: {  	v5 =	vld [tilespmem:s6+$0x14150]  }
0x9b: {  	v4 =	vld [tilespmem:s6+$0x14170];
	v6 =	vmul.f32 v2, v6  }
0x9c: {  	v9 =	vld [tilespmem:s6+$0x14110];
	v7 =	vmul.f32 v2, v7  }
0x9d: {  	v10 =	vld [tilespmem:s6+$0x14140];
	v3 =	vmul.f32 v2, v3;
	[tilespmem:s6+$0x14100] =	vst v6  }
0x9e: {  	[tilespmem:s6+$0x14160] =	vst v7;
	v6 =	vmul.f32 v2, v8  }
0x9f: {  	v5 =	vmul.f32 v2, v5;
	[tilespmem:s6+$0x14120] =	vst v3  }
0xa0: {  	v4 =	vmul.f32 v2, v4;
	[tilespmem:s6+$0x14130] =	vst v6;
	v6 =	vor.u32 $0x3, v1  }
0xa1: {  	[tilespmem:s6+$0x14150] =	vst v5;
	v3 =	vmul.f32 v2, v9  }
0xa2: {  	v2 =	vmul.f32 v2, v10;
	[tilespmem:s6+$0x14170] =	vst v4  }
0xa3: {  	[tilespmem:s6+$0x14110] =	vst v3  }
0xa4: {  	[tilespmem:s6+$0x14140] =	vst v2  }
0xa5: {  	v2 =	vld.idx.msk [tilespmem:v6+s20+$0x0], $0xffff  }
0xa6: {  	v6 =	vld [tilespmem:s6+$0x14180]  }
0xa7: {  	v7 =	vld [tilespmem:s6+$0x141A0]  }
0xa8: {  	v3 =	vld [tilespmem:s6+$0x141D0]  }
0xa9: {  	v4 =	vld [tilespmem:s6+$0x141B0]  }
0xaa: {  	v8 =	vld [tilespmem:s6+$0x14190]  }
0xab: {  	v9 =	vld [tilespmem:s6+$0x141C0];
	v6 =	vmul.f32 v2, v6  }
0xac: {  	v5 =	vld [tilespmem:s6+$0x141F0];
	v7 =	vmul.f32 v2, v7  }
0xad: {  	v10 =	vld [tilespmem:s6+$0x141E0];
	v3 =	vmul.f32 v2, v3;
	[tilespmem:s6+$0x14180] =	vst v6  }
0xae: {  	v4 =	vmul.f32 v2, v4;
	[tilespmem:s6+$0x141A0] =	vst v7  }
0xaf: {  	v6 =	vmul.f32 v2, v8;
	[tilespmem:s6+$0x141D0] =	vst v3  }
0xb0: {  	v7 =	vmul.f32 v2, v9;
	v3 =	vld [tilespmem:s6+$0x14270];
	[tilespmem:s6+$0x141B0] =	vst v4;
	v4 =	vor.u32 $0x4, v1  }
0xb1: {  	v9 =	vld [tilespmem:s6+$0x14220];
	[tilespmem:s6+$0x14190] =	vst v6;
	v6 =	vmul.f32 v2, v5  }
0xb2: {  	[tilespmem:s6+$0x141C0] =	vst v7;
	v5 =	vld [tilespmem:s6+$0x14250];
	v2 =	vmul.f32 v2, v10  }
0xb3: {  	v10 =	vld [tilespmem:s6+$0x14200];
	[tilespmem:s6+$0x141F0] =	vst v6  }
0xb4: {  	[tilespmem:s6+$0x141E0] =	vst v2;
	v2 =	vld [tilespmem:s6+$0x14240]  }
0xb5: {  	v4 =	vld.idx.msk [tilespmem:v4+s20+$0x0], $0xffff  }
0xb6: {  	v7 =	vld [tilespmem:s6+$0x14230]  }
0xb7: {  	v6 =	vld [tilespmem:s6+$0x14210]  }
0xb8: {  	v8 =	vld [tilespmem:s6+$0x14260];
	_ =	sdelay $0x1  }
0xb9: {  	s7 =	simm.s32 $0x1000;
	v11 =	vmul.f32 v4, v10;
	v10 =	vmul.f32 v4, v2;
	v2 =	vimm.s32 $0xF0  }
.LBB2_5:
0xba: {  	p0 =	sne.s32 s7, $0xE000;
	v9 =	vmul.f32 v4, v9;
	v7 =	vmul.f32 v4, v7;
	v1 =	vadd.s32 $0x8, v1;
	s29 =	smov.u32 s7;
	s7 =	sadd.s32 $0x1000, s7  }
0xbb: {  	v5 =	vmul.f32 v4, v5;
	[tilespmem:s6+$0x14200] =	vst v11;
	v6 =	vmul.f32 v4, v6  }
0xbc: {  	v3 =	vmul.f32 v4, v3;
	[tilespmem:s6+$0x14230] =	vst v7;
	v7 =	vmul.f32 v4, v8  }
0xbd: {  	[tilespmem:s6+$0x14240] =	vst v10  }
0xbe: {  	v4 =	vor.u32 $0x5, v2;
	[tilespmem:s6+$0x14250] =	vst v5  }
0xbf: {  	[tilespmem:s6+$0x14270] =	vst v3;
	v3 =	vld [tilespmem:s6+$0x142F0]  }
0xc0: {  	[tilespmem:s6+$0x14220] =	vst v9;
	v5 =	vld [tilespmem:s6+$0x142D0]  }
0xc1: {  	[tilespmem:s6+$0x14260] =	vst v7;
	v7 =	vld [tilespmem:s6+$0x142B0]  }
0xc2: {  	[tilespmem:s6+$0x14210] =	vst v6;
	v6 =	vld [tilespmem:s6+$0x14290]  }
0xc3: {  	v4 =	vld.idx.msk [tilespmem:v4+s20+$0x0], $0xffff  }
0xc4: {  	v8 =	vld [tilespmem:s6+$0x14280]  }
0xc5: {  	v9 =	vld [tilespmem:s6+$0x142A0]  }
0xc6: {  	v10 =	vld [tilespmem:s6+$0x142C0]  }
0xc7: {  	v11 =	vld [tilespmem:s6+$0x142E0];
	_ =	sdelay $0x1  }
0xc8: {  	v6 =	vmul.f32 v4, v6;
	v8 =	vmul.f32 v4, v8  }
0xc9: {  	v7 =	vmul.f32 v4, v7;
	v9 =	vmul.f32 v4, v9  }
0xca: {  	v5 =	vmul.f32 v4, v5;
	[tilespmem:s6+$0x14280] =	vst v8;
	v8 =	vmul.f32 v4, v10  }
0xcb: {  	v3 =	vmul.f32 v4, v3;
	[tilespmem:s6+$0x142A0] =	vst v9;
	v9 =	vmul.f32 v4, v11  }
0xcc: {  	[tilespmem:s6+$0x14290] =	vst v6  }
0xcd: {  	v4 =	vor.u32 $0x6, v2;
	[tilespmem:s6+$0x142C0] =	vst v8  }
0xce: {  	[tilespmem:s6+$0x142F0] =	vst v3;
	v3 =	vld [tilespmem:s6+$0x14370]  }
0xcf: {  	[tilespmem:s6+$0x142B0] =	vst v7;
	v6 =	vld [tilespmem:s6+$0x14350]  }
0xd0: {  	[tilespmem:s6+$0x142E0] =	vst v9;
	v7 =	vld [tilespmem:s6+$0x14330]  }
0xd1: {  	[tilespmem:s6+$0x142D0] =	vst v5;
	v5 =	vld [tilespmem:s6+$0x14310]  }
0xd2: {  	v4 =	vld.idx.msk [tilespmem:v4+s20+$0x0], $0xffff  }
0xd3: {  	v8 =	vld [tilespmem:s6+$0x14300]  }
0xd4: {  	v9 =	vld [tilespmem:s6+$0x14320]  }
0xd5: {  	v10 =	vld [tilespmem:s6+$0x14340]  }
0xd6: {  	v11 =	vld [tilespmem:s6+$0x14360];
	_ =	sdelay $0x1  }
0xd7: {  	v5 =	vmul.f32 v4, v5;
	v8 =	vmul.f32 v4, v8  }
0xd8: {  	v7 =	vmul.f32 v4, v7;
	v9 =	vmul.f32 v4, v9  }
0xd9: {  	v6 =	vmul.f32 v4, v6;
	[tilespmem:s6+$0x14300] =	vst v8;
	v8 =	vmul.f32 v4, v10  }
0xda: {  	v3 =	vmul.f32 v4, v3;
	[tilespmem:s6+$0x14310] =	vst v5;
	v5 =	vmul.f32 v4, v11  }
0xdb: {  	[tilespmem:s6+$0x14320] =	vst v9  }
0xdc: {  	v4 =	vor.u32 $0x7, v2;
	v2 =	vmov v1;
	[tilespmem:s6+$0x14330] =	vst v7  }
0xdd: {  	[tilespmem:s6+$0x14340] =	vst v8;
	v7 =	vld [tilespmem:s6+$0x143F0]  }
0xde: {  	[tilespmem:s6+$0x14350] =	vst v6;
	v6 =	vld [tilespmem:s6+$0x143D0]  }
0xdf: {  	[tilespmem:s6+$0x14370] =	vst v3;
	v3 =	vld [tilespmem:s6+$0x143B0]  }
0xe0: {  	[tilespmem:s6+$0x14360] =	vst v5;
	v5 =	vld [tilespmem:s6+$0x14390]  }
0xe1: {  	v4 =	vld.idx.msk [tilespmem:v4+s20+$0x0], $0xffff  }
0xe2: {  	v8 =	vld [tilespmem:s6+$0x14380]  }
0xe3: {  	v9 =	vld [tilespmem:s6+$0x143A0]  }
0xe4: {  	v10 =	vld [tilespmem:s6+$0x143C0]  }
0xe5: {  	v11 =	vld [tilespmem:s6+$0x143E0];
	_ =	sdelay $0x1  }
0xe6: {  	v5 =	vmul.f32 v4, v5;
	v8 =	vmul.f32 v4, v8  }
0xe7: {  	v3 =	vmul.f32 v4, v3;
	v9 =	vmul.f32 v4, v9  }
0xe8: {  	v6 =	vmul.f32 v4, v6;
	[tilespmem:s6+$0x14380] =	vst v8;
	v8 =	vmul.f32 v4, v10  }
0xe9: {  	[tilespmem:s6+$0x143A0] =	vst v9;
	v9 =	vmul.f32 v4, v11;
	v4 =	vmul.f32 v4, v7  }
0xea: {  	[tilespmem:s6+$0x14390] =	vst v5  }
0xeb: {  	[tilespmem:s6+$0x143F0] =	vst v4  }
0xec: {  	[tilespmem:s6+$0x143E0] =	vst v9  }
0xed: {  	[tilespmem:s6+$0x143C0] =	vst v8  }
0xee: {  	[tilespmem:s6+$0x143B0] =	vst v3  }
0xef: {  	[tilespmem:s6+$0x143D0] =	vst v6  }
0xf0: {  	s6 =	sshra.s32 s29, $0x2;
	v3 =	vld.idx.msk [tilespmem:v1+s20+$0x0], $0xffff  }
0xf1: {  	v4 =	vld [tilespmem:s6+$0x14070]  }
0xf2: {  	v5 =	vld [tilespmem:s6+$0x14020]  }
0xf3: {  	v6 =	vld [tilespmem:s6+$0x14040]  }
0xf4: {  	v7 =	vld [tilespmem:s6+$0x14030]  }
0xf5: {  	v8 =	vld [tilespmem:s6+$0x14050]  }
0xf6: {  	v9 =	vld [tilespmem:s6+$0x14010];
	v4 =	vmul.f32 v3, v4  }
0xf7: {  	v5 =	vmul.f32 v3, v5;
	v10 =	vld [tilespmem:s6+$0x14060]  }
0xf8: {  	v11 =	vld [tilespmem:s6+$0x14000];
	v6 =	vmul.f32 v3, v6;
	[tilespmem:s6+$0x14070] =	vst v4  }
0xf9: {  	[tilespmem:s6+$0x14020] =	vst v5;
	v4 =	vmul.f32 v3, v7  }
0xfa: {  	[tilespmem:s6+$0x14040] =	vst v6;
	v5 =	vmul.f32 v3, v8  }
0xfb: {  	v6 =	vmul.f32 v3, v9;
	[tilespmem:s6+$0x14030] =	vst v4;
	v4 =	vor.u32 $0x1, v1  }
0xfc: {  	[tilespmem:s6+$0x14050] =	vst v5;
	v5 =	vmul.f32 v3, v10;
	v7 =	vld [tilespmem:s6+$0x140E0]  }
0xfd: {  	v3 =	vmul.f32 v3, v11;
	[tilespmem:s6+$0x14010] =	vst v6;
	v6 =	vld [tilespmem:s6+$0x140F0]  }
0xfe: {  	[tilespmem:s6+$0x14060] =	vst v5;
	v5 =	vld [tilespmem:s6+$0x140C0]  }
0xff: {  	[tilespmem:s6+$0x14000] =	vst v3;
	v3 =	vld [tilespmem:s6+$0x140B0]  }
0x100: {  	v4 =	vld.idx.msk [tilespmem:v4+s20+$0x0], $0xffff  }
0x101: {  	v8 =	vld [tilespmem:s6+$0x14080]  }
0x102: {  	v9 =	vld [tilespmem:s6+$0x140A0]  }
0x103: {  	v10 =	vld [tilespmem:s6+$0x14090]  }
0x104: {  	v11 =	vld [tilespmem:s6+$0x140D0];
	_ =	sdelay $0x1  }
0x105: {  	v3 =	vmul.f32 v4, v3;
	v8 =	vmul.f32 v4, v8  }
0x106: {  	v5 =	vmul.f32 v4, v5;
	v9 =	vmul.f32 v4, v9  }
0x107: {  	v6 =	vmul.f32 v4, v6;
	[tilespmem:s6+$0x14080] =	vst v8;
	v8 =	vmul.f32 v4, v10  }
0x108: {  	[tilespmem:s6+$0x140B0] =	vst v3;
	v3 =	vmul.f32 v4, v11;
	v4 =	vmul.f32 v4, v7  }
0x109: {  	[tilespmem:s6+$0x140A0] =	vst v9  }
0x10a: {  	v7 =	vor.u32 $0x2, v1;
	[tilespmem:s6+$0x14090] =	vst v8  }
0x10b: {  	[tilespmem:s6+$0x140E0] =	vst v4;
	v4 =	vld [tilespmem:s6+$0x14170]  }
0x10c: {  	[tilespmem:s6+$0x140C0] =	vst v5;
	v5 =	vld [tilespmem:s6+$0x14150]  }
0x10d: {  	[tilespmem:s6+$0x140D0] =	vst v3;
	v3 =	vld [tilespmem:s6+$0x14120]  }
0x10e: {  	[tilespmem:s6+$0x140F0] =	vst v6;
	v6 =	vld [tilespmem:s6+$0x14160]  }
0x10f: {  	v7 =	vld.idx.msk [tilespmem:v7+s20+$0x0], $0xffff  }
0x110: {  	v8 =	vld [tilespmem:s6+$0x14100]  }
0x111: {  	v9 =	vld [tilespmem:s6+$0x14110]  }
0x112: {  	v10 =	vld [tilespmem:s6+$0x14140]  }
0x113: {  	v11 =	vld [tilespmem:s6+$0x14130];
	_ =	sdelay $0x1  }
0x114: {  	v6 =	vmul.f32 v7, v6;
	v8 =	vmul.f32 v7, v8  }
0x115: {  	v3 =	vmul.f32 v7, v3;
	v9 =	vmul.f32 v7, v9  }
0x116: {  	v5 =	vmul.f32 v7, v5;
	[tilespmem:s6+$0x14100] =	vst v8;
	v8 =	vmul.f32 v7, v10  }
0x117: {  	v4 =	vmul.f32 v7, v4;
	v10 =	vmul.f32 v7, v11;
	[tilespmem:s6+$0x14160] =	vst v6  }
0x118: {  	[tilespmem:s6+$0x14120] =	vst v3  }
0x119: {  	v3 =	vor.u32 $0x3, v1;
	[tilespmem:s6+$0x14150] =	vst v5  }
0x11a: {  	[tilespmem:s6+$0x14130] =	vst v10;
	v5 =	vld [tilespmem:s6+$0x141F0]  }
0x11b: {  	[tilespmem:s6+$0x14110] =	vst v9;
	v6 =	vld [tilespmem:s6+$0x141D0]  }
0x11c: {  	[tilespmem:s6+$0x14170] =	vst v4;
	v4 =	vld [tilespmem:s6+$0x141B0]  }
0x11d: {  	[tilespmem:s6+$0x14140] =	vst v8;
	v7 =	vld [tilespmem:s6+$0x14190]  }
0x11e: {  	v3 =	vld.idx.msk [tilespmem:v3+s20+$0x0], $0xffff  }
0x11f: {  	v8 =	vld [tilespmem:s6+$0x14180]  }
0x120: {  	v9 =	vld [tilespmem:s6+$0x141A0]  }
0x121: {  	v10 =	vld [tilespmem:s6+$0x141C0]  }
0x122: {  	v11 =	vld [tilespmem:s6+$0x141E0];
	_ =	sdelay $0x1  }
0x123: {  	v7 =	vmul.f32 v3, v7;
	v8 =	vmul.f32 v3, v8  }
0x124: {  	v4 =	vmul.f32 v3, v4;
	v9 =	vmul.f32 v3, v9  }
0x125: {  	v6 =	vmul.f32 v3, v6;
	[tilespmem:s6+$0x14180] =	vst v8;
	v8 =	vmul.f32 v3, v10  }
0x126: {  	v10 =	vmul.f32 v3, v5;
	[tilespmem:s6+$0x141A0] =	vst v9;
	v9 =	vmul.f32 v3, v11  }
0x127: {  	[tilespmem:s6+$0x141D0] =	vst v6  }
0x128: {  	v6 =	vor.u32 $0x4, v1;
	[tilespmem:s6+$0x14190] =	vst v7  }
0x129: {  	[tilespmem:s6+$0x141C0] =	vst v8;
	v3 =	vld [tilespmem:s6+$0x14270]  }
0x12a: {  	[tilespmem:s6+$0x141B0] =	vst v4;
	v5 =	vld [tilespmem:s6+$0x14250]  }
0x12b: {  	[tilespmem:s6+$0x141F0] =	vst v10;
	v7 =	vld [tilespmem:s6+$0x14230]  }
0x12c: {  	[tilespmem:s6+$0x141E0] =	vst v9;
	v10 =	vld [tilespmem:s6+$0x14240]  }
0x12d: {  	v4 =	vld.idx.msk [tilespmem:v6+s20+$0x0], $0xffff  }
0x12e: {  	v11 =	vld [tilespmem:s6+$0x14200]  }
.Ltmp3:
0x12f: {  	v9 =	vld [tilespmem:s6+$0x14220];
	(pc) =	sbr.rel @p0 .LBB2_5-.Ltmp3, $3  }
0x130: {  	v6 =	vld [tilespmem:s6+$0x14210]  }
0x131: {  	v8 =	vld [tilespmem:s6+$0x14260];
	_ =	sdelay $0x1  }
0x132: {  	v10 =	vmul.f32 v4, v10;
	v11 =	vmul.f32 v4, v11  }
0x133: {  	_ = 	snop  }
0x134: {  	v1 =	vmul.f32 v4, v7;
	[tilespmem:s6+$0x14200] =	vst v11  }
0x135: {  	v5 =	vmul.f32 v4, v5;
	[tilespmem:s6+$0x14240] =	vst v10  }
0x136: {  	[tilespmem:s6+$0x14230] =	vst v1;
	v1 =	vmul.f32 v4, v3  }
0x137: {  	v7 =	vor.u32 $0x5, v2;
	[tilespmem:s6+$0x14250] =	vst v5;
	v3 =	vmul.f32 v4, v9  }
0x138: {  	v5 =	vmul.f32 v4, v8;
	[tilespmem:s6+$0x14270] =	vst v1  }
0x139: {  	v4 =	vmul.f32 v4, v6;
	[tilespmem:s6+$0x14220] =	vst v3  }
0x13a: {  	[tilespmem:s6+$0x14260] =	vst v5  }
0x13b: {  	v6 =	vld [tilespmem:s6+$0x14280];
	[tilespmem:s6+$0x14210] =	vst v4  }
0x13c: {  	v4 =	vld.idx.msk [tilespmem:v7+s20+$0x0], $0xffff  }
0x13d: {  	v7 =	vld [tilespmem:s6+$0x142A0]  }
0x13e: {  	v8 =	vld [tilespmem:s6+$0x14290]  }
0x13f: {  	v1 =	vld [tilespmem:s6+$0x142F0]  }
0x140: {  	v5 =	vld [tilespmem:s6+$0x142B0]  }
0x141: {  	v9 =	vld [tilespmem:s6+$0x142C0];
	v6 =	vmul.f32 v4, v6  }
0x142: {  	v3 =	vld [tilespmem:s6+$0x142D0];
	v7 =	vmul.f32 v4, v7  }
0x143: {  	v10 =	vld [tilespmem:s6+$0x142E0];
	v8 =	vmul.f32 v4, v8;
	[tilespmem:s6+$0x14280] =	vst v6  }
0x144: {  	v1 =	vmul.f32 v4, v1;
	[tilespmem:s6+$0x142A0] =	vst v7  }
0x145: {  	v5 =	vmul.f32 v4, v5;
	[tilespmem:s6+$0x14290] =	vst v8  }
0x146: {  	v6 =	vmul.f32 v4, v9;
	[tilespmem:s6+$0x142F0] =	vst v1;
	v7 =	vor.u32 $0x6, v2  }
0x147: {  	v3 =	vmul.f32 v4, v3;
	[tilespmem:s6+$0x142B0] =	vst v5  }
0x148: {  	[tilespmem:s6+$0x142C0] =	vst v6;
	v6 =	vmul.f32 v4, v10  }
0x149: {  	[tilespmem:s6+$0x142D0] =	vst v3  }
0x14a: {  	[tilespmem:s6+$0x142E0] =	vst v6;
	v6 =	vld [tilespmem:s6+$0x14300]  }
0x14b: {  	v3 =	vld.idx.msk [tilespmem:v7+s20+$0x0], $0xffff  }
0x14c: {  	v7 =	vld [tilespmem:s6+$0x14310]  }
0x14d: {  	v8 =	vld [tilespmem:s6+$0x14320]  }
0x14e: {  	v4 =	vld [tilespmem:s6+$0x14330]  }
0x14f: {  	v1 =	vld [tilespmem:s6+$0x14370]  }
0x150: {  	v9 =	vld [tilespmem:s6+$0x14340];
	v6 =	vmul.f32 v3, v6  }
0x151: {  	v5 =	vld [tilespmem:s6+$0x14350];
	v7 =	vmul.f32 v3, v7  }
0x152: {  	v10 =	vld [tilespmem:s6+$0x14360];
	v8 =	vmul.f32 v3, v8;
	[tilespmem:s6+$0x14300] =	vst v6  }
0x153: {  	v4 =	vmul.f32 v3, v4;
	[tilespmem:s6+$0x14310] =	vst v7  }
0x154: {  	v1 =	vmul.f32 v3, v1;
	[tilespmem:s6+$0x14320] =	vst v8  }
0x155: {  	v2 =	vor.u32 $0x7, v2;
	v6 =	vmul.f32 v3, v9;
	[tilespmem:s6+$0x14330] =	vst v4  }
0x156: {  	v4 =	vmul.f32 v3, v5;
	[tilespmem:s6+$0x14370] =	vst v1  }
0x157: {  	v3 =	vmul.f32 v3, v10;
	[tilespmem:s6+$0x14340] =	vst v6  }
0x158: {  	[tilespmem:s6+$0x14350] =	vst v4  }
0x159: {  	[tilespmem:s6+$0x14360] =	vst v3;
	v3 =	vld [tilespmem:s6+$0x14380]  }
0x15a: {  	v2 =	vld.idx.msk [tilespmem:v2+s20+$0x0], $0xffff  }
0x15b: {  	v6 =	vld [tilespmem:s6+$0x143A0]  }
0x15c: {  	v7 =	vld [tilespmem:s6+$0x14390]  }
0x15d: {  	v1 =	vld [tilespmem:s6+$0x143B0]  }
0x15e: {  	v5 =	vld [tilespmem:s6+$0x143F0]  }
0x15f: {  	v8 =	vld [tilespmem:s6+$0x143E0];
	v3 =	vmul.f32 v2, v3  }
0x160: {  	v9 =	vld [tilespmem:s6+$0x143C0];
	v6 =	vmul.f32 v2, v6  }
0x161: {  	v4 =	vld [tilespmem:s6+$0x143D0];
	v7 =	vmul.f32 v2, v7;
	[tilespmem:s6+$0x14380] =	vst v3  }
0x162: {  	v1 =	vmul.f32 v2, v1;
	[tilespmem:s6+$0x143A0] =	vst v6  }
0x163: {  	v3 =	vmul.f32 v2, v5;
	[tilespmem:s6+$0x14390] =	vst v7  }
0x164: {  	v5 =	vmul.f32 v2, v8;
	[tilespmem:s6+$0x143B0] =	vst v1  }
0x165: {  	v6 =	vmul.f32 v2, v9;
	[tilespmem:s6+$0x143F0] =	vst v3  }
0x166: {  	v2 =	vmul.f32 v2, v4;
	[tilespmem:s6+$0x143E0] =	vst v5  }
0x167: {  	[tilespmem:s6+$0x143C0] =	vst v6  }
0x168: {  	[tilespmem:s6+$0x143D0] =	vst v2  }
0x169: {  	v1 =	vld [tilespmem:$0x1F478]  }
0x16a: {  	v2 =	vld [tilespmem:$0x1F488]  }
0x16b: {  	v3 =	vld [tilespmem:$0x1F498]  }
0x16c: {  	v4 =	vld [tilespmem:$0x1F4A8]  }
0x16d: {  	v5 =	vld [tilespmem:$0x1F4B8]  }
0x16e: {  	[tilespmem:$0x1F838] =	vst v1;
	v1 =	vld [tilespmem:$0x1F4C8]  }
0x16f: {  	[tilespmem:$0x1F848] =	vst v2;
	v2 =	vld [tilespmem:$0x1F4D8]  }
0x170: {  	[tilespmem:$0x1F858] =	vst v3;
	v3 =	vld [tilespmem:$0x1F4E0]  }
0x171: {  	[tilespmem:$0x1F868] =	vst v4  }
0x172: {  	s6 =	smul.u32 $0x3, s24;
	[tilespmem:$0x1F878] =	vst v5  }
0x173: {  	p0 =	seq.s32 s24, $0x37;
	[tilespmem:$0x1F888] =	vst v1  }
0x174: {  	s7 =	sadd.s32 @!p0 s6, s15;
	[tilespmem:$0x1F898] =	vst v2  }
0x175: {  	s29 =	simm.s32 @!p0 $0x0;
	p1 =	seq.s32 @!p0 s24, $0x0;
	s7 =	smul.u32 @!p0 $0x2D, s7;
	[tilespmem:$0x1F8A0] =	vst v3  }
0x176: {  	[spmem:s3] =	stream.indirect.scatter.add.f32 [tilespmem:s23], [sflag:$0x4], $0x80, s11, s10, $0xb8;
	[tilespmem:$0x1F9A0] =	vst v63  }
0x177: {  	s30 =	simm.s32 @!p0 $0x1F400;
	p1 =	por p0, !p1;
	s7 =	sadd.s32 @!p0 s1, s7  }
0x178: {  	[tilespmem:s30], [sflag:$0x7] =	stream.linear.gather @!p0 [hbm4b:s7+s29], $0x168, $0x38;
	[tilespmem:$0x1F9A0] =	vst v63  }
0x179: {  	_ =	swait.ge @p1 [sflag:s8], $0x3C00  }
0x17a: {  	[sflag:s8] =	ssyncset.done @p1 $0x0  }
0x17b: {  	[sflag:s8] =	ssyncadd.s32 @p1 $0xFFFFC400  }
0x17c: {  	_ =	swait.ge @p1 [sflag:s2], $0x168  }
0x17d: {  	[sflag:s2] =	ssyncset.done @p1 $0x0  }
0x17e: {  	[sflag:s2] =	ssyncadd.s32 @p1 $0xFFFFFE98  }
0x17f: {  	[tilespmem:s5], [sflag:$0x3] =	stream.indirect.gather @p1 [hbm4b:s14+s26], $0x80, s22, s26, $0xb8;
	[tilespmem:$0x1F9A0] =	vst v63  }
0x180: {  	s7 =	simm.s32 @p1 $0x1F710;
	s29 =	simm.s32 @p1 $0x1D800  }
0x181: {  	[tilespmem:s29], [sflag:$0x3] =	stream.indirect.gather @p1 [hbm4b:s14+s28], $0x80, s7, s28, $0xb8;
	[tilespmem:$0x1F9A0] =	vst v63  }
0x182: {  	_ =	swait.ge [sflag:s12], $0x2000  }
0x183: {  	v1 =	vimm.s32 $0xF0;
	[sflag:s12] =	ssyncset.done $0x0  }
0x184: {  	[sflag:s12] =	ssyncadd.s32 $0xFFFFE000  }
0x185: {  	_ =	swait.ge [sflag:s12], $0x1C00  }
0x186: {  	[sflag:s12] =	ssyncset.done $0x0  }
0x187: {  	[sflag:s12] =	ssyncadd.s32 $0xFFFFE400  }
0x188: {  	s7 =	simm.s32 $0x0;
	v2 =	vld.idx.msk [tilespmem:v1+s21+$0x0], $0xffff  }
0x189: {  	v3 =	vld [tilespmem:s7+$0x17C70]  }
0x18a: {  	v4 =	vld [tilespmem:s7+$0x17C20]  }
0x18b: {  	v5 =	vld [tilespmem:s7+$0x17C40]  }
0x18c: {  	v6 =	vld [tilespmem:s7+$0x17C30]  }
0x18d: {  	v7 =	vld [tilespmem:s7+$0x17C50]  }
0x18e: {  	v9 =	vld [tilespmem:s7+$0x17C60];
	v3 =	vmul.f32 v2, v3  }
0x18f: {  	v8 =	vld [tilespmem:s7+$0x17C10];
	v4 =	vmul.f32 v2, v4  }
0x190: {  	v10 =	vld [tilespmem:s7+$0x17C00];
	v5 =	vmul.f32 v2, v5;
	[tilespmem:s7+$0x17C70] =	vst v3  }
0x191: {  	[tilespmem:s7+$0x17C20] =	vst v4;
	v3 =	vmul.f32 v2, v6  }
0x192: {  	[tilespmem:s7+$0x17C40] =	vst v5;
	v4 =	vmul.f32 v2, v7  }
0x193: {  	v5 =	vor.u32 $0x1, v1;
	v6 =	vmul.f32 v2, v9;
	[tilespmem:s7+$0x17C30] =	vst v3  }
0x194: {  	v3 =	vmul.f32 v2, v8;
	[tilespmem:s7+$0x17C50] =	vst v4  }
0x195: {  	v2 =	vmul.f32 v2, v10;
	[tilespmem:s7+$0x17C60] =	vst v6  }
0x196: {  	[tilespmem:s7+$0x17C10] =	vst v3  }
0x197: {  	[tilespmem:s7+$0x17C00] =	vst v2  }
0x198: {  	v2 =	vld.idx.msk [tilespmem:v5+s21+$0x0], $0xffff  }
0x199: {  	v5 =	vld [tilespmem:s7+$0x17C80]  }
0x19a: {  	v7 =	vld [tilespmem:s7+$0x17CB0]  }
0x19b: {  	v8 =	vld [tilespmem:s7+$0x17CA0]  }
0x19c: {  	v9 =	vld [tilespmem:s7+$0x17C90]  }
0x19d: {  	v4 =	vld [tilespmem:s7+$0x17CE0]  }
0x19e: {  	v6 =	vld [tilespmem:s7+$0x17CC0];
	v5 =	vmul.f32 v2, v5  }
0x19f: {  	v10 =	vld [tilespmem:s7+$0x17CD0];
	v7 =	vmul.f32 v2, v7  }
0x1a0: {  	v3 =	vld [tilespmem:s7+$0x17CF0];
	v8 =	vmul.f32 v2, v8;
	[tilespmem:s7+$0x17C80] =	vst v5  }
0x1a1: {  	v5 =	vmul.f32 v2, v9;
	[tilespmem:s7+$0x17CB0] =	vst v7  }
0x1a2: {  	v4 =	vmul.f32 v2, v4;
	[tilespmem:s7+$0x17CA0] =	vst v8  }
0x1a3: {  	v7 =	vor.u32 $0x2, v1;
	[tilespmem:s7+$0x17C90] =	vst v5;
	v5 =	vmul.f32 v2, v6  }
0x1a4: {  	[tilespmem:s7+$0x17CE0] =	vst v4;
	v6 =	vmul.f32 v2, v10  }
0x1a5: {  	v2 =	vmul.f32 v2, v3;
	[tilespmem:s7+$0x17CC0] =	vst v5  }
0x1a6: {  	[tilespmem:s7+$0x17CD0] =	vst v6  }
0x1a7: {  	[tilespmem:s7+$0x17CF0] =	vst v2;
	v6 =	vld [tilespmem:s7+$0x17D00]  }
0x1a8: {  	v2 =	vld.idx.msk [tilespmem:v7+s21+$0x0], $0xffff  }
0x1a9: {  	v7 =	vld [tilespmem:s7+$0x17D60]  }
0x1aa: {  	v3 =	vld [tilespmem:s7+$0x17D20]  }
0x1ab: {  	v8 =	vld [tilespmem:s7+$0x17D30]  }
0x1ac: {  	v5 =	vld [tilespmem:s7+$0x17D50]  }
0x1ad: {  	v4 =	vld [tilespmem:s7+$0x17D70];
	v6 =	vmul.f32 v2, v6  }
0x1ae: {  	v9 =	vld [tilespmem:s7+$0x17D10];
	v7 =	vmul.f32 v2, v7  }
0x1af: {  	v10 =	vld [tilespmem:s7+$0x17D40];
	v3 =	vmul.f32 v2, v3;
	[tilespmem:s7+$0x17D00] =	vst v6  }
0x1b0: {  	[tilespmem:s7+$0x17D60] =	vst v7;
	v6 =	vmul.f32 v2, v8  }
0x1b1: {  	v5 =	vmul.f32 v2, v5;
	[tilespmem:s7+$0x17D20] =	vst v3  }
0x1b2: {  	v4 =	vmul.f32 v2, v4;
	[tilespmem:s7+$0x17D30] =	vst v6;
	v6 =	vor.u32 $0x3, v1  }
0x1b3: {  	[tilespmem:s7+$0x17D50] =	vst v5;
	v3 =	vmul.f32 v2, v9  }
0x1b4: {  	v2 =	vmul.f32 v2, v10;
	[tilespmem:s7+$0x17D70] =	vst v4  }
0x1b5: {  	[tilespmem:s7+$0x17D10] =	vst v3  }
0x1b6: {  	[tilespmem:s7+$0x17D40] =	vst v2  }
0x1b7: {  	v2 =	vld.idx.msk [tilespmem:v6+s21+$0x0], $0xffff  }
0x1b8: {  	v6 =	vld [tilespmem:s7+$0x17D80]  }
0x1b9: {  	v7 =	vld [tilespmem:s7+$0x17DA0]  }
0x1ba: {  	v3 =	vld [tilespmem:s7+$0x17DD0]  }
0x1bb: {  	v4 =	vld [tilespmem:s7+$0x17DB0]  }
0x1bc: {  	v8 =	vld [tilespmem:s7+$0x17D90]  }
0x1bd: {  	v9 =	vld [tilespmem:s7+$0x17DC0];
	v6 =	vmul.f32 v2, v6  }
0x1be: {  	v5 =	vld [tilespmem:s7+$0x17DF0];
	v7 =	vmul.f32 v2, v7  }
0x1bf: {  	v10 =	vld [tilespmem:s7+$0x17DE0];
	v3 =	vmul.f32 v2, v3;
	[tilespmem:s7+$0x17D80] =	vst v6  }
0x1c0: {  	v4 =	vmul.f32 v2, v4;
	[tilespmem:s7+$0x17DA0] =	vst v7  }
0x1c1: {  	v6 =	vmul.f32 v2, v8;
	[tilespmem:s7+$0x17DD0] =	vst v3  }
0x1c2: {  	v7 =	vmul.f32 v2, v9;
	v3 =	vld [tilespmem:s7+$0x17E70];
	[tilespmem:s7+$0x17DB0] =	vst v4;
	v4 =	vor.u32 $0x4, v1  }
0x1c3: {  	v9 =	vld [tilespmem:s7+$0x17E20];
	[tilespmem:s7+$0x17D90] =	vst v6;
	v6 =	vmul.f32 v2, v5  }
0x1c4: {  	[tilespmem:s7+$0x17DC0] =	vst v7;
	v5 =	vld [tilespmem:s7+$0x17E50];
	v2 =	vmul.f32 v2, v10  }
0x1c5: {  	v10 =	vld [tilespmem:s7+$0x17E00];
	[tilespmem:s7+$0x17DF0] =	vst v6  }
0x1c6: {  	[tilespmem:s7+$0x17DE0] =	vst v2;
	v2 =	vld [tilespmem:s7+$0x17E40]  }
0x1c7: {  	v4 =	vld.idx.msk [tilespmem:v4+s21+$0x0], $0xffff  }
0x1c8: {  	v7 =	vld [tilespmem:s7+$0x17E30]  }
0x1c9: {  	v6 =	vld [tilespmem:s7+$0x17E10]  }
0x1ca: {  	v8 =	vld [tilespmem:s7+$0x17E60];
	_ =	sdelay $0x1  }
0x1cb: {  	s29 =	simm.s32 $0x1000;
	v11 =	vmul.f32 v4, v10;
	v10 =	vmul.f32 v4, v2;
	v2 =	vimm.s32 $0xF0  }
.LBB2_7:
0x1cc: {  	p1 =	sne.s32 s29, $0xE000;
	v9 =	vmul.f32 v4, v9;
	v7 =	vmul.f32 v4, v7;
	v1 =	vadd.s32 $0x8, v1;
	s30 =	smov.u32 s29;
	s29 =	sadd.s32 $0x1000, s29  }
0x1cd: {  	v5 =	vmul.f32 v4, v5;
	[tilespmem:s7+$0x17E00] =	vst v11;
	v6 =	vmul.f32 v4, v6  }
0x1ce: {  	v3 =	vmul.f32 v4, v3;
	[tilespmem:s7+$0x17E30] =	vst v7;
	v7 =	vmul.f32 v4, v8  }
0x1cf: {  	[tilespmem:s7+$0x17E40] =	vst v10  }
0x1d0: {  	v4 =	vor.u32 $0x5, v2;
	[tilespmem:s7+$0x17E50] =	vst v5  }
0x1d1: {  	[tilespmem:s7+$0x17E70] =	vst v3;
	v3 =	vld [tilespmem:s7+$0x17EF0]  }
0x1d2: {  	[tilespmem:s7+$0x17E20] =	vst v9;
	v5 =	vld [tilespmem:s7+$0x17ED0]  }
0x1d3: {  	[tilespmem:s7+$0x17E60] =	vst v7;
	v7 =	vld [tilespmem:s7+$0x17EB0]  }
0x1d4: {  	[tilespmem:s7+$0x17E10] =	vst v6;
	v6 =	vld [tilespmem:s7+$0x17E90]  }
0x1d5: {  	v4 =	vld.idx.msk [tilespmem:v4+s21+$0x0], $0xffff  }
0x1d6: {  	v8 =	vld [tilespmem:s7+$0x17E80]  }
0x1d7: {  	v9 =	vld [tilespmem:s7+$0x17EA0]  }
0x1d8: {  	v10 =	vld [tilespmem:s7+$0x17EC0]  }
0x1d9: {  	v11 =	vld [tilespmem:s7+$0x17EE0];
	_ =	sdelay $0x1  }
0x1da: {  	v6 =	vmul.f32 v4, v6;
	v8 =	vmul.f32 v4, v8  }
0x1db: {  	v7 =	vmul.f32 v4, v7;
	v9 =	vmul.f32 v4, v9  }
0x1dc: {  	v5 =	vmul.f32 v4, v5;
	[tilespmem:s7+$0x17E80] =	vst v8;
	v8 =	vmul.f32 v4, v10  }
0x1dd: {  	v3 =	vmul.f32 v4, v3;
	[tilespmem:s7+$0x17EA0] =	vst v9;
	v9 =	vmul.f32 v4, v11  }
0x1de: {  	[tilespmem:s7+$0x17E90] =	vst v6  }
0x1df: {  	v4 =	vor.u32 $0x6, v2;
	[tilespmem:s7+$0x17EC0] =	vst v8  }
0x1e0: {  	[tilespmem:s7+$0x17EF0] =	vst v3;
	v3 =	vld [tilespmem:s7+$0x17F70]  }
0x1e1: {  	[tilespmem:s7+$0x17EB0] =	vst v7;
	v6 =	vld [tilespmem:s7+$0x17F50]  }
0x1e2: {  	[tilespmem:s7+$0x17EE0] =	vst v9;
	v7 =	vld [tilespmem:s7+$0x17F30]  }
0x1e3: {  	[tilespmem:s7+$0x17ED0] =	vst v5;
	v5 =	vld [tilespmem:s7+$0x17F10]  }
0x1e4: {  	v4 =	vld.idx.msk [tilespmem:v4+s21+$0x0], $0xffff  }
0x1e5: {  	v8 =	vld [tilespmem:s7+$0x17F00]  }
0x1e6: {  	v9 =	vld [tilespmem:s7+$0x17F20]  }
0x1e7: {  	v10 =	vld [tilespmem:s7+$0x17F40]  }
0x1e8: {  	v11 =	vld [tilespmem:s7+$0x17F60];
	_ =	sdelay $0x1  }
0x1e9: {  	v5 =	vmul.f32 v4, v5;
	v8 =	vmul.f32 v4, v8  }
0x1ea: {  	v7 =	vmul.f32 v4, v7;
	v9 =	vmul.f32 v4, v9  }
0x1eb: {  	v6 =	vmul.f32 v4, v6;
	[tilespmem:s7+$0x17F00] =	vst v8;
	v8 =	vmul.f32 v4, v10  }
0x1ec: {  	v3 =	vmul.f32 v4, v3;
	[tilespmem:s7+$0x17F10] =	vst v5;
	v5 =	vmul.f32 v4, v11  }
0x1ed: {  	[tilespmem:s7+$0x17F20] =	vst v9  }
0x1ee: {  	v4 =	vor.u32 $0x7, v2;
	v2 =	vmov v1;
	[tilespmem:s7+$0x17F30] =	vst v7  }
0x1ef: {  	[tilespmem:s7+$0x17F40] =	vst v8;
	v7 =	vld [tilespmem:s7+$0x17FF0]  }
0x1f0: {  	[tilespmem:s7+$0x17F50] =	vst v6;
	v6 =	vld [tilespmem:s7+$0x17FD0]  }
0x1f1: {  	[tilespmem:s7+$0x17F70] =	vst v3;
	v3 =	vld [tilespmem:s7+$0x17FB0]  }
0x1f2: {  	[tilespmem:s7+$0x17F60] =	vst v5;
	v5 =	vld [tilespmem:s7+$0x17F90]  }
0x1f3: {  	v4 =	vld.idx.msk [tilespmem:v4+s21+$0x0], $0xffff  }
0x1f4: {  	v8 =	vld [tilespmem:s7+$0x17F80]  }
0x1f5: {  	v9 =	vld [tilespmem:s7+$0x17FA0]  }
0x1f6: {  	v10 =	vld [tilespmem:s7+$0x17FC0]  }
0x1f7: {  	v11 =	vld [tilespmem:s7+$0x17FE0];
	_ =	sdelay $0x1  }
0x1f8: {  	v5 =	vmul.f32 v4, v5;
	v8 =	vmul.f32 v4, v8  }
0x1f9: {  	v3 =	vmul.f32 v4, v3;
	v9 =	vmul.f32 v4, v9  }
0x1fa: {  	v6 =	vmul.f32 v4, v6;
	[tilespmem:s7+$0x17F80] =	vst v8;
	v8 =	vmul.f32 v4, v10  }
0x1fb: {  	[tilespmem:s7+$0x17FA0] =	vst v9;
	v9 =	vmul.f32 v4, v11;
	v4 =	vmul.f32 v4, v7  }
0x1fc: {  	[tilespmem:s7+$0x17F90] =	vst v5  }
0x1fd: {  	[tilespmem:s7+$0x17FF0] =	vst v4  }
0x1fe: {  	[tilespmem:s7+$0x17FE0] =	vst v9  }
0x1ff: {  	[tilespmem:s7+$0x17FC0] =	vst v8  }
0x200: {  	[tilespmem:s7+$0x17FB0] =	vst v3  }
0x201: {  	[tilespmem:s7+$0x17FD0] =	vst v6  }
0x202: {  	s7 =	sshra.s32 s30, $0x2;
	v3 =	vld.idx.msk [tilespmem:v1+s21+$0x0], $0xffff  }
0x203: {  	v4 =	vld [tilespmem:s7+$0x17C70]  }
0x204: {  	v5 =	vld [tilespmem:s7+$0x17C20]  }
0x205: {  	v6 =	vld [tilespmem:s7+$0x17C40]  }
0x206: {  	v7 =	vld [tilespmem:s7+$0x17C30]  }
0x207: {  	v8 =	vld [tilespmem:s7+$0x17C50]  }
0x208: {  	v9 =	vld [tilespmem:s7+$0x17C10];
	v4 =	vmul.f32 v3, v4  }
0x209: {  	v5 =	vmul.f32 v3, v5;
	v10 =	vld [tilespmem:s7+$0x17C60]  }
0x20a: {  	v11 =	vld [tilespmem:s7+$0x17C00];
	v6 =	vmul.f32 v3, v6;
	[tilespmem:s7+$0x17C70] =	vst v4  }
0x20b: {  	[tilespmem:s7+$0x17C20] =	vst v5;
	v4 =	vmul.f32 v3, v7  }
0x20c: {  	[tilespmem:s7+$0x17C40] =	vst v6;
	v5 =	vmul.f32 v3, v8  }
0x20d: {  	v6 =	vmul.f32 v3, v9;
	[tilespmem:s7+$0x17C30] =	vst v4;
	v4 =	vor.u32 $0x1, v1  }
0x20e: {  	[tilespmem:s7+$0x17C50] =	vst v5;
	v5 =	vmul.f32 v3, v10;
	v7 =	vld [tilespmem:s7+$0x17CE0]  }
0x20f: {  	v3 =	vmul.f32 v3, v11;
	[tilespmem:s7+$0x17C10] =	vst v6;
	v6 =	vld [tilespmem:s7+$0x17CF0]  }
0x210: {  	[tilespmem:s7+$0x17C60] =	vst v5;
	v5 =	vld [tilespmem:s7+$0x17CC0]  }
0x211: {  	[tilespmem:s7+$0x17C00] =	vst v3;
	v3 =	vld [tilespmem:s7+$0x17CB0]  }
0x212: {  	v4 =	vld.idx.msk [tilespmem:v4+s21+$0x0], $0xffff  }
0x213: {  	v8 =	vld [tilespmem:s7+$0x17C80]  }
0x214: {  	v9 =	vld [tilespmem:s7+$0x17CA0]  }
0x215: {  	v10 =	vld [tilespmem:s7+$0x17C90]  }
0x216: {  	v11 =	vld [tilespmem:s7+$0x17CD0];
	_ =	sdelay $0x1  }
0x217: {  	v3 =	vmul.f32 v4, v3;
	v8 =	vmul.f32 v4, v8  }
0x218: {  	v5 =	vmul.f32 v4, v5;
	v9 =	vmul.f32 v4, v9  }
0x219: {  	v6 =	vmul.f32 v4, v6;
	[tilespmem:s7+$0x17C80] =	vst v8;
	v8 =	vmul.f32 v4, v10  }
0x21a: {  	[tilespmem:s7+$0x17CB0] =	vst v3;
	v3 =	vmul.f32 v4, v11;
	v4 =	vmul.f32 v4, v7  }
0x21b: {  	[tilespmem:s7+$0x17CA0] =	vst v9  }
0x21c: {  	v7 =	vor.u32 $0x2, v1;
	[tilespmem:s7+$0x17C90] =	vst v8  }
0x21d: {  	[tilespmem:s7+$0x17CE0] =	vst v4;
	v4 =	vld [tilespmem:s7+$0x17D70]  }
0x21e: {  	[tilespmem:s7+$0x17CC0] =	vst v5;
	v5 =	vld [tilespmem:s7+$0x17D50]  }
0x21f: {  	[tilespmem:s7+$0x17CD0] =	vst v3;
	v3 =	vld [tilespmem:s7+$0x17D20]  }
0x220: {  	[tilespmem:s7+$0x17CF0] =	vst v6;
	v6 =	vld [tilespmem:s7+$0x17D60]  }
0x221: {  	v7 =	vld.idx.msk [tilespmem:v7+s21+$0x0], $0xffff  }
0x222: {  	v8 =	vld [tilespmem:s7+$0x17D00]  }
0x223: {  	v9 =	vld [tilespmem:s7+$0x17D10]  }
0x224: {  	v10 =	vld [tilespmem:s7+$0x17D40]  }
0x225: {  	v11 =	vld [tilespmem:s7+$0x17D30];
	_ =	sdelay $0x1  }
0x226: {  	v6 =	vmul.f32 v7, v6;
	v8 =	vmul.f32 v7, v8  }
0x227: {  	v3 =	vmul.f32 v7, v3;
	v9 =	vmul.f32 v7, v9  }
0x228: {  	v5 =	vmul.f32 v7, v5;
	[tilespmem:s7+$0x17D00] =	vst v8;
	v8 =	vmul.f32 v7, v10  }
0x229: {  	v4 =	vmul.f32 v7, v4;
	v10 =	vmul.f32 v7, v11;
	[tilespmem:s7+$0x17D60] =	vst v6  }
0x22a: {  	[tilespmem:s7+$0x17D20] =	vst v3  }
0x22b: {  	v3 =	vor.u32 $0x3, v1;
	[tilespmem:s7+$0x17D50] =	vst v5  }
0x22c: {  	[tilespmem:s7+$0x17D30] =	vst v10;
	v5 =	vld [tilespmem:s7+$0x17DF0]  }
0x22d: {  	[tilespmem:s7+$0x17D10] =	vst v9;
	v6 =	vld [tilespmem:s7+$0x17DD0]  }
0x22e: {  	[tilespmem:s7+$0x17D70] =	vst v4;
	v4 =	vld [tilespmem:s7+$0x17DB0]  }
0x22f: {  	[tilespmem:s7+$0x17D40] =	vst v8;
	v7 =	vld [tilespmem:s7+$0x17D90]  }
0x230: {  	v3 =	vld.idx.msk [tilespmem:v3+s21+$0x0], $0xffff  }
0x231: {  	v8 =	vld [tilespmem:s7+$0x17D80]  }
0x232: {  	v9 =	vld [tilespmem:s7+$0x17DA0]  }
0x233: {  	v10 =	vld [tilespmem:s7+$0x17DC0]  }
0x234: {  	v11 =	vld [tilespmem:s7+$0x17DE0];
	_ =	sdelay $0x1  }
0x235: {  	v7 =	vmul.f32 v3, v7;
	v8 =	vmul.f32 v3, v8  }
0x236: {  	v4 =	vmul.f32 v3, v4;
	v9 =	vmul.f32 v3, v9  }
0x237: {  	v6 =	vmul.f32 v3, v6;
	[tilespmem:s7+$0x17D80] =	vst v8;
	v8 =	vmul.f32 v3, v10  }
0x238: {  	v10 =	vmul.f32 v3, v5;
	[tilespmem:s7+$0x17DA0] =	vst v9;
	v9 =	vmul.f32 v3, v11  }
0x239: {  	[tilespmem:s7+$0x17DD0] =	vst v6  }
0x23a: {  	v6 =	vor.u32 $0x4, v1;
	[tilespmem:s7+$0x17D90] =	vst v7  }
0x23b: {  	[tilespmem:s7+$0x17DC0] =	vst v8;
	v3 =	vld [tilespmem:s7+$0x17E70]  }
0x23c: {  	[tilespmem:s7+$0x17DB0] =	vst v4;
	v5 =	vld [tilespmem:s7+$0x17E50]  }
0x23d: {  	[tilespmem:s7+$0x17DF0] =	vst v10;
	v7 =	vld [tilespmem:s7+$0x17E30]  }
0x23e: {  	[tilespmem:s7+$0x17DE0] =	vst v9;
	v10 =	vld [tilespmem:s7+$0x17E40]  }
0x23f: {  	v4 =	vld.idx.msk [tilespmem:v6+s21+$0x0], $0xffff  }
0x240: {  	v11 =	vld [tilespmem:s7+$0x17E00]  }
.Ltmp4:
0x241: {  	v9 =	vld [tilespmem:s7+$0x17E20];
	(pc) =	sbr.rel @p1 .LBB2_7-.Ltmp4, $3  }
0x242: {  	v6 =	vld [tilespmem:s7+$0x17E10]  }
0x243: {  	v8 =	vld [tilespmem:s7+$0x17E60];
	_ =	sdelay $0x1  }
0x244: {  	v10 =	vmul.f32 v4, v10;
	v11 =	vmul.f32 v4, v11  }
0x245: {  	_ = 	snop  }
0x246: {  	v1 =	vmul.f32 v4, v7;
	[tilespmem:s7+$0x17E00] =	vst v11  }
0x247: {  	v5 =	vmul.f32 v4, v5;
	[tilespmem:s7+$0x17E40] =	vst v10  }
0x248: {  	[tilespmem:s7+$0x17E30] =	vst v1;
	v1 =	vmul.f32 v4, v3  }
0x249: {  	v7 =	vor.u32 $0x5, v2;
	[tilespmem:s7+$0x17E50] =	vst v5;
	v3 =	vmul.f32 v4, v9  }
0x24a: {  	v5 =	vmul.f32 v4, v8;
	[tilespmem:s7+$0x17E70] =	vst v1  }
0x24b: {  	v4 =	vmul.f32 v4, v6;
	[tilespmem:s7+$0x17E20] =	vst v3  }
0x24c: {  	[tilespmem:s7+$0x17E60] =	vst v5  }
0x24d: {  	v6 =	vld [tilespmem:s7+$0x17E80];
	[tilespmem:s7+$0x17E10] =	vst v4  }
0x24e: {  	v4 =	vld.idx.msk [tilespmem:v7+s21+$0x0], $0xffff  }
0x24f: {  	v7 =	vld [tilespmem:s7+$0x17EA0]  }
0x250: {  	v8 =	vld [tilespmem:s7+$0x17E90]  }
0x251: {  	v1 =	vld [tilespmem:s7+$0x17EF0]  }
0x252: {  	v5 =	vld [tilespmem:s7+$0x17EB0]  }
0x253: {  	v9 =	vld [tilespmem:s7+$0x17EC0];
	v6 =	vmul.f32 v4, v6  }
0x254: {  	v3 =	vld [tilespmem:s7+$0x17ED0];
	v7 =	vmul.f32 v4, v7  }
0x255: {  	v10 =	vld [tilespmem:s7+$0x17EE0];
	v8 =	vmul.f32 v4, v8;
	[tilespmem:s7+$0x17E80] =	vst v6  }
0x256: {  	v1 =	vmul.f32 v4, v1;
	[tilespmem:s7+$0x17EA0] =	vst v7  }
0x257: {  	v5 =	vmul.f32 v4, v5;
	[tilespmem:s7+$0x17E90] =	vst v8  }
0x258: {  	v6 =	vmul.f32 v4, v9;
	[tilespmem:s7+$0x17EF0] =	vst v1;
	v7 =	vor.u32 $0x6, v2  }
0x259: {  	v3 =	vmul.f32 v4, v3;
	[tilespmem:s7+$0x17EB0] =	vst v5  }
0x25a: {  	[tilespmem:s7+$0x17EC0] =	vst v6;
	v6 =	vmul.f32 v4, v10  }
0x25b: {  	[tilespmem:s7+$0x17ED0] =	vst v3  }
0x25c: {  	[tilespmem:s7+$0x17EE0] =	vst v6;
	v6 =	vld [tilespmem:s7+$0x17F00]  }
0x25d: {  	v3 =	vld.idx.msk [tilespmem:v7+s21+$0x0], $0xffff  }
0x25e: {  	v7 =	vld [tilespmem:s7+$0x17F10]  }
0x25f: {  	v8 =	vld [tilespmem:s7+$0x17F20]  }
0x260: {  	v4 =	vld [tilespmem:s7+$0x17F30]  }
0x261: {  	v1 =	vld [tilespmem:s7+$0x17F70]  }
0x262: {  	v9 =	vld [tilespmem:s7+$0x17F40];
	v6 =	vmul.f32 v3, v6  }
0x263: {  	v5 =	vld [tilespmem:s7+$0x17F50];
	v7 =	vmul.f32 v3, v7  }
0x264: {  	v10 =	vld [tilespmem:s7+$0x17F60];
	v8 =	vmul.f32 v3, v8;
	[tilespmem:s7+$0x17F00] =	vst v6  }
0x265: {  	v4 =	vmul.f32 v3, v4;
	[tilespmem:s7+$0x17F10] =	vst v7  }
0x266: {  	v1 =	vmul.f32 v3, v1;
	[tilespmem:s7+$0x17F20] =	vst v8  }
0x267: {  	v2 =	vor.u32 $0x7, v2;
	v6 =	vmul.f32 v3, v9;
	[tilespmem:s7+$0x17F30] =	vst v4  }
0x268: {  	v4 =	vmul.f32 v3, v5;
	[tilespmem:s7+$0x17F70] =	vst v1  }
0x269: {  	v3 =	vmul.f32 v3, v10;
	[tilespmem:s7+$0x17F40] =	vst v6  }
0x26a: {  	[tilespmem:s7+$0x17F50] =	vst v4  }
0x26b: {  	[tilespmem:s7+$0x17F60] =	vst v3;
	v3 =	vld [tilespmem:s7+$0x17F80]  }
0x26c: {  	v2 =	vld.idx.msk [tilespmem:v2+s21+$0x0], $0xffff  }
0x26d: {  	v6 =	vld [tilespmem:s7+$0x17FA0]  }
0x26e: {  	v7 =	vld [tilespmem:s7+$0x17F90]  }
0x26f: {  	v1 =	vld [tilespmem:s7+$0x17FB0]  }
0x270: {  	v5 =	vld [tilespmem:s7+$0x17FF0]  }
0x271: {  	v8 =	vld [tilespmem:s7+$0x17FE0];
	v3 =	vmul.f32 v2, v3  }
0x272: {  	v9 =	vld [tilespmem:s7+$0x17FC0];
	v6 =	vmul.f32 v2, v6  }
0x273: {  	v4 =	vld [tilespmem:s7+$0x17FD0];
	v7 =	vmul.f32 v2, v7;
	[tilespmem:s7+$0x17F80] =	vst v3  }
0x274: {  	v1 =	vmul.f32 v2, v1;
	[tilespmem:s7+$0x17FA0] =	vst v6  }
0x275: {  	v3 =	vmul.f32 v2, v5;
	[tilespmem:s7+$0x17F90] =	vst v7  }
0x276: {  	v5 =	vmul.f32 v2, v8;
	[tilespmem:s7+$0x17FB0] =	vst v1  }
0x277: {  	v6 =	vmul.f32 v2, v9;
	[tilespmem:s7+$0x17FF0] =	vst v3  }
0x278: {  	v2 =	vmul.f32 v2, v4;
	[tilespmem:s7+$0x17FE0] =	vst v5  }
0x279: {  	[tilespmem:s7+$0x17FC0] =	vst v6  }
0x27a: {  	[tilespmem:s7+$0x17FD0] =	vst v2  }
0x27b: {  	v1 =	vld [tilespmem:$0x1F5E0]  }
0x27c: {  	v2 =	vld [tilespmem:$0x1F5F0]  }
0x27d: {  	v3 =	vld [tilespmem:$0x1F600]  }
0x27e: {  	v4 =	vld [tilespmem:$0x1F610]  }
0x27f: {  	v5 =	vld [tilespmem:$0x1F620]  }
0x280: {  	[tilespmem:$0x1F8B0] =	vst v1;
	v1 =	vld [tilespmem:$0x1F630]  }
0x281: {  	[tilespmem:$0x1F8C0] =	vst v2;
	v2 =	vld [tilespmem:$0x1F640]  }
0x282: {  	[tilespmem:$0x1F8D0] =	vst v3;
	v3 =	vld [tilespmem:$0x1F648]  }
0x283: {  	[tilespmem:$0x1F8E0] =	vst v4  }
0x284: {  	[tilespmem:$0x1F8F0] =	vst v5  }
0x285: {  	p1 =	sne.s32 s24, $0x37;
	[tilespmem:$0x1F900] =	vst v1  }
0x286: {  	s7 =	sadd.s32 @p1 s6, s16;
	[tilespmem:$0x1F910] =	vst v2  }
0x287: {  	s7 =	smul.u32 @p1 $0x2D, s7;
	[tilespmem:$0x1F918] =	vst v3  }
0x288: {  	[spmem:s3] =	stream.indirect.scatter.add.f32 [tilespmem:s0], [sflag:$0x5], $0x80, s13, s10, $0xb8;
	[tilespmem:$0x1F9A0] =	vst v63  }
0x289: {  	s29 =	simm.s32 @p1 $0x0;
	s30 =	simm.s32 @p1 $0x1F568;
	s7 =	sadd.s32 @p1 s1, s7  }
0x28a: {  	[tilespmem:s30], [sflag:$0x8] =	stream.linear.gather @p1 [hbm4b:s7+s29], $0x168, $0x38;
	[tilespmem:$0x1F9A0] =	vst v63  }
0x28b: {  	s7 =	simm.s32 @p1 $0x4  }
0x28c: {  	_ =	swait.ge @p1 [sflag:s7], $0x3C00  }
0x28d: {  	[sflag:s7] =	ssyncset.done @p1 $0x0  }
0x28e: {  	[sflag:s7] =	ssyncadd.s32 @p1 $0xFFFFC400;
	s7 =	simm.s32 @p1 $0x7  }
0x28f: {  	_ =	swait.ge @p1 [sflag:s7], $0x168  }
0x290: {  	s29 =	simm.s32 @p1 $0x1F400;
	[sflag:s7] =	ssyncset.done @p1 $0x0  }
0x291: {  	s30 =	simm.s32 @p1 $0x14000;
	[sflag:s7] =	ssyncadd.s32 @p1 $0xFFFFFE98;
	s7 =	simm.s32 @p1 $0x40  }
0x292: {  	[tilespmem:s30], [sflag:$0x1] =	stream.indirect.gather @p1 [hbm4b:s14+s7], $0x80, s29, s7, $0xb8;
	[tilespmem:$0x1F9A0] =	vst v63  }
0x293: {  	s7 =	simm.s32 @p1 $0x38;
	s29 =	simm.s32 @p1 $0x1F440;
	s30 =	simm.s32 @p1 $0x16000  }
0x294: {  	[tilespmem:s30], [sflag:$0x1] =	stream.indirect.gather @p1 [hbm4b:s14+s7], $0x80, s29, s7, $0xb8;
	[tilespmem:$0x1F9A0] =	vst v63  }
0x295: {  	s7 =	simm.s32 @!p1 $0x4  }
0x296: {  	_ =	swait.ge @!p1 [sflag:s7], $0x3C00  }
0x297: {  	[sflag:s7] =	ssyncset.done @!p1 $0x0  }
0x298: {  	[sflag:s7] =	ssyncadd.s32 @!p1 $0xFFFFC400  }
0x299: {  	_ =	swait.ge [sflag:s18], $0x2000  }
0x29a: {  	v1 =	vimm.s32 $0xF0;
	[sflag:s18] =	ssyncset.done $0x0  }
0x29b: {  	[sflag:s18] =	ssyncadd.s32 $0xFFFFE000  }
0x29c: {  	_ =	swait.ge [sflag:s18], $0x1C00  }
0x29d: {  	[sflag:s18] =	ssyncset.done $0x0  }
0x29e: {  	[sflag:s18] =	ssyncadd.s32 $0xFFFFE400  }
0x29f: {  	s7 =	simm.s32 $0x0;
	v2 =	vld.idx.msk [tilespmem:v1+s22+$0x0], $0xffff  }
0x2a0: {  	v3 =	vld [tilespmem:s7+$0x1B870]  }
0x2a1: {  	v4 =	vld [tilespmem:s7+$0x1B820]  }
0x2a2: {  	v5 =	vld [tilespmem:s7+$0x1B840]  }
0x2a3: {  	v6 =	vld [tilespmem:s7+$0x1B830]  }
0x2a4: {  	v7 =	vld [tilespmem:s7+$0x1B850]  }
0x2a5: {  	v9 =	vld [tilespmem:s7+$0x1B860];
	v3 =	vmul.f32 v2, v3  }
0x2a6: {  	v8 =	vld [tilespmem:s7+$0x1B810];
	v4 =	vmul.f32 v2, v4  }
0x2a7: {  	v10 =	vld [tilespmem:s7+$0x1B800];
	v5 =	vmul.f32 v2, v5;
	[tilespmem:s7+$0x1B870] =	vst v3  }
0x2a8: {  	[tilespmem:s7+$0x1B820] =	vst v4;
	v3 =	vmul.f32 v2, v6  }
0x2a9: {  	[tilespmem:s7+$0x1B840] =	vst v5;
	v4 =	vmul.f32 v2, v7  }
0x2aa: {  	v5 =	vor.u32 $0x1, v1;
	v6 =	vmul.f32 v2, v9;
	[tilespmem:s7+$0x1B830] =	vst v3  }
0x2ab: {  	v3 =	vmul.f32 v2, v8;
	[tilespmem:s7+$0x1B850] =	vst v4  }
0x2ac: {  	v2 =	vmul.f32 v2, v10;
	[tilespmem:s7+$0x1B860] =	vst v6  }
0x2ad: {  	[tilespmem:s7+$0x1B810] =	vst v3  }
0x2ae: {  	[tilespmem:s7+$0x1B800] =	vst v2  }
0x2af: {  	v2 =	vld.idx.msk [tilespmem:v5+s22+$0x0], $0xffff  }
0x2b0: {  	v5 =	vld [tilespmem:s7+$0x1B880]  }
0x2b1: {  	v7 =	vld [tilespmem:s7+$0x1B8B0]  }
0x2b2: {  	v8 =	vld [tilespmem:s7+$0x1B8A0]  }
0x2b3: {  	v9 =	vld [tilespmem:s7+$0x1B890]  }
0x2b4: {  	v4 =	vld [tilespmem:s7+$0x1B8E0]  }
0x2b5: {  	v6 =	vld [tilespmem:s7+$0x1B8C0];
	v5 =	vmul.f32 v2, v5  }
0x2b6: {  	v10 =	vld [tilespmem:s7+$0x1B8D0];
	v7 =	vmul.f32 v2, v7  }
0x2b7: {  	v3 =	vld [tilespmem:s7+$0x1B8F0];
	v8 =	vmul.f32 v2, v8;
	[tilespmem:s7+$0x1B880] =	vst v5  }
0x2b8: {  	v5 =	vmul.f32 v2, v9;
	[tilespmem:s7+$0x1B8B0] =	vst v7  }
0x2b9: {  	v4 =	vmul.f32 v2, v4;
	[tilespmem:s7+$0x1B8A0] =	vst v8  }
0x2ba: {  	v7 =	vor.u32 $0x2, v1;
	[tilespmem:s7+$0x1B890] =	vst v5;
	v5 =	vmul.f32 v2, v6  }
0x2bb: {  	[tilespmem:s7+$0x1B8E0] =	vst v4;
	v6 =	vmul.f32 v2, v10  }
0x2bc: {  	v2 =	vmul.f32 v2, v3;
	[tilespmem:s7+$0x1B8C0] =	vst v5  }
0x2bd: {  	[tilespmem:s7+$0x1B8D0] =	vst v6  }
0x2be: {  	[tilespmem:s7+$0x1B8F0] =	vst v2;
	v6 =	vld [tilespmem:s7+$0x1B900]  }
0x2bf: {  	v2 =	vld.idx.msk [tilespmem:v7+s22+$0x0], $0xffff  }
0x2c0: {  	v7 =	vld [tilespmem:s7+$0x1B960]  }
0x2c1: {  	v3 =	vld [tilespmem:s7+$0x1B920]  }
0x2c2: {  	v8 =	vld [tilespmem:s7+$0x1B930]  }
0x2c3: {  	v5 =	vld [tilespmem:s7+$0x1B950]  }
0x2c4: {  	v4 =	vld [tilespmem:s7+$0x1B970];
	v6 =	vmul.f32 v2, v6  }
0x2c5: {  	v9 =	vld [tilespmem:s7+$0x1B910];
	v7 =	vmul.f32 v2, v7  }
0x2c6: {  	v10 =	vld [tilespmem:s7+$0x1B940];
	v3 =	vmul.f32 v2, v3;
	[tilespmem:s7+$0x1B900] =	vst v6  }
0x2c7: {  	[tilespmem:s7+$0x1B960] =	vst v7;
	v6 =	vmul.f32 v2, v8  }
0x2c8: {  	v5 =	vmul.f32 v2, v5;
	[tilespmem:s7+$0x1B920] =	vst v3  }
0x2c9: {  	v4 =	vmul.f32 v2, v4;
	[tilespmem:s7+$0x1B930] =	vst v6;
	v6 =	vor.u32 $0x3, v1  }
0x2ca: {  	[tilespmem:s7+$0x1B950] =	vst v5;
	v3 =	vmul.f32 v2, v9  }
0x2cb: {  	v2 =	vmul.f32 v2, v10;
	[tilespmem:s7+$0x1B970] =	vst v4  }
0x2cc: {  	[tilespmem:s7+$0x1B910] =	vst v3  }
0x2cd: {  	[tilespmem:s7+$0x1B940] =	vst v2  }
0x2ce: {  	v2 =	vld.idx.msk [tilespmem:v6+s22+$0x0], $0xffff  }
0x2cf: {  	v6 =	vld [tilespmem:s7+$0x1B980]  }
0x2d0: {  	v7 =	vld [tilespmem:s7+$0x1B9A0]  }
0x2d1: {  	v3 =	vld [tilespmem:s7+$0x1B9D0]  }
0x2d2: {  	v4 =	vld [tilespmem:s7+$0x1B9B0]  }
0x2d3: {  	v8 =	vld [tilespmem:s7+$0x1B990]  }
0x2d4: {  	v9 =	vld [tilespmem:s7+$0x1B9C0];
	v6 =	vmul.f32 v2, v6  }
0x2d5: {  	v5 =	vld [tilespmem:s7+$0x1B9F0];
	v7 =	vmul.f32 v2, v7  }
0x2d6: {  	v10 =	vld [tilespmem:s7+$0x1B9E0];
	v3 =	vmul.f32 v2, v3;
	[tilespmem:s7+$0x1B980] =	vst v6  }
0x2d7: {  	v4 =	vmul.f32 v2, v4;
	[tilespmem:s7+$0x1B9A0] =	vst v7  }
0x2d8: {  	v6 =	vmul.f32 v2, v8;
	[tilespmem:s7+$0x1B9D0] =	vst v3  }
0x2d9: {  	v7 =	vmul.f32 v2, v9;
	v3 =	vld [tilespmem:s7+$0x1BA70];
	[tilespmem:s7+$0x1B9B0] =	vst v4;
	v4 =	vor.u32 $0x4, v1  }
0x2da: {  	v9 =	vld [tilespmem:s7+$0x1BA20];
	[tilespmem:s7+$0x1B990] =	vst v6;
	v6 =	vmul.f32 v2, v5  }
0x2db: {  	[tilespmem:s7+$0x1B9C0] =	vst v7;
	v5 =	vld [tilespmem:s7+$0x1BA50];
	v2 =	vmul.f32 v2, v10  }
0x2dc: {  	v10 =	vld [tilespmem:s7+$0x1BA00];
	[tilespmem:s7+$0x1B9F0] =	vst v6  }
0x2dd: {  	[tilespmem:s7+$0x1B9E0] =	vst v2;
	v2 =	vld [tilespmem:s7+$0x1BA40]  }
0x2de: {  	v4 =	vld.idx.msk [tilespmem:v4+s22+$0x0], $0xffff  }
0x2df: {  	v7 =	vld [tilespmem:s7+$0x1BA30]  }
0x2e0: {  	v6 =	vld [tilespmem:s7+$0x1BA10]  }
0x2e1: {  	v8 =	vld [tilespmem:s7+$0x1BA60];
	_ =	sdelay $0x1  }
0x2e2: {  	s29 =	simm.s32 $0x1000;
	v11 =	vmul.f32 v4, v10;
	v10 =	vmul.f32 v4, v2;
	v2 =	vimm.s32 $0xF0  }
.LBB2_9:
0x2e3: {  	p1 =	sne.s32 s29, $0xE000;
	v9 =	vmul.f32 v4, v9;
	v7 =	vmul.f32 v4, v7;
	v1 =	vadd.s32 $0x8, v1;
	s30 =	smov.u32 s29;
	s29 =	sadd.s32 $0x1000, s29  }
0x2e4: {  	v5 =	vmul.f32 v4, v5;
	[tilespmem:s7+$0x1BA00] =	vst v11;
	v6 =	vmul.f32 v4, v6  }
0x2e5: {  	v3 =	vmul.f32 v4, v3;
	[tilespmem:s7+$0x1BA30] =	vst v7;
	v7 =	vmul.f32 v4, v8  }
0x2e6: {  	[tilespmem:s7+$0x1BA40] =	vst v10  }
0x2e7: {  	v4 =	vor.u32 $0x5, v2;
	[tilespmem:s7+$0x1BA50] =	vst v5  }
0x2e8: {  	[tilespmem:s7+$0x1BA70] =	vst v3;
	v3 =	vld [tilespmem:s7+$0x1BAF0]  }
0x2e9: {  	[tilespmem:s7+$0x1BA20] =	vst v9;
	v5 =	vld [tilespmem:s7+$0x1BAD0]  }
0x2ea: {  	[tilespmem:s7+$0x1BA60] =	vst v7;
	v7 =	vld [tilespmem:s7+$0x1BAB0]  }
0x2eb: {  	[tilespmem:s7+$0x1BA10] =	vst v6;
	v6 =	vld [tilespmem:s7+$0x1BA90]  }
0x2ec: {  	v4 =	vld.idx.msk [tilespmem:v4+s22+$0x0], $0xffff  }
0x2ed: {  	v8 =	vld [tilespmem:s7+$0x1BA80]  }
0x2ee: {  	v9 =	vld [tilespmem:s7+$0x1BAA0]  }
0x2ef: {  	v10 =	vld [tilespmem:s7+$0x1BAC0]  }
0x2f0: {  	v11 =	vld [tilespmem:s7+$0x1BAE0];
	_ =	sdelay $0x1  }
0x2f1: {  	v6 =	vmul.f32 v4, v6;
	v8 =	vmul.f32 v4, v8  }
0x2f2: {  	v7 =	vmul.f32 v4, v7;
	v9 =	vmul.f32 v4, v9  }
0x2f3: {  	v5 =	vmul.f32 v4, v5;
	[tilespmem:s7+$0x1BA80] =	vst v8;
	v8 =	vmul.f32 v4, v10  }
0x2f4: {  	v3 =	vmul.f32 v4, v3;
	[tilespmem:s7+$0x1BAA0] =	vst v9;
	v9 =	vmul.f32 v4, v11  }
0x2f5: {  	[tilespmem:s7+$0x1BA90] =	vst v6  }
0x2f6: {  	v4 =	vor.u32 $0x6, v2;
	[tilespmem:s7+$0x1BAC0] =	vst v8  }
0x2f7: {  	[tilespmem:s7+$0x1BAF0] =	vst v3;
	v3 =	vld [tilespmem:s7+$0x1BB70]  }
0x2f8: {  	[tilespmem:s7+$0x1BAB0] =	vst v7;
	v6 =	vld [tilespmem:s7+$0x1BB50]  }
0x2f9: {  	[tilespmem:s7+$0x1BAE0] =	vst v9;
	v7 =	vld [tilespmem:s7+$0x1BB30]  }
0x2fa: {  	[tilespmem:s7+$0x1BAD0] =	vst v5;
	v5 =	vld [tilespmem:s7+$0x1BB10]  }
0x2fb: {  	v4 =	vld.idx.msk [tilespmem:v4+s22+$0x0], $0xffff  }
0x2fc: {  	v8 =	vld [tilespmem:s7+$0x1BB00]  }
0x2fd: {  	v9 =	vld [tilespmem:s7+$0x1BB20]  }
0x2fe: {  	v10 =	vld [tilespmem:s7+$0x1BB40]  }
0x2ff: {  	v11 =	vld [tilespmem:s7+$0x1BB60];
	_ =	sdelay $0x1  }
0x300: {  	v5 =	vmul.f32 v4, v5;
	v8 =	vmul.f32 v4, v8  }
0x301: {  	v7 =	vmul.f32 v4, v7;
	v9 =	vmul.f32 v4, v9  }
0x302: {  	v6 =	vmul.f32 v4, v6;
	[tilespmem:s7+$0x1BB00] =	vst v8;
	v8 =	vmul.f32 v4, v10  }
0x303: {  	v3 =	vmul.f32 v4, v3;
	[tilespmem:s7+$0x1BB10] =	vst v5;
	v5 =	vmul.f32 v4, v11  }
0x304: {  	[tilespmem:s7+$0x1BB20] =	vst v9  }
0x305: {  	v4 =	vor.u32 $0x7, v2;
	v2 =	vmov v1;
	[tilespmem:s7+$0x1BB30] =	vst v7  }
0x306: {  	[tilespmem:s7+$0x1BB40] =	vst v8;
	v7 =	vld [tilespmem:s7+$0x1BBF0]  }
0x307: {  	[tilespmem:s7+$0x1BB50] =	vst v6;
	v6 =	vld [tilespmem:s7+$0x1BBD0]  }
0x308: {  	[tilespmem:s7+$0x1BB70] =	vst v3;
	v3 =	vld [tilespmem:s7+$0x1BBB0]  }
0x309: {  	[tilespmem:s7+$0x1BB60] =	vst v5;
	v5 =	vld [tilespmem:s7+$0x1BB90]  }
0x30a: {  	v4 =	vld.idx.msk [tilespmem:v4+s22+$0x0], $0xffff  }
0x30b: {  	v8 =	vld [tilespmem:s7+$0x1BB80]  }
0x30c: {  	v9 =	vld [tilespmem:s7+$0x1BBA0]  }
0x30d: {  	v10 =	vld [tilespmem:s7+$0x1BBC0]  }
0x30e: {  	v11 =	vld [tilespmem:s7+$0x1BBE0];
	_ =	sdelay $0x1  }
0x30f: {  	v5 =	vmul.f32 v4, v5;
	v8 =	vmul.f32 v4, v8  }
0x310: {  	v3 =	vmul.f32 v4, v3;
	v9 =	vmul.f32 v4, v9  }
0x311: {  	v6 =	vmul.f32 v4, v6;
	[tilespmem:s7+$0x1BB80] =	vst v8;
	v8 =	vmul.f32 v4, v10  }
0x312: {  	[tilespmem:s7+$0x1BBA0] =	vst v9;
	v9 =	vmul.f32 v4, v11;
	v4 =	vmul.f32 v4, v7  }
0x313: {  	[tilespmem:s7+$0x1BB90] =	vst v5  }
0x314: {  	[tilespmem:s7+$0x1BBF0] =	vst v4  }
0x315: {  	[tilespmem:s7+$0x1BBE0] =	vst v9  }
0x316: {  	[tilespmem:s7+$0x1BBC0] =	vst v8  }
0x317: {  	[tilespmem:s7+$0x1BBB0] =	vst v3  }
0x318: {  	[tilespmem:s7+$0x1BBD0] =	vst v6  }
0x319: {  	s7 =	sshra.s32 s30, $0x2;
	v3 =	vld.idx.msk [tilespmem:v1+s22+$0x0], $0xffff  }
0x31a: {  	v4 =	vld [tilespmem:s7+$0x1B870]  }
0x31b: {  	v5 =	vld [tilespmem:s7+$0x1B820]  }
0x31c: {  	v6 =	vld [tilespmem:s7+$0x1B840]  }
0x31d: {  	v7 =	vld [tilespmem:s7+$0x1B830]  }
0x31e: {  	v8 =	vld [tilespmem:s7+$0x1B850]  }
0x31f: {  	v9 =	vld [tilespmem:s7+$0x1B810];
	v4 =	vmul.f32 v3, v4  }
0x320: {  	v5 =	vmul.f32 v3, v5;
	v10 =	vld [tilespmem:s7+$0x1B860]  }
0x321: {  	v11 =	vld [tilespmem:s7+$0x1B800];
	v6 =	vmul.f32 v3, v6;
	[tilespmem:s7+$0x1B870] =	vst v4  }
0x322: {  	[tilespmem:s7+$0x1B820] =	vst v5;
	v4 =	vmul.f32 v3, v7  }
0x323: {  	[tilespmem:s7+$0x1B840] =	vst v6;
	v5 =	vmul.f32 v3, v8  }
0x324: {  	v6 =	vmul.f32 v3, v9;
	[tilespmem:s7+$0x1B830] =	vst v4;
	v4 =	vor.u32 $0x1, v1  }
0x325: {  	[tilespmem:s7+$0x1B850] =	vst v5;
	v5 =	vmul.f32 v3, v10;
	v7 =	vld [tilespmem:s7+$0x1B8E0]  }
0x326: {  	v3 =	vmul.f32 v3, v11;
	[tilespmem:s7+$0x1B810] =	vst v6;
	v6 =	vld [tilespmem:s7+$0x1B8F0]  }
0x327: {  	[tilespmem:s7+$0x1B860] =	vst v5;
	v5 =	vld [tilespmem:s7+$0x1B8C0]  }
0x328: {  	[tilespmem:s7+$0x1B800] =	vst v3;
	v3 =	vld [tilespmem:s7+$0x1B8B0]  }
0x329: {  	v4 =	vld.idx.msk [tilespmem:v4+s22+$0x0], $0xffff  }
0x32a: {  	v8 =	vld [tilespmem:s7+$0x1B880]  }
0x32b: {  	v9 =	vld [tilespmem:s7+$0x1B8A0]  }
0x32c: {  	v10 =	vld [tilespmem:s7+$0x1B890]  }
0x32d: {  	v11 =	vld [tilespmem:s7+$0x1B8D0];
	_ =	sdelay $0x1  }
0x32e: {  	v3 =	vmul.f32 v4, v3;
	v8 =	vmul.f32 v4, v8  }
0x32f: {  	v5 =	vmul.f32 v4, v5;
	v9 =	vmul.f32 v4, v9  }
0x330: {  	v6 =	vmul.f32 v4, v6;
	[tilespmem:s7+$0x1B880] =	vst v8;
	v8 =	vmul.f32 v4, v10  }
0x331: {  	[tilespmem:s7+$0x1B8B0] =	vst v3;
	v3 =	vmul.f32 v4, v11;
	v4 =	vmul.f32 v4, v7  }
0x332: {  	[tilespmem:s7+$0x1B8A0] =	vst v9  }
0x333: {  	v7 =	vor.u32 $0x2, v1;
	[tilespmem:s7+$0x1B890] =	vst v8  }
0x334: {  	[tilespmem:s7+$0x1B8E0] =	vst v4;
	v4 =	vld [tilespmem:s7+$0x1B970]  }
0x335: {  	[tilespmem:s7+$0x1B8C0] =	vst v5;
	v5 =	vld [tilespmem:s7+$0x1B950]  }
0x336: {  	[tilespmem:s7+$0x1B8D0] =	vst v3;
	v3 =	vld [tilespmem:s7+$0x1B920]  }
0x337: {  	[tilespmem:s7+$0x1B8F0] =	vst v6;
	v6 =	vld [tilespmem:s7+$0x1B960]  }
0x338: {  	v7 =	vld.idx.msk [tilespmem:v7+s22+$0x0], $0xffff  }
0x339: {  	v8 =	vld [tilespmem:s7+$0x1B900]  }
0x33a: {  	v9 =	vld [tilespmem:s7+$0x1B910]  }
0x33b: {  	v10 =	vld [tilespmem:s7+$0x1B940]  }
0x33c: {  	v11 =	vld [tilespmem:s7+$0x1B930];
	_ =	sdelay $0x1  }
0x33d: {  	v6 =	vmul.f32 v7, v6;
	v8 =	vmul.f32 v7, v8  }
0x33e: {  	v3 =	vmul.f32 v7, v3;
	v9 =	vmul.f32 v7, v9  }
0x33f: {  	v5 =	vmul.f32 v7, v5;
	[tilespmem:s7+$0x1B900] =	vst v8;
	v8 =	vmul.f32 v7, v10  }
0x340: {  	v4 =	vmul.f32 v7, v4;
	v10 =	vmul.f32 v7, v11;
	[tilespmem:s7+$0x1B960] =	vst v6  }
0x341: {  	[tilespmem:s7+$0x1B920] =	vst v3  }
0x342: {  	v3 =	vor.u32 $0x3, v1;
	[tilespmem:s7+$0x1B950] =	vst v5  }
0x343: {  	[tilespmem:s7+$0x1B930] =	vst v10;
	v5 =	vld [tilespmem:s7+$0x1B9F0]  }
0x344: {  	[tilespmem:s7+$0x1B910] =	vst v9;
	v6 =	vld [tilespmem:s7+$0x1B9D0]  }
0x345: {  	[tilespmem:s7+$0x1B970] =	vst v4;
	v4 =	vld [tilespmem:s7+$0x1B9B0]  }
0x346: {  	[tilespmem:s7+$0x1B940] =	vst v8;
	v7 =	vld [tilespmem:s7+$0x1B990]  }
0x347: {  	v3 =	vld.idx.msk [tilespmem:v3+s22+$0x0], $0xffff  }
0x348: {  	v8 =	vld [tilespmem:s7+$0x1B980]  }
0x349: {  	v9 =	vld [tilespmem:s7+$0x1B9A0]  }
0x34a: {  	v10 =	vld [tilespmem:s7+$0x1B9C0]  }
0x34b: {  	v11 =	vld [tilespmem:s7+$0x1B9E0];
	_ =	sdelay $0x1  }
0x34c: {  	v7 =	vmul.f32 v3, v7;
	v8 =	vmul.f32 v3, v8  }
0x34d: {  	v4 =	vmul.f32 v3, v4;
	v9 =	vmul.f32 v3, v9  }
0x34e: {  	v6 =	vmul.f32 v3, v6;
	[tilespmem:s7+$0x1B980] =	vst v8;
	v8 =	vmul.f32 v3, v10  }
0x34f: {  	v10 =	vmul.f32 v3, v5;
	[tilespmem:s7+$0x1B9A0] =	vst v9;
	v9 =	vmul.f32 v3, v11  }
0x350: {  	[tilespmem:s7+$0x1B9D0] =	vst v6  }
0x351: {  	v6 =	vor.u32 $0x4, v1;
	[tilespmem:s7+$0x1B990] =	vst v7  }
0x352: {  	[tilespmem:s7+$0x1B9C0] =	vst v8;
	v3 =	vld [tilespmem:s7+$0x1BA70]  }
0x353: {  	[tilespmem:s7+$0x1B9B0] =	vst v4;
	v5 =	vld [tilespmem:s7+$0x1BA50]  }
0x354: {  	[tilespmem:s7+$0x1B9F0] =	vst v10;
	v7 =	vld [tilespmem:s7+$0x1BA30]  }
0x355: {  	[tilespmem:s7+$0x1B9E0] =	vst v9;
	v10 =	vld [tilespmem:s7+$0x1BA40]  }
0x356: {  	v4 =	vld.idx.msk [tilespmem:v6+s22+$0x0], $0xffff  }
0x357: {  	v11 =	vld [tilespmem:s7+$0x1BA00]  }
.Ltmp5:
0x358: {  	v9 =	vld [tilespmem:s7+$0x1BA20];
	(pc) =	sbr.rel @p1 .LBB2_9-.Ltmp5, $3  }
0x359: {  	v6 =	vld [tilespmem:s7+$0x1BA10]  }
0x35a: {  	v8 =	vld [tilespmem:s7+$0x1BA60];
	_ =	sdelay $0x1  }
0x35b: {  	v10 =	vmul.f32 v4, v10;
	v11 =	vmul.f32 v4, v11  }
0x35c: {  	_ = 	snop  }
0x35d: {  	v1 =	vmul.f32 v4, v7;
	[tilespmem:s7+$0x1BA00] =	vst v11  }
0x35e: {  	v5 =	vmul.f32 v4, v5;
	[tilespmem:s7+$0x1BA40] =	vst v10  }
0x35f: {  	v36 =	vmul.f32 v4, v6;
	[tilespmem:s7+$0x1BA30] =	vst v1  }
0x360: {  	v35 =	vor.u32 $0x5, v2;
	v1 =	vmul.f32 v4, v3;
	[tilespmem:s7+$0x1BA50] =	vst v5  }
0x361: {  	v3 =	vmul.f32 v4, v9;
	[tilespmem:s7+$0x1BA10] =	vst v36  }
0x362: {  	v34 =	vmul.f32 v4, v8;
	[tilespmem:s7+$0x1BA70] =	vst v1  }
0x363: {  	[tilespmem:s7+$0x1BA20] =	vst v3  }
0x364: {  	v38 =	vld [tilespmem:s7+$0x1BA80];
	[tilespmem:s7+$0x1BA60] =	vst v34  }
0x365: {  	v4 =	vld.idx.msk [tilespmem:v35+s22+$0x0], $0xffff  }
0x366: {  	v39 =	vld [tilespmem:s7+$0x1BAA0]  }
0x367: {  	v40 =	vld [tilespmem:s7+$0x1BA90]  }
0x368: {  	v41 =	vld [tilespmem:s7+$0x1BAC0]  }
0x369: {  	v1 =	vld [tilespmem:s7+$0x1BAF0]  }
0x36a: {  	v37 =	vld [tilespmem:s7+$0x1BAB0];
	v6 =	vmul.f32 v4, v38  }
0x36b: {  	v42 =	vld [tilespmem:s7+$0x1BAE0];
	v7 =	vmul.f32 v4, v39  }
0x36c: {  	v3 =	vld [tilespmem:s7+$0x1BAD0];
	v8 =	vmul.f32 v4, v40;
	[tilespmem:s7+$0x1BA80] =	vst v6  }
0x36d: {  	v43 =	vmul.f32 v4, v41;
	[tilespmem:s7+$0x1BAA0] =	vst v7  }
0x36e: {  	v1 =	vmul.f32 v4, v1;
	[tilespmem:s7+$0x1BA90] =	vst v8  }
0x36f: {  	v45 =	vor.u32 $0x6, v2;
	v5 =	vmul.f32 v4, v37;
	[tilespmem:s7+$0x1BAC0] =	vst v43  }
0x370: {  	v44 =	vmul.f32 v4, v42;
	[tilespmem:s7+$0x1BAF0] =	vst v1  }
0x371: {  	v3 =	vmul.f32 v4, v3;
	[tilespmem:s7+$0x1BAB0] =	vst v5  }
0x372: {  	[tilespmem:s7+$0x1BAE0] =	vst v44  }
0x373: {  	v48 =	vld [tilespmem:s7+$0x1BB00];
	[tilespmem:s7+$0x1BAD0] =	vst v3  }
0x374: {  	v3 =	vld.idx.msk [tilespmem:v45+s22+$0x0], $0xffff  }
0x375: {  	v49 =	vld [tilespmem:s7+$0x1BB10]  }
0x376: {  	v50 =	vld [tilespmem:s7+$0x1BB20]  }
0x377: {  	v47 =	vld [tilespmem:s7+$0x1BB30]  }
0x378: {  	v51 =	vld [tilespmem:s7+$0x1BB40]  }
0x379: {  	v46 =	vld [tilespmem:s7+$0x1BB50];
	v6 =	vmul.f32 v3, v48  }
0x37a: {  	v1 =	vld [tilespmem:s7+$0x1BB70];
	v7 =	vmul.f32 v3, v49  }
0x37b: {  	v52 =	vld [tilespmem:s7+$0x1BB60];
	v8 =	vmul.f32 v3, v50;
	[tilespmem:s7+$0x1BB00] =	vst v6  }
0x37c: {  	v4 =	vmul.f32 v3, v47;
	[tilespmem:s7+$0x1BB10] =	vst v7  }
0x37d: {  	v53 =	vmul.f32 v3, v51;
	[tilespmem:s7+$0x1BB20] =	vst v8  }
0x37e: {  	v2 =	vor.u32 $0x7, v2;
	v54 =	vmul.f32 v3, v46;
	[tilespmem:s7+$0x1BB30] =	vst v4  }
0x37f: {  	v1 =	vmul.f32 v3, v1;
	[tilespmem:s7+$0x1BB40] =	vst v53  }
0x380: {  	v3 =	vmul.f32 v3, v52;
	[tilespmem:s7+$0x1BB50] =	vst v54  }
0x381: {  	[tilespmem:s7+$0x1BB70] =	vst v1  }
0x382: {  	[tilespmem:s7+$0x1BB60] =	vst v3;
	v3 =	vld [tilespmem:s7+$0x1BB80]  }
0x383: {  	v2 =	vld.idx.msk [tilespmem:v2+s22+$0x0], $0xffff  }
0x384: {  	v57 =	vld [tilespmem:s7+$0x1BBA0]  }
0x385: {  	v58 =	vld [tilespmem:s7+$0x1BB90]  }
0x386: {  	v59 =	vld [tilespmem:s7+$0x1BBE0]  }
0x387: {  	v60 =	vld [tilespmem:s7+$0x1BBC0]  }
0x388: {  	v1 =	vld [tilespmem:s7+$0x1BBB0];
	v3 =	vmul.f32 v2, v3  }
0x389: {  	v55 =	vld [tilespmem:s7+$0x1BBF0];
	v6 =	vmul.f32 v2, v57  }
0x38a: {  	v56 =	vld [tilespmem:s7+$0x1BBD0];
	v7 =	vmul.f32 v2, v58;
	[tilespmem:s7+$0x1BB80] =	vst v3  }
0x38b: {  	v61 =	vmul.f32 v2, v59;
	[tilespmem:s7+$0x1BBA0] =	vst v6  }
0x38c: {  	v62 =	vmul.f32 v2, v60;
	[tilespmem:s7+$0x1BB90] =	vst v7  }
0x38d: {  	v1 =	vmul.f32 v2, v1;
	[tilespmem:s7+$0x1BBE0] =	vst v61  }
0x38e: {  	v3 =	vmul.f32 v2, v55;
	[tilespmem:s7+$0x1BBC0] =	vst v62  }
0x38f: {  	v2 =	vmul.f32 v2, v56;
	[tilespmem:s7+$0x1BBB0] =	vst v1  }
0x390: {  	[tilespmem:s7+$0x1BBF0] =	vst v3  }
0x391: {  	[tilespmem:s7+$0x1BBD0] =	vst v2  }
0x392: {  	v1 =	vld [tilespmem:$0x1F748]  }
0x393: {  	v2 =	vld [tilespmem:$0x1F758]  }
0x394: {  	v3 =	vld [tilespmem:$0x1F768]  }
0x395: {  	v63 =	vld [tilespmem:$0x1F778]  }
0x396: {  	v5 =	vld [tilespmem:$0x1F788]  }
0x397: {  	[tilespmem:$0x1F928] =	vst v1;
	v1 =	vld [tilespmem:$0x1F798]  }
0x398: {  	[tilespmem:$0x1F938] =	vst v2;
	v2 =	vld [tilespmem:$0x1F7A8]  }
0x399: {  	[tilespmem:$0x1F948] =	vst v3;
	v3 =	vld [tilespmem:$0x1F7B0]  }
0x39a: {  	[tilespmem:$0x1F958] =	vst v63  }
.Ltmp6:
0x39b: {  	[tilespmem:$0x1F968] =	vst v5;
	(pc) =	sbr.rel @p0 .LBB2_12-.Ltmp6, $4  }
0x39c: {  	[tilespmem:$0x1F978] =	vst v1  }
0x39d: {  	[tilespmem:$0x1F988] =	vst v2  }
0x39e: {  	[tilespmem:$0x1F990] =	vst v3  }
0x39f: {  	[spmem:s3] =	stream.indirect.scatter.add.f32 [tilespmem:s5], [sflag:$0x6], $0x80, s19, s10, $0xb8;
	[tilespmem:$0x1F9A0] =	vst v63  }
0x3a0: {  	s6 =	sadd.s32 s6, s17  }
0x3a1: {  	s6 =	smul.u32 $0x2D, s6;
	_ =	sdelay $0x1  }
0x3a2: {  	s6 =	sadd.s32 s1, s6  }
0x3a3: {  	[tilespmem:s22], [sflag:$0x9] =	stream.linear.gather [hbm4b:s6+s4], $0x168, $0x38;
	[tilespmem:$0x1F9A0] =	vst v63  }
0x3a4: {  	_ =	swait.ge [sflag:s25], $0x3C00  }
0x3a5: {  	[sflag:s25] =	ssyncset.done $0x0  }
0x3a6: {  	[sflag:s25] =	ssyncadd.s32 $0xFFFFC400  }
0x3a7: {  	_ =	swait.ge [sflag:s31], $0x168  }
.Ltmp7:
0x3a8: {  	[sflag:s31] =	ssyncset.done $0x0;
	(pc) =	sbr.rel .LBB2_4-.Ltmp7, $4  }
0x3a9: {  	[sflag:s31] =	ssyncadd.s32 $0xFFFFFE98  }
0x3aa: {  	[tilespmem:s0], [sflag:$0x2] =	stream.indirect.gather [hbm4b:s14+s26], $0x80, s21, s26, $0xb8;
	[tilespmem:$0x1F9A0] =	vst v63  }
0x3ab: {  	s30 =	simm.s32 $0x1F5A8;
	s7 =	simm.s32 $0x19C00;
	s24 =	sadd.s32 $0x1, s24  }
0x3ac: {  	[tilespmem:s7], [sflag:$0x2] =	stream.indirect.gather [hbm4b:s14+s28], $0x80, s30, s28, $0xb8;
	[tilespmem:$0x1F9A0] =	vst v63  }
.LBB2_13:
0x3ad: {  	_ =	sfence.sel $0x180000  }
0x3ae: {  	[bflag:$0x0] =	sbarrier.arrive $0xFFFF  }
0x3af: {  	_ =	strace $0x90000047  }
0x3b0: {  	s0 =	stileid.u32;
	[bflag:$0x2] =	sbarrier.arrive $0xFFFF  }
0x3b1: {  	p0 =	sne.s32 s0, $0x0;
	s0 =	rddreg [dreg:$0x3]  }
0x3b2: {  	s0 =	sadd.s32 @!p0 $0x100000, s0  }
0x3b3: {  	[sflag:s0] =	ssyncadd.tile.s32 @!p0 $0x1;
	_ =	shalt  }
.Lfunc_end2:
_tile_overlayer_lowered:
.L_overlay_start_2:
0x3b4: {  	(tag) =	ssettag $0x2  }
0x3b5: {  	s0 =	rddreg [dreg:$0x0];
	s2 =	stileid.u32  }
0x3b6: {  	s1 =	rddreg [dreg:$0x1];
	p0 =	sne.s32 s2, $0x0  }
0x3b7: {  	s3 =	rddreg [dreg:$0x2];
	[bflag:$0x3] =	sbarrier.arrive $0xFFFF;
	s2 =	simm.s32 @!p0 $0x1C0A  }
0x3b8: {  	[timem:s3], [sflag:s2] =	dma.local @!p0 [hbm:s0], s1  }
0x3b9: {  	s0 =	simm.s32 @!p0 $0xA  }
0x3ba: {  	_ =	swait.ge @!p0 [sflag:s0], s1  }
0x3bb: {  	s1 =	ssub.s32 @!p0 $0x0, s1;
	[sflag:s0] =	ssyncset.done @!p0 $0x0  }
0x3bc: {  	[sflag:s0] =	ssyncadd.s32 @!p0 s1  }
0x3bd: {  	[bflag:$0x3] =	sbarrier.arrive $0xFFFF  }
0x3be: {  	_ =	shalt  }

</sc_bundles>
